<compile_context>
chip_gen: v7x
topology: tpu7x:2x2x1
jax: 0.10.2.dev20260603
libtpu: 0.0.44.dev20260713+nightly
codegen_flags: <defaults>
</compile_context>

<pallas_src>
import functools

import jax
import jax.numpy as jnp
from jax import lax
from jax.experimental import pallas as pl
from jax.experimental.pallas import tpu as pltpu
from jax.experimental.pallas import tpu_sc as plsc

N_NODES = 100_000
DIM = 32
N_EDGES = 1_600_000

NC = 2
NS = 16
LANES = 16

ROWS = N_EDGES // 128
PAIRS = ROWS // 4

DEG_WORDS = 100_352
DEG_TILE = DEG_WORDS // NS
DEG_SC0 = 1568
DEG_SC1 = PAIRS - DEG_SC0

ACC_ROWS = DEG_WORDS
ACC_TILE = ACC_ROWS // NS
ZCOPIES = ACC_TILE // 64
CR = 2
PAIRS_SC0 = 2125
PAIRS_SC1 = PAIRS - PAIRS_SC0


def _deg_body(dst2d, deg_out, zbuf, ones_v, stage, deg_sh):
    cid = lax.axis_index("c")
    tid = lax.axis_index("s")
    zeros16 = jnp.zeros((LANES,), jnp.float32)
    ones16 = jnp.ones((LANES,), jnp.float32)

    def zb(i, _):
        zbuf[pl.ds(i * LANES, LANES)] = zeros16
        return 0
    lax.fori_loop(0, DEG_TILE // LANES, zb, 0)
    for i in range(128 // LANES):
        ones_v[pl.ds(i * LANES, LANES)] = ones16

    pltpu.sync_copy(zbuf, deg_sh.at[pl.ds(tid * DEG_TILE, DEG_TILE)])
    plsc.subcore_barrier()

    n_ch = jnp.where(cid == 0, 98, jnp.where(tid < 5, 98, 97))
    start = jnp.where(cid == 0, 98 * tid,
                      DEG_SC0 + 97 * tid + jnp.minimum(tid, 5))

    def chunk(m, _):
        r0 = (start + m) * 4
        pltpu.sync_copy(dst2d.at[pl.ds(r0, 4)], stage)
        for j in range(4):
            pltpu.sync_copy(ones_v, deg_sh.at[stage.at[j]], add=True)
        return 0
    lax.fori_loop(0, n_ch, chunk, 0)

    plsc.subcore_barrier()
    pltpu.sync_copy(deg_sh.at[pl.ds(tid * DEG_TILE, DEG_TILE)],
                    deg_out.at[pl.ds(cid * DEG_WORDS + tid * DEG_TILE, DEG_TILE)])


_deg_kernel = pl.kernel(
    _deg_body,
    out_type=jax.ShapeDtypeStruct((NC * DEG_WORDS,), jnp.float32),
    mesh=plsc.VectorSubcoreMesh(
        core_axis_name="c", subcore_axis_name="s", num_cores=NC, num_subcores=NS),
    scratch_types=[
        pltpu.VMEM((DEG_TILE,), jnp.float32),
        pltpu.VMEM((128,), jnp.float32),
        pltpu.VMEM((4, 128), jnp.int32),
        pltpu.VMEM_SHARED((DEG_WORDS,), jnp.float32),
    ],
)


def _scat_body(src2d, dst2d, g, acc_out, zrows, stage_s, stage_d, ldst, rows,
               acc_sh, sem_i, sem_g, sem_s0, sem_s1):
    cid = lax.axis_index("c")
    tid = lax.axis_index("s")
    zeros32 = jnp.zeros((2 * LANES,), jnp.bfloat16)

    def zr(r, _):
        zrows[r, pl.ds(0, 2 * LANES)] = zeros32
        return 0
    lax.fori_loop(0, 64, zr, 0)

    def zc(m, _):
        pltpu.sync_copy(zrows, acc_sh.at[pl.ds(tid * ACC_TILE + m * 64, 64)])
        return 0
    lax.fori_loop(0, ZCOPIES, zc, 0)
    plsc.subcore_barrier()

    npair = jnp.where(cid == 0,
                      jnp.where(tid < 13, 133, 132),
                      jnp.where(tid < 8, 63, 62))
    start_p = jnp.where(cid == 0,
                        132 * tid + jnp.minimum(tid, 13),
                        PAIRS_SC0 + 62 * tid + jnp.minimum(tid, 8))
    t0 = start_p * 2 * CR

    def stage_idx(r0, p):
        pltpu.async_copy(src2d.at[pl.ds(r0, CR)], stage_s.at[p], sem_i)
        pltpu.async_copy(dst2d.at[pl.ds(r0, CR)], stage_d.at[p], sem_i)

    def wait_idx(r0, p):
        pltpu.make_async_copy(src2d.at[pl.ds(r0, CR)], stage_s.at[p], sem_i).wait()
        pltpu.make_async_copy(dst2d.at[pl.ds(r0, CR)], stage_d.at[p], sem_i).wait()

    def drain_scat(p, sem):
        for j in range(CR):
            pltpu.make_async_copy(rows.at[p, pl.ds(j * 128, 128)],
                                  acc_sh.at[ldst.at[p, j]], sem).wait()

    def do_chunk(r0, p, sem):
        for j in range(CR):
            pltpu.async_copy(g.at[stage_s.at[p, j]],
                             rows.at[p, pl.ds(j * 128, 128)], sem_g)
        for j in range(CR):
            for k in range(128 // LANES):
                ldst[p, j, pl.ds(k * LANES, LANES)] = (
                    stage_d[p, j, pl.ds(k * LANES, LANES)])
        for j in range(CR):
            pltpu.make_async_copy(g.at[stage_s.at[p, j]],
                                  rows.at[p, pl.ds(j * 128, 128)], sem_g).wait()
        for j in range(CR):
            pltpu.async_copy(rows.at[p, pl.ds(j * 128, 128)],
                             acc_sh.at[ldst.at[p, j]], sem, add=True)

    stage_idx(t0, 0)

    def pair(n, _):
        r0 = t0 + n * 2 * CR
        r1 = r0 + CR
        wait_idx(r0, 0)
        stage_idx(r1, 1)

        @pl.when(n >= 1)
        def _():
            drain_scat(0, sem_s0)
        do_chunk(r0, 0, sem_s0)

        wait_idx(r1, 1)

        @pl.when(n < npair - 1)
        def _():
            stage_idx(r1 + CR, 0)

        @pl.when(n >= 1)
        def _():
            drain_scat(1, sem_s1)
        do_chunk(r1, 1, sem_s1)
        return 0
    lax.fori_loop(0, npair, pair, 0)

    drain_scat(0, sem_s0)
    drain_scat(1, sem_s1)
    plsc.subcore_barrier()
    pltpu.sync_copy(acc_sh.at[pl.ds(tid * ACC_TILE, ACC_TILE)],
                    acc_out.at[pl.ds(cid * ACC_ROWS + tid * ACC_TILE, ACC_TILE)])


_scat_kernel = pl.kernel(
    _scat_body,
    out_type=jax.ShapeDtypeStruct((NC * ACC_ROWS, DIM), jnp.bfloat16),
    mesh=plsc.VectorSubcoreMesh(
        core_axis_name="c", subcore_axis_name="s", num_cores=NC, num_subcores=NS),
    compiler_params=pltpu.CompilerParams(use_tc_tiling_on_sc=False),
    scratch_types=[
        pltpu.VMEM((64, DIM), jnp.bfloat16),
        pltpu.VMEM((2, CR, 128), jnp.int32),
        pltpu.VMEM((2, CR, 128), jnp.int32),
        pltpu.VMEM((2, CR, 128), jnp.int32),
        pltpu.VMEM((2, CR * 128, DIM), jnp.bfloat16),
        pltpu.VMEM_SHARED((ACC_ROWS, DIM), jnp.bfloat16),
        pltpu.SemaphoreType.DMA,
        pltpu.SemaphoreType.DMA,
        pltpu.SemaphoreType.DMA,
        pltpu.SemaphoreType.DMA,
    ],
)


BLK = 2048
GRID = 49
BW = BLK // 128


def _scale_rows(h, dvt):
    return jnp.concatenate(
        [h[128 * s:128 * (s + 1)] * dvt[:, s:s + 1] for s in range(BW)], axis=0)


def _tc1_body(emb_ref, w1_ref, dp_ref, g1_ref, dinv_ref):
    d = dp_ref[...]
    dv = lax.rsqrt(d[0] + d[1] + 1.0)
    dinv_ref[...] = dv
    dvt = dv.T
    h = jnp.dot(emb_ref[...], w1_ref[...], preferred_element_type=jnp.float32)
    g1_ref[...] = _scale_rows(h, dvt).astype(jnp.bfloat16)


def _tc1(emb, w1, dp):
    return pl.pallas_call(
        _tc1_body,
        grid=(GRID,),
        in_specs=[
            pl.BlockSpec((BLK, DIM), lambda i: (i, 0)),
            pl.BlockSpec((DIM, DIM), lambda i: (0, 0)),
            pl.BlockSpec((NC, BW, 128), lambda i: (0, i, 0)),
        ],
        out_specs=[
            pl.BlockSpec((BLK, DIM), lambda i: (i, 0)),
            pl.BlockSpec((BW, 128), lambda i: (i, 0)),
        ],
        out_shape=[
            jax.ShapeDtypeStruct((N_NODES, DIM), jnp.bfloat16),
            jax.ShapeDtypeStruct((DEG_WORDS // 128, 128), jnp.float32),
        ],
    )(emb, w1, dp)


def _tc2_body(acc_ref, g_ref, dinv_ref, b_ref, w_ref, g2_ref):
    dvt = dinv_ref[...].T
    a = acc_ref[...]
    s = (a[0].astype(jnp.float32) + a[1].astype(jnp.float32)
         + g_ref[...].astype(jnp.float32))
    h = jax.nn.relu(_scale_rows(s, dvt) + b_ref[...])
    g2 = jnp.dot(h, w_ref[...], preferred_element_type=jnp.float32)
    g2_ref[...] = _scale_rows(g2, dvt).astype(jnp.bfloat16)


def _tc2(acc, g, dinv, b, w):
    return pl.pallas_call(
        _tc2_body,
        grid=(GRID,),
        in_specs=[
            pl.BlockSpec((NC, BLK, DIM), lambda i: (0, i, 0)),
            pl.BlockSpec((BLK, DIM), lambda i: (i, 0)),
            pl.BlockSpec((BW, 128), lambda i: (i, 0)),
            pl.BlockSpec((1, DIM), lambda i: (0, 0)),
            pl.BlockSpec((DIM, DIM), lambda i: (0, 0)),
        ],
        out_specs=pl.BlockSpec((BLK, DIM), lambda i: (i, 0)),
        out_shape=jax.ShapeDtypeStruct((N_NODES, DIM), jnp.bfloat16),
    )(acc, g, dinv, b, w)


def _tc3_body(acc_ref, g_ref, dinv_ref, b_ref, wh_ref, bh_ref, out_ref):
    dvt = dinv_ref[...].T
    a = acc_ref[...]
    s = (a[0].astype(jnp.float32) + a[1].astype(jnp.float32)
         + g_ref[...].astype(jnp.float32))
    h = jax.nn.relu(_scale_rows(s, dvt) + b_ref[...])
    z = jnp.dot(h, wh_ref[...], preferred_element_type=jnp.float32) + bh_ref[...]
    sg = jax.nn.sigmoid(z)
    out_ref[...] = jnp.concatenate(
        [sg[128 * s:128 * (s + 1)].T for s in range(BW)], axis=0)


def _tc3(acc, g, dinv, b, wh, bh):
    return pl.pallas_call(
        _tc3_body,
        grid=(GRID,),
        in_specs=[
            pl.BlockSpec((NC, BLK, DIM), lambda i: (0, i, 0)),
            pl.BlockSpec((BLK, DIM), lambda i: (i, 0)),
            pl.BlockSpec((BW, 128), lambda i: (i, 0)),
            pl.BlockSpec((1, DIM), lambda i: (0, 0)),
            pl.BlockSpec((DIM, 1), lambda i: (0, 0)),
            pl.BlockSpec((1, 1), lambda i: (0, 0)),
        ],
        out_specs=pl.BlockSpec((BW, 128), lambda i: (i, 0)),
        out_shape=jax.ShapeDtypeStruct((DEG_WORDS // 128, 128), jnp.float32),
    )(acc, g, dinv, b, wh, bh)


@jax.jit
def kernel(edge_index, emb, W1, b1, W2, b2, Wh, bh):
    src2d = edge_index[0].astype(jnp.int32).reshape(ROWS, 128)
    dst2d = edge_index[1].astype(jnp.int32).reshape(ROWS, 128)

    deg2 = _deg_kernel(dst2d)
    dp = deg2.reshape(NC, DEG_WORDS // 128, 128)

    g1, dinv = _tc1(emb, W1, dp)
    acc1 = _scat_kernel(src2d, dst2d, g1).reshape(NC, ACC_ROWS, DIM)
    g2 = _tc2(acc1, g1, dinv, b1.reshape(1, DIM), W2)
    acc2 = _scat_kernel(src2d, dst2d, g2).reshape(NC, ACC_ROWS, DIM)
    out = _tc3(acc2, g2, dinv, b2.reshape(1, DIM), Wh, bh.reshape(1, 1))
    return out.reshape(DEG_WORDS)[:N_NODES]

# --- scband reference (transcript-rebuilt; emitter-appended) ---
"""Pipeline reference for scband-simple-gcn-69784628626125 (READ-ONLY COPY).

The authoritative reference and input builder live on the scoring server;
editing this copy changes nothing except your own understanding.
"""

import jax, jax.numpy as jnp
import numpy as np

NUM_NODES = 100000
IN_DIM = 32
HID_DIM = 32
N_EDGES = 1600000


def gcn_conv(x, W, b, src, dst, num_nodes):
    # PyG-style GCNConv: add self-loops, symmetric normalization, x@W then aggregate, +bias
    loop = jnp.arange(num_nodes, dtype=src.dtype)
    src = jnp.concatenate([src, loop])
    dst = jnp.concatenate([dst, loop])
    x = x @ W
    deg = jnp.zeros((num_nodes,), dtype=x.dtype).at[dst].add(1.0)
    dinv = jnp.where(deg > 0, deg ** -0.5, 0.0)
    norm = dinv[src] * dinv[dst]
    msg = x[src] * norm[:, None]
    out = jnp.zeros((num_nodes, x.shape[1]), dtype=x.dtype).at[dst].add(msg)
    return out + b


def setup_inputs(seed: int = 0) -> dict:
    key = jax.random.key(seed)
    ks = jax.random.split(key, 8)
    edge_index = jax.random.randint(ks[0], (2, N_EDGES), 0, NUM_NODES, dtype=jnp.int64 if jax.config.jax_enable_x64 else jnp.int32)
    emb = jax.random.normal(ks[1], (NUM_NODES, IN_DIM), dtype=jnp.float32) * 0.1
    W1 = jax.random.normal(ks[2], (IN_DIM, HID_DIM), dtype=jnp.float32) * (1.0 / np.sqrt(IN_DIM))
    b1 = jnp.zeros((HID_DIM,), dtype=jnp.float32)
    W2 = jax.random.normal(ks[3], (HID_DIM, HID_DIM), dtype=jnp.float32) * (1.0 / np.sqrt(HID_DIM))
    b2 = jnp.zeros((HID_DIM,), dtype=jnp.float32)
    Wh = jax.random.normal(ks[4], (HID_DIM, 1), dtype=jnp.float32) * (1.0 / np.sqrt(HID_DIM))
    bh = jnp.zeros((1,), dtype=jnp.float32)
    return {"edge_index": edge_index, "emb": emb, "W1": W1, "b1": b1, "W2": W2, "b2": b2, "Wh": Wh, "bh": bh}


def reference(edge_index, emb, W1, b1, W2, b2, Wh, bh):
    src, dst = edge_index[0], edge_index[1]
    x = emb  # self.emb.weight
    x = gcn_conv(x, W1, b1, src, dst, NUM_NODES)
    x = jax.nn.relu(x)
    # dropout=0.0 / eval mode -> identity
    x = gcn_conv(x, W2, b2, src, dst, NUM_NODES)
    x = jax.nn.relu(x)
    scores = jax.nn.sigmoid(x @ Wh + bh).squeeze(-1)
    return scores

if __name__ == "__main__":
    import jax
    _d = setup_inputs()
    print(jax.jit(kernel)(*tuple(_d.values())))

</pallas_src>

<mosaic_0001>
#map = affine_map<(d0, d1) -> (0, 0)>
module attributes {stable_mosaic.version = 14 : i64} {
  func.func @_scat_body(%arg0: i32, %arg1: i32, %arg2: memref<12500x128xi32, #tpu.memory_space<hbm>>, %arg3: memref<12500x128xi32, #tpu.memory_space<hbm>>, %arg4: memref<100000x32xbf16, #tpu.memory_space<hbm>>, %arg5: memref<200704x32xbf16, #tpu.memory_space<hbm>>, %arg6: memref<64x32xbf16, #tpu.memory_space<vmem>>, %arg7: memref<2x2x128xi32, #tpu.memory_space<vmem>>, %arg8: memref<2x2x128xi32, #tpu.memory_space<vmem>>, %arg9: memref<2x2x128xi32, #tpu.memory_space<vmem>>, %arg10: memref<2x256x32xbf16, #tpu.memory_space<vmem>>, %arg11: memref<100352x32xbf16, #tpu.memory_space<vmem_shared>>, %arg12: memref<!tpu.dma_semaphore, #tpu.memory_space<semaphore_mem>>, %arg13: memref<!tpu.dma_semaphore, #tpu.memory_space<semaphore_mem>>, %arg14: memref<!tpu.dma_semaphore, #tpu.memory_space<semaphore_mem>>, %arg15: memref<!tpu.dma_semaphore, #tpu.memory_space<semaphore_mem>>) attributes {dimension_semantics = [#tpu.dimension_semantics<core_parallel>, #tpu.dimension_semantics<subcore_parallel>], iteration_bounds = array<i64: 2, 16>, scalar_prefetch = 0 : i64, scratch_operands = 10 : i64, tpu.core_type = #tpu.core_type<sc_vector_subcore>, window_params = [{transform_indices = #map}, {transform_indices = #map}, {transform_indices = #map}, {transform_indices = #map}]} {
    %broadcast_in_dim3A = arith.constant 0.000000e+00 : bf16
    %broadcast_in_dim3A_0 = vector.broadcast %broadcast_in_dim3A : bf16 to vector<32xbf16>
    %scan3A = arith.constant 0 : i32
    %scan3A_1 = arith.constant 0 : i32
    %scan3A_2 = arith.constant 64 : i32
    %scan3A_3 = arith.addi %scan3A_1, %scan3A_2 : i32
    %scan3A_4 = arith.constant 1 : i32
    %scan3A_5 = scf.for %scan3A_134 = %scan3A_1 to %scan3A_3 step %scan3A_4 iter_args(%scan3A_135 = %scan3A) -> (i32)  : i32 {
      %swap3A = arith.index_cast %scan3A_134 : i32 to index
      %swap3A_136 = arith.constant 0 : index
      %swap3A_137 = tpu.vector_load %arg6[%swap3A, %swap3A_136] {strides = array<i32>} : memref<64x32xbf16, #tpu.memory_space<vmem>>, vector<1x32xbf16>,
      %swap3A_138 = vector.shape_cast %swap3A_137 : vector<1x32xbf16> to vector<32xbf16>
      %swap3A_139 = vector.shape_cast %broadcast_in_dim3A_0 : vector<32xbf16> to vector<1x32xbf16>
      tpu.vector_store %arg6[%swap3A, %swap3A_136], %swap3A_139 {strides = array<i32>} : memref<64x32xbf16, #tpu.memory_space<vmem>>, vector<1x32xbf16>,
      %scan3A_140 = arith.constant 0 : i32
      scf.yield %scan3A_140 : i32
    }
    %scan3A_6 = arith.constant 64 : i32
    %scan3A_7 = arith.constant 0 : i32
    %scan3A_8 = arith.constant 0 : i32
    %scan3A_9 = arith.constant 98 : i32
    %scan3A_10 = arith.addi %scan3A_8, %scan3A_9 : i32
    %scan3A_11 = arith.constant 1 : i32
    %scan3A_12 = scf.for %scan3A_134 = %scan3A_8 to %scan3A_10 step %scan3A_11 iter_args(%scan3A_135 = %scan3A_7) -> (i32)  : i32 {
      %mul3A_136 = arith.constant 6272 : i32
      %mul3A_137 = arith.muli %arg1, %mul3A_136 : i32
      %mul3A_138 = arith.constant 64 : i32
      %mul3A_139 = arith.muli %scan3A_134, %mul3A_138 : i32
      %add3A_140 = arith.addi %mul3A_137, %mul3A_139 : i32
      "tpu.region"() ({
        %run_scoped3A = tpu.sem_alloc : memref<!tpu.dma_semaphore, #tpu.memory_space<semaphore_mem>>
        %dma_start3A_142 = arith.constant 0 : i32
        %dma_start3A_143 = tpu.memref_slice %arg11[%add3A_140, %dma_start3A_142] : memref<100352x32xbf16, #tpu.memory_space<vmem_shared>> -> memref<64x32xbf16, #tpu.memory_space<vmem_shared>>
        %dma_start3A_144 = arith.constant 0 : i32
        %dma_start3A_145 = tpu.memref_slice %arg11[%add3A_140, %dma_start3A_144] : memref<100352x32xbf16, #tpu.memory_space<vmem_shared>> -> memref<64x32xbf16, #tpu.memory_space<vmem_shared>>
        tpu.enqueue_dma source(%arg6 : memref<64x32xbf16, #tpu.memory_space<vmem>>) target(%dma_start3A_145 : memref<64x32xbf16, #tpu.memory_space<vmem_shared>>) target_semaphore(%run_scoped3A : memref<!tpu.dma_semaphore, #tpu.memory_space<semaphore_mem>>)
        %dma_wait3A_146 = arith.constant 0 : i32
        %dma_wait3A_147 = tpu.memref_slice %arg11[%add3A_140, %dma_wait3A_146] : memref<100352x32xbf16, #tpu.memory_space<vmem_shared>> -> memref<64x32xbf16, #tpu.memory_space<vmem_shared>>
        %dma_wait3A_148 = arith.constant 0 : i32
        %dma_wait3A_149 = tpu.memref_slice %arg11[%add3A_140, %dma_wait3A_148] : memref<100352x32xbf16, #tpu.memory_space<vmem_shared>> -> memref<64x32xbf16, #tpu.memory_space<vmem_shared>>
        tpu.wait_dma2 semaphore(%run_scoped3A : memref<!tpu.dma_semaphore, #tpu.memory_space<semaphore_mem>>) src(%arg6 : memref<64x32xbf16, #tpu.memory_space<vmem>>) dst(%dma_wait3A_149 : memref<64x32xbf16, #tpu.memory_space<vmem_shared>>)
        tpu.yield
      }) : () -> ()
      %scan3A_141 = arith.constant 0 : i32
      scf.yield %scan3A_141 : i32
    }
    %scan3A_13 = arith.constant 98 : i32
    %barrier3A = arith.constant 0 : index
    tpu.barrier barrier_id(%barrier3A)
    %eq3A = arith.constant 0 : i32
    %eq3A_14 = arith.cmpi eq, %arg0, %eq3A : i32
    %lt3A = arith.constant 13 : i32
    %lt3A_15 = arith.cmpi slt, %arg1, %lt3A : i32
    %jit3A = arith.constant 133 : i32
    %jit3A_16 = arith.constant 132 : i32
    %select_n3A = arith.select %lt3A_15, %jit3A, %jit3A_16 : i32
    %lt3A_17 = arith.constant 8 : i32
    %lt3A_18 = arith.cmpi slt, %arg1, %lt3A_17 : i32
    %jit3A_19 = arith.constant 63 : i32
    %jit3A_20 = arith.constant 62 : i32
    %select_n3A_21 = arith.select %lt3A_18, %jit3A_19, %jit3A_20 : i32
    %select_n3A_22 = arith.select %eq3A_14, %select_n3A, %select_n3A_21 : i32
    %eq3A_23 = arith.constant 0 : i32
    %eq3A_24 = arith.cmpi eq, %arg0, %eq3A_23 : i32
    %mul3A = arith.constant 132 : i32
    %mul3A_25 = arith.muli %mul3A, %arg1 : i32
    %min3A = arith.constant 13 : i32
    %min3A_26 = arith.minsi %arg1, %min3A : i32
    %add3A = arith.addi %mul3A_25, %min3A_26 : i32
    %mul3A_27 = arith.constant 62 : i32
    %mul3A_28 = arith.muli %mul3A_27, %arg1 : i32
    %add3A_29 = arith.constant 2125 : i32
    %add3A_30 = arith.addi %add3A_29, %mul3A_28 : i32
    %min3A_31 = arith.constant 8 : i32
    %min3A_32 = arith.minsi %arg1, %min3A_31 : i32
    %add3A_33 = arith.addi %add3A_30, %min3A_32 : i32
    %select_n3A_34 = arith.select %eq3A_24, %add3A, %add3A_33 : i32
    %mul3A_35 = arith.constant 2 : i32
    %mul3A_36 = arith.muli %select_n3A_34, %mul3A_35 : i32
    %mul3A_37 = arith.constant 2 : i32
    %mul3A_38 = arith.muli %mul3A_36, %mul3A_37 : i32
    %dma_start3A = arith.constant 0 : i32
    %dma_start3A_39 = arith.constant 0 : i32
    %dma_start3A_40 = arith.constant 0 : i32
    %dma_start3A_41 = tpu.memref_slice %arg7[%dma_start3A, %dma_start3A_39, %dma_start3A_40] : memref<2x2x128xi32, #tpu.memory_space<vmem>> -> memref<1x2x128xi32, #tpu.memory_space<vmem>>
    %dma_start3A_42 = tpu.memref_squeeze %dma_start3A_41 : memref<1x2x128xi32, #tpu.memory_space<vmem>> -> memref<2x128xi32, #tpu.memory_space<vmem>>
    %dma_start3A_43 = arith.constant 0 : i32
    %dma_start3A_44 = tpu.memref_slice %arg2[%mul3A_38, %dma_start3A_43] : memref<12500x128xi32, #tpu.memory_space<hbm>> -> memref<2x128xi32, #tpu.memory_space<hbm>>
    %dma_start3A_45 = arith.constant 0 : i32
    %dma_start3A_46 = arith.constant 0 : i32
    %dma_start3A_47 = tpu.memref_slice %arg7[%dma_start3A, %dma_start3A_45, %dma_start3A_46] : memref<2x2x128xi32, #tpu.memory_space<vmem>> -> memref<1x2x128xi32, #tpu.memory_space<vmem>>
    %dma_start3A_48 = tpu.memref_squeeze %dma_start3A_47 : memref<1x2x128xi32, #tpu.memory_space<vmem>> -> memref<2x128xi32, #tpu.memory_space<vmem>>
    %dma_start3A_49 = arith.constant 0 : i32
    %dma_start3A_50 = tpu.memref_slice %arg2[%mul3A_38, %dma_start3A_49] : memref<12500x128xi32, #tpu.memory_space<hbm>> -> memref<2x128xi32, #tpu.memory_space<hbm>>
    tpu.enqueue_dma source(%dma_start3A_50 : memref<2x128xi32, #tpu.memory_space<hbm>>) target(%dma_start3A_48 : memref<2x128xi32, #tpu.memory_space<vmem>>) target_semaphore(%arg12 : memref<!tpu.dma_semaphore, #tpu.memory_space<semaphore_mem>>)
    %dma_start3A_51 = arith.constant 0 : i32
    %dma_start3A_52 = arith.constant 0 : i32
    %dma_start3A_53 = arith.constant 0 : i32
    %dma_start3A_54 = tpu.memref_slice %arg8[%dma_start3A_51, %dma_start3A_52, %dma_start3A_53] : memref<2x2x128xi32, #tpu.memory_space<vmem>> -> memref<1x2x128xi32, #tpu.memory_space<vmem>>
    %dma_start3A_55 = tpu.memref_squeeze %dma_start3A_54 : memref<1x2x128xi32, #tpu.memory_space<vmem>> -> memref<2x128xi32, #tpu.memory_space<vmem>>
    %dma_start3A_56 = arith.constant 0 : i32
    %dma_start3A_57 = tpu.memref_slice %arg3[%mul3A_38, %dma_start3A_56] : memref<12500x128xi32, #tpu.memory_space<hbm>> -> memref<2x128xi32, #tpu.memory_space<hbm>>
    %dma_start3A_58 = arith.constant 0 : i32
    %dma_start3A_59 = arith.constant 0 : i32
    %dma_start3A_60 = tpu.memref_slice %arg8[%dma_start3A_51, %dma_start3A_58, %dma_start3A_59] : memref<2x2x128xi32, #tpu.memory_space<vmem>> -> memref<1x2x128xi32, #tpu.memory_space<vmem>>
    %dma_start3A_61 = tpu.memref_squeeze %dma_start3A_60 : memref<1x2x128xi32, #tpu.memory_space<vmem>> -> memref<2x128xi32, #tpu.memory_space<vmem>>
    %dma_start3A_62 = arith.constant 0 : i32
    %dma_start3A_63 = tpu.memref_slice %arg3[%mul3A_38, %dma_start3A_62] : memref<12500x128xi32, #tpu.memory_space<hbm>> -> memref<2x128xi32, #tpu.memory_space<hbm>>
    tpu.enqueue_dma source(%dma_start3A_63 : memref<2x128xi32, #tpu.memory_space<hbm>>) target(%dma_start3A_61 : memref<2x128xi32, #tpu.memory_space<vmem>>) target_semaphore(%arg12 : memref<!tpu.dma_semaphore, #tpu.memory_space<semaphore_mem>>)
    %while3A = arith.constant 0 : i32
    %while3A_64 = arith.constant 0 : i32
    %while3A_65 = arith.subi %select_n3A_22, %while3A : i32
    %while3A_66 = arith.addi %while3A, %while3A_65 : i32
    %while3A_67 = arith.constant 1 : i32
    %while3A_68 = arith.divsi %while3A_65, %while3A_67 : i32
    %while3A_69 = arith.muli %while3A_68, %while3A_67 : i32
    %while3A_70 = arith.addi %while3A, %while3A_69 : i32
    %while3A_71 = arith.constant 1 : i32
    %while3A_72 = scf.for %while3A_134 = %while3A to %while3A_70 step %while3A_71 iter_args(%while3A_135 = %while3A_64) -> (i32)  : i32 {
      %mul3A_136 = arith.constant 2 : i32
      %mul3A_137 = arith.muli %while3A_134, %mul3A_136 : i32
      %mul3A_138 = arith.constant 2 : i32
      %mul3A_139 = arith.muli %mul3A_137, %mul3A_138 : i32
      %add3A_140 = arith.addi %mul3A_38, %mul3A_139 : i32
      %add3A_141 = arith.constant 2 : i32
      %add3A_142 = arith.addi %add3A_140, %add3A_141 : i32
      %dma_wait3A_143 = arith.constant 0 : i32
      %dma_wait3A_144 = arith.constant 0 : i32
      %dma_wait3A_145 = arith.constant 0 : i32
      %dma_wait3A_146 = tpu.memref_slice %arg7[%dma_wait3A_143, %dma_wait3A_144, %dma_wait3A_145] : memref<2x2x128xi32, #tpu.memory_space<vmem>> -> memref<1x2x128xi32, #tpu.memory_space<vmem>>
      %dma_wait3A_147 = tpu.memref_squeeze %dma_wait3A_146 : memref<1x2x128xi32, #tpu.memory_space<vmem>> -> memref<2x128xi32, #tpu.memory_space<vmem>>
      %dma_wait3A_148 = arith.constant 0 : i32
      %dma_wait3A_149 = tpu.memref_slice %arg2[%add3A_140, %dma_wait3A_148] : memref<12500x128xi32, #tpu.memory_space<hbm>> -> memref<2x128xi32, #tpu.memory_space<hbm>>
      %dma_wait3A_150 = arith.constant 0 : i32
      %dma_wait3A_151 = arith.constant 0 : i32
      %dma_wait3A_152 = tpu.memref_slice %arg7[%dma_wait3A_143, %dma_wait3A_150, %dma_wait3A_151] : memref<2x2x128xi32, #tpu.memory_space<vmem>> -> memref<1x2x128xi32, #tpu.memory_space<vmem>>
      %dma_wait3A_153 = tpu.memref_squeeze %dma_wait3A_152 : memref<1x2x128xi32, #tpu.memory_space<vmem>> -> memref<2x128xi32, #tpu.memory_space<vmem>>
      %dma_wait3A_154 = arith.constant 0 : i32
      %dma_wait3A_155 = tpu.memref_slice %arg2[%add3A_140, %dma_wait3A_154] : memref<12500x128xi32, #tpu.memory_space<hbm>> -> memref<2x128xi32, #tpu.memory_space<hbm>>
      tpu.wait_dma2 semaphore(%arg12 : memref<!tpu.dma_semaphore, #tpu.memory_space<semaphore_mem>>) src(%dma_wait3A_155 : memref<2x128xi32, #tpu.memory_space<hbm>>) dst(%dma_wait3A_153 : memref<2x128xi32, #tpu.memory_space<vmem>>)
      %dma_wait3A_156 = arith.constant 0 : i32
      %dma_wait3A_157 = arith.constant 0 : i32
      %dma_wait3A_158 = arith.constant 0 : i32
      %dma_wait3A_159 = tpu.memref_slice %arg8[%dma_wait3A_156, %dma_wait3A_157, %dma_wait3A_158] : memref<2x2x128xi32, #tpu.memory_space<vmem>> -> memref<1x2x128xi32, #tpu.memory_space<vmem>>
      %dma_wait3A_160 = tpu.memref_squeeze %dma_wait3A_159 : memref<1x2x128xi32, #tpu.memory_space<vmem>> -> memref<2x128xi32, #tpu.memory_space<vmem>>
      %dma_wait3A_161 = arith.constant 0 : i32
      %dma_wait3A_162 = tpu.memref_slice %arg3[%add3A_140, %dma_wait3A_161] : memref<12500x128xi32, #tpu.memory_space<hbm>> -> memref<2x128xi32, #tpu.memory_space<hbm>>
      %dma_wait3A_163 = arith.constant 0 : i32
      %dma_wait3A_164 = arith.constant 0 : i32
      %dma_wait3A_165 = tpu.memref_slice %arg8[%dma_wait3A_156, %dma_wait3A_163, %dma_wait3A_164] : memref<2x2x128xi32, #tpu.memory_space<vmem>> -> memref<1x2x128xi32, #tpu.memory_space<vmem>>
      %dma_wait3A_166 = tpu.memref_squeeze %dma_wait3A_165 : memref<1x2x128xi32, #tpu.memory_space<vmem>> -> memref<2x128xi32, #tpu.memory_space<vmem>>
      %dma_wait3A_167 = arith.constant 0 : i32
      %dma_wait3A_168 = tpu.memref_slice %arg3[%add3A_140, %dma_wait3A_167] : memref<12500x128xi32, #tpu.memory_space<hbm>> -> memref<2x128xi32, #tpu.memory_space<hbm>>
      tpu.wait_dma2 semaphore(%arg12 : memref<!tpu.dma_semaphore, #tpu.memory_space<semaphore_mem>>) src(%dma_wait3A_168 : memref<2x128xi32, #tpu.memory_space<hbm>>) dst(%dma_wait3A_166 : memref<2x128xi32, #tpu.memory_space<vmem>>)
      %dma_start3A_169 = arith.constant 1 : i32
      %dma_start3A_170 = arith.constant 0 : i32
      %dma_start3A_171 = arith.constant 0 : i32
      %dma_start3A_172 = tpu.memref_slice %arg7[%dma_start3A_169, %dma_start3A_170, %dma_start3A_171] : memref<2x2x128xi32, #tpu.memory_space<vmem>> -> memref<1x2x128xi32, #tpu.memory_space<vmem>>
      %dma_start3A_173 = tpu.memref_squeeze %dma_start3A_172 : memref<1x2x128xi32, #tpu.memory_space<vmem>> -> memref<2x128xi32, #tpu.memory_space<vmem>>
      %dma_start3A_174 = arith.constant 0 : i32
      %dma_start3A_175 = tpu.memref_slice %arg2[%add3A_142, %dma_start3A_174] : memref<12500x128xi32, #tpu.memory_space<hbm>> -> memref<2x128xi32, #tpu.memory_space<hbm>>
      %dma_start3A_176 = arith.constant 0 : i32
      %dma_start3A_177 = arith.constant 0 : i32
      %dma_start3A_178 = tpu.memref_slice %arg7[%dma_start3A_169, %dma_start3A_176, %dma_start3A_177] : memref<2x2x128xi32, #tpu.memory_space<vmem>> -> memref<1x2x128xi32, #tpu.memory_space<vmem>>
      %dma_start3A_179 = tpu.memref_squeeze %dma_start3A_178 : memref<1x2x128xi32, #tpu.memory_space<vmem>> -> memref<2x128xi32, #tpu.memory_space<vmem>>
      %dma_start3A_180 = arith.constant 0 : i32
      %dma_start3A_181 = tpu.memref_slice %arg2[%add3A_142, %dma_start3A_180] : memref<12500x128xi32, #tpu.memory_space<hbm>> -> memref<2x128xi32, #tpu.memory_space<hbm>>
      tpu.enqueue_dma source(%dma_start3A_181 : memref<2x128xi32, #tpu.memory_space<hbm>>) target(%dma_start3A_179 : memref<2x128xi32, #tpu.memory_space<vmem>>) target_semaphore(%arg12 : memref<!tpu.dma_semaphore, #tpu.memory_space<semaphore_mem>>)
      %dma_start3A_182 = arith.constant 1 : i32
      %dma_start3A_183 = arith.constant 0 : i32
      %dma_start3A_184 = arith.constant 0 : i32
      %dma_start3A_185 = tpu.memref_slice %arg8[%dma_start3A_182, %dma_start3A_183, %dma_start3A_184] : memref<2x2x128xi32, #tpu.memory_space<vmem>> -> memref<1x2x128xi32, #tpu.memory_space<vmem>>
      %dma_start3A_186 = tpu.memref_squeeze %dma_start3A_185 : memref<1x2x128xi32, #tpu.memory_space<vmem>> -> memref<2x128xi32, #tpu.memory_space<vmem>>
      %dma_start3A_187 = arith.constant 0 : i32
      %dma_start3A_188 = tpu.memref_slice %arg3[%add3A_142, %dma_start3A_187] : memref<12500x128xi32, #tpu.memory_space<hbm>> -> memref<2x128xi32, #tpu.memory_space<hbm>>
      %dma_start3A_189 = arith.constant 0 : i32
      %dma_start3A_190 = arith.constant 0 : i32
      %dma_start3A_191 = tpu.memref_slice %arg8[%dma_start3A_182, %dma_start3A_189, %dma_start3A_190] : memref<2x2x128xi32, #tpu.memory_space<vmem>> -> memref<1x2x128xi32, #tpu.memory_space<vmem>>
      %dma_start3A_192 = tpu.memref_squeeze %dma_start3A_191 : memref<1x2x128xi32, #tpu.memory_space<vmem>> -> memref<2x128xi32, #tpu.memory_space<vmem>>
      %dma_start3A_193 = arith.constant 0 : i32
      %dma_start3A_194 = tpu.memref_slice %arg3[%add3A_142, %dma_start3A_193] : memref<12500x128xi32, #tpu.memory_space<hbm>> -> memref<2x128xi32, #tpu.memory_space<hbm>>
      tpu.enqueue_dma source(%dma_start3A_194 : memref<2x128xi32, #tpu.memory_space<hbm>>) target(%dma_start3A_192 : memref<2x128xi32, #tpu.memory_space<vmem>>) target_semaphore(%arg12 : memref<!tpu.dma_semaphore, #tpu.memory_space<semaphore_mem>>)
      %ge3A = arith.constant 1 : i32
      %ge3A_195 = arith.cmpi sge, %while3A_134, %ge3A : i32
      %convert_element_type3A = arith.extui %ge3A_195 : i1 to i32
      %cond3A = arith.constant 0 : i32
      %cond3A_196 = arith.cmpi ne, %convert_element_type3A, %cond3A : i32
      scf.if %cond3A_196 {
        %dma_wait3A_868 = arith.constant 0 : i32
        %dma_wait3A_869 = arith.constant 0 : i32
        %dma_wait3A_870 = arith.constant 0 : i32
        %dma_wait3A_871 = arith.constant 0 : i32
        %dma_wait3A_872 = arith.constant 0 : i32
        %dma_wait3A_873 = tpu.memref_slice %arg10[%dma_wait3A_868, %dma_wait3A_871, %dma_wait3A_872] : memref<2x256x32xbf16, #tpu.memory_space<vmem>> -> memref<1x128x32xbf16, #tpu.memory_space<vmem>>
        %dma_wait3A_874 = tpu.memref_squeeze %dma_wait3A_873 : memref<1x128x32xbf16, #tpu.memory_space<vmem>> -> memref<128x32xbf16, #tpu.memory_space<vmem>>
        %dma_wait3A_875 = arith.constant 0 : i32
        %dma_wait3A_876 = tpu.memref_slice %arg9[%dma_wait3A_869, %dma_wait3A_870, %dma_wait3A_875] : memref<2x2x128xi32, #tpu.memory_space<vmem>> -> memref<1x1x128xi32, #tpu.memory_space<vmem>>
        %dma_wait3A_877 = tpu.memref_squeeze %dma_wait3A_876 : memref<1x1x128xi32, #tpu.memory_space<vmem>> -> memref<128xi32, #tpu.memory_space<vmem>>
        %dma_wait3A_878 = arith.constant 0 : i32
        %dma_wait3A_879 = arith.constant 0 : i32
        %dma_wait3A_880 = tpu.memref_slice %arg11[%dma_wait3A_878, %dma_wait3A_879] : memref<100352x32xbf16, #tpu.memory_space<vmem_shared>> -> memref<100352x32xbf16, #tpu.memory_space<vmem_shared>>
        tpu.wait_indirect_dma semaphore(%arg14 : memref<!tpu.dma_semaphore, #tpu.memory_space<semaphore_mem>>) src(%dma_wait3A_874 : memref<128x32xbf16, #tpu.memory_space<vmem>>) dst(%dma_wait3A_880 : memref<100352x32xbf16, #tpu.memory_space<vmem_shared>>)
        %dma_wait3A_881 = arith.constant 0 : i32
        %dma_wait3A_882 = arith.constant 0 : i32
        %dma_wait3A_883 = arith.constant 1 : i32
        %dma_wait3A_884 = arith.constant 128 : i32
        %dma_wait3A_885 = arith.constant 0 : i32
        %dma_wait3A_886 = tpu.memref_slice %arg10[%dma_wait3A_881, %dma_wait3A_884, %dma_wait3A_885] : memref<2x256x32xbf16, #tpu.memory_space<vmem>> -> memref<1x128x32xbf16, #tpu.memory_space<vmem>>
        %dma_wait3A_887 = tpu.memref_squeeze %dma_wait3A_886 : memref<1x128x32xbf16, #tpu.memory_space<vmem>> -> memref<128x32xbf16, #tpu.memory_space<vmem>>
        %dma_wait3A_888 = arith.constant 0 : i32
        %dma_wait3A_889 = tpu.memref_slice %arg9[%dma_wait3A_882, %dma_wait3A_883, %dma_wait3A_888] : memref<2x2x128xi32, #tpu.memory_space<vmem>> -> memref<1x1x128xi32, #tpu.memory_space<vmem>>
        %dma_wait3A_890 = tpu.memref_squeeze %dma_wait3A_889 : memref<1x1x128xi32, #tpu.memory_space<vmem>> -> memref<128xi32, #tpu.memory_space<vmem>>
        %dma_wait3A_891 = arith.constant 0 : i32
        %dma_wait3A_892 = arith.constant 0 : i32
        %dma_wait3A_893 = tpu.memref_slice %arg11[%dma_wait3A_891, %dma_wait3A_892] : memref<100352x32xbf16, #tpu.memory_space<vmem_shared>> -> memref<100352x32xbf16, #tpu.memory_space<vmem_shared>>
        tpu.wait_indirect_dma semaphore(%arg14 : memref<!tpu.dma_semaphore, #tpu.memory_space<semaphore_mem>>) src(%dma_wait3A_887 : memref<128x32xbf16, #tpu.memory_space<vmem>>) dst(%dma_wait3A_893 : memref<100352x32xbf16, #tpu.memory_space<vmem_shared>>)
      } else {
      }
      %dma_start3A_197 = arith.constant 0 : i32
      %dma_start3A_198 = arith.constant 0 : i32
      %dma_start3A_199 = arith.constant 0 : i32
      %dma_start3A_200 = arith.constant 0 : i32
      %dma_start3A_201 = arith.constant 0 : i32
      %dma_start3A_202 = tpu.memref_slice %arg10[%dma_start3A_199, %dma_start3A_200, %dma_start3A_201] : memref<2x256x32xbf16, #tpu.memory_space<vmem>> -> memref<1x128x32xbf16, #tpu.memory_space<vmem>>
      %dma_start3A_203 = tpu.memref_squeeze %dma_start3A_202 : memref<1x128x32xbf16, #tpu.memory_space<vmem>> -> memref<128x32xbf16, #tpu.memory_space<vmem>>
      %dma_start3A_204 = arith.constant 0 : i32
      %dma_start3A_205 = tpu.memref_slice %arg7[%dma_start3A_197, %dma_start3A_198, %dma_start3A_204] : memref<2x2x128xi32, #tpu.memory_space<vmem>> -> memref<1x1x128xi32, #tpu.memory_space<vmem>>
      %dma_start3A_206 = tpu.memref_squeeze %dma_start3A_205 : memref<1x1x128xi32, #tpu.memory_space<vmem>> -> memref<128xi32, #tpu.memory_space<vmem>>
      %dma_start3A_207 = arith.constant 0 : i32
      %dma_start3A_208 = arith.constant 0 : i32
      %dma_start3A_209 = tpu.memref_slice %arg4[%dma_start3A_207, %dma_start3A_208] : memref<100000x32xbf16, #tpu.memory_space<hbm>> -> memref<100000x32xbf16, #tpu.memory_space<hbm>>
      tpu.enqueue_indirect_dma source(%dma_start3A_209 : memref<100000x32xbf16, #tpu.memory_space<hbm>>) target(%dma_start3A_203 : memref<128x32xbf16, #tpu.memory_space<vmem>>) offsets(%dma_start3A_206 : memref<128xi32, #tpu.memory_space<vmem>>) semaphore(%arg13 : memref<!tpu.dma_semaphore, #tpu.memory_space<semaphore_mem>>)
      %dma_start3A_210 = arith.constant 0 : i32
      %dma_start3A_211 = arith.constant 1 : i32
      %dma_start3A_212 = arith.constant 0 : i32
      %dma_start3A_213 = arith.constant 128 : i32
      %dma_start3A_214 = arith.constant 0 : i32
      %dma_start3A_215 = tpu.memref_slice %arg10[%dma_start3A_212, %dma_start3A_213, %dma_start3A_214] : memref<2x256x32xbf16, #tpu.memory_space<vmem>> -> memref<1x128x32xbf16, #tpu.memory_space<vmem>>
      %dma_start3A_216 = tpu.memref_squeeze %dma_start3A_215 : memref<1x128x32xbf16, #tpu.memory_space<vmem>> -> memref<128x32xbf16, #tpu.memory_space<vmem>>
      %dma_start3A_217 = arith.constant 0 : i32
      %dma_start3A_218 = tpu.memref_slice %arg7[%dma_start3A_210, %dma_start3A_211, %dma_start3A_217] : memref<2x2x128xi32, #tpu.memory_space<vmem>> -> memref<1x1x128xi32, #tpu.memory_space<vmem>>
      %dma_start3A_219 = tpu.memref_squeeze %dma_start3A_218 : memref<1x1x128xi32, #tpu.memory_space<vmem>> -> memref<128xi32, #tpu.memory_space<vmem>>
      %dma_start3A_220 = arith.constant 0 : i32
      %dma_start3A_221 = arith.constant 0 : i32
      %dma_start3A_222 = tpu.memref_slice %arg4[%dma_start3A_220, %dma_start3A_221] : memref<100000x32xbf16, #tpu.memory_space<hbm>> -> memref<100000x32xbf16, #tpu.memory_space<hbm>>
      tpu.enqueue_indirect_dma source(%dma_start3A_222 : memref<100000x32xbf16, #tpu.memory_space<hbm>>) target(%dma_start3A_216 : memref<128x32xbf16, #tpu.memory_space<vmem>>) offsets(%dma_start3A_219 : memref<128xi32, #tpu.memory_space<vmem>>) semaphore(%arg13 : memref<!tpu.dma_semaphore, #tpu.memory_space<semaphore_mem>>)
      %get3A = arith.constant 0 : i32
      %get3A_223 = arith.constant 0 : i32
      %get3A_224 = arith.index_cast %get3A : i32 to index
      %get3A_225 = arith.index_cast %get3A_223 : i32 to index
      %get3A_226 = arith.constant 0 : index
      %get3A_227 = tpu.vector_load %arg8[%get3A_224, %get3A_225, %get3A_226] {strides = array<i32>} : memref<2x2x128xi32, #tpu.memory_space<vmem>>, vector<1x1x16xi32>,
      %get3A_228 = vector.shape_cast %get3A_227 : vector<1x1x16xi32> to vector<16xi32>
      %swap3A = arith.constant 0 : i32
      %swap3A_229 = arith.constant 0 : i32
      %swap3A_230 = arith.index_cast %swap3A : i32 to index
      %swap3A_231 = arith.index_cast %swap3A_229 : i32 to index
      %swap3A_232 = arith.constant 0 : index
      %swap3A_233 = tpu.vector_load %arg9[%swap3A_230, %swap3A_231, %swap3A_232] {strides = array<i32>} : memref<2x2x128xi32, #tpu.memory_space<vmem>>, vector<1x1x16xi32>,
      %swap3A_234 = vector.shape_cast %swap3A_233 : vector<1x1x16xi32> to vector<16xi32>
      %swap3A_235 = vector.shape_cast %get3A_228 : vector<16xi32> to vector<1x1x16xi32>
      tpu.vector_store %arg9[%swap3A_230, %swap3A_231, %swap3A_232], %swap3A_235 {strides = array<i32>} : memref<2x2x128xi32, #tpu.memory_space<vmem>>, vector<1x1x16xi32>,
      %get3A_236 = arith.constant 0 : i32
      %get3A_237 = arith.constant 0 : i32
      %get3A_238 = arith.index_cast %get3A_236 : i32 to index
      %get3A_239 = arith.index_cast %get3A_237 : i32 to index
      %get3A_240 = arith.constant 16 : index
      %get3A_241 = tpu.vector_load %arg8[%get3A_238, %get3A_239, %get3A_240] {strides = array<i32>} : memref<2x2x128xi32, #tpu.memory_space<vmem>>, vector<1x1x16xi32>,
      %get3A_242 = vector.shape_cast %get3A_241 : vector<1x1x16xi32> to vector<16xi32>
      %swap3A_243 = arith.constant 0 : i32
      %swap3A_244 = arith.constant 0 : i32
      %swap3A_245 = arith.index_cast %swap3A_243 : i32 to index
      %swap3A_246 = arith.index_cast %swap3A_244 : i32 to index
      %swap3A_247 = arith.constant 16 : index
      %swap3A_248 = tpu.vector_load %arg9[%swap3A_245, %swap3A_246, %swap3A_247] {strides = array<i32>} : memref<2x2x128xi32, #tpu.memory_space<vmem>>, vector<1x1x16xi32>,
      %swap3A_249 = vector.shape_cast %swap3A_248 : vector<1x1x16xi32> to vector<16xi32>
      %swap3A_250 = vector.shape_cast %get3A_242 : vector<16xi32> to vector<1x1x16xi32>
      tpu.vector_store %arg9[%swap3A_245, %swap3A_246, %swap3A_247], %swap3A_250 {strides = array<i32>} : memref<2x2x128xi32, #tpu.memory_space<vmem>>, vector<1x1x16xi32>,
      %get3A_251 = arith.constant 0 : i32
      %get3A_252 = arith.constant 0 : i32
      %get3A_253 = arith.index_cast %get3A_251 : i32 to index
      %get3A_254 = arith.index_cast %get3A_252 : i32 to index
      %get3A_255 = arith.constant 32 : index
      %get3A_256 = tpu.vector_load %arg8[%get3A_253, %get3A_254, %get3A_255] {strides = array<i32>} : memref<2x2x128xi32, #tpu.memory_space<vmem>>, vector<1x1x16xi32>,
      %get3A_257 = vector.shape_cast %get3A_256 : vector<1x1x16xi32> to vector<16xi32>
      %swap3A_258 = arith.constant 0 : i32
      %swap3A_259 = arith.constant 0 : i32
      %swap3A_260 = arith.index_cast %swap3A_258 : i32 to index
      %swap3A_261 = arith.index_cast %swap3A_259 : i32 to index
      %swap3A_262 = arith.constant 32 : index
      %swap3A_263 = tpu.vector_load %arg9[%swap3A_260, %swap3A_261, %swap3A_262] {strides = array<i32>} : memref<2x2x128xi32, #tpu.memory_space<vmem>>, vector<1x1x16xi32>,
      %swap3A_264 = vector.shape_cast %swap3A_263 : vector<1x1x16xi32> to vector<16xi32>
      %swap3A_265 = vector.shape_cast %get3A_257 : vector<16xi32> to vector<1x1x16xi32>
      tpu.vector_store %arg9[%swap3A_260, %swap3A_261, %swap3A_262], %swap3A_265 {strides = array<i32>} : memref<2x2x128xi32, #tpu.memory_space<vmem>>, vector<1x1x16xi32>,
      %get3A_266 = arith.constant 0 : i32
      %get3A_267 = arith.constant 0 : i32
      %get3A_268 = arith.index_cast %get3A_266 : i32 to index
      %get3A_269 = arith.index_cast %get3A_267 : i32 to index
      %get3A_270 = arith.constant 48 : index
      %get3A_271 = tpu.vector_load %arg8[%get3A_268, %get3A_269, %get3A_270] {strides = array<i32>} : memref<2x2x128xi32, #tpu.memory_space<vmem>>, vector<1x1x16xi32>,
      %get3A_272 = vector.shape_cast %get3A_271 : vector<1x1x16xi32> to vector<16xi32>
      %swap3A_273 = arith.constant 0 : i32
      %swap3A_274 = arith.constant 0 : i32
      %swap3A_275 = arith.index_cast %swap3A_273 : i32 to index
      %swap3A_276 = arith.index_cast %swap3A_274 : i32 to index
      %swap3A_277 = arith.constant 48 : index
      %swap3A_278 = tpu.vector_load %arg9[%swap3A_275, %swap3A_276, %swap3A_277] {strides = array<i32>} : memref<2x2x128xi32, #tpu.memory_space<vmem>>, vector<1x1x16xi32>,
      %swap3A_279 = vector.shape_cast %swap3A_278 : vector<1x1x16xi32> to vector<16xi32>
      %swap3A_280 = vector.shape_cast %get3A_272 : vector<16xi32> to vector<1x1x16xi32>
      tpu.vector_store %arg9[%swap3A_275, %swap3A_276, %swap3A_277], %swap3A_280 {strides = array<i32>} : memref<2x2x128xi32, #tpu.memory_space<vmem>>, vector<1x1x16xi32>,
      %get3A_281 = arith.constant 0 : i32
      %get3A_282 = arith.constant 0 : i32
      %get3A_283 = arith.index_cast %get3A_281 : i32 to index
      %get3A_284 = arith.index_cast %get3A_282 : i32 to index
      %get3A_285 = arith.constant 64 : index
      %get3A_286 = tpu.vector_load %arg8[%get3A_283, %get3A_284, %get3A_285] {strides = array<i32>} : memref<2x2x128xi32, #tpu.memory_space<vmem>>, vector<1x1x16xi32>,
      %get3A_287 = vector.shape_cast %get3A_286 : vector<1x1x16xi32> to vector<16xi32>
      %swap3A_288 = arith.constant 0 : i32
      %swap3A_289 = arith.constant 0 : i32
      %swap3A_290 = arith.index_cast %swap3A_288 : i32 to index
      %swap3A_291 = arith.index_cast %swap3A_289 : i32 to index
      %swap3A_292 = arith.constant 64 : index
      %swap3A_293 = tpu.vector_load %arg9[%swap3A_290, %swap3A_291, %swap3A_292] {strides = array<i32>} : memref<2x2x128xi32, #tpu.memory_space<vmem>>, vector<1x1x16xi32>,
      %swap3A_294 = vector.shape_cast %swap3A_293 : vector<1x1x16xi32> to vector<16xi32>
      %swap3A_295 = vector.shape_cast %get3A_287 : vector<16xi32> to vector<1x1x16xi32>
      tpu.vector_store %arg9[%swap3A_290, %swap3A_291, %swap3A_292], %swap3A_295 {strides = array<i32>} : memref<2x2x128xi32, #tpu.memory_space<vmem>>, vector<1x1x16xi32>,
      %get3A_296 = arith.constant 0 : i32
      %get3A_297 = arith.constant 0 : i32
      %get3A_298 = arith.index_cast %get3A_296 : i32 to index
      %get3A_299 = arith.index_cast %get3A_297 : i32 to index
      %get3A_300 = arith.constant 80 : index
      %get3A_301 = tpu.vector_load %arg8[%get3A_298, %get3A_299, %get3A_300] {strides = array<i32>} : memref<2x2x128xi32, #tpu.memory_space<vmem>>, vector<1x1x16xi32>,
      %get3A_302 = vector.shape_cast %get3A_301 : vector<1x1x16xi32> to vector<16xi32>
      %swap3A_303 = arith.constant 0 : i32
      %swap3A_304 = arith.constant 0 : i32
      %swap3A_305 = arith.index_cast %swap3A_303 : i32 to index
      %swap3A_306 = arith.index_cast %swap3A_304 : i32 to index
      %swap3A_307 = arith.constant 80 : index
      %swap3A_308 = tpu.vector_load %arg9[%swap3A_305, %swap3A_306, %swap3A_307] {strides = array<i32>} : memref<2x2x128xi32, #tpu.memory_space<vmem>>, vector<1x1x16xi32>,
      %swap3A_309 = vector.shape_cast %swap3A_308 : vector<1x1x16xi32> to vector<16xi32>
      %swap3A_310 = vector.shape_cast %get3A_302 : vector<16xi32> to vector<1x1x16xi32>
      tpu.vector_store %arg9[%swap3A_305, %swap3A_306, %swap3A_307], %swap3A_310 {strides = array<i32>} : memref<2x2x128xi32, #tpu.memory_space<vmem>>, vector<1x1x16xi32>,
      %get3A_311 = arith.constant 0 : i32
      %get3A_312 = arith.constant 0 : i32
      %get3A_313 = arith.index_cast %get3A_311 : i32 to index
      %get3A_314 = arith.index_cast %get3A_312 : i32 to index
      %get3A_315 = arith.constant 96 : index
      %get3A_316 = tpu.vector_load %arg8[%get3A_313, %get3A_314, %get3A_315] {strides = array<i32>} : memref<2x2x128xi32, #tpu.memory_space<vmem>>, vector<1x1x16xi32>,
      %get3A_317 = vector.shape_cast %get3A_316 : vector<1x1x16xi32> to vector<16xi32>
      %swap3A_318 = arith.constant 0 : i32
      %swap3A_319 = arith.constant 0 : i32
      %swap3A_320 = arith.index_cast %swap3A_318 : i32 to index
      %swap3A_321 = arith.index_cast %swap3A_319 : i32 to index
      %swap3A_322 = arith.constant 96 : index
      %swap3A_323 = tpu.vector_load %arg9[%swap3A_320, %swap3A_321, %swap3A_322] {strides = array<i32>} : memref<2x2x128xi32, #tpu.memory_space<vmem>>, vector<1x1x16xi32>,
      %swap3A_324 = vector.shape_cast %swap3A_323 : vector<1x1x16xi32> to vector<16xi32>
      %swap3A_325 = vector.shape_cast %get3A_317 : vector<16xi32> to vector<1x1x16xi32>
      tpu.vector_store %arg9[%swap3A_320, %swap3A_321, %swap3A_322], %swap3A_325 {strides = array<i32>} : memref<2x2x128xi32, #tpu.memory_space<vmem>>, vector<1x1x16xi32>,
      %get3A_326 = arith.constant 0 : i32
      %get3A_327 = arith.constant 0 : i32
      %get3A_328 = arith.index_cast %get3A_326 : i32 to index
      %get3A_329 = arith.index_cast %get3A_327 : i32 to index
      %get3A_330 = arith.constant 112 : index
      %get3A_331 = tpu.vector_load %arg8[%get3A_328, %get3A_329, %get3A_330] {strides = array<i32>} : memref<2x2x128xi32, #tpu.memory_space<vmem>>, vector<1x1x16xi32>,
      %get3A_332 = vector.shape_cast %get3A_331 : vector<1x1x16xi32> to vector<16xi32>
      %swap3A_333 = arith.constant 0 : i32
      %swap3A_334 = arith.constant 0 : i32
      %swap3A_335 = arith.index_cast %swap3A_333 : i32 to index
      %swap3A_336 = arith.index_cast %swap3A_334 : i32 to index
      %swap3A_337 = arith.constant 112 : index
      %swap3A_338 = tpu.vector_load %arg9[%swap3A_335, %swap3A_336, %swap3A_337] {strides = array<i32>} : memref<2x2x128xi32, #tpu.memory_space<vmem>>, vector<1x1x16xi32>,
      %swap3A_339 = vector.shape_cast %swap3A_338 : vector<1x1x16xi32> to vector<16xi32>
      %swap3A_340 = vector.shape_cast %get3A_332 : vector<16xi32> to vector<1x1x16xi32>
      tpu.vector_store %arg9[%swap3A_335, %swap3A_336, %swap3A_337], %swap3A_340 {strides = array<i32>} : memref<2x2x128xi32, #tpu.memory_space<vmem>>, vector<1x1x16xi32>,
      %get3A_341 = arith.constant 0 : i32
      %get3A_342 = arith.constant 1 : i32
      %get3A_343 = arith.index_cast %get3A_341 : i32 to index
      %get3A_344 = arith.index_cast %get3A_342 : i32 to index
      %get3A_345 = arith.constant 0 : index
      %get3A_346 = tpu.vector_load %arg8[%get3A_343, %get3A_344, %get3A_345] {strides = array<i32>} : memref<2x2x128xi32, #tpu.memory_space<vmem>>, vector<1x1x16xi32>,
      %get3A_347 = vector.shape_cast %get3A_346 : vector<1x1x16xi32> to vector<16xi32>
      %swap3A_348 = arith.constant 0 : i32
      %swap3A_349 = arith.constant 1 : i32
      %swap3A_350 = arith.index_cast %swap3A_348 : i32 to index
      %swap3A_351 = arith.index_cast %swap3A_349 : i32 to index
      %swap3A_352 = arith.constant 0 : index
      %swap3A_353 = tpu.vector_load %arg9[%swap3A_350, %swap3A_351, %swap3A_352] {strides = array<i32>} : memref<2x2x128xi32, #tpu.memory_space<vmem>>, vector<1x1x16xi32>,
      %swap3A_354 = vector.shape_cast %swap3A_353 : vector<1x1x16xi32> to vector<16xi32>
      %swap3A_355 = vector.shape_cast %get3A_347 : vector<16xi32> to vector<1x1x16xi32>
      tpu.vector_store %arg9[%swap3A_350, %swap3A_351, %swap3A_352], %swap3A_355 {strides = array<i32>} : memref<2x2x128xi32, #tpu.memory_space<vmem>>, vector<1x1x16xi32>,
      %get3A_356 = arith.constant 0 : i32
      %get3A_357 = arith.constant 1 : i32
      %get3A_358 = arith.index_cast %get3A_356 : i32 to index
      %get3A_359 = arith.index_cast %get3A_357 : i32 to index
      %get3A_360 = arith.constant 16 : index
      %get3A_361 = tpu.vector_load %arg8[%get3A_358, %get3A_359, %get3A_360] {strides = array<i32>} : memref<2x2x128xi32, #tpu.memory_space<vmem>>, vector<1x1x16xi32>,
      %get3A_362 = vector.shape_cast %get3A_361 : vector<1x1x16xi32> to vector<16xi32>
      %swap3A_363 = arith.constant 0 : i32
      %swap3A_364 = arith.constant 1 : i32
      %swap3A_365 = arith.index_cast %swap3A_363 : i32 to index
      %swap3A_366 = arith.index_cast %swap3A_364 : i32 to index
      %swap3A_367 = arith.constant 16 : index
      %swap3A_368 = tpu.vector_load %arg9[%swap3A_365, %swap3A_366, %swap3A_367] {strides = array<i32>} : memref<2x2x128xi32, #tpu.memory_space<vmem>>, vector<1x1x16xi32>,
      %swap3A_369 = vector.shape_cast %swap3A_368 : vector<1x1x16xi32> to vector<16xi32>
      %swap3A_370 = vector.shape_cast %get3A_362 : vector<16xi32> to vector<1x1x16xi32>
      tpu.vector_store %arg9[%swap3A_365, %swap3A_366, %swap3A_367], %swap3A_370 {strides = array<i32>} : memref<2x2x128xi32, #tpu.memory_space<vmem>>, vector<1x1x16xi32>,
      %get3A_371 = arith.constant 0 : i32
      %get3A_372 = arith.constant 1 : i32
      %get3A_373 = arith.index_cast %get3A_371 : i32 to index
      %get3A_374 = arith.index_cast %get3A_372 : i32 to index
      %get3A_375 = arith.constant 32 : index
      %get3A_376 = tpu.vector_load %arg8[%get3A_373, %get3A_374, %get3A_375] {strides = array<i32>} : memref<2x2x128xi32, #tpu.memory_space<vmem>>, vector<1x1x16xi32>,
      %get3A_377 = vector.shape_cast %get3A_376 : vector<1x1x16xi32> to vector<16xi32>
      %swap3A_378 = arith.constant 0 : i32
      %swap3A_379 = arith.constant 1 : i32
      %swap3A_380 = arith.index_cast %swap3A_378 : i32 to index
      %swap3A_381 = arith.index_cast %swap3A_379 : i32 to index
      %swap3A_382 = arith.constant 32 : index
      %swap3A_383 = tpu.vector_load %arg9[%swap3A_380, %swap3A_381, %swap3A_382] {strides = array<i32>} : memref<2x2x128xi32, #tpu.memory_space<vmem>>, vector<1x1x16xi32>,
      %swap3A_384 = vector.shape_cast %swap3A_383 : vector<1x1x16xi32> to vector<16xi32>
      %swap3A_385 = vector.shape_cast %get3A_377 : vector<16xi32> to vector<1x1x16xi32>
      tpu.vector_store %arg9[%swap3A_380, %swap3A_381, %swap3A_382], %swap3A_385 {strides = array<i32>} : memref<2x2x128xi32, #tpu.memory_space<vmem>>, vector<1x1x16xi32>,
      %get3A_386 = arith.constant 0 : i32
      %get3A_387 = arith.constant 1 : i32
      %get3A_388 = arith.index_cast %get3A_386 : i32 to index
      %get3A_389 = arith.index_cast %get3A_387 : i32 to index
      %get3A_390 = arith.constant 48 : index
      %get3A_391 = tpu.vector_load %arg8[%get3A_388, %get3A_389, %get3A_390] {strides = array<i32>} : memref<2x2x128xi32, #tpu.memory_space<vmem>>, vector<1x1x16xi32>,
      %get3A_392 = vector.shape_cast %get3A_391 : vector<1x1x16xi32> to vector<16xi32>
      %swap3A_393 = arith.constant 0 : i32
      %swap3A_394 = arith.constant 1 : i32
      %swap3A_395 = arith.index_cast %swap3A_393 : i32 to index
      %swap3A_396 = arith.index_cast %swap3A_394 : i32 to index
      %swap3A_397 = arith.constant 48 : index
      %swap3A_398 = tpu.vector_load %arg9[%swap3A_395, %swap3A_396, %swap3A_397] {strides = array<i32>} : memref<2x2x128xi32, #tpu.memory_space<vmem>>, vector<1x1x16xi32>,
      %swap3A_399 = vector.shape_cast %swap3A_398 : vector<1x1x16xi32> to vector<16xi32>
      %swap3A_400 = vector.shape_cast %get3A_392 : vector<16xi32> to vector<1x1x16xi32>
      tpu.vector_store %arg9[%swap3A_395, %swap3A_396, %swap3A_397], %swap3A_400 {strides = array<i32>} : memref<2x2x128xi32, #tpu.memory_space<vmem>>, vector<1x1x16xi32>,
      %get3A_401 = arith.constant 0 : i32
      %get3A_402 = arith.constant 1 : i32
      %get3A_403 = arith.index_cast %get3A_401 : i32 to index
      %get3A_404 = arith.index_cast %get3A_402 : i32 to index
      %get3A_405 = arith.constant 64 : index
      %get3A_406 = tpu.vector_load %arg8[%get3A_403, %get3A_404, %get3A_405] {strides = array<i32>} : memref<2x2x128xi32, #tpu.memory_space<vmem>>, vector<1x1x16xi32>,
      %get3A_407 = vector.shape_cast %get3A_406 : vector<1x1x16xi32> to vector<16xi32>
      %swap3A_408 = arith.constant 0 : i32
      %swap3A_409 = arith.constant 1 : i32
      %swap3A_410 = arith.index_cast %swap3A_408 : i32 to index
      %swap3A_411 = arith.index_cast %swap3A_409 : i32 to index
      %swap3A_412 = arith.constant 64 : index
      %swap3A_413 = tpu.vector_load %arg9[%swap3A_410, %swap3A_411, %swap3A_412] {strides = array<i32>} : memref<2x2x128xi32, #tpu.memory_space<vmem>>, vector<1x1x16xi32>,
      %swap3A_414 = vector.shape_cast %swap3A_413 : vector<1x1x16xi32> to vector<16xi32>
      %swap3A_415 = vector.shape_cast %get3A_407 : vector<16xi32> to vector<1x1x16xi32>
      tpu.vector_store %arg9[%swap3A_410, %swap3A_411, %swap3A_412], %swap3A_415 {strides = array<i32>} : memref<2x2x128xi32, #tpu.memory_space<vmem>>, vector<1x1x16xi32>,
      %get3A_416 = arith.constant 0 : i32
      %get3A_417 = arith.constant 1 : i32
      %get3A_418 = arith.index_cast %get3A_416 : i32 to index
      %get3A_419 = arith.index_cast %get3A_417 : i32 to index
      %get3A_420 = arith.constant 80 : index
      %get3A_421 = tpu.vector_load %arg8[%get3A_418, %get3A_419, %get3A_420] {strides = array<i32>} : memref<2x2x128xi32, #tpu.memory_space<vmem>>, vector<1x1x16xi32>,
      %get3A_422 = vector.shape_cast %get3A_421 : vector<1x1x16xi32> to vector<16xi32>
      %swap3A_423 = arith.constant 0 : i32
      %swap3A_424 = arith.constant 1 : i32
      %swap3A_425 = arith.index_cast %swap3A_423 : i32 to index
      %swap3A_426 = arith.index_cast %swap3A_424 : i32 to index
      %swap3A_427 = arith.constant 80 : index
      %swap3A_428 = tpu.vector_load %arg9[%swap3A_425, %swap3A_426, %swap3A_427] {strides = array<i32>} : memref<2x2x128xi32, #tpu.memory_space<vmem>>, vector<1x1x16xi32>,
      %swap3A_429 = vector.shape_cast %swap3A_428 : vector<1x1x16xi32> to vector<16xi32>
      %swap3A_430 = vector.shape_cast %get3A_422 : vector<16xi32> to vector<1x1x16xi32>
      tpu.vector_store %arg9[%swap3A_425, %swap3A_426, %swap3A_427], %swap3A_430 {strides = array<i32>} : memref<2x2x128xi32, #tpu.memory_space<vmem>>, vector<1x1x16xi32>,
      %get3A_431 = arith.constant 0 : i32
      %get3A_432 = arith.constant 1 : i32
      %get3A_433 = arith.index_cast %get3A_431 : i32 to index
      %get3A_434 = arith.index_cast %get3A_432 : i32 to index
      %get3A_435 = arith.constant 96 : index
      %get3A_436 = tpu.vector_load %arg8[%get3A_433, %get3A_434, %get3A_435] {strides = array<i32>} : memref<2x2x128xi32, #tpu.memory_space<vmem>>, vector<1x1x16xi32>,
      %get3A_437 = vector.shape_cast %get3A_436 : vector<1x1x16xi32> to vector<16xi32>
      %swap3A_438 = arith.constant 0 : i32
      %swap3A_439 = arith.constant 1 : i32
      %swap3A_440 = arith.index_cast %swap3A_438 : i32 to index
      %swap3A_441 = arith.index_cast %swap3A_439 : i32 to index
      %swap3A_442 = arith.constant 96 : index
      %swap3A_443 = tpu.vector_load %arg9[%swap3A_440, %swap3A_441, %swap3A_442] {strides = array<i32>} : memref<2x2x128xi32, #tpu.memory_space<vmem>>, vector<1x1x16xi32>,
      %swap3A_444 = vector.shape_cast %swap3A_443 : vector<1x1x16xi32> to vector<16xi32>
      %swap3A_445 = vector.shape_cast %get3A_437 : vector<16xi32> to vector<1x1x16xi32>
      tpu.vector_store %arg9[%swap3A_440, %swap3A_441, %swap3A_442], %swap3A_445 {strides = array<i32>} : memref<2x2x128xi32, #tpu.memory_space<vmem>>, vector<1x1x16xi32>,
      %get3A_446 = arith.constant 0 : i32
      %get3A_447 = arith.constant 1 : i32
      %get3A_448 = arith.index_cast %get3A_446 : i32 to index
      %get3A_449 = arith.index_cast %get3A_447 : i32 to index
      %get3A_450 = arith.constant 112 : index
      %get3A_451 = tpu.vector_load %arg8[%get3A_448, %get3A_449, %get3A_450] {strides = array<i32>} : memref<2x2x128xi32, #tpu.memory_space<vmem>>, vector<1x1x16xi32>,
      %get3A_452 = vector.shape_cast %get3A_451 : vector<1x1x16xi32> to vector<16xi32>
      %swap3A_453 = arith.constant 0 : i32
      %swap3A_454 = arith.constant 1 : i32
      %swap3A_455 = arith.index_cast %swap3A_453 : i32 to index
      %swap3A_456 = arith.index_cast %swap3A_454 : i32 to index
      %swap3A_457 = arith.constant 112 : index
      %swap3A_458 = tpu.vector_load %arg9[%swap3A_455, %swap3A_456, %swap3A_457] {strides = array<i32>} : memref<2x2x128xi32, #tpu.memory_space<vmem>>, vector<1x1x16xi32>,
      %swap3A_459 = vector.shape_cast %swap3A_458 : vector<1x1x16xi32> to vector<16xi32>
      %swap3A_460 = vector.shape_cast %get3A_452 : vector<16xi32> to vector<1x1x16xi32>
      tpu.vector_store %arg9[%swap3A_455, %swap3A_456, %swap3A_457], %swap3A_460 {strides = array<i32>} : memref<2x2x128xi32, #tpu.memory_space<vmem>>, vector<1x1x16xi32>,
      %dma_wait3A_461 = arith.constant 0 : i32
      %dma_wait3A_462 = arith.constant 0 : i32
      %dma_wait3A_463 = arith.constant 0 : i32
      %dma_wait3A_464 = arith.constant 0 : i32
      %dma_wait3A_465 = arith.constant 0 : i32
      %dma_wait3A_466 = tpu.memref_slice %arg10[%dma_wait3A_463, %dma_wait3A_464, %dma_wait3A_465] : memref<2x256x32xbf16, #tpu.memory_space<vmem>> -> memref<1x128x32xbf16, #tpu.memory_space<vmem>>
      %dma_wait3A_467 = tpu.memref_squeeze %dma_wait3A_466 : memref<1x128x32xbf16, #tpu.memory_space<vmem>> -> memref<128x32xbf16, #tpu.memory_space<vmem>>
      %dma_wait3A_468 = arith.constant 0 : i32
      %dma_wait3A_469 = tpu.memref_slice %arg7[%dma_wait3A_461, %dma_wait3A_462, %dma_wait3A_468] : memref<2x2x128xi32, #tpu.memory_space<vmem>> -> memref<1x1x128xi32, #tpu.memory_space<vmem>>
      %dma_wait3A_470 = tpu.memref_squeeze %dma_wait3A_469 : memref<1x1x128xi32, #tpu.memory_space<vmem>> -> memref<128xi32, #tpu.memory_space<vmem>>
      %dma_wait3A_471 = arith.constant 0 : i32
      %dma_wait3A_472 = arith.constant 0 : i32
      %dma_wait3A_473 = tpu.memref_slice %arg4[%dma_wait3A_471, %dma_wait3A_472] : memref<100000x32xbf16, #tpu.memory_space<hbm>> -> memref<100000x32xbf16, #tpu.memory_space<hbm>>
      tpu.wait_indirect_dma semaphore(%arg13 : memref<!tpu.dma_semaphore, #tpu.memory_space<semaphore_mem>>) src(%dma_wait3A_473 : memref<100000x32xbf16, #tpu.memory_space<hbm>>) dst(%dma_wait3A_467 : memref<128x32xbf16, #tpu.memory_space<vmem>>)
      %dma_wait3A_474 = arith.constant 0 : i32
      %dma_wait3A_475 = arith.constant 1 : i32
      %dma_wait3A_476 = arith.constant 0 : i32
      %dma_wait3A_477 = arith.constant 128 : i32
      %dma_wait3A_478 = arith.constant 0 : i32
      %dma_wait3A_479 = tpu.memref_slice %arg10[%dma_wait3A_476, %dma_wait3A_477, %dma_wait3A_478] : memref<2x256x32xbf16, #tpu.memory_space<vmem>> -> memref<1x128x32xbf16, #tpu.memory_space<vmem>>
      %dma_wait3A_480 = tpu.memref_squeeze %dma_wait3A_479 : memref<1x128x32xbf16, #tpu.memory_space<vmem>> -> memref<128x32xbf16, #tpu.memory_space<vmem>>
      %dma_wait3A_481 = arith.constant 0 : i32
      %dma_wait3A_482 = tpu.memref_slice %arg7[%dma_wait3A_474, %dma_wait3A_475, %dma_wait3A_481] : memref<2x2x128xi32, #tpu.memory_space<vmem>> -> memref<1x1x128xi32, #tpu.memory_space<vmem>>
      %dma_wait3A_483 = tpu.memref_squeeze %dma_wait3A_482 : memref<1x1x128xi32, #tpu.memory_space<vmem>> -> memref<128xi32, #tpu.memory_space<vmem>>
      %dma_wait3A_484 = arith.constant 0 : i32
      %dma_wait3A_485 = arith.constant 0 : i32
      %dma_wait3A_486 = tpu.memref_slice %arg4[%dma_wait3A_484, %dma_wait3A_485] : memref<100000x32xbf16, #tpu.memory_space<hbm>> -> memref<100000x32xbf16, #tpu.memory_space<hbm>>
      tpu.wait_indirect_dma semaphore(%arg13 : memref<!tpu.dma_semaphore, #tpu.memory_space<semaphore_mem>>) src(%dma_wait3A_486 : memref<100000x32xbf16, #tpu.memory_space<hbm>>) dst(%dma_wait3A_480 : memref<128x32xbf16, #tpu.memory_space<vmem>>)
      %dma_start3A_487 = arith.constant 0 : i32
      %dma_start3A_488 = arith.constant 0 : i32
      %dma_start3A_489 = arith.constant 0 : i32
      %dma_start3A_490 = arith.constant 0 : i32
      %dma_start3A_491 = arith.constant 0 : i32
      %dma_start3A_492 = tpu.memref_slice %arg10[%dma_start3A_487, %dma_start3A_490, %dma_start3A_491] : memref<2x256x32xbf16, #tpu.memory_space<vmem>> -> memref<1x128x32xbf16, #tpu.memory_space<vmem>>
      %dma_start3A_493 = tpu.memref_squeeze %dma_start3A_492 : memref<1x128x32xbf16, #tpu.memory_space<vmem>> -> memref<128x32xbf16, #tpu.memory_space<vmem>>
      %dma_start3A_494 = arith.constant 0 : i32
      %dma_start3A_495 = tpu.memref_slice %arg9[%dma_start3A_488, %dma_start3A_489, %dma_start3A_494] : memref<2x2x128xi32, #tpu.memory_space<vmem>> -> memref<1x1x128xi32, #tpu.memory_space<vmem>>
      %dma_start3A_496 = tpu.memref_squeeze %dma_start3A_495 : memref<1x1x128xi32, #tpu.memory_space<vmem>> -> memref<128xi32, #tpu.memory_space<vmem>>
      %dma_start3A_497 = arith.constant 0 : i32
      %dma_start3A_498 = arith.constant 0 : i32
      %dma_start3A_499 = tpu.memref_slice %arg11[%dma_start3A_497, %dma_start3A_498] : memref<100352x32xbf16, #tpu.memory_space<vmem_shared>> -> memref<100352x32xbf16, #tpu.memory_space<vmem_shared>>
      tpu.enqueue_indirect_dma source(%dma_start3A_493 : memref<128x32xbf16, #tpu.memory_space<vmem>>) target(%dma_start3A_499 : memref<100352x32xbf16, #tpu.memory_space<vmem_shared>>) offsets(%dma_start3A_496 : memref<128xi32, #tpu.memory_space<vmem>>) semaphore(%arg14 : memref<!tpu.dma_semaphore, #tpu.memory_space<semaphore_mem>>) {add = true}
      %dma_start3A_500 = arith.constant 0 : i32
      %dma_start3A_501 = arith.constant 0 : i32
      %dma_start3A_502 = arith.constant 1 : i32
      %dma_start3A_503 = arith.constant 128 : i32
      %dma_start3A_504 = arith.constant 0 : i32
      %dma_start3A_505 = tpu.memref_slice %arg10[%dma_start3A_500, %dma_start3A_503, %dma_start3A_504] : memref<2x256x32xbf16, #tpu.memory_space<vmem>> -> memref<1x128x32xbf16, #tpu.memory_space<vmem>>
      %dma_start3A_506 = tpu.memref_squeeze %dma_start3A_505 : memref<1x128x32xbf16, #tpu.memory_space<vmem>> -> memref<128x32xbf16, #tpu.memory_space<vmem>>
      %dma_start3A_507 = arith.constant 0 : i32
      %dma_start3A_508 = tpu.memref_slice %arg9[%dma_start3A_501, %dma_start3A_502, %dma_start3A_507] : memref<2x2x128xi32, #tpu.memory_space<vmem>> -> memref<1x1x128xi32, #tpu.memory_space<vmem>>
      %dma_start3A_509 = tpu.memref_squeeze %dma_start3A_508 : memref<1x1x128xi32, #tpu.memory_space<vmem>> -> memref<128xi32, #tpu.memory_space<vmem>>
      %dma_start3A_510 = arith.constant 0 : i32
      %dma_start3A_511 = arith.constant 0 : i32
      %dma_start3A_512 = tpu.memref_slice %arg11[%dma_start3A_510, %dma_start3A_511] : memref<100352x32xbf16, #tpu.memory_space<vmem_shared>> -> memref<100352x32xbf16, #tpu.memory_space<vmem_shared>>
      tpu.enqueue_indirect_dma source(%dma_start3A_506 : memref<128x32xbf16, #tpu.memory_space<vmem>>) target(%dma_start3A_512 : memref<100352x32xbf16, #tpu.memory_space<vmem_shared>>) offsets(%dma_start3A_509 : memref<128xi32, #tpu.memory_space<vmem>>) semaphore(%arg14 : memref<!tpu.dma_semaphore, #tpu.memory_space<semaphore_mem>>) {add = true}
      %dma_wait3A_513 = arith.constant 1 : i32
      %dma_wait3A_514 = arith.constant 0 : i32
      %dma_wait3A_515 = arith.constant 0 : i32
      %dma_wait3A_516 = tpu.memref_slice %arg7[%dma_wait3A_513, %dma_wait3A_514, %dma_wait3A_515] : memref<2x2x128xi32, #tpu.memory_space<vmem>> -> memref<1x2x128xi32, #tpu.memory_space<vmem>>
      %dma_wait3A_517 = tpu.memref_squeeze %dma_wait3A_516 : memref<1x2x128xi32, #tpu.memory_space<vmem>> -> memref<2x128xi32, #tpu.memory_space<vmem>>
      %dma_wait3A_518 = arith.constant 0 : i32
      %dma_wait3A_519 = tpu.memref_slice %arg2[%add3A_142, %dma_wait3A_518] : memref<12500x128xi32, #tpu.memory_space<hbm>> -> memref<2x128xi32, #tpu.memory_space<hbm>>
      %dma_wait3A_520 = arith.constant 0 : i32
      %dma_wait3A_521 = arith.constant 0 : i32
      %dma_wait3A_522 = tpu.memref_slice %arg7[%dma_wait3A_513, %dma_wait3A_520, %dma_wait3A_521] : memref<2x2x128xi32, #tpu.memory_space<vmem>> -> memref<1x2x128xi32, #tpu.memory_space<vmem>>
      %dma_wait3A_523 = tpu.memref_squeeze %dma_wait3A_522 : memref<1x2x128xi32, #tpu.memory_space<vmem>> -> memref<2x128xi32, #tpu.memory_space<vmem>>
      %dma_wait3A_524 = arith.constant 0 : i32
      %dma_wait3A_525 = tpu.memref_slice %arg2[%add3A_142, %dma_wait3A_524] : memref<12500x128xi32, #tpu.memory_space<hbm>> -> memref<2x128xi32, #tpu.memory_space<hbm>>
      tpu.wait_dma2 semaphore(%arg12 : memref<!tpu.dma_semaphore, #tpu.memory_space<semaphore_mem>>) src(%dma_wait3A_525 : memref<2x128xi32, #tpu.memory_space<hbm>>) dst(%dma_wait3A_523 : memref<2x128xi32, #tpu.memory_space<vmem>>)
      %dma_wait3A_526 = arith.constant 1 : i32
      %dma_wait3A_527 = arith.constant 0 : i32
      %dma_wait3A_528 = arith.constant 0 : i32
      %dma_wait3A_529 = tpu.memref_slice %arg8[%dma_wait3A_526, %dma_wait3A_527, %dma_wait3A_528] : memref<2x2x128xi32, #tpu.memory_space<vmem>> -> memref<1x2x128xi32, #tpu.memory_space<vmem>>
      %dma_wait3A_530 = tpu.memref_squeeze %dma_wait3A_529 : memref<1x2x128xi32, #tpu.memory_space<vmem>> -> memref<2x128xi32, #tpu.memory_space<vmem>>
      %dma_wait3A_531 = arith.constant 0 : i32
      %dma_wait3A_532 = tpu.memref_slice %arg3[%add3A_142, %dma_wait3A_531] : memref<12500x128xi32, #tpu.memory_space<hbm>> -> memref<2x128xi32, #tpu.memory_space<hbm>>
      %dma_wait3A_533 = arith.constant 0 : i32
      %dma_wait3A_534 = arith.constant 0 : i32
      %dma_wait3A_535 = tpu.memref_slice %arg8[%dma_wait3A_526, %dma_wait3A_533, %dma_wait3A_534] : memref<2x2x128xi32, #tpu.memory_space<vmem>> -> memref<1x2x128xi32, #tpu.memory_space<vmem>>
      %dma_wait3A_536 = tpu.memref_squeeze %dma_wait3A_535 : memref<1x2x128xi32, #tpu.memory_space<vmem>> -> memref<2x128xi32, #tpu.memory_space<vmem>>
      %dma_wait3A_537 = arith.constant 0 : i32
      %dma_wait3A_538 = tpu.memref_slice %arg3[%add3A_142, %dma_wait3A_537] : memref<12500x128xi32, #tpu.memory_space<hbm>> -> memref<2x128xi32, #tpu.memory_space<hbm>>
      tpu.wait_dma2 semaphore(%arg12 : memref<!tpu.dma_semaphore, #tpu.memory_space<semaphore_mem>>) src(%dma_wait3A_538 : memref<2x128xi32, #tpu.memory_space<hbm>>) dst(%dma_wait3A_536 : memref<2x128xi32, #tpu.memory_space<vmem>>)
      %sub3A = arith.constant 1 : i32
      %sub3A_539 = arith.subi %select_n3A_22, %sub3A : i32
      %lt3A_540 = arith.cmpi slt, %while3A_134, %sub3A_539 : i32
      %convert_element_type3A_541 = arith.extui %lt3A_540 : i1 to i32
      %cond3A_542 = arith.constant 0 : i32
      %cond3A_543 = arith.cmpi ne, %convert_element_type3A_541, %cond3A_542 : i32
      scf.if %cond3A_543 {
        %add3A_868 = arith.constant 2 : i32
        %add3A_869 = arith.addi %add3A_142, %add3A_868 : i32
        %dma_start3A_870 = arith.constant 0 : i32
        %dma_start3A_871 = arith.constant 0 : i32
        %dma_start3A_872 = arith.constant 0 : i32
        %dma_start3A_873 = tpu.memref_slice %arg7[%dma_start3A_870, %dma_start3A_871, %dma_start3A_872] : memref<2x2x128xi32, #tpu.memory_space<vmem>> -> memref<1x2x128xi32, #tpu.memory_space<vmem>>
        %dma_start3A_874 = tpu.memref_squeeze %dma_start3A_873 : memref<1x2x128xi32, #tpu.memory_space<vmem>> -> memref<2x128xi32, #tpu.memory_space<vmem>>
        %dma_start3A_875 = arith.constant 0 : i32
        %dma_start3A_876 = tpu.memref_slice %arg2[%add3A_869, %dma_start3A_875] : memref<12500x128xi32, #tpu.memory_space<hbm>> -> memref<2x128xi32, #tpu.memory_space<hbm>>
        %dma_start3A_877 = arith.constant 0 : i32
        %dma_start3A_878 = arith.constant 0 : i32
        %dma_start3A_879 = tpu.memref_slice %arg7[%dma_start3A_870, %dma_start3A_877, %dma_start3A_878] : memref<2x2x128xi32, #tpu.memory_space<vmem>> -> memref<1x2x128xi32, #tpu.memory_space<vmem>>
        %dma_start3A_880 = tpu.memref_squeeze %dma_start3A_879 : memref<1x2x128xi32, #tpu.memory_space<vmem>> -> memref<2x128xi32, #tpu.memory_space<vmem>>
        %dma_start3A_881 = arith.constant 0 : i32
        %dma_start3A_882 = tpu.memref_slice %arg2[%add3A_869, %dma_start3A_881] : memref<12500x128xi32, #tpu.memory_space<hbm>> -> memref<2x128xi32, #tpu.memory_space<hbm>>
        tpu.enqueue_dma source(%dma_start3A_882 : memref<2x128xi32, #tpu.memory_space<hbm>>) target(%dma_start3A_880 : memref<2x128xi32, #tpu.memory_space<vmem>>) target_semaphore(%arg12 : memref<!tpu.dma_semaphore, #tpu.memory_space<semaphore_mem>>)
        %dma_start3A_883 = arith.constant 0 : i32
        %dma_start3A_884 = arith.constant 0 : i32
        %dma_start3A_885 = arith.constant 0 : i32
        %dma_start3A_886 = tpu.memref_slice %arg8[%dma_start3A_883, %dma_start3A_884, %dma_start3A_885] : memref<2x2x128xi32, #tpu.memory_space<vmem>> -> memref<1x2x128xi32, #tpu.memory_space<vmem>>
        %dma_start3A_887 = tpu.memref_squeeze %dma_start3A_886 : memref<1x2x128xi32, #tpu.memory_space<vmem>> -> memref<2x128xi32, #tpu.memory_space<vmem>>
        %dma_start3A_888 = arith.constant 0 : i32
        %dma_start3A_889 = tpu.memref_slice %arg3[%add3A_869, %dma_start3A_888] : memref<12500x128xi32, #tpu.memory_space<hbm>> -> memref<2x128xi32, #tpu.memory_space<hbm>>
        %dma_start3A_890 = arith.constant 0 : i32
        %dma_start3A_891 = arith.constant 0 : i32
        %dma_start3A_892 = tpu.memref_slice %arg8[%dma_start3A_883, %dma_start3A_890, %dma_start3A_891] : memref<2x2x128xi32, #tpu.memory_space<vmem>> -> memref<1x2x128xi32, #tpu.memory_space<vmem>>
        %dma_start3A_893 = tpu.memref_squeeze %dma_start3A_892 : memref<1x2x128xi32, #tpu.memory_space<vmem>> -> memref<2x128xi32, #tpu.memory_space<vmem>>
        %dma_start3A_894 = arith.constant 0 : i32
        %dma_start3A_895 = tpu.memref_slice %arg3[%add3A_869, %dma_start3A_894] : memref<12500x128xi32, #tpu.memory_space<hbm>> -> memref<2x128xi32, #tpu.memory_space<hbm>>
        tpu.enqueue_dma source(%dma_start3A_895 : memref<2x128xi32, #tpu.memory_space<hbm>>) target(%dma_start3A_893 : memref<2x128xi32, #tpu.memory_space<vmem>>) target_semaphore(%arg12 : memref<!tpu.dma_semaphore, #tpu.memory_space<semaphore_mem>>)
      } else {
      }
      %ge3A_544 = arith.constant 1 : i32
      %ge3A_545 = arith.cmpi sge, %while3A_134, %ge3A_544 : i32
      %convert_element_type3A_546 = arith.extui %ge3A_545 : i1 to i32
      %cond3A_547 = arith.constant 0 : i32
      %cond3A_548 = arith.cmpi ne, %convert_element_type3A_546, %cond3A_547 : i32
      scf.if %cond3A_548 {
        %dma_wait3A_868 = arith.constant 1 : i32
        %dma_wait3A_869 = arith.constant 1 : i32
        %dma_wait3A_870 = arith.constant 0 : i32
        %dma_wait3A_871 = arith.constant 0 : i32
        %dma_wait3A_872 = arith.constant 0 : i32
        %dma_wait3A_873 = tpu.memref_slice %arg10[%dma_wait3A_868, %dma_wait3A_871, %dma_wait3A_872] : memref<2x256x32xbf16, #tpu.memory_space<vmem>> -> memref<1x128x32xbf16, #tpu.memory_space<vmem>>
        %dma_wait3A_874 = tpu.memref_squeeze %dma_wait3A_873 : memref<1x128x32xbf16, #tpu.memory_space<vmem>> -> memref<128x32xbf16, #tpu.memory_space<vmem>>
        %dma_wait3A_875 = arith.constant 0 : i32
        %dma_wait3A_876 = tpu.memref_slice %arg9[%dma_wait3A_869, %dma_wait3A_870, %dma_wait3A_875] : memref<2x2x128xi32, #tpu.memory_space<vmem>> -> memref<1x1x128xi32, #tpu.memory_space<vmem>>
        %dma_wait3A_877 = tpu.memref_squeeze %dma_wait3A_876 : memref<1x1x128xi32, #tpu.memory_space<vmem>> -> memref<128xi32, #tpu.memory_space<vmem>>
        %dma_wait3A_878 = arith.constant 0 : i32
        %dma_wait3A_879 = arith.constant 0 : i32
        %dma_wait3A_880 = tpu.memref_slice %arg11[%dma_wait3A_878, %dma_wait3A_879] : memref<100352x32xbf16, #tpu.memory_space<vmem_shared>> -> memref<100352x32xbf16, #tpu.memory_space<vmem_shared>>
        tpu.wait_indirect_dma semaphore(%arg15 : memref<!tpu.dma_semaphore, #tpu.memory_space<semaphore_mem>>) src(%dma_wait3A_874 : memref<128x32xbf16, #tpu.memory_space<vmem>>) dst(%dma_wait3A_880 : memref<100352x32xbf16, #tpu.memory_space<vmem_shared>>)
        %dma_wait3A_881 = arith.constant 1 : i32
        %dma_wait3A_882 = arith.constant 1 : i32
        %dma_wait3A_883 = arith.constant 1 : i32
        %dma_wait3A_884 = arith.constant 128 : i32
        %dma_wait3A_885 = arith.constant 0 : i32
        %dma_wait3A_886 = tpu.memref_slice %arg10[%dma_wait3A_881, %dma_wait3A_884, %dma_wait3A_885] : memref<2x256x32xbf16, #tpu.memory_space<vmem>> -> memref<1x128x32xbf16, #tpu.memory_space<vmem>>
        %dma_wait3A_887 = tpu.memref_squeeze %dma_wait3A_886 : memref<1x128x32xbf16, #tpu.memory_space<vmem>> -> memref<128x32xbf16, #tpu.memory_space<vmem>>
        %dma_wait3A_888 = arith.constant 0 : i32
        %dma_wait3A_889 = tpu.memref_slice %arg9[%dma_wait3A_882, %dma_wait3A_883, %dma_wait3A_888] : memref<2x2x128xi32, #tpu.memory_space<vmem>> -> memref<1x1x128xi32, #tpu.memory_space<vmem>>
        %dma_wait3A_890 = tpu.memref_squeeze %dma_wait3A_889 : memref<1x1x128xi32, #tpu.memory_space<vmem>> -> memref<128xi32, #tpu.memory_space<vmem>>
        %dma_wait3A_891 = arith.constant 0 : i32
        %dma_wait3A_892 = arith.constant 0 : i32
        %dma_wait3A_893 = tpu.memref_slice %arg11[%dma_wait3A_891, %dma_wait3A_892] : memref<100352x32xbf16, #tpu.memory_space<vmem_shared>> -> memref<100352x32xbf16, #tpu.memory_space<vmem_shared>>
        tpu.wait_indirect_dma semaphore(%arg15 : memref<!tpu.dma_semaphore, #tpu.memory_space<semaphore_mem>>) src(%dma_wait3A_887 : memref<128x32xbf16, #tpu.memory_space<vmem>>) dst(%dma_wait3A_893 : memref<100352x32xbf16, #tpu.memory_space<vmem_shared>>)
      } else {
      }
      %dma_start3A_549 = arith.constant 1 : i32
      %dma_start3A_550 = arith.constant 0 : i32
      %dma_start3A_551 = arith.constant 1 : i32
      %dma_start3A_552 = arith.constant 0 : i32
      %dma_start3A_553 = arith.constant 0 : i32
      %dma_start3A_554 = tpu.memref_slice %arg10[%dma_start3A_551, %dma_start3A_552, %dma_start3A_553] : memref<2x256x32xbf16, #tpu.memory_space<vmem>> -> memref<1x128x32xbf16, #tpu.memory_space<vmem>>
      %dma_start3A_555 = tpu.memref_squeeze %dma_start3A_554 : memref<1x128x32xbf16, #tpu.memory_space<vmem>> -> memref<128x32xbf16, #tpu.memory_space<vmem>>
      %dma_start3A_556 = arith.constant 0 : i32
      %dma_start3A_557 = tpu.memref_slice %arg7[%dma_start3A_549, %dma_start3A_550, %dma_start3A_556] : memref<2x2x128xi32, #tpu.memory_space<vmem>> -> memref<1x1x128xi32, #tpu.memory_space<vmem>>
      %dma_start3A_558 = tpu.memref_squeeze %dma_start3A_557 : memref<1x1x128xi32, #tpu.memory_space<vmem>> -> memref<128xi32, #tpu.memory_space<vmem>>
      %dma_start3A_559 = arith.constant 0 : i32
      %dma_start3A_560 = arith.constant 0 : i32
      %dma_start3A_561 = tpu.memref_slice %arg4[%dma_start3A_559, %dma_start3A_560] : memref<100000x32xbf16, #tpu.memory_space<hbm>> -> memref<100000x32xbf16, #tpu.memory_space<hbm>>
      tpu.enqueue_indirect_dma source(%dma_start3A_561 : memref<100000x32xbf16, #tpu.memory_space<hbm>>) target(%dma_start3A_555 : memref<128x32xbf16, #tpu.memory_space<vmem>>) offsets(%dma_start3A_558 : memref<128xi32, #tpu.memory_space<vmem>>) semaphore(%arg13 : memref<!tpu.dma_semaphore, #tpu.memory_space<semaphore_mem>>)
      %dma_start3A_562 = arith.constant 1 : i32
      %dma_start3A_563 = arith.constant 1 : i32
      %dma_start3A_564 = arith.constant 1 : i32
      %dma_start3A_565 = arith.constant 128 : i32
      %dma_start3A_566 = arith.constant 0 : i32
      %dma_start3A_567 = tpu.memref_slice %arg10[%dma_start3A_564, %dma_start3A_565, %dma_start3A_566] : memref<2x256x32xbf16, #tpu.memory_space<vmem>> -> memref<1x128x32xbf16, #tpu.memory_space<vmem>>
      %dma_start3A_568 = tpu.memref_squeeze %dma_start3A_567 : memref<1x128x32xbf16, #tpu.memory_space<vmem>> -> memref<128x32xbf16, #tpu.memory_space<vmem>>
      %dma_start3A_569 = arith.constant 0 : i32
      %dma_start3A_570 = tpu.memref_slice %arg7[%dma_start3A_562, %dma_start3A_563, %dma_start3A_569] : memref<2x2x128xi32, #tpu.memory_space<vmem>> -> memref<1x1x128xi32, #tpu.memory_space<vmem>>
      %dma_start3A_571 = tpu.memref_squeeze %dma_start3A_570 : memref<1x1x128xi32, #tpu.memory_space<vmem>> -> memref<128xi32, #tpu.memory_space<vmem>>
      %dma_start3A_572 = arith.constant 0 : i32
      %dma_start3A_573 = arith.constant 0 : i32
      %dma_start3A_574 = tpu.memref_slice %arg4[%dma_start3A_572, %dma_start3A_573] : memref<100000x32xbf16, #tpu.memory_space<hbm>> -> memref<100000x32xbf16, #tpu.memory_space<hbm>>
      tpu.enqueue_indirect_dma source(%dma_start3A_574 : memref<100000x32xbf16, #tpu.memory_space<hbm>>) target(%dma_start3A_568 : memref<128x32xbf16, #tpu.memory_space<vmem>>) offsets(%dma_start3A_571 : memref<128xi32, #tpu.memory_space<vmem>>) semaphore(%arg13 : memref<!tpu.dma_semaphore, #tpu.memory_space<semaphore_mem>>)
      %get3A_575 = arith.constant 1 : i32
      %get3A_576 = arith.constant 0 : i32
      %get3A_577 = arith.index_cast %get3A_575 : i32 to index
      %get3A_578 = arith.index_cast %get3A_576 : i32 to index
      %get3A_579 = arith.constant 0 : index
      %get3A_580 = tpu.vector_load %arg8[%get3A_577, %get3A_578, %get3A_579] {strides = array<i32>} : memref<2x2x128xi32, #tpu.memory_space<vmem>>, vector<1x1x16xi32>,
      %get3A_581 = vector.shape_cast %get3A_580 : vector<1x1x16xi32> to vector<16xi32>
      %swap3A_582 = arith.constant 1 : i32
      %swap3A_583 = arith.constant 0 : i32
      %swap3A_584 = arith.index_cast %swap3A_582 : i32 to index
      %swap3A_585 = arith.index_cast %swap3A_583 : i32 to index
      %swap3A_586 = arith.constant 0 : index
      %swap3A_587 = tpu.vector_load %arg9[%swap3A_584, %swap3A_585, %swap3A_586] {strides = array<i32>} : memref<2x2x128xi32, #tpu.memory_space<vmem>>, vector<1x1x16xi32>,
      %swap3A_588 = vector.shape_cast %swap3A_587 : vector<1x1x16xi32> to vector<16xi32>
      %swap3A_589 = vector.shape_cast %get3A_581 : vector<16xi32> to vector<1x1x16xi32>
      tpu.vector_store %arg9[%swap3A_584, %swap3A_585, %swap3A_586], %swap3A_589 {strides = array<i32>} : memref<2x2x128xi32, #tpu.memory_space<vmem>>, vector<1x1x16xi32>,
      %get3A_590 = arith.constant 1 : i32
      %get3A_591 = arith.constant 0 : i32
      %get3A_592 = arith.index_cast %get3A_590 : i32 to index
      %get3A_593 = arith.index_cast %get3A_591 : i32 to index
      %get3A_594 = arith.constant 16 : index
      %get3A_595 = tpu.vector_load %arg8[%get3A_592, %get3A_593, %get3A_594] {strides = array<i32>} : memref<2x2x128xi32, #tpu.memory_space<vmem>>, vector<1x1x16xi32>,
      %get3A_596 = vector.shape_cast %get3A_595 : vector<1x1x16xi32> to vector<16xi32>
      %swap3A_597 = arith.constant 1 : i32
      %swap3A_598 = arith.constant 0 : i32
      %swap3A_599 = arith.index_cast %swap3A_597 : i32 to index
      %swap3A_600 = arith.index_cast %swap3A_598 : i32 to index
      %swap3A_601 = arith.constant 16 : index
      %swap3A_602 = tpu.vector_load %arg9[%swap3A_599, %swap3A_600, %swap3A_601] {strides = array<i32>} : memref<2x2x128xi32, #tpu.memory_space<vmem>>, vector<1x1x16xi32>,
      %swap3A_603 = vector.shape_cast %swap3A_602 : vector<1x1x16xi32> to vector<16xi32>
      %swap3A_604 = vector.shape_cast %get3A_596 : vector<16xi32> to vector<1x1x16xi32>
      tpu.vector_store %arg9[%swap3A_599, %swap3A_600, %swap3A_601], %swap3A_604 {strides = array<i32>} : memref<2x2x128xi32, #tpu.memory_space<vmem>>, vector<1x1x16xi32>,
      %get3A_605 = arith.constant 1 : i32
      %get3A_606 = arith.constant 0 : i32
      %get3A_607 = arith.index_cast %get3A_605 : i32 to index
      %get3A_608 = arith.index_cast %get3A_606 : i32 to index
      %get3A_609 = arith.constant 32 : index
      %get3A_610 = tpu.vector_load %arg8[%get3A_607, %get3A_608, %get3A_609] {strides = array<i32>} : memref<2x2x128xi32, #tpu.memory_space<vmem>>, vector<1x1x16xi32>,
      %get3A_611 = vector.shape_cast %get3A_610 : vector<1x1x16xi32> to vector<16xi32>
      %swap3A_612 = arith.constant 1 : i32
      %swap3A_613 = arith.constant 0 : i32
      %swap3A_614 = arith.index_cast %swap3A_612 : i32 to index
      %swap3A_615 = arith.index_cast %swap3A_613 : i32 to index
      %swap3A_616 = arith.constant 32 : index
      %swap3A_617 = tpu.vector_load %arg9[%swap3A_614, %swap3A_615, %swap3A_616] {strides = array<i32>} : memref<2x2x128xi32, #tpu.memory_space<vmem>>, vector<1x1x16xi32>,
      %swap3A_618 = vector.shape_cast %swap3A_617 : vector<1x1x16xi32> to vector<16xi32>
      %swap3A_619 = vector.shape_cast %get3A_611 : vector<16xi32> to vector<1x1x16xi32>
      tpu.vector_store %arg9[%swap3A_614, %swap3A_615, %swap3A_616], %swap3A_619 {strides = array<i32>} : memref<2x2x128xi32, #tpu.memory_space<vmem>>, vector<1x1x16xi32>,
      %get3A_620 = arith.constant 1 : i32
      %get3A_621 = arith.constant 0 : i32
      %get3A_622 = arith.index_cast %get3A_620 : i32 to index
      %get3A_623 = arith.index_cast %get3A_621 : i32 to index
      %get3A_624 = arith.constant 48 : index
      %get3A_625 = tpu.vector_load %arg8[%get3A_622, %get3A_623, %get3A_624] {strides = array<i32>} : memref<2x2x128xi32, #tpu.memory_space<vmem>>, vector<1x1x16xi32>,
      %get3A_626 = vector.shape_cast %get3A_625 : vector<1x1x16xi32> to vector<16xi32>
      %swap3A_627 = arith.constant 1 : i32
      %swap3A_628 = arith.constant 0 : i32
      %swap3A_629 = arith.index_cast %swap3A_627 : i32 to index
      %swap3A_630 = arith.index_cast %swap3A_628 : i32 to index
      %swap3A_631 = arith.constant 48 : index
      %swap3A_632 = tpu.vector_load %arg9[%swap3A_629, %swap3A_630, %swap3A_631] {strides = array<i32>} : memref<2x2x128xi32, #tpu.memory_space<vmem>>, vector<1x1x16xi32>,
      %swap3A_633 = vector.shape_cast %swap3A_632 : vector<1x1x16xi32> to vector<16xi32>
      %swap3A_634 = vector.shape_cast %get3A_626 : vector<16xi32> to vector<1x1x16xi32>
      tpu.vector_store %arg9[%swap3A_629, %swap3A_630, %swap3A_631], %swap3A_634 {strides = array<i32>} : memref<2x2x128xi32, #tpu.memory_space<vmem>>, vector<1x1x16xi32>,
      %get3A_635 = arith.constant 1 : i32
      %get3A_636 = arith.constant 0 : i32
      %get3A_637 = arith.index_cast %get3A_635 : i32 to index
      %get3A_638 = arith.index_cast %get3A_636 : i32 to index
      %get3A_639 = arith.constant 64 : index
      %get3A_640 = tpu.vector_load %arg8[%get3A_637, %get3A_638, %get3A_639] {strides = array<i32>} : memref<2x2x128xi32, #tpu.memory_space<vmem>>, vector<1x1x16xi32>,
      %get3A_641 = vector.shape_cast %get3A_640 : vector<1x1x16xi32> to vector<16xi32>
      %swap3A_642 = arith.constant 1 : i32
      %swap3A_643 = arith.constant 0 : i32
      %swap3A_644 = arith.index_cast %swap3A_642 : i32 to index
      %swap3A_645 = arith.index_cast %swap3A_643 : i32 to index
      %swap3A_646 = arith.constant 64 : index
      %swap3A_647 = tpu.vector_load %arg9[%swap3A_644, %swap3A_645, %swap3A_646] {strides = array<i32>} : memref<2x2x128xi32, #tpu.memory_space<vmem>>, vector<1x1x16xi32>,
      %swap3A_648 = vector.shape_cast %swap3A_647 : vector<1x1x16xi32> to vector<16xi32>
      %swap3A_649 = vector.shape_cast %get3A_641 : vector<16xi32> to vector<1x1x16xi32>
      tpu.vector_store %arg9[%swap3A_644, %swap3A_645, %swap3A_646], %swap3A_649 {strides = array<i32>} : memref<2x2x128xi32, #tpu.memory_space<vmem>>, vector<1x1x16xi32>,
      %get3A_650 = arith.constant 1 : i32
      %get3A_651 = arith.constant 0 : i32
      %get3A_652 = arith.index_cast %get3A_650 : i32 to index
      %get3A_653 = arith.index_cast %get3A_651 : i32 to index
      %get3A_654 = arith.constant 80 : index
      %get3A_655 = tpu.vector_load %arg8[%get3A_652, %get3A_653, %get3A_654] {strides = array<i32>} : memref<2x2x128xi32, #tpu.memory_space<vmem>>, vector<1x1x16xi32>,
      %get3A_656 = vector.shape_cast %get3A_655 : vector<1x1x16xi32> to vector<16xi32>
      %swap3A_657 = arith.constant 1 : i32
      %swap3A_658 = arith.constant 0 : i32
      %swap3A_659 = arith.index_cast %swap3A_657 : i32 to index
      %swap3A_660 = arith.index_cast %swap3A_658 : i32 to index
      %swap3A_661 = arith.constant 80 : index
      %swap3A_662 = tpu.vector_load %arg9[%swap3A_659, %swap3A_660, %swap3A_661] {strides = array<i32>} : memref<2x2x128xi32, #tpu.memory_space<vmem>>, vector<1x1x16xi32>,
      %swap3A_663 = vector.shape_cast %swap3A_662 : vector<1x1x16xi32> to vector<16xi32>
      %swap3A_664 = vector.shape_cast %get3A_656 : vector<16xi32> to vector<1x1x16xi32>
      tpu.vector_store %arg9[%swap3A_659, %swap3A_660, %swap3A_661], %swap3A_664 {strides = array<i32>} : memref<2x2x128xi32, #tpu.memory_space<vmem>>, vector<1x1x16xi32>,
      %get3A_665 = arith.constant 1 : i32
      %get3A_666 = arith.constant 0 : i32
      %get3A_667 = arith.index_cast %get3A_665 : i32 to index
      %get3A_668 = arith.index_cast %get3A_666 : i32 to index
      %get3A_669 = arith.constant 96 : index
      %get3A_670 = tpu.vector_load %arg8[%get3A_667, %get3A_668, %get3A_669] {strides = array<i32>} : memref<2x2x128xi32, #tpu.memory_space<vmem>>, vector<1x1x16xi32>,
      %get3A_671 = vector.shape_cast %get3A_670 : vector<1x1x16xi32> to vector<16xi32>
      %swap3A_672 = arith.constant 1 : i32
      %swap3A_673 = arith.constant 0 : i32
      %swap3A_674 = arith.index_cast %swap3A_672 : i32 to index
      %swap3A_675 = arith.index_cast %swap3A_673 : i32 to index
      %swap3A_676 = arith.constant 96 : index
      %swap3A_677 = tpu.vector_load %arg9[%swap3A_674, %swap3A_675, %swap3A_676] {strides = array<i32>} : memref<2x2x128xi32, #tpu.memory_space<vmem>>, vector<1x1x16xi32>,
      %swap3A_678 = vector.shape_cast %swap3A_677 : vector<1x1x16xi32> to vector<16xi32>
      %swap3A_679 = vector.shape_cast %get3A_671 : vector<16xi32> to vector<1x1x16xi32>
      tpu.vector_store %arg9[%swap3A_674, %swap3A_675, %swap3A_676], %swap3A_679 {strides = array<i32>} : memref<2x2x128xi32, #tpu.memory_space<vmem>>, vector<1x1x16xi32>,
      %get3A_680 = arith.constant 1 : i32
      %get3A_681 = arith.constant 0 : i32
      %get3A_682 = arith.index_cast %get3A_680 : i32 to index
      %get3A_683 = arith.index_cast %get3A_681 : i32 to index
      %get3A_684 = arith.constant 112 : index
      %get3A_685 = tpu.vector_load %arg8[%get3A_682, %get3A_683, %get3A_684] {strides = array<i32>} : memref<2x2x128xi32, #tpu.memory_space<vmem>>, vector<1x1x16xi32>,
      %get3A_686 = vector.shape_cast %get3A_685 : vector<1x1x16xi32> to vector<16xi32>
      %swap3A_687 = arith.constant 1 : i32
      %swap3A_688 = arith.constant 0 : i32
      %swap3A_689 = arith.index_cast %swap3A_687 : i32 to index
      %swap3A_690 = arith.index_cast %swap3A_688 : i32 to index
      %swap3A_691 = arith.constant 112 : index
      %swap3A_692 = tpu.vector_load %arg9[%swap3A_689, %swap3A_690, %swap3A_691] {strides = array<i32>} : memref<2x2x128xi32, #tpu.memory_space<vmem>>, vector<1x1x16xi32>,
      %swap3A_693 = vector.shape_cast %swap3A_692 : vector<1x1x16xi32> to vector<16xi32>
      %swap3A_694 = vector.shape_cast %get3A_686 : vector<16xi32> to vector<1x1x16xi32>
      tpu.vector_store %arg9[%swap3A_689, %swap3A_690, %swap3A_691], %swap3A_694 {strides = array<i32>} : memref<2x2x128xi32, #tpu.memory_space<vmem>>, vector<1x1x16xi32>,
      %get3A_695 = arith.constant 1 : i32
      %get3A_696 = arith.constant 1 : i32
      %get3A_697 = arith.index_cast %get3A_695 : i32 to index
      %get3A_698 = arith.index_cast %get3A_696 : i32 to index
      %get3A_699 = arith.constant 0 : index
      %get3A_700 = tpu.vector_load %arg8[%get3A_697, %get3A_698, %get3A_699] {strides = array<i32>} : memref<2x2x128xi32, #tpu.memory_space<vmem>>, vector<1x1x16xi32>,
      %get3A_701 = vector.shape_cast %get3A_700 : vector<1x1x16xi32> to vector<16xi32>
      %swap3A_702 = arith.constant 1 : i32
      %swap3A_703 = arith.constant 1 : i32
      %swap3A_704 = arith.index_cast %swap3A_702 : i32 to index
      %swap3A_705 = arith.index_cast %swap3A_703 : i32 to index
      %swap3A_706 = arith.constant 0 : index
      %swap3A_707 = tpu.vector_load %arg9[%swap3A_704, %swap3A_705, %swap3A_706] {strides = array<i32>} : memref<2x2x128xi32, #tpu.memory_space<vmem>>, vector<1x1x16xi32>,
      %swap3A_708 = vector.shape_cast %swap3A_707 : vector<1x1x16xi32> to vector<16xi32>
      %swap3A_709 = vector.shape_cast %get3A_701 : vector<16xi32> to vector<1x1x16xi32>
      tpu.vector_store %arg9[%swap3A_704, %swap3A_705, %swap3A_706], %swap3A_709 {strides = array<i32>} : memref<2x2x128xi32, #tpu.memory_space<vmem>>, vector<1x1x16xi32>,
      %get3A_710 = arith.constant 1 : i32
      %get3A_711 = arith.constant 1 : i32
      %get3A_712 = arith.index_cast %get3A_710 : i32 to index
      %get3A_713 = arith.index_cast %get3A_711 : i32 to index
      %get3A_714 = arith.constant 16 : index
      %get3A_715 = tpu.vector_load %arg8[%get3A_712, %get3A_713, %get3A_714] {strides = array<i32>} : memref<2x2x128xi32, #tpu.memory_space<vmem>>, vector<1x1x16xi32>,
      %get3A_716 = vector.shape_cast %get3A_715 : vector<1x1x16xi32> to vector<16xi32>
      %swap3A_717 = arith.constant 1 : i32
      %swap3A_718 = arith.constant 1 : i32
      %swap3A_719 = arith.index_cast %swap3A_717 : i32 to index
      %swap3A_720 = arith.index_cast %swap3A_718 : i32 to index
      %swap3A_721 = arith.constant 16 : index
      %swap3A_722 = tpu.vector_load %arg9[%swap3A_719, %swap3A_720, %swap3A_721] {strides = array<i32>} : memref<2x2x128xi32, #tpu.memory_space<vmem>>, vector<1x1x16xi32>,
      %swap3A_723 = vector.shape_cast %swap3A_722 : vector<1x1x16xi32> to vector<16xi32>
      %swap3A_724 = vector.shape_cast %get3A_716 : vector<16xi32> to vector<1x1x16xi32>
      tpu.vector_store %arg9[%swap3A_719, %swap3A_720, %swap3A_721], %swap3A_724 {strides = array<i32>} : memref<2x2x128xi32, #tpu.memory_space<vmem>>, vector<1x1x16xi32>,
      %get3A_725 = arith.constant 1 : i32
      %get3A_726 = arith.constant 1 : i32
      %get3A_727 = arith.index_cast %get3A_725 : i32 to index
      %get3A_728 = arith.index_cast %get3A_726 : i32 to index
      %get3A_729 = arith.constant 32 : index
      %get3A_730 = tpu.vector_load %arg8[%get3A_727, %get3A_728, %get3A_729] {strides = array<i32>} : memref<2x2x128xi32, #tpu.memory_space<vmem>>, vector<1x1x16xi32>,
      %get3A_731 = vector.shape_cast %get3A_730 : vector<1x1x16xi32> to vector<16xi32>
      %swap3A_732 = arith.constant 1 : i32
      %swap3A_733 = arith.constant 1 : i32
      %swap3A_734 = arith.index_cast %swap3A_732 : i32 to index
      %swap3A_735 = arith.index_cast %swap3A_733 : i32 to index
      %swap3A_736 = arith.constant 32 : index
      %swap3A_737 = tpu.vector_load %arg9[%swap3A_734, %swap3A_735, %swap3A_736] {strides = array<i32>} : memref<2x2x128xi32, #tpu.memory_space<vmem>>, vector<1x1x16xi32>,
      %swap3A_738 = vector.shape_cast %swap3A_737 : vector<1x1x16xi32> to vector<16xi32>
      %swap3A_739 = vector.shape_cast %get3A_731 : vector<16xi32> to vector<1x1x16xi32>
      tpu.vector_store %arg9[%swap3A_734, %swap3A_735, %swap3A_736], %swap3A_739 {strides = array<i32>} : memref<2x2x128xi32, #tpu.memory_space<vmem>>, vector<1x1x16xi32>,
      %get3A_740 = arith.constant 1 : i32
      %get3A_741 = arith.constant 1 : i32
      %get3A_742 = arith.index_cast %get3A_740 : i32 to index
      %get3A_743 = arith.index_cast %get3A_741 : i32 to index
      %get3A_744 = arith.constant 48 : index
      %get3A_745 = tpu.vector_load %arg8[%get3A_742, %get3A_743, %get3A_744] {strides = array<i32>} : memref<2x2x128xi32, #tpu.memory_space<vmem>>, vector<1x1x16xi32>,
      %get3A_746 = vector.shape_cast %get3A_745 : vector<1x1x16xi32> to vector<16xi32>
      %swap3A_747 = arith.constant 1 : i32
      %swap3A_748 = arith.constant 1 : i32
      %swap3A_749 = arith.index_cast %swap3A_747 : i32 to index
      %swap3A_750 = arith.index_cast %swap3A_748 : i32 to index
      %swap3A_751 = arith.constant 48 : index
      %swap3A_752 = tpu.vector_load %arg9[%swap3A_749, %swap3A_750, %swap3A_751] {strides = array<i32>} : memref<2x2x128xi32, #tpu.memory_space<vmem>>, vector<1x1x16xi32>,
      %swap3A_753 = vector.shape_cast %swap3A_752 : vector<1x1x16xi32> to vector<16xi32>
      %swap3A_754 = vector.shape_cast %get3A_746 : vector<16xi32> to vector<1x1x16xi32>
      tpu.vector_store %arg9[%swap3A_749, %swap3A_750, %swap3A_751], %swap3A_754 {strides = array<i32>} : memref<2x2x128xi32, #tpu.memory_space<vmem>>, vector<1x1x16xi32>,
      %get3A_755 = arith.constant 1 : i32
      %get3A_756 = arith.constant 1 : i32
      %get3A_757 = arith.index_cast %get3A_755 : i32 to index
      %get3A_758 = arith.index_cast %get3A_756 : i32 to index
      %get3A_759 = arith.constant 64 : index
      %get3A_760 = tpu.vector_load %arg8[%get3A_757, %get3A_758, %get3A_759] {strides = array<i32>} : memref<2x2x128xi32, #tpu.memory_space<vmem>>, vector<1x1x16xi32>,
      %get3A_761 = vector.shape_cast %get3A_760 : vector<1x1x16xi32> to vector<16xi32>
      %swap3A_762 = arith.constant 1 : i32
      %swap3A_763 = arith.constant 1 : i32
      %swap3A_764 = arith.index_cast %swap3A_762 : i32 to index
      %swap3A_765 = arith.index_cast %swap3A_763 : i32 to index
      %swap3A_766 = arith.constant 64 : index
      %swap3A_767 = tpu.vector_load %arg9[%swap3A_764, %swap3A_765, %swap3A_766] {strides = array<i32>} : memref<2x2x128xi32, #tpu.memory_space<vmem>>, vector<1x1x16xi32>,
      %swap3A_768 = vector.shape_cast %swap3A_767 : vector<1x1x16xi32> to vector<16xi32>
      %swap3A_769 = vector.shape_cast %get3A_761 : vector<16xi32> to vector<1x1x16xi32>
      tpu.vector_store %arg9[%swap3A_764, %swap3A_765, %swap3A_766], %swap3A_769 {strides = array<i32>} : memref<2x2x128xi32, #tpu.memory_space<vmem>>, vector<1x1x16xi32>,
      %get3A_770 = arith.constant 1 : i32
      %get3A_771 = arith.constant 1 : i32
      %get3A_772 = arith.index_cast %get3A_770 : i32 to index
      %get3A_773 = arith.index_cast %get3A_771 : i32 to index
      %get3A_774 = arith.constant 80 : index
      %get3A_775 = tpu.vector_load %arg8[%get3A_772, %get3A_773, %get3A_774] {strides = array<i32>} : memref<2x2x128xi32, #tpu.memory_space<vmem>>, vector<1x1x16xi32>,
      %get3A_776 = vector.shape_cast %get3A_775 : vector<1x1x16xi32> to vector<16xi32>
      %swap3A_777 = arith.constant 1 : i32
      %swap3A_778 = arith.constant 1 : i32
      %swap3A_779 = arith.index_cast %swap3A_777 : i32 to index
      %swap3A_780 = arith.index_cast %swap3A_778 : i32 to index
      %swap3A_781 = arith.constant 80 : index
      %swap3A_782 = tpu.vector_load %arg9[%swap3A_779, %swap3A_780, %swap3A_781] {strides = array<i32>} : memref<2x2x128xi32, #tpu.memory_space<vmem>>, vector<1x1x16xi32>,
      %swap3A_783 = vector.shape_cast %swap3A_782 : vector<1x1x16xi32> to vector<16xi32>
      %swap3A_784 = vector.shape_cast %get3A_776 : vector<16xi32> to vector<1x1x16xi32>
      tpu.vector_store %arg9[%swap3A_779, %swap3A_780, %swap3A_781], %swap3A_784 {strides = array<i32>} : memref<2x2x128xi32, #tpu.memory_space<vmem>>, vector<1x1x16xi32>,
      %get3A_785 = arith.constant 1 : i32
      %get3A_786 = arith.constant 1 : i32
      %get3A_787 = arith.index_cast %get3A_785 : i32 to index
      %get3A_788 = arith.index_cast %get3A_786 : i32 to index
      %get3A_789 = arith.constant 96 : index
      %get3A_790 = tpu.vector_load %arg8[%get3A_787, %get3A_788, %get3A_789] {strides = array<i32>} : memref<2x2x128xi32, #tpu.memory_space<vmem>>, vector<1x1x16xi32>,
      %get3A_791 = vector.shape_cast %get3A_790 : vector<1x1x16xi32> to vector<16xi32>
      %swap3A_792 = arith.constant 1 : i32
      %swap3A_793 = arith.constant 1 : i32
      %swap3A_794 = arith.index_cast %swap3A_792 : i32 to index
      %swap3A_795 = arith.index_cast %swap3A_793 : i32 to index
      %swap3A_796 = arith.constant 96 : index
      %swap3A_797 = tpu.vector_load %arg9[%swap3A_794, %swap3A_795, %swap3A_796] {strides = array<i32>} : memref<2x2x128xi32, #tpu.memory_space<vmem>>, vector<1x1x16xi32>,
      %swap3A_798 = vector.shape_cast %swap3A_797 : vector<1x1x16xi32> to vector<16xi32>
      %swap3A_799 = vector.shape_cast %get3A_791 : vector<16xi32> to vector<1x1x16xi32>
      tpu.vector_store %arg9[%swap3A_794, %swap3A_795, %swap3A_796], %swap3A_799 {strides = array<i32>} : memref<2x2x128xi32, #tpu.memory_space<vmem>>, vector<1x1x16xi32>,
      %get3A_800 = arith.constant 1 : i32
      %get3A_801 = arith.constant 1 : i32
      %get3A_802 = arith.index_cast %get3A_800 : i32 to index
      %get3A_803 = arith.index_cast %get3A_801 : i32 to index
      %get3A_804 = arith.constant 112 : index
      %get3A_805 = tpu.vector_load %arg8[%get3A_802, %get3A_803, %get3A_804] {strides = array<i32>} : memref<2x2x128xi32, #tpu.memory_space<vmem>>, vector<1x1x16xi32>,
      %get3A_806 = vector.shape_cast %get3A_805 : vector<1x1x16xi32> to vector<16xi32>
      %swap3A_807 = arith.constant 1 : i32
      %swap3A_808 = arith.constant 1 : i32
      %swap3A_809 = arith.index_cast %swap3A_807 : i32 to index
      %swap3A_810 = arith.index_cast %swap3A_808 : i32 to index
      %swap3A_811 = arith.constant 112 : index
      %swap3A_812 = tpu.vector_load %arg9[%swap3A_809, %swap3A_810, %swap3A_811] {strides = array<i32>} : memref<2x2x128xi32, #tpu.memory_space<vmem>>, vector<1x1x16xi32>,
      %swap3A_813 = vector.shape_cast %swap3A_812 : vector<1x1x16xi32> to vector<16xi32>
      %swap3A_814 = vector.shape_cast %get3A_806 : vector<16xi32> to vector<1x1x16xi32>
      tpu.vector_store %arg9[%swap3A_809, %swap3A_810, %swap3A_811], %swap3A_814 {strides = array<i32>} : memref<2x2x128xi32, #tpu.memory_space<vmem>>, vector<1x1x16xi32>,
      %dma_wait3A_815 = arith.constant 1 : i32
      %dma_wait3A_816 = arith.constant 0 : i32
      %dma_wait3A_817 = arith.constant 1 : i32
      %dma_wait3A_818 = arith.constant 0 : i32
      %dma_wait3A_819 = arith.constant 0 : i32
      %dma_wait3A_820 = tpu.memref_slice %arg10[%dma_wait3A_817, %dma_wait3A_818, %dma_wait3A_819] : memref<2x256x32xbf16, #tpu.memory_space<vmem>> -> memref<1x128x32xbf16, #tpu.memory_space<vmem>>
      %dma_wait3A_821 = tpu.memref_squeeze %dma_wait3A_820 : memref<1x128x32xbf16, #tpu.memory_space<vmem>> -> memref<128x32xbf16, #tpu.memory_space<vmem>>
      %dma_wait3A_822 = arith.constant 0 : i32
      %dma_wait3A_823 = tpu.memref_slice %arg7[%dma_wait3A_815, %dma_wait3A_816, %dma_wait3A_822] : memref<2x2x128xi32, #tpu.memory_space<vmem>> -> memref<1x1x128xi32, #tpu.memory_space<vmem>>
      %dma_wait3A_824 = tpu.memref_squeeze %dma_wait3A_823 : memref<1x1x128xi32, #tpu.memory_space<vmem>> -> memref<128xi32, #tpu.memory_space<vmem>>
      %dma_wait3A_825 = arith.constant 0 : i32
      %dma_wait3A_826 = arith.constant 0 : i32
      %dma_wait3A_827 = tpu.memref_slice %arg4[%dma_wait3A_825, %dma_wait3A_826] : memref<100000x32xbf16, #tpu.memory_space<hbm>> -> memref<100000x32xbf16, #tpu.memory_space<hbm>>
      tpu.wait_indirect_dma semaphore(%arg13 : memref<!tpu.dma_semaphore, #tpu.memory_space<semaphore_mem>>) src(%dma_wait3A_827 : memref<100000x32xbf16, #tpu.memory_space<hbm>>) dst(%dma_wait3A_821 : memref<128x32xbf16, #tpu.memory_space<vmem>>)
      %dma_wait3A_828 = arith.constant 1 : i32
      %dma_wait3A_829 = arith.constant 1 : i32
      %dma_wait3A_830 = arith.constant 1 : i32
      %dma_wait3A_831 = arith.constant 128 : i32
      %dma_wait3A_832 = arith.constant 0 : i32
      %dma_wait3A_833 = tpu.memref_slice %arg10[%dma_wait3A_830, %dma_wait3A_831, %dma_wait3A_832] : memref<2x256x32xbf16, #tpu.memory_space<vmem>> -> memref<1x128x32xbf16, #tpu.memory_space<vmem>>
      %dma_wait3A_834 = tpu.memref_squeeze %dma_wait3A_833 : memref<1x128x32xbf16, #tpu.memory_space<vmem>> -> memref<128x32xbf16, #tpu.memory_space<vmem>>
      %dma_wait3A_835 = arith.constant 0 : i32
      %dma_wait3A_836 = tpu.memref_slice %arg7[%dma_wait3A_828, %dma_wait3A_829, %dma_wait3A_835] : memref<2x2x128xi32, #tpu.memory_space<vmem>> -> memref<1x1x128xi32, #tpu.memory_space<vmem>>
      %dma_wait3A_837 = tpu.memref_squeeze %dma_wait3A_836 : memref<1x1x128xi32, #tpu.memory_space<vmem>> -> memref<128xi32, #tpu.memory_space<vmem>>
      %dma_wait3A_838 = arith.constant 0 : i32
      %dma_wait3A_839 = arith.constant 0 : i32
      %dma_wait3A_840 = tpu.memref_slice %arg4[%dma_wait3A_838, %dma_wait3A_839] : memref<100000x32xbf16, #tpu.memory_space<hbm>> -> memref<100000x32xbf16, #tpu.memory_space<hbm>>
      tpu.wait_indirect_dma semaphore(%arg13 : memref<!tpu.dma_semaphore, #tpu.memory_space<semaphore_mem>>) src(%dma_wait3A_840 : memref<100000x32xbf16, #tpu.memory_space<hbm>>) dst(%dma_wait3A_834 : memref<128x32xbf16, #tpu.memory_space<vmem>>)
      %dma_start3A_841 = arith.constant 1 : i32
      %dma_start3A_842 = arith.constant 1 : i32
      %dma_start3A_843 = arith.constant 0 : i32
      %dma_start3A_844 = arith.constant 0 : i32
      %dma_start3A_845 = arith.constant 0 : i32
      %dma_start3A_846 = tpu.memref_slice %arg10[%dma_start3A_841, %dma_start3A_844, %dma_start3A_845] : memref<2x256x32xbf16, #tpu.memory_space<vmem>> -> memref<1x128x32xbf16, #tpu.memory_space<vmem>>
      %dma_start3A_847 = tpu.memref_squeeze %dma_start3A_846 : memref<1x128x32xbf16, #tpu.memory_space<vmem>> -> memref<128x32xbf16, #tpu.memory_space<vmem>>
      %dma_start3A_848 = arith.constant 0 : i32
      %dma_start3A_849 = tpu.memref_slice %arg9[%dma_start3A_842, %dma_start3A_843, %dma_start3A_848] : memref<2x2x128xi32, #tpu.memory_space<vmem>> -> memref<1x1x128xi32, #tpu.memory_space<vmem>>
      %dma_start3A_850 = tpu.memref_squeeze %dma_start3A_849 : memref<1x1x128xi32, #tpu.memory_space<vmem>> -> memref<128xi32, #tpu.memory_space<vmem>>
      %dma_start3A_851 = arith.constant 0 : i32
      %dma_start3A_852 = arith.constant 0 : i32
      %dma_start3A_853 = tpu.memref_slice %arg11[%dma_start3A_851, %dma_start3A_852] : memref<100352x32xbf16, #tpu.memory_space<vmem_shared>> -> memref<100352x32xbf16, #tpu.memory_space<vmem_shared>>
      tpu.enqueue_indirect_dma source(%dma_start3A_847 : memref<128x32xbf16, #tpu.memory_space<vmem>>) target(%dma_start3A_853 : memref<100352x32xbf16, #tpu.memory_space<vmem_shared>>) offsets(%dma_start3A_850 : memref<128xi32, #tpu.memory_space<vmem>>) semaphore(%arg15 : memref<!tpu.dma_semaphore, #tpu.memory_space<semaphore_mem>>) {add = true}
      %dma_start3A_854 = arith.constant 1 : i32
      %dma_start3A_855 = arith.constant 1 : i32
      %dma_start3A_856 = arith.constant 1 : i32
      %dma_start3A_857 = arith.constant 128 : i32
      %dma_start3A_858 = arith.constant 0 : i32
      %dma_start3A_859 = tpu.memref_slice %arg10[%dma_start3A_854, %dma_start3A_857, %dma_start3A_858] : memref<2x256x32xbf16, #tpu.memory_space<vmem>> -> memref<1x128x32xbf16, #tpu.memory_space<vmem>>
      %dma_start3A_860 = tpu.memref_squeeze %dma_start3A_859 : memref<1x128x32xbf16, #tpu.memory_space<vmem>> -> memref<128x32xbf16, #tpu.memory_space<vmem>>
      %dma_start3A_861 = arith.constant 0 : i32
      %dma_start3A_862 = tpu.memref_slice %arg9[%dma_start3A_855, %dma_start3A_856, %dma_start3A_861] : memref<2x2x128xi32, #tpu.memory_space<vmem>> -> memref<1x1x128xi32, #tpu.memory_space<vmem>>
      %dma_start3A_863 = tpu.memref_squeeze %dma_start3A_862 : memref<1x1x128xi32, #tpu.memory_space<vmem>> -> memref<128xi32, #tpu.memory_space<vmem>>
      %dma_start3A_864 = arith.constant 0 : i32
      %dma_start3A_865 = arith.constant 0 : i32
      %dma_start3A_866 = tpu.memref_slice %arg11[%dma_start3A_864, %dma_start3A_865] : memref<100352x32xbf16, #tpu.memory_space<vmem_shared>> -> memref<100352x32xbf16, #tpu.memory_space<vmem_shared>>
      tpu.enqueue_indirect_dma source(%dma_start3A_860 : memref<128x32xbf16, #tpu.memory_space<vmem>>) target(%dma_start3A_866 : memref<100352x32xbf16, #tpu.memory_space<vmem_shared>>) offsets(%dma_start3A_863 : memref<128xi32, #tpu.memory_space<vmem>>) semaphore(%arg15 : memref<!tpu.dma_semaphore, #tpu.memory_space<semaphore_mem>>) {add = true}
      %while3A_867 = arith.constant 0 : i32
      scf.yield %while3A_867 : i32
    }
    %while3A_73 = arith.constant 1 : i32
    %while3A_74 = scf.for %while3A_134 = %while3A_70 to %while3A_66 step %while3A_73 iter_args(%while3A_135 = %while3A_72) -> (i32)  : i32 {
      %mul3A_136 = arith.constant 2 : i32
      %mul3A_137 = arith.muli %while3A_134, %mul3A_136 : i32
      %mul3A_138 = arith.constant 2 : i32
      %mul3A_139 = arith.muli %mul3A_137, %mul3A_138 : i32
      %add3A_140 = arith.addi %mul3A_38, %mul3A_139 : i32
      %add3A_141 = arith.constant 2 : i32
      %add3A_142 = arith.addi %add3A_140, %add3A_141 : i32
      %dma_wait3A_143 = arith.constant 0 : i32
      %dma_wait3A_144 = arith.constant 0 : i32
      %dma_wait3A_145 = arith.constant 0 : i32
      %dma_wait3A_146 = tpu.memref_slice %arg7[%dma_wait3A_143, %dma_wait3A_144, %dma_wait3A_145] : memref<2x2x128xi32, #tpu.memory_space<vmem>> -> memref<1x2x128xi32, #tpu.memory_space<vmem>>
      %dma_wait3A_147 = tpu.memref_squeeze %dma_wait3A_146 : memref<1x2x128xi32, #tpu.memory_space<vmem>> -> memref<2x128xi32, #tpu.memory_space<vmem>>
      %dma_wait3A_148 = arith.constant 0 : i32
      %dma_wait3A_149 = tpu.memref_slice %arg2[%add3A_140, %dma_wait3A_148] : memref<12500x128xi32, #tpu.memory_space<hbm>> -> memref<2x128xi32, #tpu.memory_space<hbm>>
      %dma_wait3A_150 = arith.constant 0 : i32
      %dma_wait3A_151 = arith.constant 0 : i32
      %dma_wait3A_152 = tpu.memref_slice %arg7[%dma_wait3A_143, %dma_wait3A_150, %dma_wait3A_151] : memref<2x2x128xi32, #tpu.memory_space<vmem>> -> memref<1x2x128xi32, #tpu.memory_space<vmem>>
      %dma_wait3A_153 = tpu.memref_squeeze %dma_wait3A_152 : memref<1x2x128xi32, #tpu.memory_space<vmem>> -> memref<2x128xi32, #tpu.memory_space<vmem>>
      %dma_wait3A_154 = arith.constant 0 : i32
      %dma_wait3A_155 = tpu.memref_slice %arg2[%add3A_140, %dma_wait3A_154] : memref<12500x128xi32, #tpu.memory_space<hbm>> -> memref<2x128xi32, #tpu.memory_space<hbm>>
      tpu.wait_dma2 semaphore(%arg12 : memref<!tpu.dma_semaphore, #tpu.memory_space<semaphore_mem>>) src(%dma_wait3A_155 : memref<2x128xi32, #tpu.memory_space<hbm>>) dst(%dma_wait3A_153 : memref<2x128xi32, #tpu.memory_space<vmem>>)
      %dma_wait3A_156 = arith.constant 0 : i32
      %dma_wait3A_157 = arith.constant 0 : i32
      %dma_wait3A_158 = arith.constant 0 : i32
      %dma_wait3A_159 = tpu.memref_slice %arg8[%dma_wait3A_156, %dma_wait3A_157, %dma_wait3A_158] : memref<2x2x128xi32, #tpu.memory_space<vmem>> -> memref<1x2x128xi32, #tpu.memory_space<vmem>>
      %dma_wait3A_160 = tpu.memref_squeeze %dma_wait3A_159 : memref<1x2x128xi32, #tpu.memory_space<vmem>> -> memref<2x128xi32, #tpu.memory_space<vmem>>
      %dma_wait3A_161 = arith.constant 0 : i32
      %dma_wait3A_162 = tpu.memref_slice %arg3[%add3A_140, %dma_wait3A_161] : memref<12500x128xi32, #tpu.memory_space<hbm>> -> memref<2x128xi32, #tpu.memory_space<hbm>>
      %dma_wait3A_163 = arith.constant 0 : i32
      %dma_wait3A_164 = arith.constant 0 : i32
      %dma_wait3A_165 = tpu.memref_slice %arg8[%dma_wait3A_156, %dma_wait3A_163, %dma_wait3A_164] : memref<2x2x128xi32, #tpu.memory_space<vmem>> -> memref<1x2x128xi32, #tpu.memory_space<vmem>>
      %dma_wait3A_166 = tpu.memref_squeeze %dma_wait3A_165 : memref<1x2x128xi32, #tpu.memory_space<vmem>> -> memref<2x128xi32, #tpu.memory_space<vmem>>
      %dma_wait3A_167 = arith.constant 0 : i32
      %dma_wait3A_168 = tpu.memref_slice %arg3[%add3A_140, %dma_wait3A_167] : memref<12500x128xi32, #tpu.memory_space<hbm>> -> memref<2x128xi32, #tpu.memory_space<hbm>>
      tpu.wait_dma2 semaphore(%arg12 : memref<!tpu.dma_semaphore, #tpu.memory_space<semaphore_mem>>) src(%dma_wait3A_168 : memref<2x128xi32, #tpu.memory_space<hbm>>) dst(%dma_wait3A_166 : memref<2x128xi32, #tpu.memory_space<vmem>>)
      %dma_start3A_169 = arith.constant 1 : i32
      %dma_start3A_170 = arith.constant 0 : i32
      %dma_start3A_171 = arith.constant 0 : i32
      %dma_start3A_172 = tpu.memref_slice %arg7[%dma_start3A_169, %dma_start3A_170, %dma_start3A_171] : memref<2x2x128xi32, #tpu.memory_space<vmem>> -> memref<1x2x128xi32, #tpu.memory_space<vmem>>
      %dma_start3A_173 = tpu.memref_squeeze %dma_start3A_172 : memref<1x2x128xi32, #tpu.memory_space<vmem>> -> memref<2x128xi32, #tpu.memory_space<vmem>>
      %dma_start3A_174 = arith.constant 0 : i32
      %dma_start3A_175 = tpu.memref_slice %arg2[%add3A_142, %dma_start3A_174] : memref<12500x128xi32, #tpu.memory_space<hbm>> -> memref<2x128xi32, #tpu.memory_space<hbm>>
      %dma_start3A_176 = arith.constant 0 : i32
      %dma_start3A_177 = arith.constant 0 : i32
      %dma_start3A_178 = tpu.memref_slice %arg7[%dma_start3A_169, %dma_start3A_176, %dma_start3A_177] : memref<2x2x128xi32, #tpu.memory_space<vmem>> -> memref<1x2x128xi32, #tpu.memory_space<vmem>>
      %dma_start3A_179 = tpu.memref_squeeze %dma_start3A_178 : memref<1x2x128xi32, #tpu.memory_space<vmem>> -> memref<2x128xi32, #tpu.memory_space<vmem>>
      %dma_start3A_180 = arith.constant 0 : i32
      %dma_start3A_181 = tpu.memref_slice %arg2[%add3A_142, %dma_start3A_180] : memref<12500x128xi32, #tpu.memory_space<hbm>> -> memref<2x128xi32, #tpu.memory_space<hbm>>
      tpu.enqueue_dma source(%dma_start3A_181 : memref<2x128xi32, #tpu.memory_space<hbm>>) target(%dma_start3A_179 : memref<2x128xi32, #tpu.memory_space<vmem>>) target_semaphore(%arg12 : memref<!tpu.dma_semaphore, #tpu.memory_space<semaphore_mem>>)
      %dma_start3A_182 = arith.constant 1 : i32
      %dma_start3A_183 = arith.constant 0 : i32
      %dma_start3A_184 = arith.constant 0 : i32
      %dma_start3A_185 = tpu.memref_slice %arg8[%dma_start3A_182, %dma_start3A_183, %dma_start3A_184] : memref<2x2x128xi32, #tpu.memory_space<vmem>> -> memref<1x2x128xi32, #tpu.memory_space<vmem>>
      %dma_start3A_186 = tpu.memref_squeeze %dma_start3A_185 : memref<1x2x128xi32, #tpu.memory_space<vmem>> -> memref<2x128xi32, #tpu.memory_space<vmem>>
      %dma_start3A_187 = arith.constant 0 : i32
      %dma_start3A_188 = tpu.memref_slice %arg3[%add3A_142, %dma_start3A_187] : memref<12500x128xi32, #tpu.memory_space<hbm>> -> memref<2x128xi32, #tpu.memory_space<hbm>>
      %dma_start3A_189 = arith.constant 0 : i32
      %dma_start3A_190 = arith.constant 0 : i32
      %dma_start3A_191 = tpu.memref_slice %arg8[%dma_start3A_182, %dma_start3A_189, %dma_start3A_190] : memref<2x2x128xi32, #tpu.memory_space<vmem>> -> memref<1x2x128xi32, #tpu.memory_space<vmem>>
      %dma_start3A_192 = tpu.memref_squeeze %dma_start3A_191 : memref<1x2x128xi32, #tpu.memory_space<vmem>> -> memref<2x128xi32, #tpu.memory_space<vmem>>
      %dma_start3A_193 = arith.constant 0 : i32
      %dma_start3A_194 = tpu.memref_slice %arg3[%add3A_142, %dma_start3A_193] : memref<12500x128xi32, #tpu.memory_space<hbm>> -> memref<2x128xi32, #tpu.memory_space<hbm>>
      tpu.enqueue_dma source(%dma_start3A_194 : memref<2x128xi32, #tpu.memory_space<hbm>>) target(%dma_start3A_192 : memref<2x128xi32, #tpu.memory_space<vmem>>) target_semaphore(%arg12 : memref<!tpu.dma_semaphore, #tpu.memory_space<semaphore_mem>>)
      %ge3A = arith.constant 1 : i32
      %ge3A_195 = arith.cmpi sge, %while3A_134, %ge3A : i32
      %convert_element_type3A = arith.extui %ge3A_195 : i1 to i32
      %cond3A = arith.constant 0 : i32
      %cond3A_196 = arith.cmpi ne, %convert_element_type3A, %cond3A : i32
      scf.if %cond3A_196 {
        %dma_wait3A_868 = arith.constant 0 : i32
        %dma_wait3A_869 = arith.constant 0 : i32
        %dma_wait3A_870 = arith.constant 0 : i32
        %dma_wait3A_871 = arith.constant 0 : i32
        %dma_wait3A_872 = arith.constant 0 : i32
        %dma_wait3A_873 = tpu.memref_slice %arg10[%dma_wait3A_868, %dma_wait3A_871, %dma_wait3A_872] : memref<2x256x32xbf16, #tpu.memory_space<vmem>> -> memref<1x128x32xbf16, #tpu.memory_space<vmem>>
        %dma_wait3A_874 = tpu.memref_squeeze %dma_wait3A_873 : memref<1x128x32xbf16, #tpu.memory_space<vmem>> -> memref<128x32xbf16, #tpu.memory_space<vmem>>
        %dma_wait3A_875 = arith.constant 0 : i32
        %dma_wait3A_876 = tpu.memref_slice %arg9[%dma_wait3A_869, %dma_wait3A_870, %dma_wait3A_875] : memref<2x2x128xi32, #tpu.memory_space<vmem>> -> memref<1x1x128xi32, #tpu.memory_space<vmem>>
        %dma_wait3A_877 = tpu.memref_squeeze %dma_wait3A_876 : memref<1x1x128xi32, #tpu.memory_space<vmem>> -> memref<128xi32, #tpu.memory_space<vmem>>
        %dma_wait3A_878 = arith.constant 0 : i32
        %dma_wait3A_879 = arith.constant 0 : i32
        %dma_wait3A_880 = tpu.memref_slice %arg11[%dma_wait3A_878, %dma_wait3A_879] : memref<100352x32xbf16, #tpu.memory_space<vmem_shared>> -> memref<100352x32xbf16, #tpu.memory_space<vmem_shared>>
        tpu.wait_indirect_dma semaphore(%arg14 : memref<!tpu.dma_semaphore, #tpu.memory_space<semaphore_mem>>) src(%dma_wait3A_874 : memref<128x32xbf16, #tpu.memory_space<vmem>>) dst(%dma_wait3A_880 : memref<100352x32xbf16, #tpu.memory_space<vmem_shared>>)
        %dma_wait3A_881 = arith.constant 0 : i32
        %dma_wait3A_882 = arith.constant 0 : i32
        %dma_wait3A_883 = arith.constant 1 : i32
        %dma_wait3A_884 = arith.constant 128 : i32
        %dma_wait3A_885 = arith.constant 0 : i32
        %dma_wait3A_886 = tpu.memref_slice %arg10[%dma_wait3A_881, %dma_wait3A_884, %dma_wait3A_885] : memref<2x256x32xbf16, #tpu.memory_space<vmem>> -> memref<1x128x32xbf16, #tpu.memory_space<vmem>>
        %dma_wait3A_887 = tpu.memref_squeeze %dma_wait3A_886 : memref<1x128x32xbf16, #tpu.memory_space<vmem>> -> memref<128x32xbf16, #tpu.memory_space<vmem>>
        %dma_wait3A_888 = arith.constant 0 : i32
        %dma_wait3A_889 = tpu.memref_slice %arg9[%dma_wait3A_882, %dma_wait3A_883, %dma_wait3A_888] : memref<2x2x128xi32, #tpu.memory_space<vmem>> -> memref<1x1x128xi32, #tpu.memory_space<vmem>>
        %dma_wait3A_890 = tpu.memref_squeeze %dma_wait3A_889 : memref<1x1x128xi32, #tpu.memory_space<vmem>> -> memref<128xi32, #tpu.memory_space<vmem>>
        %dma_wait3A_891 = arith.constant 0 : i32
        %dma_wait3A_892 = arith.constant 0 : i32
        %dma_wait3A_893 = tpu.memref_slice %arg11[%dma_wait3A_891, %dma_wait3A_892] : memref<100352x32xbf16, #tpu.memory_space<vmem_shared>> -> memref<100352x32xbf16, #tpu.memory_space<vmem_shared>>
        tpu.wait_indirect_dma semaphore(%arg14 : memref<!tpu.dma_semaphore, #tpu.memory_space<semaphore_mem>>) src(%dma_wait3A_887 : memref<128x32xbf16, #tpu.memory_space<vmem>>) dst(%dma_wait3A_893 : memref<100352x32xbf16, #tpu.memory_space<vmem_shared>>)
      } else {
      }
      %dma_start3A_197 = arith.constant 0 : i32
      %dma_start3A_198 = arith.constant 0 : i32
      %dma_start3A_199 = arith.constant 0 : i32
      %dma_start3A_200 = arith.constant 0 : i32
      %dma_start3A_201 = arith.constant 0 : i32
      %dma_start3A_202 = tpu.memref_slice %arg10[%dma_start3A_199, %dma_start3A_200, %dma_start3A_201] : memref<2x256x32xbf16, #tpu.memory_space<vmem>> -> memref<1x128x32xbf16, #tpu.memory_space<vmem>>
      %dma_start3A_203 = tpu.memref_squeeze %dma_start3A_202 : memref<1x128x32xbf16, #tpu.memory_space<vmem>> -> memref<128x32xbf16, #tpu.memory_space<vmem>>
      %dma_start3A_204 = arith.constant 0 : i32
      %dma_start3A_205 = tpu.memref_slice %arg7[%dma_start3A_197, %dma_start3A_198, %dma_start3A_204] : memref<2x2x128xi32, #tpu.memory_space<vmem>> -> memref<1x1x128xi32, #tpu.memory_space<vmem>>
      %dma_start3A_206 = tpu.memref_squeeze %dma_start3A_205 : memref<1x1x128xi32, #tpu.memory_space<vmem>> -> memref<128xi32, #tpu.memory_space<vmem>>
      %dma_start3A_207 = arith.constant 0 : i32
      %dma_start3A_208 = arith.constant 0 : i32
      %dma_start3A_209 = tpu.memref_slice %arg4[%dma_start3A_207, %dma_start3A_208] : memref<100000x32xbf16, #tpu.memory_space<hbm>> -> memref<100000x32xbf16, #tpu.memory_space<hbm>>
      tpu.enqueue_indirect_dma source(%dma_start3A_209 : memref<100000x32xbf16, #tpu.memory_space<hbm>>) target(%dma_start3A_203 : memref<128x32xbf16, #tpu.memory_space<vmem>>) offsets(%dma_start3A_206 : memref<128xi32, #tpu.memory_space<vmem>>) semaphore(%arg13 : memref<!tpu.dma_semaphore, #tpu.memory_space<semaphore_mem>>)
      %dma_start3A_210 = arith.constant 0 : i32
      %dma_start3A_211 = arith.constant 1 : i32
      %dma_start3A_212 = arith.constant 0 : i32
      %dma_start3A_213 = arith.constant 128 : i32
      %dma_start3A_214 = arith.constant 0 : i32
      %dma_start3A_215 = tpu.memref_slice %arg10[%dma_start3A_212, %dma_start3A_213, %dma_start3A_214] : memref<2x256x32xbf16, #tpu.memory_space<vmem>> -> memref<1x128x32xbf16, #tpu.memory_space<vmem>>
      %dma_start3A_216 = tpu.memref_squeeze %dma_start3A_215 : memref<1x128x32xbf16, #tpu.memory_space<vmem>> -> memref<128x32xbf16, #tpu.memory_space<vmem>>
      %dma_start3A_217 = arith.constant 0 : i32
      %dma_start3A_218 = tpu.memref_slice %arg7[%dma_start3A_210, %dma_start3A_211, %dma_start3A_217] : memref<2x2x128xi32, #tpu.memory_space<vmem>> -> memref<1x1x128xi32, #tpu.memory_space<vmem>>
      %dma_start3A_219 = tpu.memref_squeeze %dma_start3A_218 : memref<1x1x128xi32, #tpu.memory_space<vmem>> -> memref<128xi32, #tpu.memory_space<vmem>>
      %dma_start3A_220 = arith.constant 0 : i32
      %dma_start3A_221 = arith.constant 0 : i32
      %dma_start3A_222 = tpu.memref_slice %arg4[%dma_start3A_220, %dma_start3A_221] : memref<100000x32xbf16, #tpu.memory_space<hbm>> -> memref<100000x32xbf16, #tpu.memory_space<hbm>>
      tpu.enqueue_indirect_dma source(%dma_start3A_222 : memref<100000x32xbf16, #tpu.memory_space<hbm>>) target(%dma_start3A_216 : memref<128x32xbf16, #tpu.memory_space<vmem>>) offsets(%dma_start3A_219 : memref<128xi32, #tpu.memory_space<vmem>>) semaphore(%arg13 : memref<!tpu.dma_semaphore, #tpu.memory_space<semaphore_mem>>)
      %get3A = arith.constant 0 : i32
      %get3A_223 = arith.constant 0 : i32
      %get3A_224 = arith.index_cast %get3A : i32 to index
      %get3A_225 = arith.index_cast %get3A_223 : i32 to index
      %get3A_226 = arith.constant 0 : index
      %get3A_227 = tpu.vector_load %arg8[%get3A_224, %get3A_225, %get3A_226] {strides = array<i32>} : memref<2x2x128xi32, #tpu.memory_space<vmem>>, vector<1x1x16xi32>,
      %get3A_228 = vector.shape_cast %get3A_227 : vector<1x1x16xi32> to vector<16xi32>
      %swap3A = arith.constant 0 : i32
      %swap3A_229 = arith.constant 0 : i32
      %swap3A_230 = arith.index_cast %swap3A : i32 to index
      %swap3A_231 = arith.index_cast %swap3A_229 : i32 to index
      %swap3A_232 = arith.constant 0 : index
      %swap3A_233 = tpu.vector_load %arg9[%swap3A_230, %swap3A_231, %swap3A_232] {strides = array<i32>} : memref<2x2x128xi32, #tpu.memory_space<vmem>>, vector<1x1x16xi32>,
      %swap3A_234 = vector.shape_cast %swap3A_233 : vector<1x1x16xi32> to vector<16xi32>
      %swap3A_235 = vector.shape_cast %get3A_228 : vector<16xi32> to vector<1x1x16xi32>
      tpu.vector_store %arg9[%swap3A_230, %swap3A_231, %swap3A_232], %swap3A_235 {strides = array<i32>} : memref<2x2x128xi32, #tpu.memory_space<vmem>>, vector<1x1x16xi32>,
      %get3A_236 = arith.constant 0 : i32
      %get3A_237 = arith.constant 0 : i32
      %get3A_238 = arith.index_cast %get3A_236 : i32 to index
      %get3A_239 = arith.index_cast %get3A_237 : i32 to index
      %get3A_240 = arith.constant 16 : index
      %get3A_241 = tpu.vector_load %arg8[%get3A_238, %get3A_239, %get3A_240] {strides = array<i32>} : memref<2x2x128xi32, #tpu.memory_space<vmem>>, vector<1x1x16xi32>,
      %get3A_242 = vector.shape_cast %get3A_241 : vector<1x1x16xi32> to vector<16xi32>
      %swap3A_243 = arith.constant 0 : i32
      %swap3A_244 = arith.constant 0 : i32
      %swap3A_245 = arith.index_cast %swap3A_243 : i32 to index
      %swap3A_246 = arith.index_cast %swap3A_244 : i32 to index
      %swap3A_247 = arith.constant 16 : index
      %swap3A_248 = tpu.vector_load %arg9[%swap3A_245, %swap3A_246, %swap3A_247] {strides = array<i32>} : memref<2x2x128xi32, #tpu.memory_space<vmem>>, vector<1x1x16xi32>,
      %swap3A_249 = vector.shape_cast %swap3A_248 : vector<1x1x16xi32> to vector<16xi32>
      %swap3A_250 = vector.shape_cast %get3A_242 : vector<16xi32> to vector<1x1x16xi32>
      tpu.vector_store %arg9[%swap3A_245, %swap3A_246, %swap3A_247], %swap3A_250 {strides = array<i32>} : memref<2x2x128xi32, #tpu.memory_space<vmem>>, vector<1x1x16xi32>,
      %get3A_251 = arith.constant 0 : i32
      %get3A_252 = arith.constant 0 : i32
      %get3A_253 = arith.index_cast %get3A_251 : i32 to index
      %get3A_254 = arith.index_cast %get3A_252 : i32 to index
      %get3A_255 = arith.constant 32 : index
      %get3A_256 = tpu.vector_load %arg8[%get3A_253, %get3A_254, %get3A_255] {strides = array<i32>} : memref<2x2x128xi32, #tpu.memory_space<vmem>>, vector<1x1x16xi32>,
      %get3A_257 = vector.shape_cast %get3A_256 : vector<1x1x16xi32> to vector<16xi32>
      %swap3A_258 = arith.constant 0 : i32
      %swap3A_259 = arith.constant 0 : i32
      %swap3A_260 = arith.index_cast %swap3A_258 : i32 to index
      %swap3A_261 = arith.index_cast %swap3A_259 : i32 to index
      %swap3A_262 = arith.constant 32 : index
      %swap3A_263 = tpu.vector_load %arg9[%swap3A_260, %swap3A_261, %swap3A_262] {strides = array<i32>} : memref<2x2x128xi32, #tpu.memory_space<vmem>>, vector<1x1x16xi32>,
      %swap3A_264 = vector.shape_cast %swap3A_263 : vector<1x1x16xi32> to vector<16xi32>
      %swap3A_265 = vector.shape_cast %get3A_257 : vector<16xi32> to vector<1x1x16xi32>
      tpu.vector_store %arg9[%swap3A_260, %swap3A_261, %swap3A_262], %swap3A_265 {strides = array<i32>} : memref<2x2x128xi32, #tpu.memory_space<vmem>>, vector<1x1x16xi32>,
      %get3A_266 = arith.constant 0 : i32
      %get3A_267 = arith.constant 0 : i32
      %get3A_268 = arith.index_cast %get3A_266 : i32 to index
      %get3A_269 = arith.index_cast %get3A_267 : i32 to index
      %get3A_270 = arith.constant 48 : index
      %get3A_271 = tpu.vector_load %arg8[%get3A_268, %get3A_269, %get3A_270] {strides = array<i32>} : memref<2x2x128xi32, #tpu.memory_space<vmem>>, vector<1x1x16xi32>,
      %get3A_272 = vector.shape_cast %get3A_271 : vector<1x1x16xi32> to vector<16xi32>
      %swap3A_273 = arith.constant 0 : i32
      %swap3A_274 = arith.constant 0 : i32
      %swap3A_275 = arith.index_cast %swap3A_273 : i32 to index
      %swap3A_276 = arith.index_cast %swap3A_274 : i32 to index
      %swap3A_277 = arith.constant 48 : index
      %swap3A_278 = tpu.vector_load %arg9[%swap3A_275, %swap3A_276, %swap3A_277] {strides = array<i32>} : memref<2x2x128xi32, #tpu.memory_space<vmem>>, vector<1x1x16xi32>,
      %swap3A_279 = vector.shape_cast %swap3A_278 : vector<1x1x16xi32> to vector<16xi32>
      %swap3A_280 = vector.shape_cast %get3A_272 : vector<16xi32> to vector<1x1x16xi32>
      tpu.vector_store %arg9[%swap3A_275, %swap3A_276, %swap3A_277], %swap3A_280 {strides = array<i32>} : memref<2x2x128xi32, #tpu.memory_space<vmem>>, vector<1x1x16xi32>,
      %get3A_281 = arith.constant 0 : i32
      %get3A_282 = arith.constant 0 : i32
      %get3A_283 = arith.index_cast %get3A_281 : i32 to index
      %get3A_284 = arith.index_cast %get3A_282 : i32 to index
      %get3A_285 = arith.constant 64 : index
      %get3A_286 = tpu.vector_load %arg8[%get3A_283, %get3A_284, %get3A_285] {strides = array<i32>} : memref<2x2x128xi32, #tpu.memory_space<vmem>>, vector<1x1x16xi32>,
      %get3A_287 = vector.shape_cast %get3A_286 : vector<1x1x16xi32> to vector<16xi32>
      %swap3A_288 = arith.constant 0 : i32
      %swap3A_289 = arith.constant 0 : i32
      %swap3A_290 = arith.index_cast %swap3A_288 : i32 to index
      %swap3A_291 = arith.index_cast %swap3A_289 : i32 to index
      %swap3A_292 = arith.constant 64 : index
      %swap3A_293 = tpu.vector_load %arg9[%swap3A_290, %swap3A_291, %swap3A_292] {strides = array<i32>} : memref<2x2x128xi32, #tpu.memory_space<vmem>>, vector<1x1x16xi32>,
      %swap3A_294 = vector.shape_cast %swap3A_293 : vector<1x1x16xi32> to vector<16xi32>
      %swap3A_295 = vector.shape_cast %get3A_287 : vector<16xi32> to vector<1x1x16xi32>
      tpu.vector_store %arg9[%swap3A_290, %swap3A_291, %swap3A_292], %swap3A_295 {strides = array<i32>} : memref<2x2x128xi32, #tpu.memory_space<vmem>>, vector<1x1x16xi32>,
      %get3A_296 = arith.constant 0 : i32
      %get3A_297 = arith.constant 0 : i32
      %get3A_298 = arith.index_cast %get3A_296 : i32 to index
      %get3A_299 = arith.index_cast %get3A_297 : i32 to index
      %get3A_300 = arith.constant 80 : index
      %get3A_301 = tpu.vector_load %arg8[%get3A_298, %get3A_299, %get3A_300] {strides = array<i32>} : memref<2x2x128xi32, #tpu.memory_space<vmem>>, vector<1x1x16xi32>,
      %get3A_302 = vector.shape_cast %get3A_301 : vector<1x1x16xi32> to vector<16xi32>
      %swap3A_303 = arith.constant 0 : i32
      %swap3A_304 = arith.constant 0 : i32
      %swap3A_305 = arith.index_cast %swap3A_303 : i32 to index
      %swap3A_306 = arith.index_cast %swap3A_304 : i32 to index
      %swap3A_307 = arith.constant 80 : index
      %swap3A_308 = tpu.vector_load %arg9[%swap3A_305, %swap3A_306, %swap3A_307] {strides = array<i32>} : memref<2x2x128xi32, #tpu.memory_space<vmem>>, vector<1x1x16xi32>,
      %swap3A_309 = vector.shape_cast %swap3A_308 : vector<1x1x16xi32> to vector<16xi32>
      %swap3A_310 = vector.shape_cast %get3A_302 : vector<16xi32> to vector<1x1x16xi32>
      tpu.vector_store %arg9[%swap3A_305, %swap3A_306, %swap3A_307], %swap3A_310 {strides = array<i32>} : memref<2x2x128xi32, #tpu.memory_space<vmem>>, vector<1x1x16xi32>,
      %get3A_311 = arith.constant 0 : i32
      %get3A_312 = arith.constant 0 : i32
      %get3A_313 = arith.index_cast %get3A_311 : i32 to index
      %get3A_314 = arith.index_cast %get3A_312 : i32 to index
      %get3A_315 = arith.constant 96 : index
      %get3A_316 = tpu.vector_load %arg8[%get3A_313, %get3A_314, %get3A_315] {strides = array<i32>} : memref<2x2x128xi32, #tpu.memory_space<vmem>>, vector<1x1x16xi32>,
      %get3A_317 = vector.shape_cast %get3A_316 : vector<1x1x16xi32> to vector<16xi32>
      %swap3A_318 = arith.constant 0 : i32
      %swap3A_319 = arith.constant 0 : i32
      %swap3A_320 = arith.index_cast %swap3A_318 : i32 to index
      %swap3A_321 = arith.index_cast %swap3A_319 : i32 to index
      %swap3A_322 = arith.constant 96 : index
      %swap3A_323 = tpu.vector_load %arg9[%swap3A_320, %swap3A_321, %swap3A_322] {strides = array<i32>} : memref<2x2x128xi32, #tpu.memory_space<vmem>>, vector<1x1x16xi32>,
      %swap3A_324 = vector.shape_cast %swap3A_323 : vector<1x1x16xi32> to vector<16xi32>
      %swap3A_325 = vector.shape_cast %get3A_317 : vector<16xi32> to vector<1x1x16xi32>
      tpu.vector_store %arg9[%swap3A_320, %swap3A_321, %swap3A_322], %swap3A_325 {strides = array<i32>} : memref<2x2x128xi32, #tpu.memory_space<vmem>>, vector<1x1x16xi32>,
      %get3A_326 = arith.constant 0 : i32
      %get3A_327 = arith.constant 0 : i32
      %get3A_328 = arith.index_cast %get3A_326 : i32 to index
      %get3A_329 = arith.index_cast %get3A_327 : i32 to index
      %get3A_330 = arith.constant 112 : index
      %get3A_331 = tpu.vector_load %arg8[%get3A_328, %get3A_329, %get3A_330] {strides = array<i32>} : memref<2x2x128xi32, #tpu.memory_space<vmem>>, vector<1x1x16xi32>,
      %get3A_332 = vector.shape_cast %get3A_331 : vector<1x1x16xi32> to vector<16xi32>
      %swap3A_333 = arith.constant 0 : i32
      %swap3A_334 = arith.constant 0 : i32
      %swap3A_335 = arith.index_cast %swap3A_333 : i32 to index
      %swap3A_336 = arith.index_cast %swap3A_334 : i32 to index
      %swap3A_337 = arith.constant 112 : index
      %swap3A_338 = tpu.vector_load %arg9[%swap3A_335, %swap3A_336, %swap3A_337] {strides = array<i32>} : memref<2x2x128xi32, #tpu.memory_space<vmem>>, vector<1x1x16xi32>,
      %swap3A_339 = vector.shape_cast %swap3A_338 : vector<1x1x16xi32> to vector<16xi32>
      %swap3A_340 = vector.shape_cast %get3A_332 : vector<16xi32> to vector<1x1x16xi32>
      tpu.vector_store %arg9[%swap3A_335, %swap3A_336, %swap3A_337], %swap3A_340 {strides = array<i32>} : memref<2x2x128xi32, #tpu.memory_space<vmem>>, vector<1x1x16xi32>,
      %get3A_341 = arith.constant 0 : i32
      %get3A_342 = arith.constant 1 : i32
      %get3A_343 = arith.index_cast %get3A_341 : i32 to index
      %get3A_344 = arith.index_cast %get3A_342 : i32 to index
      %get3A_345 = arith.constant 0 : index
      %get3A_346 = tpu.vector_load %arg8[%get3A_343, %get3A_344, %get3A_345] {strides = array<i32>} : memref<2x2x128xi32, #tpu.memory_space<vmem>>, vector<1x1x16xi32>,
      %get3A_347 = vector.shape_cast %get3A_346 : vector<1x1x16xi32> to vector<16xi32>
      %swap3A_348 = arith.constant 0 : i32
      %swap3A_349 = arith.constant 1 : i32
      %swap3A_350 = arith.index_cast %swap3A_348 : i32 to index
      %swap3A_351 = arith.index_cast %swap3A_349 : i32 to index
      %swap3A_352 = arith.constant 0 : index
      %swap3A_353 = tpu.vector_load %arg9[%swap3A_350, %swap3A_351, %swap3A_352] {strides = array<i32>} : memref<2x2x128xi32, #tpu.memory_space<vmem>>, vector<1x1x16xi32>,
      %swap3A_354 = vector.shape_cast %swap3A_353 : vector<1x1x16xi32> to vector<16xi32>
      %swap3A_355 = vector.shape_cast %get3A_347 : vector<16xi32> to vector<1x1x16xi32>
      tpu.vector_store %arg9[%swap3A_350, %swap3A_351, %swap3A_352], %swap3A_355 {strides = array<i32>} : memref<2x2x128xi32, #tpu.memory_space<vmem>>, vector<1x1x16xi32>,
      %get3A_356 = arith.constant 0 : i32
      %get3A_357 = arith.constant 1 : i32
      %get3A_358 = arith.index_cast %get3A_356 : i32 to index
      %get3A_359 = arith.index_cast %get3A_357 : i32 to index
      %get3A_360 = arith.constant 16 : index
      %get3A_361 = tpu.vector_load %arg8[%get3A_358, %get3A_359, %get3A_360] {strides = array<i32>} : memref<2x2x128xi32, #tpu.memory_space<vmem>>, vector<1x1x16xi32>,
      %get3A_362 = vector.shape_cast %get3A_361 : vector<1x1x16xi32> to vector<16xi32>
      %swap3A_363 = arith.constant 0 : i32
      %swap3A_364 = arith.constant 1 : i32
      %swap3A_365 = arith.index_cast %swap3A_363 : i32 to index
      %swap3A_366 = arith.index_cast %swap3A_364 : i32 to index
      %swap3A_367 = arith.constant 16 : index
      %swap3A_368 = tpu.vector_load %arg9[%swap3A_365, %swap3A_366, %swap3A_367] {strides = array<i32>} : memref<2x2x128xi32, #tpu.memory_space<vmem>>, vector<1x1x16xi32>,
      %swap3A_369 = vector.shape_cast %swap3A_368 : vector<1x1x16xi32> to vector<16xi32>
      %swap3A_370 = vector.shape_cast %get3A_362 : vector<16xi32> to vector<1x1x16xi32>
      tpu.vector_store %arg9[%swap3A_365, %swap3A_366, %swap3A_367], %swap3A_370 {strides = array<i32>} : memref<2x2x128xi32, #tpu.memory_space<vmem>>, vector<1x1x16xi32>,
      %get3A_371 = arith.constant 0 : i32
      %get3A_372 = arith.constant 1 : i32
      %get3A_373 = arith.index_cast %get3A_371 : i32 to index
      %get3A_374 = arith.index_cast %get3A_372 : i32 to index
      %get3A_375 = arith.constant 32 : index
      %get3A_376 = tpu.vector_load %arg8[%get3A_373, %get3A_374, %get3A_375] {strides = array<i32>} : memref<2x2x128xi32, #tpu.memory_space<vmem>>, vector<1x1x16xi32>,
      %get3A_377 = vector.shape_cast %get3A_376 : vector<1x1x16xi32> to vector<16xi32>
      %swap3A_378 = arith.constant 0 : i32
      %swap3A_379 = arith.constant 1 : i32
      %swap3A_380 = arith.index_cast %swap3A_378 : i32 to index
      %swap3A_381 = arith.index_cast %swap3A_379 : i32 to index
      %swap3A_382 = arith.constant 32 : index
      %swap3A_383 = tpu.vector_load %arg9[%swap3A_380, %swap3A_381, %swap3A_382] {strides = array<i32>} : memref<2x2x128xi32, #tpu.memory_space<vmem>>, vector<1x1x16xi32>,
      %swap3A_384 = vector.shape_cast %swap3A_383 : vector<1x1x16xi32> to vector<16xi32>
      %swap3A_385 = vector.shape_cast %get3A_377 : vector<16xi32> to vector<1x1x16xi32>
      tpu.vector_store %arg9[%swap3A_380, %swap3A_381, %swap3A_382], %swap3A_385 {strides = array<i32>} : memref<2x2x128xi32, #tpu.memory_space<vmem>>, vector<1x1x16xi32>,
      %get3A_386 = arith.constant 0 : i32
      %get3A_387 = arith.constant 1 : i32
      %get3A_388 = arith.index_cast %get3A_386 : i32 to index
      %get3A_389 = arith.index_cast %get3A_387 : i32 to index
      %get3A_390 = arith.constant 48 : index
      %get3A_391 = tpu.vector_load %arg8[%get3A_388, %get3A_389, %get3A_390] {strides = array<i32>} : memref<2x2x128xi32, #tpu.memory_space<vmem>>, vector<1x1x16xi32>,
      %get3A_392 = vector.shape_cast %get3A_391 : vector<1x1x16xi32> to vector<16xi32>
      %swap3A_393 = arith.constant 0 : i32
      %swap3A_394 = arith.constant 1 : i32
      %swap3A_395 = arith.index_cast %swap3A_393 : i32 to index
      %swap3A_396 = arith.index_cast %swap3A_394 : i32 to index
      %swap3A_397 = arith.constant 48 : index
      %swap3A_398 = tpu.vector_load %arg9[%swap3A_395, %swap3A_396, %swap3A_397] {strides = array<i32>} : memref<2x2x128xi32, #tpu.memory_space<vmem>>, vector<1x1x16xi32>,
      %swap3A_399 = vector.shape_cast %swap3A_398 : vector<1x1x16xi32> to vector<16xi32>
      %swap3A_400 = vector.shape_cast %get3A_392 : vector<16xi32> to vector<1x1x16xi32>
      tpu.vector_store %arg9[%swap3A_395, %swap3A_396, %swap3A_397], %swap3A_400 {strides = array<i32>} : memref<2x2x128xi32, #tpu.memory_space<vmem>>, vector<1x1x16xi32>,
      %get3A_401 = arith.constant 0 : i32
      %get3A_402 = arith.constant 1 : i32
      %get3A_403 = arith.index_cast %get3A_401 : i32 to index
      %get3A_404 = arith.index_cast %get3A_402 : i32 to index
      %get3A_405 = arith.constant 64 : index
      %get3A_406 = tpu.vector_load %arg8[%get3A_403, %get3A_404, %get3A_405] {strides = array<i32>} : memref<2x2x128xi32, #tpu.memory_space<vmem>>, vector<1x1x16xi32>,
      %get3A_407 = vector.shape_cast %get3A_406 : vector<1x1x16xi32> to vector<16xi32>
      %swap3A_408 = arith.constant 0 : i32
      %swap3A_409 = arith.constant 1 : i32
      %swap3A_410 = arith.index_cast %swap3A_408 : i32 to index
      %swap3A_411 = arith.index_cast %swap3A_409 : i32 to index
      %swap3A_412 = arith.constant 64 : index
      %swap3A_413 = tpu.vector_load %arg9[%swap3A_410, %swap3A_411, %swap3A_412] {strides = array<i32>} : memref<2x2x128xi32, #tpu.memory_space<vmem>>, vector<1x1x16xi32>,
      %swap3A_414 = vector.shape_cast %swap3A_413 : vector<1x1x16xi32> to vector<16xi32>
      %swap3A_415 = vector.shape_cast %get3A_407 : vector<16xi32> to vector<1x1x16xi32>
      tpu.vector_store %arg9[%swap3A_410, %swap3A_411, %swap3A_412], %swap3A_415 {strides = array<i32>} : memref<2x2x128xi32, #tpu.memory_space<vmem>>, vector<1x1x16xi32>,
      %get3A_416 = arith.constant 0 : i32
      %get3A_417 = arith.constant 1 : i32
      %get3A_418 = arith.index_cast %get3A_416 : i32 to index
      %get3A_419 = arith.index_cast %get3A_417 : i32 to index
      %get3A_420 = arith.constant 80 : index
      %get3A_421 = tpu.vector_load %arg8[%get3A_418, %get3A_419, %get3A_420] {strides = array<i32>} : memref<2x2x128xi32, #tpu.memory_space<vmem>>, vector<1x1x16xi32>,
      %get3A_422 = vector.shape_cast %get3A_421 : vector<1x1x16xi32> to vector<16xi32>
      %swap3A_423 = arith.constant 0 : i32
      %swap3A_424 = arith.constant 1 : i32
      %swap3A_425 = arith.index_cast %swap3A_423 : i32 to index
      %swap3A_426 = arith.index_cast %swap3A_424 : i32 to index
      %swap3A_427 = arith.constant 80 : index
      %swap3A_428 = tpu.vector_load %arg9[%swap3A_425, %swap3A_426, %swap3A_427] {strides = array<i32>} : memref<2x2x128xi32, #tpu.memory_space<vmem>>, vector<1x1x16xi32>,
      %swap3A_429 = vector.shape_cast %swap3A_428 : vector<1x1x16xi32> to vector<16xi32>
      %swap3A_430 = vector.shape_cast %get3A_422 : vector<16xi32> to vector<1x1x16xi32>
      tpu.vector_store %arg9[%swap3A_425, %swap3A_426, %swap3A_427], %swap3A_430 {strides = array<i32>} : memref<2x2x128xi32, #tpu.memory_space<vmem>>, vector<1x1x16xi32>,
      %get3A_431 = arith.constant 0 : i32
      %get3A_432 = arith.constant 1 : i32
      %get3A_433 = arith.index_cast %get3A_431 : i32 to index
      %get3A_434 = arith.index_cast %get3A_432 : i32 to index
      %get3A_435 = arith.constant 96 : index
      %get3A_436 = tpu.vector_load %arg8[%get3A_433, %get3A_434, %get3A_435] {strides = array<i32>} : memref<2x2x128xi32, #tpu.memory_space<vmem>>, vector<1x1x16xi32>,
      %get3A_437 = vector.shape_cast %get3A_436 : vector<1x1x16xi32> to vector<16xi32>
      %swap3A_438 = arith.constant 0 : i32
      %swap3A_439 = arith.constant 1 : i32
      %swap3A_440 = arith.index_cast %swap3A_438 : i32 to index
      %swap3A_441 = arith.index_cast %swap3A_439 : i32 to index
      %swap3A_442 = arith.constant 96 : index
      %swap3A_443 = tpu.vector_load %arg9[%swap3A_440, %swap3A_441, %swap3A_442] {strides = array<i32>} : memref<2x2x128xi32, #tpu.memory_space<vmem>>, vector<1x1x16xi32>,
      %swap3A_444 = vector.shape_cast %swap3A_443 : vector<1x1x16xi32> to vector<16xi32>
      %swap3A_445 = vector.shape_cast %get3A_437 : vector<16xi32> to vector<1x1x16xi32>
      tpu.vector_store %arg9[%swap3A_440, %swap3A_441, %swap3A_442], %swap3A_445 {strides = array<i32>} : memref<2x2x128xi32, #tpu.memory_space<vmem>>, vector<1x1x16xi32>,
      %get3A_446 = arith.constant 0 : i32
      %get3A_447 = arith.constant 1 : i32
      %get3A_448 = arith.index_cast %get3A_446 : i32 to index
      %get3A_449 = arith.index_cast %get3A_447 : i32 to index
      %get3A_450 = arith.constant 112 : index
      %get3A_451 = tpu.vector_load %arg8[%get3A_448, %get3A_449, %get3A_450] {strides = array<i32>} : memref<2x2x128xi32, #tpu.memory_space<vmem>>, vector<1x1x16xi32>,
      %get3A_452 = vector.shape_cast %get3A_451 : vector<1x1x16xi32> to vector<16xi32>
      %swap3A_453 = arith.constant 0 : i32
      %swap3A_454 = arith.constant 1 : i32
      %swap3A_455 = arith.index_cast %swap3A_453 : i32 to index
      %swap3A_456 = arith.index_cast %swap3A_454 : i32 to index
      %swap3A_457 = arith.constant 112 : index
      %swap3A_458 = tpu.vector_load %arg9[%swap3A_455, %swap3A_456, %swap3A_457] {strides = array<i32>} : memref<2x2x128xi32, #tpu.memory_space<vmem>>, vector<1x1x16xi32>,
      %swap3A_459 = vector.shape_cast %swap3A_458 : vector<1x1x16xi32> to vector<16xi32>
      %swap3A_460 = vector.shape_cast %get3A_452 : vector<16xi32> to vector<1x1x16xi32>
      tpu.vector_store %arg9[%swap3A_455, %swap3A_456, %swap3A_457], %swap3A_460 {strides = array<i32>} : memref<2x2x128xi32, #tpu.memory_space<vmem>>, vector<1x1x16xi32>,
      %dma_wait3A_461 = arith.constant 0 : i32
      %dma_wait3A_462 = arith.constant 0 : i32
      %dma_wait3A_463 = arith.constant 0 : i32
      %dma_wait3A_464 = arith.constant 0 : i32
      %dma_wait3A_465 = arith.constant 0 : i32
      %dma_wait3A_466 = tpu.memref_slice %arg10[%dma_wait3A_463, %dma_wait3A_464, %dma_wait3A_465] : memref<2x256x32xbf16, #tpu.memory_space<vmem>> -> memref<1x128x32xbf16, #tpu.memory_space<vmem>>
      %dma_wait3A_467 = tpu.memref_squeeze %dma_wait3A_466 : memref<1x128x32xbf16, #tpu.memory_space<vmem>> -> memref<128x32xbf16, #tpu.memory_space<vmem>>
      %dma_wait3A_468 = arith.constant 0 : i32
      %dma_wait3A_469 = tpu.memref_slice %arg7[%dma_wait3A_461, %dma_wait3A_462, %dma_wait3A_468] : memref<2x2x128xi32, #tpu.memory_space<vmem>> -> memref<1x1x128xi32, #tpu.memory_space<vmem>>
      %dma_wait3A_470 = tpu.memref_squeeze %dma_wait3A_469 : memref<1x1x128xi32, #tpu.memory_space<vmem>> -> memref<128xi32, #tpu.memory_space<vmem>>
      %dma_wait3A_471 = arith.constant 0 : i32
      %dma_wait3A_472 = arith.constant 0 : i32
      %dma_wait3A_473 = tpu.memref_slice %arg4[%dma_wait3A_471, %dma_wait3A_472] : memref<100000x32xbf16, #tpu.memory_space<hbm>> -> memref<100000x32xbf16, #tpu.memory_space<hbm>>
      tpu.wait_indirect_dma semaphore(%arg13 : memref<!tpu.dma_semaphore, #tpu.memory_space<semaphore_mem>>) src(%dma_wait3A_473 : memref<100000x32xbf16, #tpu.memory_space<hbm>>) dst(%dma_wait3A_467 : memref<128x32xbf16, #tpu.memory_space<vmem>>)
      %dma_wait3A_474 = arith.constant 0 : i32
      %dma_wait3A_475 = arith.constant 1 : i32
      %dma_wait3A_476 = arith.constant 0 : i32
      %dma_wait3A_477 = arith.constant 128 : i32
      %dma_wait3A_478 = arith.constant 0 : i32
      %dma_wait3A_479 = tpu.memref_slice %arg10[%dma_wait3A_476, %dma_wait3A_477, %dma_wait3A_478] : memref<2x256x32xbf16, #tpu.memory_space<vmem>> -> memref<1x128x32xbf16, #tpu.memory_space<vmem>>
      %dma_wait3A_480 = tpu.memref_squeeze %dma_wait3A_479 : memref<1x128x32xbf16, #tpu.memory_space<vmem>> -> memref<128x32xbf16, #tpu.memory_space<vmem>>
      %dma_wait3A_481 = arith.constant 0 : i32
      %dma_wait3A_482 = tpu.memref_slice %arg7[%dma_wait3A_474, %dma_wait3A_475, %dma_wait3A_481] : memref<2x2x128xi32, #tpu.memory_space<vmem>> -> memref<1x1x128xi32, #tpu.memory_space<vmem>>
      %dma_wait3A_483 = tpu.memref_squeeze %dma_wait3A_482 : memref<1x1x128xi32, #tpu.memory_space<vmem>> -> memref<128xi32, #tpu.memory_space<vmem>>
      %dma_wait3A_484 = arith.constant 0 : i32
      %dma_wait3A_485 = arith.constant 0 : i32
      %dma_wait3A_486 = tpu.memref_slice %arg4[%dma_wait3A_484, %dma_wait3A_485] : memref<100000x32xbf16, #tpu.memory_space<hbm>> -> memref<100000x32xbf16, #tpu.memory_space<hbm>>
      tpu.wait_indirect_dma semaphore(%arg13 : memref<!tpu.dma_semaphore, #tpu.memory_space<semaphore_mem>>) src(%dma_wait3A_486 : memref<100000x32xbf16, #tpu.memory_space<hbm>>) dst(%dma_wait3A_480 : memref<128x32xbf16, #tpu.memory_space<vmem>>)
      %dma_start3A_487 = arith.constant 0 : i32
      %dma_start3A_488 = arith.constant 0 : i32
      %dma_start3A_489 = arith.constant 0 : i32
      %dma_start3A_490 = arith.constant 0 : i32
      %dma_start3A_491 = arith.constant 0 : i32
      %dma_start3A_492 = tpu.memref_slice %arg10[%dma_start3A_487, %dma_start3A_490, %dma_start3A_491] : memref<2x256x32xbf16, #tpu.memory_space<vmem>> -> memref<1x128x32xbf16, #tpu.memory_space<vmem>>
      %dma_start3A_493 = tpu.memref_squeeze %dma_start3A_492 : memref<1x128x32xbf16, #tpu.memory_space<vmem>> -> memref<128x32xbf16, #tpu.memory_space<vmem>>
      %dma_start3A_494 = arith.constant 0 : i32
      %dma_start3A_495 = tpu.memref_slice %arg9[%dma_start3A_488, %dma_start3A_489, %dma_start3A_494] : memref<2x2x128xi32, #tpu.memory_space<vmem>> -> memref<1x1x128xi32, #tpu.memory_space<vmem>>
      %dma_start3A_496 = tpu.memref_squeeze %dma_start3A_495 : memref<1x1x128xi32, #tpu.memory_space<vmem>> -> memref<128xi32, #tpu.memory_space<vmem>>
      %dma_start3A_497 = arith.constant 0 : i32
      %dma_start3A_498 = arith.constant 0 : i32
      %dma_start3A_499 = tpu.memref_slice %arg11[%dma_start3A_497, %dma_start3A_498] : memref<100352x32xbf16, #tpu.memory_space<vmem_shared>> -> memref<100352x32xbf16, #tpu.memory_space<vmem_shared>>
      tpu.enqueue_indirect_dma source(%dma_start3A_493 : memref<128x32xbf16, #tpu.memory_space<vmem>>) target(%dma_start3A_499 : memref<100352x32xbf16, #tpu.memory_space<vmem_shared>>) offsets(%dma_start3A_496 : memref<128xi32, #tpu.memory_space<vmem>>) semaphore(%arg14 : memref<!tpu.dma_semaphore, #tpu.memory_space<semaphore_mem>>) {add = true}
      %dma_start3A_500 = arith.constant 0 : i32
      %dma_start3A_501 = arith.constant 0 : i32
      %dma_start3A_502 = arith.constant 1 : i32
      %dma_start3A_503 = arith.constant 128 : i32
      %dma_start3A_504 = arith.constant 0 : i32
      %dma_start3A_505 = tpu.memref_slice %arg10[%dma_start3A_500, %dma_start3A_503, %dma_start3A_504] : memref<2x256x32xbf16, #tpu.memory_space<vmem>> -> memref<1x128x32xbf16, #tpu.memory_space<vmem>>
      %dma_start3A_506 = tpu.memref_squeeze %dma_start3A_505 : memref<1x128x32xbf16, #tpu.memory_space<vmem>> -> memref<128x32xbf16, #tpu.memory_space<vmem>>
      %dma_start3A_507 = arith.constant 0 : i32
      %dma_start3A_508 = tpu.memref_slice %arg9[%dma_start3A_501, %dma_start3A_502, %dma_start3A_507] : memref<2x2x128xi32, #tpu.memory_space<vmem>> -> memref<1x1x128xi32, #tpu.memory_space<vmem>>
      %dma_start3A_509 = tpu.memref_squeeze %dma_start3A_508 : memref<1x1x128xi32, #tpu.memory_space<vmem>> -> memref<128xi32, #tpu.memory_space<vmem>>
      %dma_start3A_510 = arith.constant 0 : i32
      %dma_start3A_511 = arith.constant 0 : i32
      %dma_start3A_512 = tpu.memref_slice %arg11[%dma_start3A_510, %dma_start3A_511] : memref<100352x32xbf16, #tpu.memory_space<vmem_shared>> -> memref<100352x32xbf16, #tpu.memory_space<vmem_shared>>
      tpu.enqueue_indirect_dma source(%dma_start3A_506 : memref<128x32xbf16, #tpu.memory_space<vmem>>) target(%dma_start3A_512 : memref<100352x32xbf16, #tpu.memory_space<vmem_shared>>) offsets(%dma_start3A_509 : memref<128xi32, #tpu.memory_space<vmem>>) semaphore(%arg14 : memref<!tpu.dma_semaphore, #tpu.memory_space<semaphore_mem>>) {add = true}
      %dma_wait3A_513 = arith.constant 1 : i32
      %dma_wait3A_514 = arith.constant 0 : i32
      %dma_wait3A_515 = arith.constant 0 : i32
      %dma_wait3A_516 = tpu.memref_slice %arg7[%dma_wait3A_513, %dma_wait3A_514, %dma_wait3A_515] : memref<2x2x128xi32, #tpu.memory_space<vmem>> -> memref<1x2x128xi32, #tpu.memory_space<vmem>>
      %dma_wait3A_517 = tpu.memref_squeeze %dma_wait3A_516 : memref<1x2x128xi32, #tpu.memory_space<vmem>> -> memref<2x128xi32, #tpu.memory_space<vmem>>
      %dma_wait3A_518 = arith.constant 0 : i32
      %dma_wait3A_519 = tpu.memref_slice %arg2[%add3A_142, %dma_wait3A_518] : memref<12500x128xi32, #tpu.memory_space<hbm>> -> memref<2x128xi32, #tpu.memory_space<hbm>>
      %dma_wait3A_520 = arith.constant 0 : i32
      %dma_wait3A_521 = arith.constant 0 : i32
      %dma_wait3A_522 = tpu.memref_slice %arg7[%dma_wait3A_513, %dma_wait3A_520, %dma_wait3A_521] : memref<2x2x128xi32, #tpu.memory_space<vmem>> -> memref<1x2x128xi32, #tpu.memory_space<vmem>>
      %dma_wait3A_523 = tpu.memref_squeeze %dma_wait3A_522 : memref<1x2x128xi32, #tpu.memory_space<vmem>> -> memref<2x128xi32, #tpu.memory_space<vmem>>
      %dma_wait3A_524 = arith.constant 0 : i32
      %dma_wait3A_525 = tpu.memref_slice %arg2[%add3A_142, %dma_wait3A_524] : memref<12500x128xi32, #tpu.memory_space<hbm>> -> memref<2x128xi32, #tpu.memory_space<hbm>>
      tpu.wait_dma2 semaphore(%arg12 : memref<!tpu.dma_semaphore, #tpu.memory_space<semaphore_mem>>) src(%dma_wait3A_525 : memref<2x128xi32, #tpu.memory_space<hbm>>) dst(%dma_wait3A_523 : memref<2x128xi32, #tpu.memory_space<vmem>>)
      %dma_wait3A_526 = arith.constant 1 : i32
      %dma_wait3A_527 = arith.constant 0 : i32
      %dma_wait3A_528 = arith.constant 0 : i32
      %dma_wait3A_529 = tpu.memref_slice %arg8[%dma_wait3A_526, %dma_wait3A_527, %dma_wait3A_528] : memref<2x2x128xi32, #tpu.memory_space<vmem>> -> memref<1x2x128xi32, #tpu.memory_space<vmem>>
      %dma_wait3A_530 = tpu.memref_squeeze %dma_wait3A_529 : memref<1x2x128xi32, #tpu.memory_space<vmem>> -> memref<2x128xi32, #tpu.memory_space<vmem>>
      %dma_wait3A_531 = arith.constant 0 : i32
      %dma_wait3A_532 = tpu.memref_slice %arg3[%add3A_142, %dma_wait3A_531] : memref<12500x128xi32, #tpu.memory_space<hbm>> -> memref<2x128xi32, #tpu.memory_space<hbm>>
      %dma_wait3A_533 = arith.constant 0 : i32
      %dma_wait3A_534 = arith.constant 0 : i32
      %dma_wait3A_535 = tpu.memref_slice %arg8[%dma_wait3A_526, %dma_wait3A_533, %dma_wait3A_534] : memref<2x2x128xi32, #tpu.memory_space<vmem>> -> memref<1x2x128xi32, #tpu.memory_space<vmem>>
      %dma_wait3A_536 = tpu.memref_squeeze %dma_wait3A_535 : memref<1x2x128xi32, #tpu.memory_space<vmem>> -> memref<2x128xi32, #tpu.memory_space<vmem>>
      %dma_wait3A_537 = arith.constant 0 : i32
      %dma_wait3A_538 = tpu.memref_slice %arg3[%add3A_142, %dma_wait3A_537] : memref<12500x128xi32, #tpu.memory_space<hbm>> -> memref<2x128xi32, #tpu.memory_space<hbm>>
      tpu.wait_dma2 semaphore(%arg12 : memref<!tpu.dma_semaphore, #tpu.memory_space<semaphore_mem>>) src(%dma_wait3A_538 : memref<2x128xi32, #tpu.memory_space<hbm>>) dst(%dma_wait3A_536 : memref<2x128xi32, #tpu.memory_space<vmem>>)
      %sub3A = arith.constant 1 : i32
      %sub3A_539 = arith.subi %select_n3A_22, %sub3A : i32
      %lt3A_540 = arith.cmpi slt, %while3A_134, %sub3A_539 : i32
      %convert_element_type3A_541 = arith.extui %lt3A_540 : i1 to i32
      %cond3A_542 = arith.constant 0 : i32
      %cond3A_543 = arith.cmpi ne, %convert_element_type3A_541, %cond3A_542 : i32
      scf.if %cond3A_543 {
        %add3A_868 = arith.constant 2 : i32
        %add3A_869 = arith.addi %add3A_142, %add3A_868 : i32
        %dma_start3A_870 = arith.constant 0 : i32
        %dma_start3A_871 = arith.constant 0 : i32
        %dma_start3A_872 = arith.constant 0 : i32
        %dma_start3A_873 = tpu.memref_slice %arg7[%dma_start3A_870, %dma_start3A_871, %dma_start3A_872] : memref<2x2x128xi32, #tpu.memory_space<vmem>> -> memref<1x2x128xi32, #tpu.memory_space<vmem>>
        %dma_start3A_874 = tpu.memref_squeeze %dma_start3A_873 : memref<1x2x128xi32, #tpu.memory_space<vmem>> -> memref<2x128xi32, #tpu.memory_space<vmem>>
        %dma_start3A_875 = arith.constant 0 : i32
        %dma_start3A_876 = tpu.memref_slice %arg2[%add3A_869, %dma_start3A_875] : memref<12500x128xi32, #tpu.memory_space<hbm>> -> memref<2x128xi32, #tpu.memory_space<hbm>>
        %dma_start3A_877 = arith.constant 0 : i32
        %dma_start3A_878 = arith.constant 0 : i32
        %dma_start3A_879 = tpu.memref_slice %arg7[%dma_start3A_870, %dma_start3A_877, %dma_start3A_878] : memref<2x2x128xi32, #tpu.memory_space<vmem>> -> memref<1x2x128xi32, #tpu.memory_space<vmem>>
        %dma_start3A_880 = tpu.memref_squeeze %dma_start3A_879 : memref<1x2x128xi32, #tpu.memory_space<vmem>> -> memref<2x128xi32, #tpu.memory_space<vmem>>
        %dma_start3A_881 = arith.constant 0 : i32
        %dma_start3A_882 = tpu.memref_slice %arg2[%add3A_869, %dma_start3A_881] : memref<12500x128xi32, #tpu.memory_space<hbm>> -> memref<2x128xi32, #tpu.memory_space<hbm>>
        tpu.enqueue_dma source(%dma_start3A_882 : memref<2x128xi32, #tpu.memory_space<hbm>>) target(%dma_start3A_880 : memref<2x128xi32, #tpu.memory_space<vmem>>) target_semaphore(%arg12 : memref<!tpu.dma_semaphore, #tpu.memory_space<semaphore_mem>>)
        %dma_start3A_883 = arith.constant 0 : i32
        %dma_start3A_884 = arith.constant 0 : i32
        %dma_start3A_885 = arith.constant 0 : i32
        %dma_start3A_886 = tpu.memref_slice %arg8[%dma_start3A_883, %dma_start3A_884, %dma_start3A_885] : memref<2x2x128xi32, #tpu.memory_space<vmem>> -> memref<1x2x128xi32, #tpu.memory_space<vmem>>
        %dma_start3A_887 = tpu.memref_squeeze %dma_start3A_886 : memref<1x2x128xi32, #tpu.memory_space<vmem>> -> memref<2x128xi32, #tpu.memory_space<vmem>>
        %dma_start3A_888 = arith.constant 0 : i32
        %dma_start3A_889 = tpu.memref_slice %arg3[%add3A_869, %dma_start3A_888] : memref<12500x128xi32, #tpu.memory_space<hbm>> -> memref<2x128xi32, #tpu.memory_space<hbm>>
        %dma_start3A_890 = arith.constant 0 : i32
        %dma_start3A_891 = arith.constant 0 : i32
        %dma_start3A_892 = tpu.memref_slice %arg8[%dma_start3A_883, %dma_start3A_890, %dma_start3A_891] : memref<2x2x128xi32, #tpu.memory_space<vmem>> -> memref<1x2x128xi32, #tpu.memory_space<vmem>>
        %dma_start3A_893 = tpu.memref_squeeze %dma_start3A_892 : memref<1x2x128xi32, #tpu.memory_space<vmem>> -> memref<2x128xi32, #tpu.memory_space<vmem>>
        %dma_start3A_894 = arith.constant 0 : i32
        %dma_start3A_895 = tpu.memref_slice %arg3[%add3A_869, %dma_start3A_894] : memref<12500x128xi32, #tpu.memory_space<hbm>> -> memref<2x128xi32, #tpu.memory_space<hbm>>
        tpu.enqueue_dma source(%dma_start3A_895 : memref<2x128xi32, #tpu.memory_space<hbm>>) target(%dma_start3A_893 : memref<2x128xi32, #tpu.memory_space<vmem>>) target_semaphore(%arg12 : memref<!tpu.dma_semaphore, #tpu.memory_space<semaphore_mem>>)
      } else {
      }
      %ge3A_544 = arith.constant 1 : i32
      %ge3A_545 = arith.cmpi sge, %while3A_134, %ge3A_544 : i32
      %convert_element_type3A_546 = arith.extui %ge3A_545 : i1 to i32
      %cond3A_547 = arith.constant 0 : i32
      %cond3A_548 = arith.cmpi ne, %convert_element_type3A_546, %cond3A_547 : i32
      scf.if %cond3A_548 {
        %dma_wait3A_868 = arith.constant 1 : i32
        %dma_wait3A_869 = arith.constant 1 : i32
        %dma_wait3A_870 = arith.constant 0 : i32
        %dma_wait3A_871 = arith.constant 0 : i32
        %dma_wait3A_872 = arith.constant 0 : i32
        %dma_wait3A_873 = tpu.memref_slice %arg10[%dma_wait3A_868, %dma_wait3A_871, %dma_wait3A_872] : memref<2x256x32xbf16, #tpu.memory_space<vmem>> -> memref<1x128x32xbf16, #tpu.memory_space<vmem>>
        %dma_wait3A_874 = tpu.memref_squeeze %dma_wait3A_873 : memref<1x128x32xbf16, #tpu.memory_space<vmem>> -> memref<128x32xbf16, #tpu.memory_space<vmem>>
        %dma_wait3A_875 = arith.constant 0 : i32
        %dma_wait3A_876 = tpu.memref_slice %arg9[%dma_wait3A_869, %dma_wait3A_870, %dma_wait3A_875] : memref<2x2x128xi32, #tpu.memory_space<vmem>> -> memref<1x1x128xi32, #tpu.memory_space<vmem>>
        %dma_wait3A_877 = tpu.memref_squeeze %dma_wait3A_876 : memref<1x1x128xi32, #tpu.memory_space<vmem>> -> memref<128xi32, #tpu.memory_space<vmem>>
        %dma_wait3A_878 = arith.constant 0 : i32
        %dma_wait3A_879 = arith.constant 0 : i32
        %dma_wait3A_880 = tpu.memref_slice %arg11[%dma_wait3A_878, %dma_wait3A_879] : memref<100352x32xbf16, #tpu.memory_space<vmem_shared>> -> memref<100352x32xbf16, #tpu.memory_space<vmem_shared>>
        tpu.wait_indirect_dma semaphore(%arg15 : memref<!tpu.dma_semaphore, #tpu.memory_space<semaphore_mem>>) src(%dma_wait3A_874 : memref<128x32xbf16, #tpu.memory_space<vmem>>) dst(%dma_wait3A_880 : memref<100352x32xbf16, #tpu.memory_space<vmem_shared>>)
        %dma_wait3A_881 = arith.constant 1 : i32
        %dma_wait3A_882 = arith.constant 1 : i32
        %dma_wait3A_883 = arith.constant 1 : i32
        %dma_wait3A_884 = arith.constant 128 : i32
        %dma_wait3A_885 = arith.constant 0 : i32
        %dma_wait3A_886 = tpu.memref_slice %arg10[%dma_wait3A_881, %dma_wait3A_884, %dma_wait3A_885] : memref<2x256x32xbf16, #tpu.memory_space<vmem>> -> memref<1x128x32xbf16, #tpu.memory_space<vmem>>
        %dma_wait3A_887 = tpu.memref_squeeze %dma_wait3A_886 : memref<1x128x32xbf16, #tpu.memory_space<vmem>> -> memref<128x32xbf16, #tpu.memory_space<vmem>>
        %dma_wait3A_888 = arith.constant 0 : i32
        %dma_wait3A_889 = tpu.memref_slice %arg9[%dma_wait3A_882, %dma_wait3A_883, %dma_wait3A_888] : memref<2x2x128xi32, #tpu.memory_space<vmem>> -> memref<1x1x128xi32, #tpu.memory_space<vmem>>
        %dma_wait3A_890 = tpu.memref_squeeze %dma_wait3A_889 : memref<1x1x128xi32, #tpu.memory_space<vmem>> -> memref<128xi32, #tpu.memory_space<vmem>>
        %dma_wait3A_891 = arith.constant 0 : i32
        %dma_wait3A_892 = arith.constant 0 : i32
        %dma_wait3A_893 = tpu.memref_slice %arg11[%dma_wait3A_891, %dma_wait3A_892] : memref<100352x32xbf16, #tpu.memory_space<vmem_shared>> -> memref<100352x32xbf16, #tpu.memory_space<vmem_shared>>
        tpu.wait_indirect_dma semaphore(%arg15 : memref<!tpu.dma_semaphore, #tpu.memory_space<semaphore_mem>>) src(%dma_wait3A_887 : memref<128x32xbf16, #tpu.memory_space<vmem>>) dst(%dma_wait3A_893 : memref<100352x32xbf16, #tpu.memory_space<vmem_shared>>)
      } else {
      }
      %dma_start3A_549 = arith.constant 1 : i32
      %dma_start3A_550 = arith.constant 0 : i32
      %dma_start3A_551 = arith.constant 1 : i32
      %dma_start3A_552 = arith.constant 0 : i32
      %dma_start3A_553 = arith.constant 0 : i32
      %dma_start3A_554 = tpu.memref_slice %arg10[%dma_start3A_551, %dma_start3A_552, %dma_start3A_553] : memref<2x256x32xbf16, #tpu.memory_space<vmem>> -> memref<1x128x32xbf16, #tpu.memory_space<vmem>>
      %dma_start3A_555 = tpu.memref_squeeze %dma_start3A_554 : memref<1x128x32xbf16, #tpu.memory_space<vmem>> -> memref<128x32xbf16, #tpu.memory_space<vmem>>
      %dma_start3A_556 = arith.constant 0 : i32
      %dma_start3A_557 = tpu.memref_slice %arg7[%dma_start3A_549, %dma_start3A_550, %dma_start3A_556] : memref<2x2x128xi32, #tpu.memory_space<vmem>> -> memref<1x1x128xi32, #tpu.memory_space<vmem>>
      %dma_start3A_558 = tpu.memref_squeeze %dma_start3A_557 : memref<1x1x128xi32, #tpu.memory_space<vmem>> -> memref<128xi32, #tpu.memory_space<vmem>>
      %dma_start3A_559 = arith.constant 0 : i32
      %dma_start3A_560 = arith.constant 0 : i32
      %dma_start3A_561 = tpu.memref_slice %arg4[%dma_start3A_559, %dma_start3A_560] : memref<100000x32xbf16, #tpu.memory_space<hbm>> -> memref<100000x32xbf16, #tpu.memory_space<hbm>>
      tpu.enqueue_indirect_dma source(%dma_start3A_561 : memref<100000x32xbf16, #tpu.memory_space<hbm>>) target(%dma_start3A_555 : memref<128x32xbf16, #tpu.memory_space<vmem>>) offsets(%dma_start3A_558 : memref<128xi32, #tpu.memory_space<vmem>>) semaphore(%arg13 : memref<!tpu.dma_semaphore, #tpu.memory_space<semaphore_mem>>)
      %dma_start3A_562 = arith.constant 1 : i32
      %dma_start3A_563 = arith.constant 1 : i32
      %dma_start3A_564 = arith.constant 1 : i32
      %dma_start3A_565 = arith.constant 128 : i32
      %dma_start3A_566 = arith.constant 0 : i32
      %dma_start3A_567 = tpu.memref_slice %arg10[%dma_start3A_564, %dma_start3A_565, %dma_start3A_566] : memref<2x256x32xbf16, #tpu.memory_space<vmem>> -> memref<1x128x32xbf16, #tpu.memory_space<vmem>>
      %dma_start3A_568 = tpu.memref_squeeze %dma_start3A_567 : memref<1x128x32xbf16, #tpu.memory_space<vmem>> -> memref<128x32xbf16, #tpu.memory_space<vmem>>
      %dma_start3A_569 = arith.constant 0 : i32
      %dma_start3A_570 = tpu.memref_slice %arg7[%dma_start3A_562, %dma_start3A_563, %dma_start3A_569] : memref<2x2x128xi32, #tpu.memory_space<vmem>> -> memref<1x1x128xi32, #tpu.memory_space<vmem>>
      %dma_start3A_571 = tpu.memref_squeeze %dma_start3A_570 : memref<1x1x128xi32, #tpu.memory_space<vmem>> -> memref<128xi32, #tpu.memory_space<vmem>>
      %dma_start3A_572 = arith.constant 0 : i32
      %dma_start3A_573 = arith.constant 0 : i32
      %dma_start3A_574 = tpu.memref_slice %arg4[%dma_start3A_572, %dma_start3A_573] : memref<100000x32xbf16, #tpu.memory_space<hbm>> -> memref<100000x32xbf16, #tpu.memory_space<hbm>>
      tpu.enqueue_indirect_dma source(%dma_start3A_574 : memref<100000x32xbf16, #tpu.memory_space<hbm>>) target(%dma_start3A_568 : memref<128x32xbf16, #tpu.memory_space<vmem>>) offsets(%dma_start3A_571 : memref<128xi32, #tpu.memory_space<vmem>>) semaphore(%arg13 : memref<!tpu.dma_semaphore, #tpu.memory_space<semaphore_mem>>)
      %get3A_575 = arith.constant 1 : i32
      %get3A_576 = arith.constant 0 : i32
      %get3A_577 = arith.index_cast %get3A_575 : i32 to index
      %get3A_578 = arith.index_cast %get3A_576 : i32 to index
      %get3A_579 = arith.constant 0 : index
      %get3A_580 = tpu.vector_load %arg8[%get3A_577, %get3A_578, %get3A_579] {strides = array<i32>} : memref<2x2x128xi32, #tpu.memory_space<vmem>>, vector<1x1x16xi32>,
      %get3A_581 = vector.shape_cast %get3A_580 : vector<1x1x16xi32> to vector<16xi32>
      %swap3A_582 = arith.constant 1 : i32
      %swap3A_583 = arith.constant 0 : i32
      %swap3A_584 = arith.index_cast %swap3A_582 : i32 to index
      %swap3A_585 = arith.index_cast %swap3A_583 : i32 to index
      %swap3A_586 = arith.constant 0 : index
      %swap3A_587 = tpu.vector_load %arg9[%swap3A_584, %swap3A_585, %swap3A_586] {strides = array<i32>} : memref<2x2x128xi32, #tpu.memory_space<vmem>>, vector<1x1x16xi32>,
      %swap3A_588 = vector.shape_cast %swap3A_587 : vector<1x1x16xi32> to vector<16xi32>
      %swap3A_589 = vector.shape_cast %get3A_581 : vector<16xi32> to vector<1x1x16xi32>
      tpu.vector_store %arg9[%swap3A_584, %swap3A_585, %swap3A_586], %swap3A_589 {strides = array<i32>} : memref<2x2x128xi32, #tpu.memory_space<vmem>>, vector<1x1x16xi32>,
      %get3A_590 = arith.constant 1 : i32
      %get3A_591 = arith.constant 0 : i32
      %get3A_592 = arith.index_cast %get3A_590 : i32 to index
      %get3A_593 = arith.index_cast %get3A_591 : i32 to index
      %get3A_594 = arith.constant 16 : index
      %get3A_595 = tpu.vector_load %arg8[%get3A_592, %get3A_593, %get3A_594] {strides = array<i32>} : memref<2x2x128xi32, #tpu.memory_space<vmem>>, vector<1x1x16xi32>,
      %get3A_596 = vector.shape_cast %get3A_595 : vector<1x1x16xi32> to vector<16xi32>
      %swap3A_597 = arith.constant 1 : i32
      %swap3A_598 = arith.constant 0 : i32
      %swap3A_599 = arith.index_cast %swap3A_597 : i32 to index
      %swap3A_600 = arith.index_cast %swap3A_598 : i32 to index
      %swap3A_601 = arith.constant 16 : index
      %swap3A_602 = tpu.vector_load %arg9[%swap3A_599, %swap3A_600, %swap3A_601] {strides = array<i32>} : memref<2x2x128xi32, #tpu.memory_space<vmem>>, vector<1x1x16xi32>,
      %swap3A_603 = vector.shape_cast %swap3A_602 : vector<1x1x16xi32> to vector<16xi32>
      %swap3A_604 = vector.shape_cast %get3A_596 : vector<16xi32> to vector<1x1x16xi32>
      tpu.vector_store %arg9[%swap3A_599, %swap3A_600, %swap3A_601], %swap3A_604 {strides = array<i32>} : memref<2x2x128xi32, #tpu.memory_space<vmem>>, vector<1x1x16xi32>,
      %get3A_605 = arith.constant 1 : i32
      %get3A_606 = arith.constant 0 : i32
      %get3A_607 = arith.index_cast %get3A_605 : i32 to index
      %get3A_608 = arith.index_cast %get3A_606 : i32 to index
      %get3A_609 = arith.constant 32 : index
      %get3A_610 = tpu.vector_load %arg8[%get3A_607, %get3A_608, %get3A_609] {strides = array<i32>} : memref<2x2x128xi32, #tpu.memory_space<vmem>>, vector<1x1x16xi32>,
      %get3A_611 = vector.shape_cast %get3A_610 : vector<1x1x16xi32> to vector<16xi32>
      %swap3A_612 = arith.constant 1 : i32
      %swap3A_613 = arith.constant 0 : i32
      %swap3A_614 = arith.index_cast %swap3A_612 : i32 to index
      %swap3A_615 = arith.index_cast %swap3A_613 : i32 to index
      %swap3A_616 = arith.constant 32 : index
      %swap3A_617 = tpu.vector_load %arg9[%swap3A_614, %swap3A_615, %swap3A_616] {strides = array<i32>} : memref<2x2x128xi32, #tpu.memory_space<vmem>>, vector<1x1x16xi32>,
      %swap3A_618 = vector.shape_cast %swap3A_617 : vector<1x1x16xi32> to vector<16xi32>
      %swap3A_619 = vector.shape_cast %get3A_611 : vector<16xi32> to vector<1x1x16xi32>
      tpu.vector_store %arg9[%swap3A_614, %swap3A_615, %swap3A_616], %swap3A_619 {strides = array<i32>} : memref<2x2x128xi32, #tpu.memory_space<vmem>>, vector<1x1x16xi32>,
      %get3A_620 = arith.constant 1 : i32
      %get3A_621 = arith.constant 0 : i32
      %get3A_622 = arith.index_cast %get3A_620 : i32 to index
      %get3A_623 = arith.index_cast %get3A_621 : i32 to index
      %get3A_624 = arith.constant 48 : index
      %get3A_625 = tpu.vector_load %arg8[%get3A_622, %get3A_623, %get3A_624] {strides = array<i32>} : memref<2x2x128xi32, #tpu.memory_space<vmem>>, vector<1x1x16xi32>,
      %get3A_626 = vector.shape_cast %get3A_625 : vector<1x1x16xi32> to vector<16xi32>
      %swap3A_627 = arith.constant 1 : i32
      %swap3A_628 = arith.constant 0 : i32
      %swap3A_629 = arith.index_cast %swap3A_627 : i32 to index
      %swap3A_630 = arith.index_cast %swap3A_628 : i32 to index
      %swap3A_631 = arith.constant 48 : index
      %swap3A_632 = tpu.vector_load %arg9[%swap3A_629, %swap3A_630, %swap3A_631] {strides = array<i32>} : memref<2x2x128xi32, #tpu.memory_space<vmem>>, vector<1x1x16xi32>,
      %swap3A_633 = vector.shape_cast %swap3A_632 : vector<1x1x16xi32> to vector<16xi32>
      %swap3A_634 = vector.shape_cast %get3A_626 : vector<16xi32> to vector<1x1x16xi32>
      tpu.vector_store %arg9[%swap3A_629, %swap3A_630, %swap3A_631], %swap3A_634 {strides = array<i32>} : memref<2x2x128xi32, #tpu.memory_space<vmem>>, vector<1x1x16xi32>,
      %get3A_635 = arith.constant 1 : i32
      %get3A_636 = arith.constant 0 : i32
      %get3A_637 = arith.index_cast %get3A_635 : i32 to index
      %get3A_638 = arith.index_cast %get3A_636 : i32 to index
      %get3A_639 = arith.constant 64 : index
      %get3A_640 = tpu.vector_load %arg8[%get3A_637, %get3A_638, %get3A_639] {strides = array<i32>} : memref<2x2x128xi32, #tpu.memory_space<vmem>>, vector<1x1x16xi32>,
      %get3A_641 = vector.shape_cast %get3A_640 : vector<1x1x16xi32> to vector<16xi32>
      %swap3A_642 = arith.constant 1 : i32
      %swap3A_643 = arith.constant 0 : i32
      %swap3A_644 = arith.index_cast %swap3A_642 : i32 to index
      %swap3A_645 = arith.index_cast %swap3A_643 : i32 to index
      %swap3A_646 = arith.constant 64 : index
      %swap3A_647 = tpu.vector_load %arg9[%swap3A_644, %swap3A_645, %swap3A_646] {strides = array<i32>} : memref<2x2x128xi32, #tpu.memory_space<vmem>>, vector<1x1x16xi32>,
      %swap3A_648 = vector.shape_cast %swap3A_647 : vector<1x1x16xi32> to vector<16xi32>
      %swap3A_649 = vector.shape_cast %get3A_641 : vector<16xi32> to vector<1x1x16xi32>
      tpu.vector_store %arg9[%swap3A_644, %swap3A_645, %swap3A_646], %swap3A_649 {strides = array<i32>} : memref<2x2x128xi32, #tpu.memory_space<vmem>>, vector<1x1x16xi32>,
      %get3A_650 = arith.constant 1 : i32
      %get3A_651 = arith.constant 0 : i32
      %get3A_652 = arith.index_cast %get3A_650 : i32 to index
      %get3A_653 = arith.index_cast %get3A_651 : i32 to index
      %get3A_654 = arith.constant 80 : index
      %get3A_655 = tpu.vector_load %arg8[%get3A_652, %get3A_653, %get3A_654] {strides = array<i32>} : memref<2x2x128xi32, #tpu.memory_space<vmem>>, vector<1x1x16xi32>,
      %get3A_656 = vector.shape_cast %get3A_655 : vector<1x1x16xi32> to vector<16xi32>
      %swap3A_657 = arith.constant 1 : i32
      %swap3A_658 = arith.constant 0 : i32
      %swap3A_659 = arith.index_cast %swap3A_657 : i32 to index
      %swap3A_660 = arith.index_cast %swap3A_658 : i32 to index
      %swap3A_661 = arith.constant 80 : index
      %swap3A_662 = tpu.vector_load %arg9[%swap3A_659, %swap3A_660, %swap3A_661] {strides = array<i32>} : memref<2x2x128xi32, #tpu.memory_space<vmem>>, vector<1x1x16xi32>,
      %swap3A_663 = vector.shape_cast %swap3A_662 : vector<1x1x16xi32> to vector<16xi32>
      %swap3A_664 = vector.shape_cast %get3A_656 : vector<16xi32> to vector<1x1x16xi32>
      tpu.vector_store %arg9[%swap3A_659, %swap3A_660, %swap3A_661], %swap3A_664 {strides = array<i32>} : memref<2x2x128xi32, #tpu.memory_space<vmem>>, vector<1x1x16xi32>,
      %get3A_665 = arith.constant 1 : i32
      %get3A_666 = arith.constant 0 : i32
      %get3A_667 = arith.index_cast %get3A_665 : i32 to index
      %get3A_668 = arith.index_cast %get3A_666 : i32 to index
      %get3A_669 = arith.constant 96 : index
      %get3A_670 = tpu.vector_load %arg8[%get3A_667, %get3A_668, %get3A_669] {strides = array<i32>} : memref<2x2x128xi32, #tpu.memory_space<vmem>>, vector<1x1x16xi32>,
      %get3A_671 = vector.shape_cast %get3A_670 : vector<1x1x16xi32> to vector<16xi32>
      %swap3A_672 = arith.constant 1 : i32
      %swap3A_673 = arith.constant 0 : i32
      %swap3A_674 = arith.index_cast %swap3A_672 : i32 to index
      %swap3A_675 = arith.index_cast %swap3A_673 : i32 to index
      %swap3A_676 = arith.constant 96 : index
      %swap3A_677 = tpu.vector_load %arg9[%swap3A_674, %swap3A_675, %swap3A_676] {strides = array<i32>} : memref<2x2x128xi32, #tpu.memory_space<vmem>>, vector<1x1x16xi32>,
      %swap3A_678 = vector.shape_cast %swap3A_677 : vector<1x1x16xi32> to vector<16xi32>
      %swap3A_679 = vector.shape_cast %get3A_671 : vector<16xi32> to vector<1x1x16xi32>
      tpu.vector_store %arg9[%swap3A_674, %swap3A_675, %swap3A_676], %swap3A_679 {strides = array<i32>} : memref<2x2x128xi32, #tpu.memory_space<vmem>>, vector<1x1x16xi32>,
      %get3A_680 = arith.constant 1 : i32
      %get3A_681 = arith.constant 0 : i32
      %get3A_682 = arith.index_cast %get3A_680 : i32 to index
      %get3A_683 = arith.index_cast %get3A_681 : i32 to index
      %get3A_684 = arith.constant 112 : index
      %get3A_685 = tpu.vector_load %arg8[%get3A_682, %get3A_683, %get3A_684] {strides = array<i32>} : memref<2x2x128xi32, #tpu.memory_space<vmem>>, vector<1x1x16xi32>,
      %get3A_686 = vector.shape_cast %get3A_685 : vector<1x1x16xi32> to vector<16xi32>
      %swap3A_687 = arith.constant 1 : i32
      %swap3A_688 = arith.constant 0 : i32
      %swap3A_689 = arith.index_cast %swap3A_687 : i32 to index
      %swap3A_690 = arith.index_cast %swap3A_688 : i32 to index
      %swap3A_691 = arith.constant 112 : index
      %swap3A_692 = tpu.vector_load %arg9[%swap3A_689, %swap3A_690, %swap3A_691] {strides = array<i32>} : memref<2x2x128xi32, #tpu.memory_space<vmem>>, vector<1x1x16xi32>,
      %swap3A_693 = vector.shape_cast %swap3A_692 : vector<1x1x16xi32> to vector<16xi32>
      %swap3A_694 = vector.shape_cast %get3A_686 : vector<16xi32> to vector<1x1x16xi32>
      tpu.vector_store %arg9[%swap3A_689, %swap3A_690, %swap3A_691], %swap3A_694 {strides = array<i32>} : memref<2x2x128xi32, #tpu.memory_space<vmem>>, vector<1x1x16xi32>,
      %get3A_695 = arith.constant 1 : i32
      %get3A_696 = arith.constant 1 : i32
      %get3A_697 = arith.index_cast %get3A_695 : i32 to index
      %get3A_698 = arith.index_cast %get3A_696 : i32 to index
      %get3A_699 = arith.constant 0 : index
      %get3A_700 = tpu.vector_load %arg8[%get3A_697, %get3A_698, %get3A_699] {strides = array<i32>} : memref<2x2x128xi32, #tpu.memory_space<vmem>>, vector<1x1x16xi32>,
      %get3A_701 = vector.shape_cast %get3A_700 : vector<1x1x16xi32> to vector<16xi32>
      %swap3A_702 = arith.constant 1 : i32
      %swap3A_703 = arith.constant 1 : i32
      %swap3A_704 = arith.index_cast %swap3A_702 : i32 to index
      %swap3A_705 = arith.index_cast %swap3A_703 : i32 to index
      %swap3A_706 = arith.constant 0 : index
      %swap3A_707 = tpu.vector_load %arg9[%swap3A_704, %swap3A_705, %swap3A_706] {strides = array<i32>} : memref<2x2x128xi32, #tpu.memory_space<vmem>>, vector<1x1x16xi32>,
      %swap3A_708 = vector.shape_cast %swap3A_707 : vector<1x1x16xi32> to vector<16xi32>
      %swap3A_709 = vector.shape_cast %get3A_701 : vector<16xi32> to vector<1x1x16xi32>
      tpu.vector_store %arg9[%swap3A_704, %swap3A_705, %swap3A_706], %swap3A_709 {strides = array<i32>} : memref<2x2x128xi32, #tpu.memory_space<vmem>>, vector<1x1x16xi32>,
      %get3A_710 = arith.constant 1 : i32
      %get3A_711 = arith.constant 1 : i32
      %get3A_712 = arith.index_cast %get3A_710 : i32 to index
      %get3A_713 = arith.index_cast %get3A_711 : i32 to index
      %get3A_714 = arith.constant 16 : index
      %get3A_715 = tpu.vector_load %arg8[%get3A_712, %get3A_713, %get3A_714] {strides = array<i32>} : memref<2x2x128xi32, #tpu.memory_space<vmem>>, vector<1x1x16xi32>,
      %get3A_716 = vector.shape_cast %get3A_715 : vector<1x1x16xi32> to vector<16xi32>
      %swap3A_717 = arith.constant 1 : i32
      %swap3A_718 = arith.constant 1 : i32
      %swap3A_719 = arith.index_cast %swap3A_717 : i32 to index
      %swap3A_720 = arith.index_cast %swap3A_718 : i32 to index
      %swap3A_721 = arith.constant 16 : index
      %swap3A_722 = tpu.vector_load %arg9[%swap3A_719, %swap3A_720, %swap3A_721] {strides = array<i32>} : memref<2x2x128xi32, #tpu.memory_space<vmem>>, vector<1x1x16xi32>,
      %swap3A_723 = vector.shape_cast %swap3A_722 : vector<1x1x16xi32> to vector<16xi32>
      %swap3A_724 = vector.shape_cast %get3A_716 : vector<16xi32> to vector<1x1x16xi32>
      tpu.vector_store %arg9[%swap3A_719, %swap3A_720, %swap3A_721], %swap3A_724 {strides = array<i32>} : memref<2x2x128xi32, #tpu.memory_space<vmem>>, vector<1x1x16xi32>,
      %get3A_725 = arith.constant 1 : i32
      %get3A_726 = arith.constant 1 : i32
      %get3A_727 = arith.index_cast %get3A_725 : i32 to index
      %get3A_728 = arith.index_cast %get3A_726 : i32 to index
      %get3A_729 = arith.constant 32 : index
      %get3A_730 = tpu.vector_load %arg8[%get3A_727, %get3A_728, %get3A_729] {strides = array<i32>} : memref<2x2x128xi32, #tpu.memory_space<vmem>>, vector<1x1x16xi32>,
      %get3A_731 = vector.shape_cast %get3A_730 : vector<1x1x16xi32> to vector<16xi32>
      %swap3A_732 = arith.constant 1 : i32
      %swap3A_733 = arith.constant 1 : i32
      %swap3A_734 = arith.index_cast %swap3A_732 : i32 to index
      %swap3A_735 = arith.index_cast %swap3A_733 : i32 to index
      %swap3A_736 = arith.constant 32 : index
      %swap3A_737 = tpu.vector_load %arg9[%swap3A_734, %swap3A_735, %swap3A_736] {strides = array<i32>} : memref<2x2x128xi32, #tpu.memory_space<vmem>>, vector<1x1x16xi32>,
      %swap3A_738 = vector.shape_cast %swap3A_737 : vector<1x1x16xi32> to vector<16xi32>
      %swap3A_739 = vector.shape_cast %get3A_731 : vector<16xi32> to vector<1x1x16xi32>
      tpu.vector_store %arg9[%swap3A_734, %swap3A_735, %swap3A_736], %swap3A_739 {strides = array<i32>} : memref<2x2x128xi32, #tpu.memory_space<vmem>>, vector<1x1x16xi32>,
      %get3A_740 = arith.constant 1 : i32
      %get3A_741 = arith.constant 1 : i32
      %get3A_742 = arith.index_cast %get3A_740 : i32 to index
      %get3A_743 = arith.index_cast %get3A_741 : i32 to index
      %get3A_744 = arith.constant 48 : index
      %get3A_745 = tpu.vector_load %arg8[%get3A_742, %get3A_743, %get3A_744] {strides = array<i32>} : memref<2x2x128xi32, #tpu.memory_space<vmem>>, vector<1x1x16xi32>,
      %get3A_746 = vector.shape_cast %get3A_745 : vector<1x1x16xi32> to vector<16xi32>
      %swap3A_747 = arith.constant 1 : i32
      %swap3A_748 = arith.constant 1 : i32
      %swap3A_749 = arith.index_cast %swap3A_747 : i32 to index
      %swap3A_750 = arith.index_cast %swap3A_748 : i32 to index
      %swap3A_751 = arith.constant 48 : index
      %swap3A_752 = tpu.vector_load %arg9[%swap3A_749, %swap3A_750, %swap3A_751] {strides = array<i32>} : memref<2x2x128xi32, #tpu.memory_space<vmem>>, vector<1x1x16xi32>,
      %swap3A_753 = vector.shape_cast %swap3A_752 : vector<1x1x16xi32> to vector<16xi32>
      %swap3A_754 = vector.shape_cast %get3A_746 : vector<16xi32> to vector<1x1x16xi32>
      tpu.vector_store %arg9[%swap3A_749, %swap3A_750, %swap3A_751], %swap3A_754 {strides = array<i32>} : memref<2x2x128xi32, #tpu.memory_space<vmem>>, vector<1x1x16xi32>,
      %get3A_755 = arith.constant 1 : i32
      %get3A_756 = arith.constant 1 : i32
      %get3A_757 = arith.index_cast %get3A_755 : i32 to index
      %get3A_758 = arith.index_cast %get3A_756 : i32 to index
      %get3A_759 = arith.constant 64 : index
      %get3A_760 = tpu.vector_load %arg8[%get3A_757, %get3A_758, %get3A_759] {strides = array<i32>} : memref<2x2x128xi32, #tpu.memory_space<vmem>>, vector<1x1x16xi32>,
      %get3A_761 = vector.shape_cast %get3A_760 : vector<1x1x16xi32> to vector<16xi32>
      %swap3A_762 = arith.constant 1 : i32
      %swap3A_763 = arith.constant 1 : i32
      %swap3A_764 = arith.index_cast %swap3A_762 : i32 to index
      %swap3A_765 = arith.index_cast %swap3A_763 : i32 to index
      %swap3A_766 = arith.constant 64 : index
      %swap3A_767 = tpu.vector_load %arg9[%swap3A_764, %swap3A_765, %swap3A_766] {strides = array<i32>} : memref<2x2x128xi32, #tpu.memory_space<vmem>>, vector<1x1x16xi32>,
      %swap3A_768 = vector.shape_cast %swap3A_767 : vector<1x1x16xi32> to vector<16xi32>
      %swap3A_769 = vector.shape_cast %get3A_761 : vector<16xi32> to vector<1x1x16xi32>
      tpu.vector_store %arg9[%swap3A_764, %swap3A_765, %swap3A_766], %swap3A_769 {strides = array<i32>} : memref<2x2x128xi32, #tpu.memory_space<vmem>>, vector<1x1x16xi32>,
      %get3A_770 = arith.constant 1 : i32
      %get3A_771 = arith.constant 1 : i32
      %get3A_772 = arith.index_cast %get3A_770 : i32 to index
      %get3A_773 = arith.index_cast %get3A_771 : i32 to index
      %get3A_774 = arith.constant 80 : index
      %get3A_775 = tpu.vector_load %arg8[%get3A_772, %get3A_773, %get3A_774] {strides = array<i32>} : memref<2x2x128xi32, #tpu.memory_space<vmem>>, vector<1x1x16xi32>,
      %get3A_776 = vector.shape_cast %get3A_775 : vector<1x1x16xi32> to vector<16xi32>
      %swap3A_777 = arith.constant 1 : i32
      %swap3A_778 = arith.constant 1 : i32
      %swap3A_779 = arith.index_cast %swap3A_777 : i32 to index
      %swap3A_780 = arith.index_cast %swap3A_778 : i32 to index
      %swap3A_781 = arith.constant 80 : index
      %swap3A_782 = tpu.vector_load %arg9[%swap3A_779, %swap3A_780, %swap3A_781] {strides = array<i32>} : memref<2x2x128xi32, #tpu.memory_space<vmem>>, vector<1x1x16xi32>,
      %swap3A_783 = vector.shape_cast %swap3A_782 : vector<1x1x16xi32> to vector<16xi32>
      %swap3A_784 = vector.shape_cast %get3A_776 : vector<16xi32> to vector<1x1x16xi32>
      tpu.vector_store %arg9[%swap3A_779, %swap3A_780, %swap3A_781], %swap3A_784 {strides = array<i32>} : memref<2x2x128xi32, #tpu.memory_space<vmem>>, vector<1x1x16xi32>,
      %get3A_785 = arith.constant 1 : i32
      %get3A_786 = arith.constant 1 : i32
      %get3A_787 = arith.index_cast %get3A_785 : i32 to index
      %get3A_788 = arith.index_cast %get3A_786 : i32 to index
      %get3A_789 = arith.constant 96 : index
      %get3A_790 = tpu.vector_load %arg8[%get3A_787, %get3A_788, %get3A_789] {strides = array<i32>} : memref<2x2x128xi32, #tpu.memory_space<vmem>>, vector<1x1x16xi32>,
      %get3A_791 = vector.shape_cast %get3A_790 : vector<1x1x16xi32> to vector<16xi32>
      %swap3A_792 = arith.constant 1 : i32
      %swap3A_793 = arith.constant 1 : i32
      %swap3A_794 = arith.index_cast %swap3A_792 : i32 to index
      %swap3A_795 = arith.index_cast %swap3A_793 : i32 to index
      %swap3A_796 = arith.constant 96 : index
      %swap3A_797 = tpu.vector_load %arg9[%swap3A_794, %swap3A_795, %swap3A_796] {strides = array<i32>} : memref<2x2x128xi32, #tpu.memory_space<vmem>>, vector<1x1x16xi32>,
      %swap3A_798 = vector.shape_cast %swap3A_797 : vector<1x1x16xi32> to vector<16xi32>
      %swap3A_799 = vector.shape_cast %get3A_791 : vector<16xi32> to vector<1x1x16xi32>
      tpu.vector_store %arg9[%swap3A_794, %swap3A_795, %swap3A_796], %swap3A_799 {strides = array<i32>} : memref<2x2x128xi32, #tpu.memory_space<vmem>>, vector<1x1x16xi32>,
      %get3A_800 = arith.constant 1 : i32
      %get3A_801 = arith.constant 1 : i32
      %get3A_802 = arith.index_cast %get3A_800 : i32 to index
      %get3A_803 = arith.index_cast %get3A_801 : i32 to index
      %get3A_804 = arith.constant 112 : index
      %get3A_805 = tpu.vector_load %arg8[%get3A_802, %get3A_803, %get3A_804] {strides = array<i32>} : memref<2x2x128xi32, #tpu.memory_space<vmem>>, vector<1x1x16xi32>,
      %get3A_806 = vector.shape_cast %get3A_805 : vector<1x1x16xi32> to vector<16xi32>
      %swap3A_807 = arith.constant 1 : i32
      %swap3A_808 = arith.constant 1 : i32
      %swap3A_809 = arith.index_cast %swap3A_807 : i32 to index
      %swap3A_810 = arith.index_cast %swap3A_808 : i32 to index
      %swap3A_811 = arith.constant 112 : index
      %swap3A_812 = tpu.vector_load %arg9[%swap3A_809, %swap3A_810, %swap3A_811] {strides = array<i32>} : memref<2x2x128xi32, #tpu.memory_space<vmem>>, vector<1x1x16xi32>,
      %swap3A_813 = vector.shape_cast %swap3A_812 : vector<1x1x16xi32> to vector<16xi32>
      %swap3A_814 = vector.shape_cast %get3A_806 : vector<16xi32> to vector<1x1x16xi32>
      tpu.vector_store %arg9[%swap3A_809, %swap3A_810, %swap3A_811], %swap3A_814 {strides = array<i32>} : memref<2x2x128xi32, #tpu.memory_space<vmem>>, vector<1x1x16xi32>,
      %dma_wait3A_815 = arith.constant 1 : i32
      %dma_wait3A_816 = arith.constant 0 : i32
      %dma_wait3A_817 = arith.constant 1 : i32
      %dma_wait3A_818 = arith.constant 0 : i32
      %dma_wait3A_819 = arith.constant 0 : i32
      %dma_wait3A_820 = tpu.memref_slice %arg10[%dma_wait3A_817, %dma_wait3A_818, %dma_wait3A_819] : memref<2x256x32xbf16, #tpu.memory_space<vmem>> -> memref<1x128x32xbf16, #tpu.memory_space<vmem>>
      %dma_wait3A_821 = tpu.memref_squeeze %dma_wait3A_820 : memref<1x128x32xbf16, #tpu.memory_space<vmem>> -> memref<128x32xbf16, #tpu.memory_space<vmem>>
      %dma_wait3A_822 = arith.constant 0 : i32
      %dma_wait3A_823 = tpu.memref_slice %arg7[%dma_wait3A_815, %dma_wait3A_816, %dma_wait3A_822] : memref<2x2x128xi32, #tpu.memory_space<vmem>> -> memref<1x1x128xi32, #tpu.memory_space<vmem>>
      %dma_wait3A_824 = tpu.memref_squeeze %dma_wait3A_823 : memref<1x1x128xi32, #tpu.memory_space<vmem>> -> memref<128xi32, #tpu.memory_space<vmem>>
      %dma_wait3A_825 = arith.constant 0 : i32
      %dma_wait3A_826 = arith.constant 0 : i32
      %dma_wait3A_827 = tpu.memref_slice %arg4[%dma_wait3A_825, %dma_wait3A_826] : memref<100000x32xbf16, #tpu.memory_space<hbm>> -> memref<100000x32xbf16, #tpu.memory_space<hbm>>
      tpu.wait_indirect_dma semaphore(%arg13 : memref<!tpu.dma_semaphore, #tpu.memory_space<semaphore_mem>>) src(%dma_wait3A_827 : memref<100000x32xbf16, #tpu.memory_space<hbm>>) dst(%dma_wait3A_821 : memref<128x32xbf16, #tpu.memory_space<vmem>>)
      %dma_wait3A_828 = arith.constant 1 : i32
      %dma_wait3A_829 = arith.constant 1 : i32
      %dma_wait3A_830 = arith.constant 1 : i32
      %dma_wait3A_831 = arith.constant 128 : i32
      %dma_wait3A_832 = arith.constant 0 : i32
      %dma_wait3A_833 = tpu.memref_slice %arg10[%dma_wait3A_830, %dma_wait3A_831, %dma_wait3A_832] : memref<2x256x32xbf16, #tpu.memory_space<vmem>> -> memref<1x128x32xbf16, #tpu.memory_space<vmem>>
      %dma_wait3A_834 = tpu.memref_squeeze %dma_wait3A_833 : memref<1x128x32xbf16, #tpu.memory_space<vmem>> -> memref<128x32xbf16, #tpu.memory_space<vmem>>
      %dma_wait3A_835 = arith.constant 0 : i32
      %dma_wait3A_836 = tpu.memref_slice %arg7[%dma_wait3A_828, %dma_wait3A_829, %dma_wait3A_835] : memref<2x2x128xi32, #tpu.memory_space<vmem>> -> memref<1x1x128xi32, #tpu.memory_space<vmem>>
      %dma_wait3A_837 = tpu.memref_squeeze %dma_wait3A_836 : memref<1x1x128xi32, #tpu.memory_space<vmem>> -> memref<128xi32, #tpu.memory_space<vmem>>
      %dma_wait3A_838 = arith.constant 0 : i32
      %dma_wait3A_839 = arith.constant 0 : i32
      %dma_wait3A_840 = tpu.memref_slice %arg4[%dma_wait3A_838, %dma_wait3A_839] : memref<100000x32xbf16, #tpu.memory_space<hbm>> -> memref<100000x32xbf16, #tpu.memory_space<hbm>>
      tpu.wait_indirect_dma semaphore(%arg13 : memref<!tpu.dma_semaphore, #tpu.memory_space<semaphore_mem>>) src(%dma_wait3A_840 : memref<100000x32xbf16, #tpu.memory_space<hbm>>) dst(%dma_wait3A_834 : memref<128x32xbf16, #tpu.memory_space<vmem>>)
      %dma_start3A_841 = arith.constant 1 : i32
      %dma_start3A_842 = arith.constant 1 : i32
      %dma_start3A_843 = arith.constant 0 : i32
      %dma_start3A_844 = arith.constant 0 : i32
      %dma_start3A_845 = arith.constant 0 : i32
      %dma_start3A_846 = tpu.memref_slice %arg10[%dma_start3A_841, %dma_start3A_844, %dma_start3A_845] : memref<2x256x32xbf16, #tpu.memory_space<vmem>> -> memref<1x128x32xbf16, #tpu.memory_space<vmem>>
      %dma_start3A_847 = tpu.memref_squeeze %dma_start3A_846 : memref<1x128x32xbf16, #tpu.memory_space<vmem>> -> memref<128x32xbf16, #tpu.memory_space<vmem>>
      %dma_start3A_848 = arith.constant 0 : i32
      %dma_start3A_849 = tpu.memref_slice %arg9[%dma_start3A_842, %dma_start3A_843, %dma_start3A_848] : memref<2x2x128xi32, #tpu.memory_space<vmem>> -> memref<1x1x128xi32, #tpu.memory_space<vmem>>
      %dma_start3A_850 = tpu.memref_squeeze %dma_start3A_849 : memref<1x1x128xi32, #tpu.memory_space<vmem>> -> memref<128xi32, #tpu.memory_space<vmem>>
      %dma_start3A_851 = arith.constant 0 : i32
      %dma_start3A_852 = arith.constant 0 : i32
      %dma_start3A_853 = tpu.memref_slice %arg11[%dma_start3A_851, %dma_start3A_852] : memref<100352x32xbf16, #tpu.memory_space<vmem_shared>> -> memref<100352x32xbf16, #tpu.memory_space<vmem_shared>>
      tpu.enqueue_indirect_dma source(%dma_start3A_847 : memref<128x32xbf16, #tpu.memory_space<vmem>>) target(%dma_start3A_853 : memref<100352x32xbf16, #tpu.memory_space<vmem_shared>>) offsets(%dma_start3A_850 : memref<128xi32, #tpu.memory_space<vmem>>) semaphore(%arg15 : memref<!tpu.dma_semaphore, #tpu.memory_space<semaphore_mem>>) {add = true}
      %dma_start3A_854 = arith.constant 1 : i32
      %dma_start3A_855 = arith.constant 1 : i32
      %dma_start3A_856 = arith.constant 1 : i32
      %dma_start3A_857 = arith.constant 128 : i32
      %dma_start3A_858 = arith.constant 0 : i32
      %dma_start3A_859 = tpu.memref_slice %arg10[%dma_start3A_854, %dma_start3A_857, %dma_start3A_858] : memref<2x256x32xbf16, #tpu.memory_space<vmem>> -> memref<1x128x32xbf16, #tpu.memory_space<vmem>>
      %dma_start3A_860 = tpu.memref_squeeze %dma_start3A_859 : memref<1x128x32xbf16, #tpu.memory_space<vmem>> -> memref<128x32xbf16, #tpu.memory_space<vmem>>
      %dma_start3A_861 = arith.constant 0 : i32
      %dma_start3A_862 = tpu.memref_slice %arg9[%dma_start3A_855, %dma_start3A_856, %dma_start3A_861] : memref<2x2x128xi32, #tpu.memory_space<vmem>> -> memref<1x1x128xi32, #tpu.memory_space<vmem>>
      %dma_start3A_863 = tpu.memref_squeeze %dma_start3A_862 : memref<1x1x128xi32, #tpu.memory_space<vmem>> -> memref<128xi32, #tpu.memory_space<vmem>>
      %dma_start3A_864 = arith.constant 0 : i32
      %dma_start3A_865 = arith.constant 0 : i32
      %dma_start3A_866 = tpu.memref_slice %arg11[%dma_start3A_864, %dma_start3A_865] : memref<100352x32xbf16, #tpu.memory_space<vmem_shared>> -> memref<100352x32xbf16, #tpu.memory_space<vmem_shared>>
      tpu.enqueue_indirect_dma source(%dma_start3A_860 : memref<128x32xbf16, #tpu.memory_space<vmem>>) target(%dma_start3A_866 : memref<100352x32xbf16, #tpu.memory_space<vmem_shared>>) offsets(%dma_start3A_863 : memref<128xi32, #tpu.memory_space<vmem>>) semaphore(%arg15 : memref<!tpu.dma_semaphore, #tpu.memory_space<semaphore_mem>>) {add = true}
      %while3A_867 = arith.constant 0 : i32
      scf.yield %while3A_867 : i32
    }
    %dma_wait3A = arith.constant 0 : i32
    %dma_wait3A_75 = arith.constant 0 : i32
    %dma_wait3A_76 = arith.constant 0 : i32
    %dma_wait3A_77 = arith.constant 0 : i32
    %dma_wait3A_78 = arith.constant 0 : i32
    %dma_wait3A_79 = tpu.memref_slice %arg10[%dma_wait3A, %dma_wait3A_77, %dma_wait3A_78] : memref<2x256x32xbf16, #tpu.memory_space<vmem>> -> memref<1x128x32xbf16, #tpu.memory_space<vmem>>
    %dma_wait3A_80 = tpu.memref_squeeze %dma_wait3A_79 : memref<1x128x32xbf16, #tpu.memory_space<vmem>> -> memref<128x32xbf16, #tpu.memory_space<vmem>>
    %dma_wait3A_81 = arith.constant 0 : i32
    %dma_wait3A_82 = tpu.memref_slice %arg9[%dma_wait3A_75, %dma_wait3A_76, %dma_wait3A_81] : memref<2x2x128xi32, #tpu.memory_space<vmem>> -> memref<1x1x128xi32, #tpu.memory_space<vmem>>
    %dma_wait3A_83 = tpu.memref_squeeze %dma_wait3A_82 : memref<1x1x128xi32, #tpu.memory_space<vmem>> -> memref<128xi32, #tpu.memory_space<vmem>>
    %dma_wait3A_84 = arith.constant 0 : i32
    %dma_wait3A_85 = arith.constant 0 : i32
    %dma_wait3A_86 = tpu.memref_slice %arg11[%dma_wait3A_84, %dma_wait3A_85] : memref<100352x32xbf16, #tpu.memory_space<vmem_shared>> -> memref<100352x32xbf16, #tpu.memory_space<vmem_shared>>
    tpu.wait_indirect_dma semaphore(%arg14 : memref<!tpu.dma_semaphore, #tpu.memory_space<semaphore_mem>>) src(%dma_wait3A_80 : memref<128x32xbf16, #tpu.memory_space<vmem>>) dst(%dma_wait3A_86 : memref<100352x32xbf16, #tpu.memory_space<vmem_shared>>)
    %dma_wait3A_87 = arith.constant 0 : i32
    %dma_wait3A_88 = arith.constant 0 : i32
    %dma_wait3A_89 = arith.constant 1 : i32
    %dma_wait3A_90 = arith.constant 128 : i32
    %dma_wait3A_91 = arith.constant 0 : i32
    %dma_wait3A_92 = tpu.memref_slice %arg10[%dma_wait3A_87, %dma_wait3A_90, %dma_wait3A_91] : memref<2x256x32xbf16, #tpu.memory_space<vmem>> -> memref<1x128x32xbf16, #tpu.memory_space<vmem>>
    %dma_wait3A_93 = tpu.memref_squeeze %dma_wait3A_92 : memref<1x128x32xbf16, #tpu.memory_space<vmem>> -> memref<128x32xbf16, #tpu.memory_space<vmem>>
    %dma_wait3A_94 = arith.constant 0 : i32
    %dma_wait3A_95 = tpu.memref_slice %arg9[%dma_wait3A_88, %dma_wait3A_89, %dma_wait3A_94] : memref<2x2x128xi32, #tpu.memory_space<vmem>> -> memref<1x1x128xi32, #tpu.memory_space<vmem>>
    %dma_wait3A_96 = tpu.memref_squeeze %dma_wait3A_95 : memref<1x1x128xi32, #tpu.memory_space<vmem>> -> memref<128xi32, #tpu.memory_space<vmem>>
    %dma_wait3A_97 = arith.constant 0 : i32
    %dma_wait3A_98 = arith.constant 0 : i32
    %dma_wait3A_99 = tpu.memref_slice %arg11[%dma_wait3A_97, %dma_wait3A_98] : memref<100352x32xbf16, #tpu.memory_space<vmem_shared>> -> memref<100352x32xbf16, #tpu.memory_space<vmem_shared>>
    tpu.wait_indirect_dma semaphore(%arg14 : memref<!tpu.dma_semaphore, #tpu.memory_space<semaphore_mem>>) src(%dma_wait3A_93 : memref<128x32xbf16, #tpu.memory_space<vmem>>) dst(%dma_wait3A_99 : memref<100352x32xbf16, #tpu.memory_space<vmem_shared>>)
    %dma_wait3A_100 = arith.constant 1 : i32
    %dma_wait3A_101 = arith.constant 1 : i32
    %dma_wait3A_102 = arith.constant 0 : i32
    %dma_wait3A_103 = arith.constant 0 : i32
    %dma_wait3A_104 = arith.constant 0 : i32
    %dma_wait3A_105 = tpu.memref_slice %arg10[%dma_wait3A_100, %dma_wait3A_103, %dma_wait3A_104] : memref<2x256x32xbf16, #tpu.memory_space<vmem>> -> memref<1x128x32xbf16, #tpu.memory_space<vmem>>
    %dma_wait3A_106 = tpu.memref_squeeze %dma_wait3A_105 : memref<1x128x32xbf16, #tpu.memory_space<vmem>> -> memref<128x32xbf16, #tpu.memory_space<vmem>>
    %dma_wait3A_107 = arith.constant 0 : i32
    %dma_wait3A_108 = tpu.memref_slice %arg9[%dma_wait3A_101, %dma_wait3A_102, %dma_wait3A_107] : memref<2x2x128xi32, #tpu.memory_space<vmem>> -> memref<1x1x128xi32, #tpu.memory_space<vmem>>
    %dma_wait3A_109 = tpu.memref_squeeze %dma_wait3A_108 : memref<1x1x128xi32, #tpu.memory_space<vmem>> -> memref<128xi32, #tpu.memory_space<vmem>>
    %dma_wait3A_110 = arith.constant 0 : i32
    %dma_wait3A_111 = arith.constant 0 : i32
    %dma_wait3A_112 = tpu.memref_slice %arg11[%dma_wait3A_110, %dma_wait3A_111] : memref<100352x32xbf16, #tpu.memory_space<vmem_shared>> -> memref<100352x32xbf16, #tpu.memory_space<vmem_shared>>
    tpu.wait_indirect_dma semaphore(%arg15 : memref<!tpu.dma_semaphore, #tpu.memory_space<semaphore_mem>>) src(%dma_wait3A_106 : memref<128x32xbf16, #tpu.memory_space<vmem>>) dst(%dma_wait3A_112 : memref<100352x32xbf16, #tpu.memory_space<vmem_shared>>)
    %dma_wait3A_113 = arith.constant 1 : i32
    %dma_wait3A_114 = arith.constant 1 : i32
    %dma_wait3A_115 = arith.constant 1 : i32
    %dma_wait3A_116 = arith.constant 128 : i32
    %dma_wait3A_117 = arith.constant 0 : i32
    %dma_wait3A_118 = tpu.memref_slice %arg10[%dma_wait3A_113, %dma_wait3A_116, %dma_wait3A_117] : memref<2x256x32xbf16, #tpu.memory_space<vmem>> -> memref<1x128x32xbf16, #tpu.memory_space<vmem>>
    %dma_wait3A_119 = tpu.memref_squeeze %dma_wait3A_118 : memref<1x128x32xbf16, #tpu.memory_space<vmem>> -> memref<128x32xbf16, #tpu.memory_space<vmem>>
    %dma_wait3A_120 = arith.constant 0 : i32
    %dma_wait3A_121 = tpu.memref_slice %arg9[%dma_wait3A_114, %dma_wait3A_115, %dma_wait3A_120] : memref<2x2x128xi32, #tpu.memory_space<vmem>> -> memref<1x1x128xi32, #tpu.memory_space<vmem>>
    %dma_wait3A_122 = tpu.memref_squeeze %dma_wait3A_121 : memref<1x1x128xi32, #tpu.memory_space<vmem>> -> memref<128xi32, #tpu.memory_space<vmem>>
    %dma_wait3A_123 = arith.constant 0 : i32
    %dma_wait3A_124 = arith.constant 0 : i32
    %dma_wait3A_125 = tpu.memref_slice %arg11[%dma_wait3A_123, %dma_wait3A_124] : memref<100352x32xbf16, #tpu.memory_space<vmem_shared>> -> memref<100352x32xbf16, #tpu.memory_space<vmem_shared>>
    tpu.wait_indirect_dma semaphore(%arg15 : memref<!tpu.dma_semaphore, #tpu.memory_space<semaphore_mem>>) src(%dma_wait3A_119 : memref<128x32xbf16, #tpu.memory_space<vmem>>) dst(%dma_wait3A_125 : memref<100352x32xbf16, #tpu.memory_space<vmem_shared>>)
    %barrier3A_126 = arith.constant 0 : index
    tpu.barrier barrier_id(%barrier3A_126)
    %mul3A_127 = arith.constant 6272 : i32
    %mul3A_128 = arith.muli %arg1, %mul3A_127 : i32
    %mul3A_129 = arith.constant 100352 : i32
    %mul3A_130 = arith.muli %arg0, %mul3A_129 : i32
    %mul3A_131 = arith.constant 6272 : i32
    %mul3A_132 = arith.muli %arg1, %mul3A_131 : i32
    %add3A_133 = arith.addi %mul3A_130, %mul3A_132 : i32
    "tpu.region"() ({
      %run_scoped3A = tpu.sem_alloc : memref<!tpu.dma_semaphore, #tpu.memory_space<semaphore_mem>>
      %dma_start3A_134 = arith.constant 0 : i32
      %dma_start3A_135 = tpu.memref_slice %arg5[%add3A_133, %dma_start3A_134] : memref<200704x32xbf16, #tpu.memory_space<hbm>> -> memref<6272x32xbf16, #tpu.memory_space<hbm>>
      %dma_start3A_136 = arith.constant 0 : i32
      %dma_start3A_137 = tpu.memref_slice %arg11[%mul3A_128, %dma_start3A_136] : memref<100352x32xbf16, #tpu.memory_space<vmem_shared>> -> memref<6272x32xbf16, #tpu.memory_space<vmem_shared>>
      tpu.enqueue_dma source(%dma_start3A_137 : memref<6272x32xbf16, #tpu.memory_space<vmem_shared>>) target(%dma_start3A_135 : memref<6272x32xbf16, #tpu.memory_space<hbm>>) target_semaphore(%run_scoped3A : memref<!tpu.dma_semaphore, #tpu.memory_space<semaphore_mem>>)
      %dma_wait3A_138 = arith.constant 0 : i32
      %dma_wait3A_139 = tpu.memref_slice %arg5[%add3A_133, %dma_wait3A_138] : memref<200704x32xbf16, #tpu.memory_space<hbm>> -> memref<6272x32xbf16, #tpu.memory_space<hbm>>
      %dma_wait3A_140 = arith.constant 0 : i32
      %dma_wait3A_141 = tpu.memref_slice %arg11[%mul3A_128, %dma_wait3A_140] : memref<100352x32xbf16, #tpu.memory_space<vmem_shared>> -> memref<6272x32xbf16, #tpu.memory_space<vmem_shared>>
      tpu.wait_dma2 semaphore(%run_scoped3A : memref<!tpu.dma_semaphore, #tpu.memory_space<semaphore_mem>>) src(%dma_wait3A_141 : memref<6272x32xbf16, #tpu.memory_space<vmem_shared>>) dst(%dma_wait3A_139 : memref<6272x32xbf16, #tpu.memory_space<hbm>>)
      tpu.yield
    }) : () -> ()
    return
  }
}

#map = affine_map<(d0, d1) -> (0, 0)>
module attributes {stable_mosaic.version = 14 : i64} {
  func.func @_scat_body(%arg0: i32, %arg1: i32, %arg2: memref<12500x128xi32, #tpu.memory_space<hbm>>, %arg3: memref<12500x128xi32, #tpu.memory_space<hbm>>, %arg4: memref<100000x32xbf16, #tpu.memory_space<hbm>>, %arg5: memref<200704x32xbf16, #tpu.memory_space<hbm>>, %arg6: memref<64x32xbf16, #tpu.memory_space<vmem>>, %arg7: memref<2x2x128xi32, #tpu.memory_space<vmem>>, %arg8: memref<2x2x128xi32, #tpu.memory_space<vmem>>, %arg9: memref<2x2x128xi32, #tpu.memory_space<vmem>>, %arg10: memref<2x256x32xbf16, #tpu.memory_space<vmem>>, %arg11: memref<100352x32xbf16, #tpu.memory_space<vmem_shared>>, %arg12: memref<!tpu.dma_semaphore, #tpu.memory_space<semaphore_mem>>, %arg13: memref<!tpu.dma_semaphore, #tpu.memory_space<semaphore_mem>>, %arg14: memref<!tpu.dma_semaphore, #tpu.memory_space<semaphore_mem>>, %arg15: memref<!tpu.dma_semaphore, #tpu.memory_space<semaphore_mem>>) attributes {dimension_semantics = [#tpu.dimension_semantics<core_parallel>, #tpu.dimension_semantics<subcore_parallel>], iteration_bounds = array<i64: 2, 16>, scalar_prefetch = 0 : i64, scratch_operands = 10 : i64, tpu.core_type = #tpu.core_type<sc_vector_subcore>, window_params = [{transform_indices = #map}, {transform_indices = #map}, {transform_indices = #map}, {transform_indices = #map}]} {
    %broadcast_in_dim3A = arith.constant 0.000000e+00 : bf16
    %broadcast_in_dim3A_0 = vector.broadcast %broadcast_in_dim3A : bf16 to vector<32xbf16>
    %scan3A = arith.constant 0 : i32
    %scan3A_1 = arith.constant 0 : i32
    %scan3A_2 = arith.constant 64 : i32
    %scan3A_3 = arith.addi %scan3A_1, %scan3A_2 : i32
    %scan3A_4 = arith.constant 1 : i32
    %scan3A_5 = scf.for %scan3A_134 = %scan3A_1 to %scan3A_3 step %scan3A_4 iter_args(%scan3A_135 = %scan3A) -> (i32)  : i32 {
      %swap3A = arith.index_cast %scan3A_134 : i32 to index
      %swap3A_136 = arith.constant 0 : index
      %swap3A_137 = tpu.vector_load %arg6[%swap3A, %swap3A_136] {strides = array<i32>} : memref<64x32xbf16, #tpu.memory_space<vmem>>, vector<1x32xbf16>,
      %swap3A_138 = vector.shape_cast %swap3A_137 : vector<1x32xbf16> to vector<32xbf16>
      %swap3A_139 = vector.shape_cast %broadcast_in_dim3A_0 : vector<32xbf16> to vector<1x32xbf16>
      tpu.vector_store %arg6[%swap3A, %swap3A_136], %swap3A_139 {strides = array<i32>} : memref<64x32xbf16, #tpu.memory_space<vmem>>, vector<1x32xbf16>,
      %scan3A_140 = arith.constant 0 : i32
      scf.yield %scan3A_140 : i32
    }
    %scan3A_6 = arith.constant 64 : i32
    %scan3A_7 = arith.constant 0 : i32
    %scan3A_8 = arith.constant 0 : i32
    %scan3A_9 = arith.constant 98 : i32
    %scan3A_10 = arith.addi %scan3A_8, %scan3A_9 : i32
    %scan3A_11 = arith.constant 1 : i32
    %scan3A_12 = scf.for %scan3A_134 = %scan3A_8 to %scan3A_10 step %scan3A_11 iter_args(%scan3A_135 = %scan3A_7) -> (i32)  : i32 {
      %mul3A_136 = arith.constant 6272 : i32
      %mul3A_137 = arith.muli %arg1, %mul3A_136 : i32
      %mul3A_138 = arith.constant 64 : i32
      %mul3A_139 = arith.muli %scan3A_134, %mul3A_138 : i32
      %add3A_140 = arith.addi %mul3A_137, %mul3A_139 : i32
      "tpu.region"() ({
        %run_scoped3A = tpu.sem_alloc : memref<!tpu.dma_semaphore, #tpu.memory_space<semaphore_mem>>
        %dma_start3A_142 = arith.constant 0 : i32
        %dma_start3A_143 = tpu.memref_slice %arg11[%add3A_140, %dma_start3A_142] : memref<100352x32xbf16, #tpu.memory_space<vmem_shared>> -> memref<64x32xbf16, #tpu.memory_space<vmem_shared>>
        %dma_start3A_144 = arith.constant 0 : i32
        %dma_start3A_145 = tpu.memref_slice %arg11[%add3A_140, %dma_start3A_144] : memref<100352x32xbf16, #tpu.memory_space<vmem_shared>> -> memref<64x32xbf16, #tpu.memory_space<vmem_shared>>
        tpu.enqueue_dma source(%arg6 : memref<64x32xbf16, #tpu.memory_space<vmem>>) target(%dma_start3A_145 : memref<64x32xbf16, #tpu.memory_space<vmem_shared>>) target_semaphore(%run_scoped3A : memref<!tpu.dma_semaphore, #tpu.memory_space<semaphore_mem>>)
        %dma_wait3A_146 = arith.constant 0 : i32
        %dma_wait3A_147 = tpu.memref_slice %arg11[%add3A_140, %dma_wait3A_146] : memref<100352x32xbf16, #tpu.memory_space<vmem_shared>> -> memref<64x32xbf16, #tpu.memory_space<vmem_shared>>
        %dma_wait3A_148 = arith.constant 0 : i32
        %dma_wait3A_149 = tpu.memref_slice %arg11[%add3A_140, %dma_wait3A_148] : memref<100352x32xbf16, #tpu.memory_space<vmem_shared>> -> memref<64x32xbf16, #tpu.memory_space<vmem_shared>>
        tpu.wait_dma2 semaphore(%run_scoped3A : memref<!tpu.dma_semaphore, #tpu.memory_space<semaphore_mem>>) src(%arg6 : memref<64x32xbf16, #tpu.memory_space<vmem>>) dst(%dma_wait3A_149 : memref<64x32xbf16, #tpu.memory_space<vmem_shared>>)
        tpu.yield
      }) : () -> ()
      %scan3A_141 = arith.constant 0 : i32
      scf.yield %scan3A_141 : i32
    }
    %scan3A_13 = arith.constant 98 : i32
    %barrier3A = arith.constant 0 : index
    tpu.barrier barrier_id(%barrier3A)
    %eq3A = arith.constant 0 : i32
    %eq3A_14 = arith.cmpi eq, %arg0, %eq3A : i32
    %lt3A = arith.constant 13 : i32
    %lt3A_15 = arith.cmpi slt, %arg1, %lt3A : i32
    %jit3A = arith.constant 133 : i32
    %jit3A_16 = arith.constant 132 : i32
    %select_n3A = arith.select %lt3A_15, %jit3A, %jit3A_16 : i32
    %lt3A_17 = arith.constant 8 : i32
    %lt3A_18 = arith.cmpi slt, %arg1, %lt3A_17 : i32
    %jit3A_19 = arith.constant 63 : i32
    %jit3A_20 = arith.constant 62 : i32
    %select_n3A_21 = arith.select %lt3A_18, %jit3A_19, %jit3A_20 : i32
    %select_n3A_22 = arith.select %eq3A_14, %select_n3A, %select_n3A_21 : i32
    %eq3A_23 = arith.constant 0 : i32
    %eq3A_24 = arith.cmpi eq, %arg0, %eq3A_23 : i32
    %mul3A = arith.constant 132 : i32
    %mul3A_25 = arith.muli %mul3A, %arg1 : i32
    %min3A = arith.constant 13 : i32
    %min3A_26 = arith.minsi %arg1, %min3A : i32
    %add3A = arith.addi %mul3A_25, %min3A_26 : i32
    %mul3A_27 = arith.constant 62 : i32
    %mul3A_28 = arith.muli %mul3A_27, %arg1 : i32
    %add3A_29 = arith.constant 2125 : i32
    %add3A_30 = arith.addi %add3A_29, %mul3A_28 : i32
    %min3A_31 = arith.constant 8 : i32
    %min3A_32 = arith.minsi %arg1, %min3A_31 : i32
    %add3A_33 = arith.addi %add3A_30, %min3A_32 : i32
    %select_n3A_34 = arith.select %eq3A_24, %add3A, %add3A_33 : i32
    %mul3A_35 = arith.constant 2 : i32
    %mul3A_36 = arith.muli %select_n3A_34, %mul3A_35 : i32
    %mul3A_37 = arith.constant 2 : i32
    %mul3A_38 = arith.muli %mul3A_36, %mul3A_37 : i32
    %dma_start3A = arith.constant 0 : i32
    %dma_start3A_39 = arith.constant 0 : i32
    %dma_start3A_40 = arith.constant 0 : i32
    %dma_start3A_41 = tpu.memref_slice %arg7[%dma_start3A, %dma_start3A_39, %dma_start3A_40] : memref<2x2x128xi32, #tpu.memory_space<vmem>> -> memref<1x2x128xi32, #tpu.memory_space<vmem>>
    %dma_start3A_42 = tpu.memref_squeeze %dma_start3A_41 : memref<1x2x128xi32, #tpu.memory_space<vmem>> -> memref<2x128xi32, #tpu.memory_space<vmem>>
    %dma_start3A_43 = arith.constant 0 : i32
    %dma_start3A_44 = tpu.memref_slice %arg2[%mul3A_38, %dma_start3A_43] : memref<12500x128xi32, #tpu.memory_space<hbm>> -> memref<2x128xi32, #tpu.memory_space<hbm>>
    %dma_start3A_45 = arith.constant 0 : i32
    %dma_start3A_46 = arith.constant 0 : i32
    %dma_start3A_47 = tpu.memref_slice %arg7[%dma_start3A, %dma_start3A_45, %dma_start3A_46] : memref<2x2x128xi32, #tpu.memory_space<vmem>> -> memref<1x2x128xi32, #tpu.memory_space<vmem>>
    %dma_start3A_48 = tpu.memref_squeeze %dma_start3A_47 : memref<1x2x128xi32, #tpu.memory_space<vmem>> -> memref<2x128xi32, #tpu.memory_space<vmem>>
    %dma_start3A_49 = arith.constant 0 : i32
    %dma_start3A_50 = tpu.memref_slice %arg2[%mul3A_38, %dma_start3A_49] : memref<12500x128xi32, #tpu.memory_space<hbm>> -> memref<2x128xi32, #tpu.memory_space<hbm>>
    tpu.enqueue_dma source(%dma_start3A_50 : memref<2x128xi32, #tpu.memory_space<hbm>>) target(%dma_start3A_48 : memref<2x128xi32, #tpu.memory_space<vmem>>) target_semaphore(%arg12 : memref<!tpu.dma_semaphore, #tpu.memory_space<semaphore_mem>>)
    %dma_start3A_51 = arith.constant 0 : i32
    %dma_start3A_52 = arith.constant 0 : i32
    %dma_start3A_53 = arith.constant 0 : i32
    %dma_start3A_54 = tpu.memref_slice %arg8[%dma_start3A_51, %dma_start3A_52, %dma_start3A_53] : memref<2x2x128xi32, #tpu.memory_space<vmem>> -> memref<1x2x128xi32, #tpu.memory_space<vmem>>
    %dma_start3A_55 = tpu.memref_squeeze %dma_start3A_54 : memref<1x2x128xi32, #tpu.memory_space<vmem>> -> memref<2x128xi32, #tpu.memory_space<vmem>>
    %dma_start3A_56 = arith.constant 0 : i32
    %dma_start3A_57 = tpu.memref_slice %arg3[%mul3A_38, %dma_start3A_56] : memref<12500x128xi32, #tpu.memory_space<hbm>> -> memref<2x128xi32, #tpu.memory_space<hbm>>
    %dma_start3A_58 = arith.constant 0 : i32
    %dma_start3A_59 = arith.constant 0 : i32
    %dma_start3A_60 = tpu.memref_slice %arg8[%dma_start3A_51, %dma_start3A_58, %dma_start3A_59] : memref<2x2x128xi32, #tpu.memory_space<vmem>> -> memref<1x2x128xi32, #tpu.memory_space<vmem>>
    %dma_start3A_61 = tpu.memref_squeeze %dma_start3A_60 : memref<1x2x128xi32, #tpu.memory_space<vmem>> -> memref<2x128xi32, #tpu.memory_space<vmem>>
    %dma_start3A_62 = arith.constant 0 : i32
    %dma_start3A_63 = tpu.memref_slice %arg3[%mul3A_38, %dma_start3A_62] : memref<12500x128xi32, #tpu.memory_space<hbm>> -> memref<2x128xi32, #tpu.memory_space<hbm>>
    tpu.enqueue_dma source(%dma_start3A_63 : memref<2x128xi32, #tpu.memory_space<hbm>>) target(%dma_start3A_61 : memref<2x128xi32, #tpu.memory_space<vmem>>) target_semaphore(%arg12 : memref<!tpu.dma_semaphore, #tpu.memory_space<semaphore_mem>>)
    %while3A = arith.constant 0 : i32
    %while3A_64 = arith.constant 0 : i32
    %while3A_65 = arith.subi %select_n3A_22, %while3A : i32
    %while3A_66 = arith.addi %while3A, %while3A_65 : i32
    %while3A_67 = arith.constant 1 : i32
    %while3A_68 = arith.divsi %while3A_65, %while3A_67 : i32
    %while3A_69 = arith.muli %while3A_68, %while3A_67 : i32
    %while3A_70 = arith.addi %while3A, %while3A_69 : i32
    %while3A_71 = arith.constant 1 : i32
    %while3A_72 = scf.for %while3A_134 = %while3A to %while3A_70 step %while3A_71 iter_args(%while3A_135 = %while3A_64) -> (i32)  : i32 {
      %mul3A_136 = arith.constant 2 : i32
      %mul3A_137 = arith.muli %while3A_134, %mul3A_136 : i32
      %mul3A_138 = arith.constant 2 : i32
      %mul3A_139 = arith.muli %mul3A_137, %mul3A_138 : i32
      %add3A_140 = arith.addi %mul3A_38, %mul3A_139 : i32
      %add3A_141 = arith.constant 2 : i32
      %add3A_142 = arith.addi %add3A_140, %add3A_141 : i32
      %dma_wait3A_143 = arith.constant 0 : i32
      %dma_wait3A_144 = arith.constant 0 : i32
      %dma_wait3A_145 = arith.constant 0 : i32
      %dma_wait3A_146 = tpu.memref_slice %arg7[%dma_wait3A_143, %dma_wait3A_144, %dma_wait3A_145] : memref<2x2x128xi32, #tpu.memory_space<vmem>> -> memref<1x2x128xi32, #tpu.memory_space<vmem>>
      %dma_wait3A_147 = tpu.memref_squeeze %dma_wait3A_146 : memref<1x2x128xi32, #tpu.memory_space<vmem>> -> memref<2x128xi32, #tpu.memory_space<vmem>>
      %dma_wait3A_148 = arith.constant 0 : i32
      %dma_wait3A_149 = tpu.memref_slice %arg2[%add3A_140, %dma_wait3A_148] : memref<12500x128xi32, #tpu.memory_space<hbm>> -> memref<2x128xi32, #tpu.memory_space<hbm>>
      %dma_wait3A_150 = arith.constant 0 : i32
      %dma_wait3A_151 = arith.constant 0 : i32
      %dma_wait3A_152 = tpu.memref_slice %arg7[%dma_wait3A_143, %dma_wait3A_150, %dma_wait3A_151] : memref<2x2x128xi32, #tpu.memory_space<vmem>> -> memref<1x2x128xi32, #tpu.memory_space<vmem>>
      %dma_wait3A_153 = tpu.memref_squeeze %dma_wait3A_152 : memref<1x2x128xi32, #tpu.memory_space<vmem>> -> memref<2x128xi32, #tpu.memory_space<vmem>>
      %dma_wait3A_154 = arith.constant 0 : i32
      %dma_wait3A_155 = tpu.memref_slice %arg2[%add3A_140, %dma_wait3A_154] : memref<12500x128xi32, #tpu.memory_space<hbm>> -> memref<2x128xi32, #tpu.memory_space<hbm>>
      tpu.wait_dma2 semaphore(%arg12 : memref<!tpu.dma_semaphore, #tpu.memory_space<semaphore_mem>>) src(%dma_wait3A_155 : memref<2x128xi32, #tpu.memory_space<hbm>>) dst(%dma_wait3A_153 : memref<2x128xi32, #tpu.memory_space<vmem>>)
      %dma_wait3A_156 = arith.constant 0 : i32
      %dma_wait3A_157 = arith.constant 0 : i32
      %dma_wait3A_158 = arith.constant 0 : i32
      %dma_wait3A_159 = tpu.memref_slice %arg8[%dma_wait3A_156, %dma_wait3A_157, %dma_wait3A_158] : memref<2x2x128xi32, #tpu.memory_space<vmem>> -> memref<1x2x128xi32, #tpu.memory_space<vmem>>
      %dma_wait3A_160 = tpu.memref_squeeze %dma_wait3A_159 : memref<1x2x128xi32, #tpu.memory_space<vmem>> -> memref<2x128xi32, #tpu.memory_space<vmem>>
      %dma_wait3A_161 = arith.constant 0 : i32
      %dma_wait3A_162 = tpu.memref_slice %arg3[%add3A_140, %dma_wait3A_161] : memref<12500x128xi32, #tpu.memory_space<hbm>> -> memref<2x128xi32, #tpu.memory_space<hbm>>
      %dma_wait3A_163 = arith.constant 0 : i32
      %dma_wait3A_164 = arith.constant 0 : i32
      %dma_wait3A_165 = tpu.memref_slice %arg8[%dma_wait3A_156, %dma_wait3A_163, %dma_wait3A_164] : memref<2x2x128xi32, #tpu.memory_space<vmem>> -> memref<1x2x128xi32, #tpu.memory_space<vmem>>
      %dma_wait3A_166 = tpu.memref_squeeze %dma_wait3A_165 : memref<1x2x128xi32, #tpu.memory_space<vmem>> -> memref<2x128xi32, #tpu.memory_space<vmem>>
      %dma_wait3A_167 = arith.constant 0 : i32
      %dma_wait3A_168 = tpu.memref_slice %arg3[%add3A_140, %dma_wait3A_167] : memref<12500x128xi32, #tpu.memory_space<hbm>> -> memref<2x128xi32, #tpu.memory_space<hbm>>
      tpu.wait_dma2 semaphore(%arg12 : memref<!tpu.dma_semaphore, #tpu.memory_space<semaphore_mem>>) src(%dma_wait3A_168 : memref<2x128xi32, #tpu.memory_space<hbm>>) dst(%dma_wait3A_166 : memref<2x128xi32, #tpu.memory_space<vmem>>)
      %dma_start3A_169 = arith.constant 1 : i32
      %dma_start3A_170 = arith.constant 0 : i32
      %dma_start3A_171 = arith.constant 0 : i32
      %dma_start3A_172 = tpu.memref_slice %arg7[%dma_start3A_169, %dma_start3A_170, %dma_start3A_171] : memref<2x2x128xi32, #tpu.memory_space<vmem>> -> memref<1x2x128xi32, #tpu.memory_space<vmem>>
      %dma_start3A_173 = tpu.memref_squeeze %dma_start3A_172 : memref<1x2x128xi32, #tpu.memory_space<vmem>> -> memref<2x128xi32, #tpu.memory_space<vmem>>
      %dma_start3A_174 = arith.constant 0 : i32
      %dma_start3A_175 = tpu.memref_slice %arg2[%add3A_142, %dma_start3A_174] : memref<12500x128xi32, #tpu.memory_space<hbm>> -> memref<2x128xi32, #tpu.memory_space<hbm>>
      %dma_start3A_176 = arith.constant 0 : i32
      %dma_start3A_177 = arith.constant 0 : i32
      %dma_start3A_178 = tpu.memref_slice %arg7[%dma_start3A_169, %dma_start3A_176, %dma_start3A_177] : memref<2x2x128xi32, #tpu.memory_space<vmem>> -> memref<1x2x128xi32, #tpu.memory_space<vmem>>
      %dma_start3A_179 = tpu.memref_squeeze %dma_start3A_178 : memref<1x2x128xi32, #tpu.memory_space<vmem>> -> memref<2x128xi32, #tpu.memory_space<vmem>>
      %dma_start3A_180 = arith.constant 0 : i32
      %dma_start3A_181 = tpu.memref_slice %arg2[%add3A_142, %dma_start3A_180] : memref<12500x128xi32, #tpu.memory_space<hbm>> -> memref<2x128xi32, #tpu.memory_space<hbm>>
      tpu.enqueue_dma source(%dma_start3A_181 : memref<2x128xi32, #tpu.memory_space<hbm>>) target(%dma_start3A_179 : memref<2x128xi32, #tpu.memory_space<vmem>>) target_semaphore(%arg12 : memref<!tpu.dma_semaphore, #tpu.memory_space<semaphore_mem>>)
      %dma_start3A_182 = arith.constant 1 : i32
      %dma_start3A_183 = arith.constant 0 : i32
      %dma_start3A_184 = arith.constant 0 : i32
      %dma_start3A_185 = tpu.memref_slice %arg8[%dma_start3A_182, %dma_start3A_183, %dma_start3A_184] : memref<2x2x128xi32, #tpu.memory_space<vmem>> -> memref<1x2x128xi32, #tpu.memory_space<vmem>>
      %dma_start3A_186 = tpu.memref_squeeze %dma_start3A_185 : memref<1x2x128xi32, #tpu.memory_space<vmem>> -> memref<2x128xi32, #tpu.memory_space<vmem>>
      %dma_start3A_187 = arith.constant 0 : i32
      %dma_start3A_188 = tpu.memref_slice %arg3[%add3A_142, %dma_start3A_187] : memref<12500x128xi32, #tpu.memory_space<hbm>> -> memref<2x128xi32, #tpu.memory_space<hbm>>
      %dma_start3A_189 = arith.constant 0 : i32
      %dma_start3A_190 = arith.constant 0 : i32
      %dma_start3A_191 = tpu.memref_slice %arg8[%dma_start3A_182, %dma_start3A_189, %dma_start3A_190] : memref<2x2x128xi32, #tpu.memory_space<vmem>> -> memref<1x2x128xi32, #tpu.memory_space<vmem>>
      %dma_start3A_192 = tpu.memref_squeeze %dma_start3A_191 : memref<1x2x128xi32, #tpu.memory_space<vmem>> -> memref<2x128xi32, #tpu.memory_space<vmem>>
      %dma_start3A_193 = arith.constant 0 : i32
      %dma_start3A_194 = tpu.memref_slice %arg3[%add3A_142, %dma_start3A_193] : memref<12500x128xi32, #tpu.memory_space<hbm>> -> memref<2x128xi32, #tpu.memory_space<hbm>>
      tpu.enqueue_dma source(%dma_start3A_194 : memref<2x128xi32, #tpu.memory_space<hbm>>) target(%dma_start3A_192 : memref<2x128xi32, #tpu.memory_space<vmem>>) target_semaphore(%arg12 : memref<!tpu.dma_semaphore, #tpu.memory_space<semaphore_mem>>)
      %ge3A = arith.constant 1 : i32
      %ge3A_195 = arith.cmpi sge, %while3A_134, %ge3A : i32
      %convert_element_type3A = arith.extui %ge3A_195 : i1 to i32
      %cond3A = arith.constant 0 : i32
      %cond3A_196 = arith.cmpi ne, %convert_element_type3A, %cond3A : i32
      scf.if %cond3A_196 {
        %dma_wait3A_868 = arith.constant 0 : i32
        %dma_wait3A_869 = arith.constant 0 : i32
        %dma_wait3A_870 = arith.constant 0 : i32
        %dma_wait3A_871 = arith.constant 0 : i32
        %dma_wait3A_872 = arith.constant 0 : i32
        %dma_wait3A_873 = tpu.memref_slice %arg10[%dma_wait3A_868, %dma_wait3A_871, %dma_wait3A_872] : memref<2x256x32xbf16, #tpu.memory_space<vmem>> -> memref<1x128x32xbf16, #tpu.memory_space<vmem>>
        %dma_wait3A_874 = tpu.memref_squeeze %dma_wait3A_873 : memref<1x128x32xbf16, #tpu.memory_space<vmem>> -> memref<128x32xbf16, #tpu.memory_space<vmem>>
        %dma_wait3A_875 = arith.constant 0 : i32
        %dma_wait3A_876 = tpu.memref_slice %arg9[%dma_wait3A_869, %dma_wait3A_870, %dma_wait3A_875] : memref<2x2x128xi32, #tpu.memory_space<vmem>> -> memref<1x1x128xi32, #tpu.memory_space<vmem>>
        %dma_wait3A_877 = tpu.memref_squeeze %dma_wait3A_876 : memref<1x1x128xi32, #tpu.memory_space<vmem>> -> memref<128xi32, #tpu.memory_space<vmem>>
        %dma_wait3A_878 = arith.constant 0 : i32
        %dma_wait3A_879 = arith.constant 0 : i32
        %dma_wait3A_880 = tpu.memref_slice %arg11[%dma_wait3A_878, %dma_wait3A_879] : memref<100352x32xbf16, #tpu.memory_space<vmem_shared>> -> memref<100352x32xbf16, #tpu.memory_space<vmem_shared>>
        tpu.wait_indirect_dma semaphore(%arg14 : memref<!tpu.dma_semaphore, #tpu.memory_space<semaphore_mem>>) src(%dma_wait3A_874 : memref<128x32xbf16, #tpu.memory_space<vmem>>) dst(%dma_wait3A_880 : memref<100352x32xbf16, #tpu.memory_space<vmem_shared>>)
        %dma_wait3A_881 = arith.constant 0 : i32
        %dma_wait3A_882 = arith.constant 0 : i32
        %dma_wait3A_883 = arith.constant 1 : i32
        %dma_wait3A_884 = arith.constant 128 : i32
        %dma_wait3A_885 = arith.constant 0 : i32
        %dma_wait3A_886 = tpu.memref_slice %arg10[%dma_wait3A_881, %dma_wait3A_884, %dma_wait3A_885] : memref<2x256x32xbf16, #tpu.memory_space<vmem>> -> memref<1x128x32xbf16, #tpu.memory_space<vmem>>
        %dma_wait3A_887 = tpu.memref_squeeze %dma_wait3A_886 : memref<1x128x32xbf16, #tpu.memory_space<vmem>> -> memref<128x32xbf16, #tpu.memory_space<vmem>>
        %dma_wait3A_888 = arith.constant 0 : i32
        %dma_wait3A_889 = tpu.memref_slice %arg9[%dma_wait3A_882, %dma_wait3A_883, %dma_wait3A_888] : memref<2x2x128xi32, #tpu.memory_space<vmem>> -> memref<1x1x128xi32, #tpu.memory_space<vmem>>
        %dma_wait3A_890 = tpu.memref_squeeze %dma_wait3A_889 : memref<1x1x128xi32, #tpu.memory_space<vmem>> -> memref<128xi32, #tpu.memory_space<vmem>>
        %dma_wait3A_891 = arith.constant 0 : i32
        %dma_wait3A_892 = arith.constant 0 : i32
        %dma_wait3A_893 = tpu.memref_slice %arg11[%dma_wait3A_891, %dma_wait3A_892] : memref<100352x32xbf16, #tpu.memory_space<vmem_shared>> -> memref<100352x32xbf16, #tpu.memory_space<vmem_shared>>
        tpu.wait_indirect_dma semaphore(%arg14 : memref<!tpu.dma_semaphore, #tpu.memory_space<semaphore_mem>>) src(%dma_wait3A_887 : memref<128x32xbf16, #tpu.memory_space<vmem>>) dst(%dma_wait3A_893 : memref<100352x32xbf16, #tpu.memory_space<vmem_shared>>)
      } else {
      }
      %dma_start3A_197 = arith.constant 0 : i32
      %dma_start3A_198 = arith.constant 0 : i32
      %dma_start3A_199 = arith.constant 0 : i32
      %dma_start3A_200 = arith.constant 0 : i32
      %dma_start3A_201 = arith.constant 0 : i32
      %dma_start3A_202 = tpu.memref_slice %arg10[%dma_start3A_199, %dma_start3A_200, %dma_start3A_201] : memref<2x256x32xbf16, #tpu.memory_space<vmem>> -> memref<1x128x32xbf16, #tpu.memory_space<vmem>>
      %dma_start3A_203 = tpu.memref_squeeze %dma_start3A_202 : memref<1x128x32xbf16, #tpu.memory_space<vmem>> -> memref<128x32xbf16, #tpu.memory_space<vmem>>
      %dma_start3A_204 = arith.constant 0 : i32
      %dma_start3A_205 = tpu.memref_slice %arg7[%dma_start3A_197, %dma_start3A_198, %dma_start3A_204] : memref<2x2x128xi32, #tpu.memory_space<vmem>> -> memref<1x1x128xi32, #tpu.memory_space<vmem>>
      %dma_start3A_206 = tpu.memref_squeeze %dma_start3A_205 : memref<1x1x128xi32, #tpu.memory_space<vmem>> -> memref<128xi32, #tpu.memory_space<vmem>>
      %dma_start3A_207 = arith.constant 0 : i32
      %dma_start3A_208 = arith.constant 0 : i32
      %dma_start3A_209 = tpu.memref_slice %arg4[%dma_start3A_207, %dma_start3A_208] : memref<100000x32xbf16, #tpu.memory_space<hbm>> -> memref<100000x32xbf16, #tpu.memory_space<hbm>>
      tpu.enqueue_indirect_dma source(%dma_start3A_209 : memref<100000x32xbf16, #tpu.memory_space<hbm>>) target(%dma_start3A_203 : memref<128x32xbf16, #tpu.memory_space<vmem>>) offsets(%dma_start3A_206 : memref<128xi32, #tpu.memory_space<vmem>>) semaphore(%arg13 : memref<!tpu.dma_semaphore, #tpu.memory_space<semaphore_mem>>)
      %dma_start3A_210 = arith.constant 0 : i32
      %dma_start3A_211 = arith.constant 1 : i32
      %dma_start3A_212 = arith.constant 0 : i32
      %dma_start3A_213 = arith.constant 128 : i32
      %dma_start3A_214 = arith.constant 0 : i32
      %dma_start3A_215 = tpu.memref_slice %arg10[%dma_start3A_212, %dma_start3A_213, %dma_start3A_214] : memref<2x256x32xbf16, #tpu.memory_space<vmem>> -> memref<1x128x32xbf16, #tpu.memory_space<vmem>>
      %dma_start3A_216 = tpu.memref_squeeze %dma_start3A_215 : memref<1x128x32xbf16, #tpu.memory_space<vmem>> -> memref<128x32xbf16, #tpu.memory_space<vmem>>
      %dma_start3A_217 = arith.constant 0 : i32
      %dma_start3A_218 = tpu.memref_slice %arg7[%dma_start3A_210, %dma_start3A_211, %dma_start3A_217] : memref<2x2x128xi32, #tpu.memory_space<vmem>> -> memref<1x1x128xi32, #tpu.memory_space<vmem>>
      %dma_start3A_219 = tpu.memref_squeeze %dma_start3A_218 : memref<1x1x128xi32, #tpu.memory_space<vmem>> -> memref<128xi32, #tpu.memory_space<vmem>>
      %dma_start3A_220 = arith.constant 0 : i32
      %dma_start3A_221 = arith.constant 0 : i32
      %dma_start3A_222 = tpu.memref_slice %arg4[%dma_start3A_220, %dma_start3A_221] : memref<100000x32xbf16, #tpu.memory_space<hbm>> -> memref<100000x32xbf16, #tpu.memory_space<hbm>>
      tpu.enqueue_indirect_dma source(%dma_start3A_222 : memref<100000x32xbf16, #tpu.memory_space<hbm>>) target(%dma_start3A_216 : memref<128x32xbf16, #tpu.memory_space<vmem>>) offsets(%dma_start3A_219 : memref<128xi32, #tpu.memory_space<vmem>>) semaphore(%arg13 : memref<!tpu.dma_semaphore, #tpu.memory_space<semaphore_mem>>)
      %get3A = arith.constant 0 : i32
      %get3A_223 = arith.constant 0 : i32
      %get3A_224 = arith.index_cast %get3A : i32 to index
      %get3A_225 = arith.index_cast %get3A_223 : i32 to index
      %get3A_226 = arith.constant 0 : index
      %get3A_227 = tpu.vector_load %arg8[%get3A_224, %get3A_225, %get3A_226] {strides = array<i32>} : memref<2x2x128xi32, #tpu.memory_space<vmem>>, vector<1x1x16xi32>,
      %get3A_228 = vector.shape_cast %get3A_227 : vector<1x1x16xi32> to vector<16xi32>
      %swap3A = arith.constant 0 : i32
      %swap3A_229 = arith.constant 0 : i32
      %swap3A_230 = arith.index_cast %swap3A : i32 to index
      %swap3A_231 = arith.index_cast %swap3A_229 : i32 to index
      %swap3A_232 = arith.constant 0 : index
      %swap3A_233 = tpu.vector_load %arg9[%swap3A_230, %swap3A_231, %swap3A_232] {strides = array<i32>} : memref<2x2x128xi32, #tpu.memory_space<vmem>>, vector<1x1x16xi32>,
      %swap3A_234 = vector.shape_cast %swap3A_233 : vector<1x1x16xi32> to vector<16xi32>
      %swap3A_235 = vector.shape_cast %get3A_228 : vector<16xi32> to vector<1x1x16xi32>
      tpu.vector_store %arg9[%swap3A_230, %swap3A_231, %swap3A_232], %swap3A_235 {strides = array<i32>} : memref<2x2x128xi32, #tpu.memory_space<vmem>>, vector<1x1x16xi32>,
      %get3A_236 = arith.constant 0 : i32
      %get3A_237 = arith.constant 0 : i32
      %get3A_238 = arith.index_cast %get3A_236 : i32 to index
      %get3A_239 = arith.index_cast %get3A_237 : i32 to index
      %get3A_240 = arith.constant 16 : index
      %get3A_241 = tpu.vector_load %arg8[%get3A_238, %get3A_239, %get3A_240] {strides = array<i32>} : memref<2x2x128xi32, #tpu.memory_space<vmem>>, vector<1x1x16xi32>,
      %get3A_242 = vector.shape_cast %get3A_241 : vector<1x1x16xi32> to vector<16xi32>
      %swap3A_243 = arith.constant 0 : i32
      %swap3A_244 = arith.constant 0 : i32
      %swap3A_245 = arith.index_cast %swap3A_243 : i32 to index
      %swap3A_246 = arith.index_cast %swap3A_244 : i32 to index
      %swap3A_247 = arith.constant 16 : index
      %swap3A_248 = tpu.vector_load %arg9[%swap3A_245, %swap3A_246, %swap3A_247] {strides = array<i32>} : memref<2x2x128xi32, #tpu.memory_space<vmem>>, vector<1x1x16xi32>,
      %swap3A_249 = vector.shape_cast %swap3A_248 : vector<1x1x16xi32> to vector<16xi32>
      %swap3A_250 = vector.shape_cast %get3A_242 : vector<16xi32> to vector<1x1x16xi32>
      tpu.vector_store %arg9[%swap3A_245, %swap3A_246, %swap3A_247], %swap3A_250 {strides = array<i32>} : memref<2x2x128xi32, #tpu.memory_space<vmem>>, vector<1x1x16xi32>,
      %get3A_251 = arith.constant 0 : i32
      %get3A_252 = arith.constant 0 : i32
      %get3A_253 = arith.index_cast %get3A_251 : i32 to index
      %get3A_254 = arith.index_cast %get3A_252 : i32 to index
      %get3A_255 = arith.constant 32 : index
      %get3A_256 = tpu.vector_load %arg8[%get3A_253, %get3A_254, %get3A_255] {strides = array<i32>} : memref<2x2x128xi32, #tpu.memory_space<vmem>>, vector<1x1x16xi32>,
      %get3A_257 = vector.shape_cast %get3A_256 : vector<1x1x16xi32> to vector<16xi32>
      %swap3A_258 = arith.constant 0 : i32
      %swap3A_259 = arith.constant 0 : i32
      %swap3A_260 = arith.index_cast %swap3A_258 : i32 to index
      %swap3A_261 = arith.index_cast %swap3A_259 : i32 to index
      %swap3A_262 = arith.constant 32 : index
      %swap3A_263 = tpu.vector_load %arg9[%swap3A_260, %swap3A_261, %swap3A_262] {strides = array<i32>} : memref<2x2x128xi32, #tpu.memory_space<vmem>>, vector<1x1x16xi32>,
      %swap3A_264 = vector.shape_cast %swap3A_263 : vector<1x1x16xi32> to vector<16xi32>
      %swap3A_265 = vector.shape_cast %get3A_257 : vector<16xi32> to vector<1x1x16xi32>
      tpu.vector_store %arg9[%swap3A_260, %swap3A_261, %swap3A_262], %swap3A_265 {strides = array<i32>} : memref<2x2x128xi32, #tpu.memory_space<vmem>>, vector<1x1x16xi32>,
      %get3A_266 = arith.constant 0 : i32
      %get3A_267 = arith.constant 0 : i32
      %get3A_268 = arith.index_cast %get3A_266 : i32 to index
      %get3A_269 = arith.index_cast %get3A_267 : i32 to index
      %get3A_270 = arith.constant 48 : index
      %get3A_271 = tpu.vector_load %arg8[%get3A_268, %get3A_269, %get3A_270] {strides = array<i32>} : memref<2x2x128xi32, #tpu.memory_space<vmem>>, vector<1x1x16xi32>,
      %get3A_272 = vector.shape_cast %get3A_271 : vector<1x1x16xi32> to vector<16xi32>
      %swap3A_273 = arith.constant 0 : i32
      %swap3A_274 = arith.constant 0 : i32
      %swap3A_275 = arith.index_cast %swap3A_273 : i32 to index
      %swap3A_276 = arith.index_cast %swap3A_274 : i32 to index
      %swap3A_277 = arith.constant 48 : index
      %swap3A_278 = tpu.vector_load %arg9[%swap3A_275, %swap3A_276, %swap3A_277] {strides = array<i32>} : memref<2x2x128xi32, #tpu.memory_space<vmem>>, vector<1x1x16xi32>,
      %swap3A_279 = vector.shape_cast %swap3A_278 : vector<1x1x16xi32> to vector<16xi32>
      %swap3A_280 = vector.shape_cast %get3A_272 : vector<16xi32> to vector<1x1x16xi32>
      tpu.vector_store %arg9[%swap3A_275, %swap3A_276, %swap3A_277], %swap3A_280 {strides = array<i32>} : memref<2x2x128xi32, #tpu.memory_space<vmem>>, vector<1x1x16xi32>,
      %get3A_281 = arith.constant 0 : i32
      %get3A_282 = arith.constant 0 : i32
      %get3A_283 = arith.index_cast %get3A_281 : i32 to index
      %get3A_284 = arith.index_cast %get3A_282 : i32 to index
      %get3A_285 = arith.constant 64 : index
      %get3A_286 = tpu.vector_load %arg8[%get3A_283, %get3A_284, %get3A_285] {strides = array<i32>} : memref<2x2x128xi32, #tpu.memory_space<vmem>>, vector<1x1x16xi32>,
      %get3A_287 = vector.shape_cast %get3A_286 : vector<1x1x16xi32> to vector<16xi32>
      %swap3A_288 = arith.constant 0 : i32
      %swap3A_289 = arith.constant 0 : i32
      %swap3A_290 = arith.index_cast %swap3A_288 : i32 to index
      %swap3A_291 = arith.index_cast %swap3A_289 : i32 to index
      %swap3A_292 = arith.constant 64 : index
      %swap3A_293 = tpu.vector_load %arg9[%swap3A_290, %swap3A_291, %swap3A_292] {strides = array<i32>} : memref<2x2x128xi32, #tpu.memory_space<vmem>>, vector<1x1x16xi32>,
      %swap3A_294 = vector.shape_cast %swap3A_293 : vector<1x1x16xi32> to vector<16xi32>
      %swap3A_295 = vector.shape_cast %get3A_287 : vector<16xi32> to vector<1x1x16xi32>
      tpu.vector_store %arg9[%swap3A_290, %swap3A_291, %swap3A_292], %swap3A_295 {strides = array<i32>} : memref<2x2x128xi32, #tpu.memory_space<vmem>>, vector<1x1x16xi32>,
      %get3A_296 = arith.constant 0 : i32
      %get3A_297 = arith.constant 0 : i32
      %get3A_298 = arith.index_cast %get3A_296 : i32 to index
      %get3A_299 = arith.index_cast %get3A_297 : i32 to index
      %get3A_300 = arith.constant 80 : index
      %get3A_301 = tpu.vector_load %arg8[%get3A_298, %get3A_299, %get3A_300] {strides = array<i32>} : memref<2x2x128xi32, #tpu.memory_space<vmem>>, vector<1x1x16xi32>,
      %get3A_302 = vector.shape_cast %get3A_301 : vector<1x1x16xi32> to vector<16xi32>
      %swap3A_303 = arith.constant 0 : i32
      %swap3A_304 = arith.constant 0 : i32
      %swap3A_305 = arith.index_cast %swap3A_303 : i32 to index
      %swap3A_306 = arith.index_cast %swap3A_304 : i32 to index
      %swap3A_307 = arith.constant 80 : index
      %swap3A_308 = tpu.vector_load %arg9[%swap3A_305, %swap3A_306, %swap3A_307] {strides = array<i32>} : memref<2x2x128xi32, #tpu.memory_space<vmem>>, vector<1x1x16xi32>,
      %swap3A_309 = vector.shape_cast %swap3A_308 : vector<1x1x16xi32> to vector<16xi32>
      %swap3A_310 = vector.shape_cast %get3A_302 : vector<16xi32> to vector<1x1x16xi32>
      tpu.vector_store %arg9[%swap3A_305, %swap3A_306, %swap3A_307], %swap3A_310 {strides = array<i32>} : memref<2x2x128xi32, #tpu.memory_space<vmem>>, vector<1x1x16xi32>,
      %get3A_311 = arith.constant 0 : i32
      %get3A_312 = arith.constant 0 : i32
      %get3A_313 = arith.index_cast %get3A_311 : i32 to index
      %get3A_314 = arith.index_cast %get3A_312 : i32 to index
      %get3A_315 = arith.constant 96 : index
      %get3A_316 = tpu.vector_load %arg8[%get3A_313, %get3A_314, %get3A_315] {strides = array<i32>} : memref<2x2x128xi32, #tpu.memory_space<vmem>>, vector<1x1x16xi32>,
      %get3A_317 = vector.shape_cast %get3A_316 : vector<1x1x16xi32> to vector<16xi32>
      %swap3A_318 = arith.constant 0 : i32
      %swap3A_319 = arith.constant 0 : i32
      %swap3A_320 = arith.index_cast %swap3A_318 : i32 to index
      %swap3A_321 = arith.index_cast %swap3A_319 : i32 to index
      %swap3A_322 = arith.constant 96 : index
      %swap3A_323 = tpu.vector_load %arg9[%swap3A_320, %swap3A_321, %swap3A_322] {strides = array<i32>} : memref<2x2x128xi32, #tpu.memory_space<vmem>>, vector<1x1x16xi32>,
      %swap3A_324 = vector.shape_cast %swap3A_323 : vector<1x1x16xi32> to vector<16xi32>
      %swap3A_325 = vector.shape_cast %get3A_317 : vector<16xi32> to vector<1x1x16xi32>
      tpu.vector_store %arg9[%swap3A_320, %swap3A_321, %swap3A_322], %swap3A_325 {strides = array<i32>} : memref<2x2x128xi32, #tpu.memory_space<vmem>>, vector<1x1x16xi32>,
      %get3A_326 = arith.constant 0 : i32
      %get3A_327 = arith.constant 0 : i32
      %get3A_328 = arith.index_cast %get3A_326 : i32 to index
      %get3A_329 = arith.index_cast %get3A_327 : i32 to index
      %get3A_330 = arith.constant 112 : index
      %get3A_331 = tpu.vector_load %arg8[%get3A_328, %get3A_329, %get3A_330] {strides = array<i32>} : memref<2x2x128xi32, #tpu.memory_space<vmem>>, vector<1x1x16xi32>,
      %get3A_332 = vector.shape_cast %get3A_331 : vector<1x1x16xi32> to vector<16xi32>
      %swap3A_333 = arith.constant 0 : i32
      %swap3A_334 = arith.constant 0 : i32
      %swap3A_335 = arith.index_cast %swap3A_333 : i32 to index
      %swap3A_336 = arith.index_cast %swap3A_334 : i32 to index
      %swap3A_337 = arith.constant 112 : index
      %swap3A_338 = tpu.vector_load %arg9[%swap3A_335, %swap3A_336, %swap3A_337] {strides = array<i32>} : memref<2x2x128xi32, #tpu.memory_space<vmem>>, vector<1x1x16xi32>,
      %swap3A_339 = vector.shape_cast %swap3A_338 : vector<1x1x16xi32> to vector<16xi32>
      %swap3A_340 = vector.shape_cast %get3A_332 : vector<16xi32> to vector<1x1x16xi32>
      tpu.vector_store %arg9[%swap3A_335, %swap3A_336, %swap3A_337], %swap3A_340 {strides = array<i32>} : memref<2x2x128xi32, #tpu.memory_space<vmem>>, vector<1x1x16xi32>,
      %get3A_341 = arith.constant 0 : i32
      %get3A_342 = arith.constant 1 : i32
      %get3A_343 = arith.index_cast %get3A_341 : i32 to index
      %get3A_344 = arith.index_cast %get3A_342 : i32 to index
      %get3A_345 = arith.constant 0 : index
      %get3A_346 = tpu.vector_load %arg8[%get3A_343, %get3A_344, %get3A_345] {strides = array<i32>} : memref<2x2x128xi32, #tpu.memory_space<vmem>>, vector<1x1x16xi32>,
      %get3A_347 = vector.shape_cast %get3A_346 : vector<1x1x16xi32> to vector<16xi32>
      %swap3A_348 = arith.constant 0 : i32
      %swap3A_349 = arith.constant 1 : i32
      %swap3A_350 = arith.index_cast %swap3A_348 : i32 to index
      %swap3A_351 = arith.index_cast %swap3A_349 : i32 to index
      %swap3A_352 = arith.constant 0 : index
      %swap3A_353 = tpu.vector_load %arg9[%swap3A_350, %swap3A_351, %swap3A_352] {strides = array<i32>} : memref<2x2x128xi32, #tpu.memory_space<vmem>>, vector<1x1x16xi32>,
      %swap3A_354 = vector.shape_cast %swap3A_353 : vector<1x1x16xi32> to vector<16xi32>
      %swap3A_355 = vector.shape_cast %get3A_347 : vector<16xi32> to vector<1x1x16xi32>
      tpu.vector_store %arg9[%swap3A_350, %swap3A_351, %swap3A_352], %swap3A_355 {strides = array<i32>} : memref<2x2x128xi32, #tpu.memory_space<vmem>>, vector<1x1x16xi32>,
      %get3A_356 = arith.constant 0 : i32
      %get3A_357 = arith.constant 1 : i32
      %get3A_358 = arith.index_cast %get3A_356 : i32 to index
      %get3A_359 = arith.index_cast %get3A_357 : i32 to index
      %get3A_360 = arith.constant 16 : index
      %get3A_361 = tpu.vector_load %arg8[%get3A_358, %get3A_359, %get3A_360] {strides = array<i32>} : memref<2x2x128xi32, #tpu.memory_space<vmem>>, vector<1x1x16xi32>,
      %get3A_362 = vector.shape_cast %get3A_361 : vector<1x1x16xi32> to vector<16xi32>
      %swap3A_363 = arith.constant 0 : i32
      %swap3A_364 = arith.constant 1 : i32
      %swap3A_365 = arith.index_cast %swap3A_363 : i32 to index
      %swap3A_366 = arith.index_cast %swap3A_364 : i32 to index
      %swap3A_367 = arith.constant 16 : index
      %swap3A_368 = tpu.vector_load %arg9[%swap3A_365, %swap3A_366, %swap3A_367] {strides = array<i32>} : memref<2x2x128xi32, #tpu.memory_space<vmem>>, vector<1x1x16xi32>,
      %swap3A_369 = vector.shape_cast %swap3A_368 : vector<1x1x16xi32> to vector<16xi32>
      %swap3A_370 = vector.shape_cast %get3A_362 : vector<16xi32> to vector<1x1x16xi32>
      tpu.vector_store %arg9[%swap3A_365, %swap3A_366, %swap3A_367], %swap3A_370 {strides = array<i32>} : memref<2x2x128xi32, #tpu.memory_space<vmem>>, vector<1x1x16xi32>,
      %get3A_371 = arith.constant 0 : i32
      %get3A_372 = arith.constant 1 : i32
      %get3A_373 = arith.index_cast %get3A_371 : i32 to index
      %get3A_374 = arith.index_cast %get3A_372 : i32 to index
      %get3A_375 = arith.constant 32 : index
      %get3A_376 = tpu.vector_load %arg8[%get3A_373, %get3A_374, %get3A_375] {strides = array<i32>} : memref<2x2x128xi32, #tpu.memory_space<vmem>>, vector<1x1x16xi32>,
      %get3A_377 = vector.shape_cast %get3A_376 : vector<1x1x16xi32> to vector<16xi32>
      %swap3A_378 = arith.constant 0 : i32
      %swap3A_379 = arith.constant 1 : i32
      %swap3A_380 = arith.index_cast %swap3A_378 : i32 to index
      %swap3A_381 = arith.index_cast %swap3A_379 : i32 to index
      %swap3A_382 = arith.constant 32 : index
      %swap3A_383 = tpu.vector_load %arg9[%swap3A_380, %swap3A_381, %swap3A_382] {strides = array<i32>} : memref<2x2x128xi32, #tpu.memory_space<vmem>>, vector<1x1x16xi32>,
      %swap3A_384 = vector.shape_cast %swap3A_383 : vector<1x1x16xi32> to vector<16xi32>
      %swap3A_385 = vector.shape_cast %get3A_377 : vector<16xi32> to vector<1x1x16xi32>
      tpu.vector_store %arg9[%swap3A_380, %swap3A_381, %swap3A_382], %swap3A_385 {strides = array<i32>} : memref<2x2x128xi32, #tpu.memory_space<vmem>>, vector<1x1x16xi32>,
      %get3A_386 = arith.constant 0 : i32
      %get3A_387 = arith.constant 1 : i32
      %get3A_388 = arith.index_cast %get3A_386 : i32 to index
      %get3A_389 = arith.index_cast %get3A_387 : i32 to index
      %get3A_390 = arith.constant 48 : index
      %get3A_391 = tpu.vector_load %arg8[%get3A_388, %get3A_389, %get3A_390] {strides = array<i32>} : memref<2x2x128xi32, #tpu.memory_space<vmem>>, vector<1x1x16xi32>,
      %get3A_392 = vector.shape_cast %get3A_391 : vector<1x1x16xi32> to vector<16xi32>
      %swap3A_393 = arith.constant 0 : i32
      %swap3A_394 = arith.constant 1 : i32
      %swap3A_395 = arith.index_cast %swap3A_393 : i32 to index
      %swap3A_396 = arith.index_cast %swap3A_394 : i32 to index
      %swap3A_397 = arith.constant 48 : index
      %swap3A_398 = tpu.vector_load %arg9[%swap3A_395, %swap3A_396, %swap3A_397] {strides = array<i32>} : memref<2x2x128xi32, #tpu.memory_space<vmem>>, vector<1x1x16xi32>,
      %swap3A_399 = vector.shape_cast %swap3A_398 : vector<1x1x16xi32> to vector<16xi32>
      %swap3A_400 = vector.shape_cast %get3A_392 : vector<16xi32> to vector<1x1x16xi32>
      tpu.vector_store %arg9[%swap3A_395, %swap3A_396, %swap3A_397], %swap3A_400 {strides = array<i32>} : memref<2x2x128xi32, #tpu.memory_space<vmem>>, vector<1x1x16xi32>,
      %get3A_401 = arith.constant 0 : i32
      %get3A_402 = arith.constant 1 : i32
      %get3A_403 = arith.index_cast %get3A_401 : i32 to index
      %get3A_404 = arith.index_cast %get3A_402 : i32 to index
      %get3A_405 = arith.constant 64 : index
      %get3A_406 = tpu.vector_load %arg8[%get3A_403, %get3A_404, %get3A_405] {strides = array<i32>} : memref<2x2x128xi32, #tpu.memory_space<vmem>>, vector<1x1x16xi32>,
      %get3A_407 = vector.shape_cast %get3A_406 : vector<1x1x16xi32> to vector<16xi32>
      %swap3A_408 = arith.constant 0 : i32
      %swap3A_409 = arith.constant 1 : i32
      %swap3A_410 = arith.index_cast %swap3A_408 : i32 to index
      %swap3A_411 = arith.index_cast %swap3A_409 : i32 to index
      %swap3A_412 = arith.constant 64 : index
      %swap3A_413 = tpu.vector_load %arg9[%swap3A_410, %swap3A_411, %swap3A_412] {strides = array<i32>} : memref<2x2x128xi32, #tpu.memory_space<vmem>>, vector<1x1x16xi32>,
      %swap3A_414 = vector.shape_cast %swap3A_413 : vector<1x1x16xi32> to vector<16xi32>
      %swap3A_415 = vector.shape_cast %get3A_407 : vector<16xi32> to vector<1x1x16xi32>
      tpu.vector_store %arg9[%swap3A_410, %swap3A_411, %swap3A_412], %swap3A_415 {strides = array<i32>} : memref<2x2x128xi32, #tpu.memory_space<vmem>>, vector<1x1x16xi32>,
      %get3A_416 = arith.constant 0 : i32
      %get3A_417 = arith.constant 1 : i32
      %get3A_418 = arith.index_cast %get3A_416 : i32 to index
      %get3A_419 = arith.index_cast %get3A_417 : i32 to index
      %get3A_420 = arith.constant 80 : index
      %get3A_421 = tpu.vector_load %arg8[%get3A_418, %get3A_419, %get3A_420] {strides = array<i32>} : memref<2x2x128xi32, #tpu.memory_space<vmem>>, vector<1x1x16xi32>,
      %get3A_422 = vector.shape_cast %get3A_421 : vector<1x1x16xi32> to vector<16xi32>
      %swap3A_423 = arith.constant 0 : i32
      %swap3A_424 = arith.constant 1 : i32
      %swap3A_425 = arith.index_cast %swap3A_423 : i32 to index
      %swap3A_426 = arith.index_cast %swap3A_424 : i32 to index
      %swap3A_427 = arith.constant 80 : index
      %swap3A_428 = tpu.vector_load %arg9[%swap3A_425, %swap3A_426, %swap3A_427] {strides = array<i32>} : memref<2x2x128xi32, #tpu.memory_space<vmem>>, vector<1x1x16xi32>,
      %swap3A_429 = vector.shape_cast %swap3A_428 : vector<1x1x16xi32> to vector<16xi32>
      %swap3A_430 = vector.shape_cast %get3A_422 : vector<16xi32> to vector<1x1x16xi32>
      tpu.vector_store %arg9[%swap3A_425, %swap3A_426, %swap3A_427], %swap3A_430 {strides = array<i32>} : memref<2x2x128xi32, #tpu.memory_space<vmem>>, vector<1x1x16xi32>,
      %get3A_431 = arith.constant 0 : i32
      %get3A_432 = arith.constant 1 : i32
      %get3A_433 = arith.index_cast %get3A_431 : i32 to index
      %get3A_434 = arith.index_cast %get3A_432 : i32 to index
      %get3A_435 = arith.constant 96 : index
      %get3A_436 = tpu.vector_load %arg8[%get3A_433, %get3A_434, %get3A_435] {strides = array<i32>} : memref<2x2x128xi32, #tpu.memory_space<vmem>>, vector<1x1x16xi32>,
      %get3A_437 = vector.shape_cast %get3A_436 : vector<1x1x16xi32> to vector<16xi32>
      %swap3A_438 = arith.constant 0 : i32
      %swap3A_439 = arith.constant 1 : i32
      %swap3A_440 = arith.index_cast %swap3A_438 : i32 to index
      %swap3A_441 = arith.index_cast %swap3A_439 : i32 to index
      %swap3A_442 = arith.constant 96 : index
      %swap3A_443 = tpu.vector_load %arg9[%swap3A_440, %swap3A_441, %swap3A_442] {strides = array<i32>} : memref<2x2x128xi32, #tpu.memory_space<vmem>>, vector<1x1x16xi32>,
      %swap3A_444 = vector.shape_cast %swap3A_443 : vector<1x1x16xi32> to vector<16xi32>
      %swap3A_445 = vector.shape_cast %get3A_437 : vector<16xi32> to vector<1x1x16xi32>
      tpu.vector_store %arg9[%swap3A_440, %swap3A_441, %swap3A_442], %swap3A_445 {strides = array<i32>} : memref<2x2x128xi32, #tpu.memory_space<vmem>>, vector<1x1x16xi32>,
      %get3A_446 = arith.constant 0 : i32
      %get3A_447 = arith.constant 1 : i32
      %get3A_448 = arith.index_cast %get3A_446 : i32 to index
      %get3A_449 = arith.index_cast %get3A_447 : i32 to index
      %get3A_450 = arith.constant 112 : index
      %get3A_451 = tpu.vector_load %arg8[%get3A_448, %get3A_449, %get3A_450] {strides = array<i32>} : memref<2x2x128xi32, #tpu.memory_space<vmem>>, vector<1x1x16xi32>,
      %get3A_452 = vector.shape_cast %get3A_451 : vector<1x1x16xi32> to vector<16xi32>
      %swap3A_453 = arith.constant 0 : i32
      %swap3A_454 = arith.constant 1 : i32
      %swap3A_455 = arith.index_cast %swap3A_453 : i32 to index
      %swap3A_456 = arith.index_cast %swap3A_454 : i32 to index
      %swap3A_457 = arith.constant 112 : index
      %swap3A_458 = tpu.vector_load %arg9[%swap3A_455, %swap3A_456, %swap3A_457] {strides = array<i32>} : memref<2x2x128xi32, #tpu.memory_space<vmem>>, vector<1x1x16xi32>,
      %swap3A_459 = vector.shape_cast %swap3A_458 : vector<1x1x16xi32> to vector<16xi32>
      %swap3A_460 = vector.shape_cast %get3A_452 : vector<16xi32> to vector<1x1x16xi32>
      tpu.vector_store %arg9[%swap3A_455, %swap3A_456, %swap3A_457], %swap3A_460 {strides = array<i32>} : memref<2x2x128xi32, #tpu.memory_space<vmem>>, vector<1x1x16xi32>,
      %dma_wait3A_461 = arith.constant 0 : i32
      %dma_wait3A_462 = arith.constant 0 : i32
      %dma_wait3A_463 = arith.constant 0 : i32
      %dma_wait3A_464 = arith.constant 0 : i32
      %dma_wait3A_465 = arith.constant 0 : i32
      %dma_wait3A_466 = tpu.memref_slice %arg10[%dma_wait3A_463, %dma_wait3A_464, %dma_wait3A_465] : memref<2x256x32xbf16, #tpu.memory_space<vmem>> -> memref<1x128x32xbf16, #tpu.memory_space<vmem>>
      %dma_wait3A_467 = tpu.memref_squeeze %dma_wait3A_466 : memref<1x128x32xbf16, #tpu.memory_space<vmem>> -> memref<128x32xbf16, #tpu.memory_space<vmem>>
      %dma_wait3A_468 = arith.constant 0 : i32
      %dma_wait3A_469 = tpu.memref_slice %arg7[%dma_wait3A_461, %dma_wait3A_462, %dma_wait3A_468] : memref<2x2x128xi32, #tpu.memory_space<vmem>> -> memref<1x1x128xi32, #tpu.memory_space<vmem>>
      %dma_wait3A_470 = tpu.memref_squeeze %dma_wait3A_469 : memref<1x1x128xi32, #tpu.memory_space<vmem>> -> memref<128xi32, #tpu.memory_space<vmem>>
      %dma_wait3A_471 = arith.constant 0 : i32
      %dma_wait3A_472 = arith.constant 0 : i32
      %dma_wait3A_473 = tpu.memref_slice %arg4[%dma_wait3A_471, %dma_wait3A_472] : memref<100000x32xbf16, #tpu.memory_space<hbm>> -> memref<100000x32xbf16, #tpu.memory_space<hbm>>
      tpu.wait_indirect_dma semaphore(%arg13 : memref<!tpu.dma_semaphore, #tpu.memory_space<semaphore_mem>>) src(%dma_wait3A_473 : memref<100000x32xbf16, #tpu.memory_space<hbm>>) dst(%dma_wait3A_467 : memref<128x32xbf16, #tpu.memory_space<vmem>>)
      %dma_wait3A_474 = arith.constant 0 : i32
      %dma_wait3A_475 = arith.constant 1 : i32
      %dma_wait3A_476 = arith.constant 0 : i32
      %dma_wait3A_477 = arith.constant 128 : i32
      %dma_wait3A_478 = arith.constant 0 : i32
      %dma_wait3A_479 = tpu.memref_slice %arg10[%dma_wait3A_476, %dma_wait3A_477, %dma_wait3A_478] : memref<2x256x32xbf16, #tpu.memory_space<vmem>> -> memref<1x128x32xbf16, #tpu.memory_space<vmem>>
      %dma_wait3A_480 = tpu.memref_squeeze %dma_wait3A_479 : memref<1x128x32xbf16, #tpu.memory_space<vmem>> -> memref<128x32xbf16, #tpu.memory_space<vmem>>
      %dma_wait3A_481 = arith.constant 0 : i32
      %dma_wait3A_482 = tpu.memref_slice %arg7[%dma_wait3A_474, %dma_wait3A_475, %dma_wait3A_481] : memref<2x2x128xi32, #tpu.memory_space<vmem>> -> memref<1x1x128xi32, #tpu.memory_space<vmem>>
      %dma_wait3A_483 = tpu.memref_squeeze %dma_wait3A_482 : memref<1x1x128xi32, #tpu.memory_space<vmem>> -> memref<128xi32, #tpu.memory_space<vmem>>
      %dma_wait3A_484 = arith.constant 0 : i32
      %dma_wait3A_485 = arith.constant 0 : i32
      %dma_wait3A_486 = tpu.memref_slice %arg4[%dma_wait3A_484, %dma_wait3A_485] : memref<100000x32xbf16, #tpu.memory_space<hbm>> -> memref<100000x32xbf16, #tpu.memory_space<hbm>>
      tpu.wait_indirect_dma semaphore(%arg13 : memref<!tpu.dma_semaphore, #tpu.memory_space<semaphore_mem>>) src(%dma_wait3A_486 : memref<100000x32xbf16, #tpu.memory_space<hbm>>) dst(%dma_wait3A_480 : memref<128x32xbf16, #tpu.memory_space<vmem>>)
      %dma_start3A_487 = arith.constant 0 : i32
      %dma_start3A_488 = arith.constant 0 : i32
      %dma_start3A_489 = arith.constant 0 : i32
      %dma_start3A_490 = arith.constant 0 : i32
      %dma_start3A_491 = arith.constant 0 : i32
      %dma_start3A_492 = tpu.memref_slice %arg10[%dma_start3A_487, %dma_start3A_490, %dma_start3A_491] : memref<2x256x32xbf16, #tpu.memory_space<vmem>> -> memref<1x128x32xbf16, #tpu.memory_space<vmem>>
      %dma_start3A_493 = tpu.memref_squeeze %dma_start3A_492 : memref<1x128x32xbf16, #tpu.memory_space<vmem>> -> memref<128x32xbf16, #tpu.memory_space<vmem>>
      %dma_start3A_494 = arith.constant 0 : i32
      %dma_start3A_495 = tpu.memref_slice %arg9[%dma_start3A_488, %dma_start3A_489, %dma_start3A_494] : memref<2x2x128xi32, #tpu.memory_space<vmem>> -> memref<1x1x128xi32, #tpu.memory_space<vmem>>
      %dma_start3A_496 = tpu.memref_squeeze %dma_start3A_495 : memref<1x1x128xi32, #tpu.memory_space<vmem>> -> memref<128xi32, #tpu.memory_space<vmem>>
      %dma_start3A_497 = arith.constant 0 : i32
      %dma_start3A_498 = arith.constant 0 : i32
      %dma_start3A_499 = tpu.memref_slice %arg11[%dma_start3A_497, %dma_start3A_498] : memref<100352x32xbf16, #tpu.memory_space<vmem_shared>> -> memref<100352x32xbf16, #tpu.memory_space<vmem_shared>>
      tpu.enqueue_indirect_dma source(%dma_start3A_493 : memref<128x32xbf16, #tpu.memory_space<vmem>>) target(%dma_start3A_499 : memref<100352x32xbf16, #tpu.memory_space<vmem_shared>>) offsets(%dma_start3A_496 : memref<128xi32, #tpu.memory_space<vmem>>) semaphore(%arg14 : memref<!tpu.dma_semaphore, #tpu.memory_space<semaphore_mem>>) {add = true}
      %dma_start3A_500 = arith.constant 0 : i32
      %dma_start3A_501 = arith.constant 0 : i32
      %dma_start3A_502 = arith.constant 1 : i32
      %dma_start3A_503 = arith.constant 128 : i32
      %dma_start3A_504 = arith.constant 0 : i32
      %dma_start3A_505 = tpu.memref_slice %arg10[%dma_start3A_500, %dma_start3A_503, %dma_start3A_504] : memref<2x256x32xbf16, #tpu.memory_space<vmem>> -> memref<1x128x32xbf16, #tpu.memory_space<vmem>>
      %dma_start3A_506 = tpu.memref_squeeze %dma_start3A_505 : memref<1x128x32xbf16, #tpu.memory_space<vmem>> -> memref<128x32xbf16, #tpu.memory_space<vmem>>
      %dma_start3A_507 = arith.constant 0 : i32
      %dma_start3A_508 = tpu.memref_slice %arg9[%dma_start3A_501, %dma_start3A_502, %dma_start3A_507] : memref<2x2x128xi32, #tpu.memory_space<vmem>> -> memref<1x1x128xi32, #tpu.memory_space<vmem>>
      %dma_start3A_509 = tpu.memref_squeeze %dma_start3A_508 : memref<1x1x128xi32, #tpu.memory_space<vmem>> -> memref<128xi32, #tpu.memory_space<vmem>>
      %dma_start3A_510 = arith.constant 0 : i32
      %dma_start3A_511 = arith.constant 0 : i32
      %dma_start3A_512 = tpu.memref_slice %arg11[%dma_start3A_510, %dma_start3A_511] : memref<100352x32xbf16, #tpu.memory_space<vmem_shared>> -> memref<100352x32xbf16, #tpu.memory_space<vmem_shared>>
      tpu.enqueue_indirect_dma source(%dma_start3A_506 : memref<128x32xbf16, #tpu.memory_space<vmem>>) target(%dma_start3A_512 : memref<100352x32xbf16, #tpu.memory_space<vmem_shared>>) offsets(%dma_start3A_509 : memref<128xi32, #tpu.memory_space<vmem>>) semaphore(%arg14 : memref<!tpu.dma_semaphore, #tpu.memory_space<semaphore_mem>>) {add = true}
      %dma_wait3A_513 = arith.constant 1 : i32
      %dma_wait3A_514 = arith.constant 0 : i32
      %dma_wait3A_515 = arith.constant 0 : i32
      %dma_wait3A_516 = tpu.memref_slice %arg7[%dma_wait3A_513, %dma_wait3A_514, %dma_wait3A_515] : memref<2x2x128xi32, #tpu.memory_space<vmem>> -> memref<1x2x128xi32, #tpu.memory_space<vmem>>
      %dma_wait3A_517 = tpu.memref_squeeze %dma_wait3A_516 : memref<1x2x128xi32, #tpu.memory_space<vmem>> -> memref<2x128xi32, #tpu.memory_space<vmem>>
      %dma_wait3A_518 = arith.constant 0 : i32
      %dma_wait3A_519 = tpu.memref_slice %arg2[%add3A_142, %dma_wait3A_518] : memref<12500x128xi32, #tpu.memory_space<hbm>> -> memref<2x128xi32, #tpu.memory_space<hbm>>
      %dma_wait3A_520 = arith.constant 0 : i32
      %dma_wait3A_521 = arith.constant 0 : i32
      %dma_wait3A_522 = tpu.memref_slice %arg7[%dma_wait3A_513, %dma_wait3A_520, %dma_wait3A_521] : memref<2x2x128xi32, #tpu.memory_space<vmem>> -> memref<1x2x128xi32, #tpu.memory_space<vmem>>
      %dma_wait3A_523 = tpu.memref_squeeze %dma_wait3A_522 : memref<1x2x128xi32, #tpu.memory_space<vmem>> -> memref<2x128xi32, #tpu.memory_space<vmem>>
      %dma_wait3A_524 = arith.constant 0 : i32
      %dma_wait3A_525 = tpu.memref_slice %arg2[%add3A_142, %dma_wait3A_524] : memref<12500x128xi32, #tpu.memory_space<hbm>> -> memref<2x128xi32, #tpu.memory_space<hbm>>
      tpu.wait_dma2 semaphore(%arg12 : memref<!tpu.dma_semaphore, #tpu.memory_space<semaphore_mem>>) src(%dma_wait3A_525 : memref<2x128xi32, #tpu.memory_space<hbm>>) dst(%dma_wait3A_523 : memref<2x128xi32, #tpu.memory_space<vmem>>)
      %dma_wait3A_526 = arith.constant 1 : i32
      %dma_wait3A_527 = arith.constant 0 : i32
      %dma_wait3A_528 = arith.constant 0 : i32
      %dma_wait3A_529 = tpu.memref_slice %arg8[%dma_wait3A_526, %dma_wait3A_527, %dma_wait3A_528] : memref<2x2x128xi32, #tpu.memory_space<vmem>> -> memref<1x2x128xi32, #tpu.memory_space<vmem>>
      %dma_wait3A_530 = tpu.memref_squeeze %dma_wait3A_529 : memref<1x2x128xi32, #tpu.memory_space<vmem>> -> memref<2x128xi32, #tpu.memory_space<vmem>>
      %dma_wait3A_531 = arith.constant 0 : i32
      %dma_wait3A_532 = tpu.memref_slice %arg3[%add3A_142, %dma_wait3A_531] : memref<12500x128xi32, #tpu.memory_space<hbm>> -> memref<2x128xi32, #tpu.memory_space<hbm>>
      %dma_wait3A_533 = arith.constant 0 : i32
      %dma_wait3A_534 = arith.constant 0 : i32
      %dma_wait3A_535 = tpu.memref_slice %arg8[%dma_wait3A_526, %dma_wait3A_533, %dma_wait3A_534] : memref<2x2x128xi32, #tpu.memory_space<vmem>> -> memref<1x2x128xi32, #tpu.memory_space<vmem>>
      %dma_wait3A_536 = tpu.memref_squeeze %dma_wait3A_535 : memref<1x2x128xi32, #tpu.memory_space<vmem>> -> memref<2x128xi32, #tpu.memory_space<vmem>>
      %dma_wait3A_537 = arith.constant 0 : i32
      %dma_wait3A_538 = tpu.memref_slice %arg3[%add3A_142, %dma_wait3A_537] : memref<12500x128xi32, #tpu.memory_space<hbm>> -> memref<2x128xi32, #tpu.memory_space<hbm>>
      tpu.wait_dma2 semaphore(%arg12 : memref<!tpu.dma_semaphore, #tpu.memory_space<semaphore_mem>>) src(%dma_wait3A_538 : memref<2x128xi32, #tpu.memory_space<hbm>>) dst(%dma_wait3A_536 : memref<2x128xi32, #tpu.memory_space<vmem>>)
      %sub3A = arith.constant 1 : i32
      %sub3A_539 = arith.subi %select_n3A_22, %sub3A : i32
      %lt3A_540 = arith.cmpi slt, %while3A_134, %sub3A_539 : i32
      %convert_element_type3A_541 = arith.extui %lt3A_540 : i1 to i32
      %cond3A_542 = arith.constant 0 : i32
      %cond3A_543 = arith.cmpi ne, %convert_element_type3A_541, %cond3A_542 : i32
      scf.if %cond3A_543 {
        %add3A_868 = arith.constant 2 : i32
        %add3A_869 = arith.addi %add3A_142, %add3A_868 : i32
        %dma_start3A_870 = arith.constant 0 : i32
        %dma_start3A_871 = arith.constant 0 : i32
        %dma_start3A_872 = arith.constant 0 : i32
        %dma_start3A_873 = tpu.memref_slice %arg7[%dma_start3A_870, %dma_start3A_871, %dma_start3A_872] : memref<2x2x128xi32, #tpu.memory_space<vmem>> -> memref<1x2x128xi32, #tpu.memory_space<vmem>>
        %dma_start3A_874 = tpu.memref_squeeze %dma_start3A_873 : memref<1x2x128xi32, #tpu.memory_space<vmem>> -> memref<2x128xi32, #tpu.memory_space<vmem>>
        %dma_start3A_875 = arith.constant 0 : i32
        %dma_start3A_876 = tpu.memref_slice %arg2[%add3A_869, %dma_start3A_875] : memref<12500x128xi32, #tpu.memory_space<hbm>> -> memref<2x128xi32, #tpu.memory_space<hbm>>
        %dma_start3A_877 = arith.constant 0 : i32
        %dma_start3A_878 = arith.constant 0 : i32
        %dma_start3A_879 = tpu.memref_slice %arg7[%dma_start3A_870, %dma_start3A_877, %dma_start3A_878] : memref<2x2x128xi32, #tpu.memory_space<vmem>> -> memref<1x2x128xi32, #tpu.memory_space<vmem>>
        %dma_start3A_880 = tpu.memref_squeeze %dma_start3A_879 : memref<1x2x128xi32, #tpu.memory_space<vmem>> -> memref<2x128xi32, #tpu.memory_space<vmem>>
        %dma_start3A_881 = arith.constant 0 : i32
        %dma_start3A_882 = tpu.memref_slice %arg2[%add3A_869, %dma_start3A_881] : memref<12500x128xi32, #tpu.memory_space<hbm>> -> memref<2x128xi32, #tpu.memory_space<hbm>>
        tpu.enqueue_dma source(%dma_start3A_882 : memref<2x128xi32, #tpu.memory_space<hbm>>) target(%dma_start3A_880 : memref<2x128xi32, #tpu.memory_space<vmem>>) target_semaphore(%arg12 : memref<!tpu.dma_semaphore, #tpu.memory_space<semaphore_mem>>)
        %dma_start3A_883 = arith.constant 0 : i32
        %dma_start3A_884 = arith.constant 0 : i32
        %dma_start3A_885 = arith.constant 0 : i32
        %dma_start3A_886 = tpu.memref_slice %arg8[%dma_start3A_883, %dma_start3A_884, %dma_start3A_885] : memref<2x2x128xi32, #tpu.memory_space<vmem>> -> memref<1x2x128xi32, #tpu.memory_space<vmem>>
        %dma_start3A_887 = tpu.memref_squeeze %dma_start3A_886 : memref<1x2x128xi32, #tpu.memory_space<vmem>> -> memref<2x128xi32, #tpu.memory_space<vmem>>
        %dma_start3A_888 = arith.constant 0 : i32
        %dma_start3A_889 = tpu.memref_slice %arg3[%add3A_869, %dma_start3A_888] : memref<12500x128xi32, #tpu.memory_space<hbm>> -> memref<2x128xi32, #tpu.memory_space<hbm>>
        %dma_start3A_890 = arith.constant 0 : i32
        %dma_start3A_891 = arith.constant 0 : i32
        %dma_start3A_892 = tpu.memref_slice %arg8[%dma_start3A_883, %dma_start3A_890, %dma_start3A_891] : memref<2x2x128xi32, #tpu.memory_space<vmem>> -> memref<1x2x128xi32, #tpu.memory_space<vmem>>
        %dma_start3A_893 = tpu.memref_squeeze %dma_start3A_892 : memref<1x2x128xi32, #tpu.memory_space<vmem>> -> memref<2x128xi32, #tpu.memory_space<vmem>>
        %dma_start3A_894 = arith.constant 0 : i32
        %dma_start3A_895 = tpu.memref_slice %arg3[%add3A_869, %dma_start3A_894] : memref<12500x128xi32, #tpu.memory_space<hbm>> -> memref<2x128xi32, #tpu.memory_space<hbm>>
        tpu.enqueue_dma source(%dma_start3A_895 : memref<2x128xi32, #tpu.memory_space<hbm>>) target(%dma_start3A_893 : memref<2x128xi32, #tpu.memory_space<vmem>>) target_semaphore(%arg12 : memref<!tpu.dma_semaphore, #tpu.memory_space<semaphore_mem>>)
      } else {
      }
      %ge3A_544 = arith.constant 1 : i32
      %ge3A_545 = arith.cmpi sge, %while3A_134, %ge3A_544 : i32
      %convert_element_type3A_546 = arith.extui %ge3A_545 : i1 to i32
      %cond3A_547 = arith.constant 0 : i32
      %cond3A_548 = arith.cmpi ne, %convert_element_type3A_546, %cond3A_547 : i32
      scf.if %cond3A_548 {
        %dma_wait3A_868 = arith.constant 1 : i32
        %dma_wait3A_869 = arith.constant 1 : i32
        %dma_wait3A_870 = arith.constant 0 : i32
        %dma_wait3A_871 = arith.constant 0 : i32
        %dma_wait3A_872 = arith.constant 0 : i32
        %dma_wait3A_873 = tpu.memref_slice %arg10[%dma_wait3A_868, %dma_wait3A_871, %dma_wait3A_872] : memref<2x256x32xbf16, #tpu.memory_space<vmem>> -> memref<1x128x32xbf16, #tpu.memory_space<vmem>>
        %dma_wait3A_874 = tpu.memref_squeeze %dma_wait3A_873 : memref<1x128x32xbf16, #tpu.memory_space<vmem>> -> memref<128x32xbf16, #tpu.memory_space<vmem>>
        %dma_wait3A_875 = arith.constant 0 : i32
        %dma_wait3A_876 = tpu.memref_slice %arg9[%dma_wait3A_869, %dma_wait3A_870, %dma_wait3A_875] : memref<2x2x128xi32, #tpu.memory_space<vmem>> -> memref<1x1x128xi32, #tpu.memory_space<vmem>>
        %dma_wait3A_877 = tpu.memref_squeeze %dma_wait3A_876 : memref<1x1x128xi32, #tpu.memory_space<vmem>> -> memref<128xi32, #tpu.memory_space<vmem>>
        %dma_wait3A_878 = arith.constant 0 : i32
        %dma_wait3A_879 = arith.constant 0 : i32
        %dma_wait3A_880 = tpu.memref_slice %arg11[%dma_wait3A_878, %dma_wait3A_879] : memref<100352x32xbf16, #tpu.memory_space<vmem_shared>> -> memref<100352x32xbf16, #tpu.memory_space<vmem_shared>>
        tpu.wait_indirect_dma semaphore(%arg15 : memref<!tpu.dma_semaphore, #tpu.memory_space<semaphore_mem>>) src(%dma_wait3A_874 : memref<128x32xbf16, #tpu.memory_space<vmem>>) dst(%dma_wait3A_880 : memref<100352x32xbf16, #tpu.memory_space<vmem_shared>>)
        %dma_wait3A_881 = arith.constant 1 : i32
        %dma_wait3A_882 = arith.constant 1 : i32
        %dma_wait3A_883 = arith.constant 1 : i32
        %dma_wait3A_884 = arith.constant 128 : i32
        %dma_wait3A_885 = arith.constant 0 : i32
        %dma_wait3A_886 = tpu.memref_slice %arg10[%dma_wait3A_881, %dma_wait3A_884, %dma_wait3A_885] : memref<2x256x32xbf16, #tpu.memory_space<vmem>> -> memref<1x128x32xbf16, #tpu.memory_space<vmem>>
        %dma_wait3A_887 = tpu.memref_squeeze %dma_wait3A_886 : memref<1x128x32xbf16, #tpu.memory_space<vmem>> -> memref<128x32xbf16, #tpu.memory_space<vmem>>
        %dma_wait3A_888 = arith.constant 0 : i32
        %dma_wait3A_889 = tpu.memref_slice %arg9[%dma_wait3A_882, %dma_wait3A_883, %dma_wait3A_888] : memref<2x2x128xi32, #tpu.memory_space<vmem>> -> memref<1x1x128xi32, #tpu.memory_space<vmem>>
        %dma_wait3A_890 = tpu.memref_squeeze %dma_wait3A_889 : memref<1x1x128xi32, #tpu.memory_space<vmem>> -> memref<128xi32, #tpu.memory_space<vmem>>
        %dma_wait3A_891 = arith.constant 0 : i32
        %dma_wait3A_892 = arith.constant 0 : i32
        %dma_wait3A_893 = tpu.memref_slice %arg11[%dma_wait3A_891, %dma_wait3A_892] : memref<100352x32xbf16, #tpu.memory_space<vmem_shared>> -> memref<100352x32xbf16, #tpu.memory_space<vmem_shared>>
        tpu.wait_indirect_dma semaphore(%arg15 : memref<!tpu.dma_semaphore, #tpu.memory_space<semaphore_mem>>) src(%dma_wait3A_887 : memref<128x32xbf16, #tpu.memory_space<vmem>>) dst(%dma_wait3A_893 : memref<100352x32xbf16, #tpu.memory_space<vmem_shared>>)
      } else {
      }
      %dma_start3A_549 = arith.constant 1 : i32
      %dma_start3A_550 = arith.constant 0 : i32
      %dma_start3A_551 = arith.constant 1 : i32
      %dma_start3A_552 = arith.constant 0 : i32
      %dma_start3A_553 = arith.constant 0 : i32
      %dma_start3A_554 = tpu.memref_slice %arg10[%dma_start3A_551, %dma_start3A_552, %dma_start3A_553] : memref<2x256x32xbf16, #tpu.memory_space<vmem>> -> memref<1x128x32xbf16, #tpu.memory_space<vmem>>
      %dma_start3A_555 = tpu.memref_squeeze %dma_start3A_554 : memref<1x128x32xbf16, #tpu.memory_space<vmem>> -> memref<128x32xbf16, #tpu.memory_space<vmem>>
      %dma_start3A_556 = arith.constant 0 : i32
      %dma_start3A_557 = tpu.memref_slice %arg7[%dma_start3A_549, %dma_start3A_550, %dma_start3A_556] : memref<2x2x128xi32, #tpu.memory_space<vmem>> -> memref<1x1x128xi32, #tpu.memory_space<vmem>>
      %dma_start3A_558 = tpu.memref_squeeze %dma_start3A_557 : memref<1x1x128xi32, #tpu.memory_space<vmem>> -> memref<128xi32, #tpu.memory_space<vmem>>
      %dma_start3A_559 = arith.constant 0 : i32
      %dma_start3A_560 = arith.constant 0 : i32
      %dma_start3A_561 = tpu.memref_slice %arg4[%dma_start3A_559, %dma_start3A_560] : memref<100000x32xbf16, #tpu.memory_space<hbm>> -> memref<100000x32xbf16, #tpu.memory_space<hbm>>
      tpu.enqueue_indirect_dma source(%dma_start3A_561 : memref<100000x32xbf16, #tpu.memory_space<hbm>>) target(%dma_start3A_555 : memref<128x32xbf16, #tpu.memory_space<vmem>>) offsets(%dma_start3A_558 : memref<128xi32, #tpu.memory_space<vmem>>) semaphore(%arg13 : memref<!tpu.dma_semaphore, #tpu.memory_space<semaphore_mem>>)
      %dma_start3A_562 = arith.constant 1 : i32
      %dma_start3A_563 = arith.constant 1 : i32
      %dma_start3A_564 = arith.constant 1 : i32
      %dma_start3A_565 = arith.constant 128 : i32
      %dma_start3A_566 = arith.constant 0 : i32
      %dma_start3A_567 = tpu.memref_slice %arg10[%dma_start3A_564, %dma_start3A_565, %dma_start3A_566] : memref<2x256x32xbf16, #tpu.memory_space<vmem>> -> memref<1x128x32xbf16, #tpu.memory_space<vmem>>
      %dma_start3A_568 = tpu.memref_squeeze %dma_start3A_567 : memref<1x128x32xbf16, #tpu.memory_space<vmem>> -> memref<128x32xbf16, #tpu.memory_space<vmem>>
      %dma_start3A_569 = arith.constant 0 : i32
      %dma_start3A_570 = tpu.memref_slice %arg7[%dma_start3A_562, %dma_start3A_563, %dma_start3A_569] : memref<2x2x128xi32, #tpu.memory_space<vmem>> -> memref<1x1x128xi32, #tpu.memory_space<vmem>>
      %dma_start3A_571 = tpu.memref_squeeze %dma_start3A_570 : memref<1x1x128xi32, #tpu.memory_space<vmem>> -> memref<128xi32, #tpu.memory_space<vmem>>
      %dma_start3A_572 = arith.constant 0 : i32
      %dma_start3A_573 = arith.constant 0 : i32
      %dma_start3A_574 = tpu.memref_slice %arg4[%dma_start3A_572, %dma_start3A_573] : memref<100000x32xbf16, #tpu.memory_space<hbm>> -> memref<100000x32xbf16, #tpu.memory_space<hbm>>
      tpu.enqueue_indirect_dma source(%dma_start3A_574 : memref<100000x32xbf16, #tpu.memory_space<hbm>>) target(%dma_start3A_568 : memref<128x32xbf16, #tpu.memory_space<vmem>>) offsets(%dma_start3A_571 : memref<128xi32, #tpu.memory_space<vmem>>) semaphore(%arg13 : memref<!tpu.dma_semaphore, #tpu.memory_space<semaphore_mem>>)
      %get3A_575 = arith.constant 1 : i32
      %get3A_576 = arith.constant 0 : i32
      %get3A_577 = arith.index_cast %get3A_575 : i32 to index
      %get3A_578 = arith.index_cast %get3A_576 : i32 to index
      %get3A_579 = arith.constant 0 : index
      %get3A_580 = tpu.vector_load %arg8[%get3A_577, %get3A_578, %get3A_579] {strides = array<i32>} : memref<2x2x128xi32, #tpu.memory_space<vmem>>, vector<1x1x16xi32>,
      %get3A_581 = vector.shape_cast %get3A_580 : vector<1x1x16xi32> to vector<16xi32>
      %swap3A_582 = arith.constant 1 : i32
      %swap3A_583 = arith.constant 0 : i32
      %swap3A_584 = arith.index_cast %swap3A_582 : i32 to index
      %swap3A_585 = arith.index_cast %swap3A_583 : i32 to index
      %swap3A_586 = arith.constant 0 : index
      %swap3A_587 = tpu.vector_load %arg9[%swap3A_584, %swap3A_585, %swap3A_586] {strides = array<i32>} : memref<2x2x128xi32, #tpu.memory_space<vmem>>, vector<1x1x16xi32>,
      %swap3A_588 = vector.shape_cast %swap3A_587 : vector<1x1x16xi32> to vector<16xi32>
      %swap3A_589 = vector.shape_cast %get3A_581 : vector<16xi32> to vector<1x1x16xi32>
      tpu.vector_store %arg9[%swap3A_584, %swap3A_585, %swap3A_586], %swap3A_589 {strides = array<i32>} : memref<2x2x128xi32, #tpu.memory_space<vmem>>, vector<1x1x16xi32>,
      %get3A_590 = arith.constant 1 : i32
      %get3A_591 = arith.constant 0 : i32
      %get3A_592 = arith.index_cast %get3A_590 : i32 to index
      %get3A_593 = arith.index_cast %get3A_591 : i32 to index
      %get3A_594 = arith.constant 16 : index
      %get3A_595 = tpu.vector_load %arg8[%get3A_592, %get3A_593, %get3A_594] {strides = array<i32>} : memref<2x2x128xi32, #tpu.memory_space<vmem>>, vector<1x1x16xi32>,
      %get3A_596 = vector.shape_cast %get3A_595 : vector<1x1x16xi32> to vector<16xi32>
      %swap3A_597 = arith.constant 1 : i32
      %swap3A_598 = arith.constant 0 : i32
      %swap3A_599 = arith.index_cast %swap3A_597 : i32 to index
      %swap3A_600 = arith.index_cast %swap3A_598 : i32 to index
      %swap3A_601 = arith.constant 16 : index
      %swap3A_602 = tpu.vector_load %arg9[%swap3A_599, %swap3A_600, %swap3A_601] {strides = array<i32>} : memref<2x2x128xi32, #tpu.memory_space<vmem>>, vector<1x1x16xi32>,
      %swap3A_603 = vector.shape_cast %swap3A_602 : vector<1x1x16xi32> to vector<16xi32>
      %swap3A_604 = vector.shape_cast %get3A_596 : vector<16xi32> to vector<1x1x16xi32>
      tpu.vector_store %arg9[%swap3A_599, %swap3A_600, %swap3A_601], %swap3A_604 {strides = array<i32>} : memref<2x2x128xi32, #tpu.memory_space<vmem>>, vector<1x1x16xi32>,
      %get3A_605 = arith.constant 1 : i32
      %get3A_606 = arith.constant 0 : i32
      %get3A_607 = arith.index_cast %get3A_605 : i32 to index
      %get3A_608 = arith.index_cast %get3A_606 : i32 to index
      %get3A_609 = arith.constant 32 : index
      %get3A_610 = tpu.vector_load %arg8[%get3A_607, %get3A_608, %get3A_609] {strides = array<i32>} : memref<2x2x128xi32, #tpu.memory_space<vmem>>, vector<1x1x16xi32>,
      %get3A_611 = vector.shape_cast %get3A_610 : vector<1x1x16xi32> to vector<16xi32>
      %swap3A_612 = arith.constant 1 : i32
      %swap3A_613 = arith.constant 0 : i32
      %swap3A_614 = arith.index_cast %swap3A_612 : i32 to index
      %swap3A_615 = arith.index_cast %swap3A_613 : i32 to index
      %swap3A_616 = arith.constant 32 : index
      %swap3A_617 = tpu.vector_load %arg9[%swap3A_614, %swap3A_615, %swap3A_616] {strides = array<i32>} : memref<2x2x128xi32, #tpu.memory_space<vmem>>, vector<1x1x16xi32>,
      %swap3A_618 = vector.shape_cast %swap3A_617 : vector<1x1x16xi32> to vector<16xi32>
      %swap3A_619 = vector.shape_cast %get3A_611 : vector<16xi32> to vector<1x1x16xi32>
      tpu.vector_store %arg9[%swap3A_614, %swap3A_615, %swap3A_616], %swap3A_619 {strides = array<i32>} : memref<2x2x128xi32, #tpu.memory_space<vmem>>, vector<1x1x16xi32>,
      %get3A_620 = arith.constant 1 : i32
      %get3A_621 = arith.constant 0 : i32
      %get3A_622 = arith.index_cast %get3A_620 : i32 to index
      %get3A_623 = arith.index_cast %get3A_621 : i32 to index
      %get3A_624 = arith.constant 48 : index
      %get3A_625 = tpu.vector_load %arg8[%get3A_622, %get3A_623, %get3A_624] {strides = array<i32>} : memref<2x2x128xi32, #tpu.memory_space<vmem>>, vector<1x1x16xi32>,
      %get3A_626 = vector.shape_cast %get3A_625 : vector<1x1x16xi32> to vector<16xi32>
      %swap3A_627 = arith.constant 1 : i32
      %swap3A_628 = arith.constant 0 : i32
      %swap3A_629 = arith.index_cast %swap3A_627 : i32 to index
      %swap3A_630 = arith.index_cast %swap3A_628 : i32 to index
      %swap3A_631 = arith.constant 48 : index
      %swap3A_632 = tpu.vector_load %arg9[%swap3A_629, %swap3A_630, %swap3A_631] {strides = array<i32>} : memref<2x2x128xi32, #tpu.memory_space<vmem>>, vector<1x1x16xi32>,
      %swap3A_633 = vector.shape_cast %swap3A_632 : vector<1x1x16xi32> to vector<16xi32>
      %swap3A_634 = vector.shape_cast %get3A_626 : vector<16xi32> to vector<1x1x16xi32>
      tpu.vector_store %arg9[%swap3A_629, %swap3A_630, %swap3A_631], %swap3A_634 {strides = array<i32>} : memref<2x2x128xi32, #tpu.memory_space<vmem>>, vector<1x1x16xi32>,
      %get3A_635 = arith.constant 1 : i32
      %get3A_636 = arith.constant 0 : i32
      %get3A_637 = arith.index_cast %get3A_635 : i32 to index
      %get3A_638 = arith.index_cast %get3A_636 : i32 to index
      %get3A_639 = arith.constant 64 : index
      %get3A_640 = tpu.vector_load %arg8[%get3A_637, %get3A_638, %get3A_639] {strides = array<i32>} : memref<2x2x128xi32, #tpu.memory_space<vmem>>, vector<1x1x16xi32>,
      %get3A_641 = vector.shape_cast %get3A_640 : vector<1x1x16xi32> to vector<16xi32>
      %swap3A_642 = arith.constant 1 : i32
      %swap3A_643 = arith.constant 0 : i32
      %swap3A_644 = arith.index_cast %swap3A_642 : i32 to index
      %swap3A_645 = arith.index_cast %swap3A_643 : i32 to index
      %swap3A_646 = arith.constant 64 : index
      %swap3A_647 = tpu.vector_load %arg9[%swap3A_644, %swap3A_645, %swap3A_646] {strides = array<i32>} : memref<2x2x128xi32, #tpu.memory_space<vmem>>, vector<1x1x16xi32>,
      %swap3A_648 = vector.shape_cast %swap3A_647 : vector<1x1x16xi32> to vector<16xi32>
      %swap3A_649 = vector.shape_cast %get3A_641 : vector<16xi32> to vector<1x1x16xi32>
      tpu.vector_store %arg9[%swap3A_644, %swap3A_645, %swap3A_646], %swap3A_649 {strides = array<i32>} : memref<2x2x128xi32, #tpu.memory_space<vmem>>, vector<1x1x16xi32>,
      %get3A_650 = arith.constant 1 : i32
      %get3A_651 = arith.constant 0 : i32
      %get3A_652 = arith.index_cast %get3A_650 : i32 to index
      %get3A_653 = arith.index_cast %get3A_651 : i32 to index
      %get3A_654 = arith.constant 80 : index
      %get3A_655 = tpu.vector_load %arg8[%get3A_652, %get3A_653, %get3A_654] {strides = array<i32>} : memref<2x2x128xi32, #tpu.memory_space<vmem>>, vector<1x1x16xi32>,
      %get3A_656 = vector.shape_cast %get3A_655 : vector<1x1x16xi32> to vector<16xi32>
      %swap3A_657 = arith.constant 1 : i32
      %swap3A_658 = arith.constant 0 : i32
      %swap3A_659 = arith.index_cast %swap3A_657 : i32 to index
      %swap3A_660 = arith.index_cast %swap3A_658 : i32 to index
      %swap3A_661 = arith.constant 80 : index
      %swap3A_662 = tpu.vector_load %arg9[%swap3A_659, %swap3A_660, %swap3A_661] {strides = array<i32>} : memref<2x2x128xi32, #tpu.memory_space<vmem>>, vector<1x1x16xi32>,
      %swap3A_663 = vector.shape_cast %swap3A_662 : vector<1x1x16xi32> to vector<16xi32>
      %swap3A_664 = vector.shape_cast %get3A_656 : vector<16xi32> to vector<1x1x16xi32>
      tpu.vector_store %arg9[%swap3A_659, %swap3A_660, %swap3A_661], %swap3A_664 {strides = array<i32>} : memref<2x2x128xi32, #tpu.memory_space<vmem>>, vector<1x1x16xi32>,
      %get3A_665 = arith.constant 1 : i32
      %get3A_666 = arith.constant 0 : i32
      %get3A_667 = arith.index_cast %get3A_665 : i32 to index
      %get3A_668 = arith.index_cast %get3A_666 : i32 to index
      %get3A_669 = arith.constant 96 : index
      %get3A_670 = tpu.vector_load %arg8[%get3A_667, %get3A_668, %get3A_669] {strides = array<i32>} : memref<2x2x128xi32, #tpu.memory_space<vmem>>, vector<1x1x16xi32>,
      %get3A_671 = vector.shape_cast %get3A_670 : vector<1x1x16xi32> to vector<16xi32>
      %swap3A_672 = arith.constant 1 : i32
      %swap3A_673 = arith.constant 0 : i32
      %swap3A_674 = arith.index_cast %swap3A_672 : i32 to index
      %swap3A_675 = arith.index_cast %swap3A_673 : i32 to index
      %swap3A_676 = arith.constant 96 : index
      %swap3A_677 = tpu.vector_load %arg9[%swap3A_674, %swap3A_675, %swap3A_676] {strides = array<i32>} : memref<2x2x128xi32, #tpu.memory_space<vmem>>, vector<1x1x16xi32>,
      %swap3A_678 = vector.shape_cast %swap3A_677 : vector<1x1x16xi32> to vector<16xi32>
      %swap3A_679 = vector.shape_cast %get3A_671 : vector<16xi32> to vector<1x1x16xi32>
      tpu.vector_store %arg9[%swap3A_674, %swap3A_675, %swap3A_676], %swap3A_679 {strides = array<i32>} : memref<2x2x128xi32, #tpu.memory_space<vmem>>, vector<1x1x16xi32>,
      %get3A_680 = arith.constant 1 : i32
      %get3A_681 = arith.constant 0 : i32
      %get3A_682 = arith.index_cast %get3A_680 : i32 to index
      %get3A_683 = arith.index_cast %get3A_681 : i32 to index
      %get3A_684 = arith.constant 112 : index
      %get3A_685 = tpu.vector_load %arg8[%get3A_682, %get3A_683, %get3A_684] {strides = array<i32>} : memref<2x2x128xi32, #tpu.memory_space<vmem>>, vector<1x1x16xi32>,
      %get3A_686 = vector.shape_cast %get3A_685 : vector<1x1x16xi32> to vector<16xi32>
      %swap3A_687 = arith.constant 1 : i32
      %swap3A_688 = arith.constant 0 : i32
      %swap3A_689 = arith.index_cast %swap3A_687 : i32 to index
      %swap3A_690 = arith.index_cast %swap3A_688 : i32 to index
      %swap3A_691 = arith.constant 112 : index
      %swap3A_692 = tpu.vector_load %arg9[%swap3A_689, %swap3A_690, %swap3A_691] {strides = array<i32>} : memref<2x2x128xi32, #tpu.memory_space<vmem>>, vector<1x1x16xi32>,
      %swap3A_693 = vector.shape_cast %swap3A_692 : vector<1x1x16xi32> to vector<16xi32>
      %swap3A_694 = vector.shape_cast %get3A_686 : vector<16xi32> to vector<1x1x16xi32>
      tpu.vector_store %arg9[%swap3A_689, %swap3A_690, %swap3A_691], %swap3A_694 {strides = array<i32>} : memref<2x2x128xi32, #tpu.memory_space<vmem>>, vector<1x1x16xi32>,
      %get3A_695 = arith.constant 1 : i32
      %get3A_696 = arith.constant 1 : i32
      %get3A_697 = arith.index_cast %get3A_695 : i32 to index
      %get3A_698 = arith.index_cast %get3A_696 : i32 to index
      %get3A_699 = arith.constant 0 : index
      %get3A_700 = tpu.vector_load %arg8[%get3A_697, %get3A_698, %get3A_699] {strides = array<i32>} : memref<2x2x128xi32, #tpu.memory_space<vmem>>, vector<1x1x16xi32>,
      %get3A_701 = vector.shape_cast %get3A_700 : vector<1x1x16xi32> to vector<16xi32>
      %swap3A_702 = arith.constant 1 : i32
      %swap3A_703 = arith.constant 1 : i32
      %swap3A_704 = arith.index_cast %swap3A_702 : i32 to index
      %swap3A_705 = arith.index_cast %swap3A_703 : i32 to index
      %swap3A_706 = arith.constant 0 : index
      %swap3A_707 = tpu.vector_load %arg9[%swap3A_704, %swap3A_705, %swap3A_706] {strides = array<i32>} : memref<2x2x128xi32, #tpu.memory_space<vmem>>, vector<1x1x16xi32>,
      %swap3A_708 = vector.shape_cast %swap3A_707 : vector<1x1x16xi32> to vector<16xi32>
      %swap3A_709 = vector.shape_cast %get3A_701 : vector<16xi32> to vector<1x1x16xi32>
      tpu.vector_store %arg9[%swap3A_704, %swap3A_705, %swap3A_706], %swap3A_709 {strides = array<i32>} : memref<2x2x128xi32, #tpu.memory_space<vmem>>, vector<1x1x16xi32>,
      %get3A_710 = arith.constant 1 : i32
      %get3A_711 = arith.constant 1 : i32
      %get3A_712 = arith.index_cast %get3A_710 : i32 to index
      %get3A_713 = arith.index_cast %get3A_711 : i32 to index
      %get3A_714 = arith.constant 16 : index
      %get3A_715 = tpu.vector_load %arg8[%get3A_712, %get3A_713, %get3A_714] {strides = array<i32>} : memref<2x2x128xi32, #tpu.memory_space<vmem>>, vector<1x1x16xi32>,
      %get3A_716 = vector.shape_cast %get3A_715 : vector<1x1x16xi32> to vector<16xi32>
      %swap3A_717 = arith.constant 1 : i32
      %swap3A_718 = arith.constant 1 : i32
      %swap3A_719 = arith.index_cast %swap3A_717 : i32 to index
      %swap3A_720 = arith.index_cast %swap3A_718 : i32 to index
      %swap3A_721 = arith.constant 16 : index
      %swap3A_722 = tpu.vector_load %arg9[%swap3A_719, %swap3A_720, %swap3A_721] {strides = array<i32>} : memref<2x2x128xi32, #tpu.memory_space<vmem>>, vector<1x1x16xi32>,
      %swap3A_723 = vector.shape_cast %swap3A_722 : vector<1x1x16xi32> to vector<16xi32>
      %swap3A_724 = vector.shape_cast %get3A_716 : vector<16xi32> to vector<1x1x16xi32>
      tpu.vector_store %arg9[%swap3A_719, %swap3A_720, %swap3A_721], %swap3A_724 {strides = array<i32>} : memref<2x2x128xi32, #tpu.memory_space<vmem>>, vector<1x1x16xi32>,
      %get3A_725 = arith.constant 1 : i32
      %get3A_726 = arith.constant 1 : i32
      %get3A_727 = arith.index_cast %get3A_725 : i32 to index
      %get3A_728 = arith.index_cast %get3A_726 : i32 to index
      %get3A_729 = arith.constant 32 : index
      %get3A_730 = tpu.vector_load %arg8[%get3A_727, %get3A_728, %get3A_729] {strides = array<i32>} : memref<2x2x128xi32, #tpu.memory_space<vmem>>, vector<1x1x16xi32>,
      %get3A_731 = vector.shape_cast %get3A_730 : vector<1x1x16xi32> to vector<16xi32>
      %swap3A_732 = arith.constant 1 : i32
      %swap3A_733 = arith.constant 1 : i32
      %swap3A_734 = arith.index_cast %swap3A_732 : i32 to index
      %swap3A_735 = arith.index_cast %swap3A_733 : i32 to index
      %swap3A_736 = arith.constant 32 : index
      %swap3A_737 = tpu.vector_load %arg9[%swap3A_734, %swap3A_735, %swap3A_736] {strides = array<i32>} : memref<2x2x128xi32, #tpu.memory_space<vmem>>, vector<1x1x16xi32>,
      %swap3A_738 = vector.shape_cast %swap3A_737 : vector<1x1x16xi32> to vector<16xi32>
      %swap3A_739 = vector.shape_cast %get3A_731 : vector<16xi32> to vector<1x1x16xi32>
      tpu.vector_store %arg9[%swap3A_734, %swap3A_735, %swap3A_736], %swap3A_739 {strides = array<i32>} : memref<2x2x128xi32, #tpu.memory_space<vmem>>, vector<1x1x16xi32>,
      %get3A_740 = arith.constant 1 : i32
      %get3A_741 = arith.constant 1 : i32
      %get3A_742 = arith.index_cast %get3A_740 : i32 to index
      %get3A_743 = arith.index_cast %get3A_741 : i32 to index
      %get3A_744 = arith.constant 48 : index
      %get3A_745 = tpu.vector_load %arg8[%get3A_742, %get3A_743, %get3A_744] {strides = array<i32>} : memref<2x2x128xi32, #tpu.memory_space<vmem>>, vector<1x1x16xi32>,
      %get3A_746 = vector.shape_cast %get3A_745 : vector<1x1x16xi32> to vector<16xi32>
      %swap3A_747 = arith.constant 1 : i32
      %swap3A_748 = arith.constant 1 : i32
      %swap3A_749 = arith.index_cast %swap3A_747 : i32 to index
      %swap3A_750 = arith.index_cast %swap3A_748 : i32 to index
      %swap3A_751 = arith.constant 48 : index
      %swap3A_752 = tpu.vector_load %arg9[%swap3A_749, %swap3A_750, %swap3A_751] {strides = array<i32>} : memref<2x2x128xi32, #tpu.memory_space<vmem>>, vector<1x1x16xi32>,
      %swap3A_753 = vector.shape_cast %swap3A_752 : vector<1x1x16xi32> to vector<16xi32>
      %swap3A_754 = vector.shape_cast %get3A_746 : vector<16xi32> to vector<1x1x16xi32>
      tpu.vector_store %arg9[%swap3A_749, %swap3A_750, %swap3A_751], %swap3A_754 {strides = array<i32>} : memref<2x2x128xi32, #tpu.memory_space<vmem>>, vector<1x1x16xi32>,
      %get3A_755 = arith.constant 1 : i32
      %get3A_756 = arith.constant 1 : i32
      %get3A_757 = arith.index_cast %get3A_755 : i32 to index
      %get3A_758 = arith.index_cast %get3A_756 : i32 to index
      %get3A_759 = arith.constant 64 : index
      %get3A_760 = tpu.vector_load %arg8[%get3A_757, %get3A_758, %get3A_759] {strides = array<i32>} : memref<2x2x128xi32, #tpu.memory_space<vmem>>, vector<1x1x16xi32>,
      %get3A_761 = vector.shape_cast %get3A_760 : vector<1x1x16xi32> to vector<16xi32>
      %swap3A_762 = arith.constant 1 : i32
      %swap3A_763 = arith.constant 1 : i32
      %swap3A_764 = arith.index_cast %swap3A_762 : i32 to index
      %swap3A_765 = arith.index_cast %swap3A_763 : i32 to index
      %swap3A_766 = arith.constant 64 : index
      %swap3A_767 = tpu.vector_load %arg9[%swap3A_764, %swap3A_765, %swap3A_766] {strides = array<i32>} : memref<2x2x128xi32, #tpu.memory_space<vmem>>, vector<1x1x16xi32>,
      %swap3A_768 = vector.shape_cast %swap3A_767 : vector<1x1x16xi32> to vector<16xi32>
      %swap3A_769 = vector.shape_cast %get3A_761 : vector<16xi32> to vector<1x1x16xi32>
      tpu.vector_store %arg9[%swap3A_764, %swap3A_765, %swap3A_766], %swap3A_769 {strides = array<i32>} : memref<2x2x128xi32, #tpu.memory_space<vmem>>, vector<1x1x16xi32>,
      %get3A_770 = arith.constant 1 : i32
      %get3A_771 = arith.constant 1 : i32
      %get3A_772 = arith.index_cast %get3A_770 : i32 to index
      %get3A_773 = arith.index_cast %get3A_771 : i32 to index
      %get3A_774 = arith.constant 80 : index
      %get3A_775 = tpu.vector_load %arg8[%get3A_772, %get3A_773, %get3A_774] {strides = array<i32>} : memref<2x2x128xi32, #tpu.memory_space<vmem>>, vector<1x1x16xi32>,
      %get3A_776 = vector.shape_cast %get3A_775 : vector<1x1x16xi32> to vector<16xi32>
      %swap3A_777 = arith.constant 1 : i32
      %swap3A_778 = arith.constant 1 : i32
      %swap3A_779 = arith.index_cast %swap3A_777 : i32 to index
      %swap3A_780 = arith.index_cast %swap3A_778 : i32 to index
      %swap3A_781 = arith.constant 80 : index
      %swap3A_782 = tpu.vector_load %arg9[%swap3A_779, %swap3A_780, %swap3A_781] {strides = array<i32>} : memref<2x2x128xi32, #tpu.memory_space<vmem>>, vector<1x1x16xi32>,
      %swap3A_783 = vector.shape_cast %swap3A_782 : vector<1x1x16xi32> to vector<16xi32>
      %swap3A_784 = vector.shape_cast %get3A_776 : vector<16xi32> to vector<1x1x16xi32>
      tpu.vector_store %arg9[%swap3A_779, %swap3A_780, %swap3A_781], %swap3A_784 {strides = array<i32>} : memref<2x2x128xi32, #tpu.memory_space<vmem>>, vector<1x1x16xi32>,
      %get3A_785 = arith.constant 1 : i32
      %get3A_786 = arith.constant 1 : i32
      %get3A_787 = arith.index_cast %get3A_785 : i32 to index
      %get3A_788 = arith.index_cast %get3A_786 : i32 to index
      %get3A_789 = arith.constant 96 : index
      %get3A_790 = tpu.vector_load %arg8[%get3A_787, %get3A_788, %get3A_789] {strides = array<i32>} : memref<2x2x128xi32, #tpu.memory_space<vmem>>, vector<1x1x16xi32>,
      %get3A_791 = vector.shape_cast %get3A_790 : vector<1x1x16xi32> to vector<16xi32>
      %swap3A_792 = arith.constant 1 : i32
      %swap3A_793 = arith.constant 1 : i32
      %swap3A_794 = arith.index_cast %swap3A_792 : i32 to index
      %swap3A_795 = arith.index_cast %swap3A_793 : i32 to index
      %swap3A_796 = arith.constant 96 : index
      %swap3A_797 = tpu.vector_load %arg9[%swap3A_794, %swap3A_795, %swap3A_796] {strides = array<i32>} : memref<2x2x128xi32, #tpu.memory_space<vmem>>, vector<1x1x16xi32>,
      %swap3A_798 = vector.shape_cast %swap3A_797 : vector<1x1x16xi32> to vector<16xi32>
      %swap3A_799 = vector.shape_cast %get3A_791 : vector<16xi32> to vector<1x1x16xi32>
      tpu.vector_store %arg9[%swap3A_794, %swap3A_795, %swap3A_796], %swap3A_799 {strides = array<i32>} : memref<2x2x128xi32, #tpu.memory_space<vmem>>, vector<1x1x16xi32>,
      %get3A_800 = arith.constant 1 : i32
      %get3A_801 = arith.constant 1 : i32
      %get3A_802 = arith.index_cast %get3A_800 : i32 to index
      %get3A_803 = arith.index_cast %get3A_801 : i32 to index
      %get3A_804 = arith.constant 112 : index
      %get3A_805 = tpu.vector_load %arg8[%get3A_802, %get3A_803, %get3A_804] {strides = array<i32>} : memref<2x2x128xi32, #tpu.memory_space<vmem>>, vector<1x1x16xi32>,
      %get3A_806 = vector.shape_cast %get3A_805 : vector<1x1x16xi32> to vector<16xi32>
      %swap3A_807 = arith.constant 1 : i32
      %swap3A_808 = arith.constant 1 : i32
      %swap3A_809 = arith.index_cast %swap3A_807 : i32 to index
      %swap3A_810 = arith.index_cast %swap3A_808 : i32 to index
      %swap3A_811 = arith.constant 112 : index
      %swap3A_812 = tpu.vector_load %arg9[%swap3A_809, %swap3A_810, %swap3A_811] {strides = array<i32>} : memref<2x2x128xi32, #tpu.memory_space<vmem>>, vector<1x1x16xi32>,
      %swap3A_813 = vector.shape_cast %swap3A_812 : vector<1x1x16xi32> to vector<16xi32>
      %swap3A_814 = vector.shape_cast %get3A_806 : vector<16xi32> to vector<1x1x16xi32>
      tpu.vector_store %arg9[%swap3A_809, %swap3A_810, %swap3A_811], %swap3A_814 {strides = array<i32>} : memref<2x2x128xi32, #tpu.memory_space<vmem>>, vector<1x1x16xi32>,
      %dma_wait3A_815 = arith.constant 1 : i32
      %dma_wait3A_816 = arith.constant 0 : i32
      %dma_wait3A_817 = arith.constant 1 : i32
      %dma_wait3A_818 = arith.constant 0 : i32
      %dma_wait3A_819 = arith.constant 0 : i32
      %dma_wait3A_820 = tpu.memref_slice %arg10[%dma_wait3A_817, %dma_wait3A_818, %dma_wait3A_819] : memref<2x256x32xbf16, #tpu.memory_space<vmem>> -> memref<1x128x32xbf16, #tpu.memory_space<vmem>>
      %dma_wait3A_821 = tpu.memref_squeeze %dma_wait3A_820 : memref<1x128x32xbf16, #tpu.memory_space<vmem>> -> memref<128x32xbf16, #tpu.memory_space<vmem>>
      %dma_wait3A_822 = arith.constant 0 : i32
      %dma_wait3A_823 = tpu.memref_slice %arg7[%dma_wait3A_815, %dma_wait3A_816, %dma_wait3A_822] : memref<2x2x128xi32, #tpu.memory_space<vmem>> -> memref<1x1x128xi32, #tpu.memory_space<vmem>>
      %dma_wait3A_824 = tpu.memref_squeeze %dma_wait3A_823 : memref<1x1x128xi32, #tpu.memory_space<vmem>> -> memref<128xi32, #tpu.memory_space<vmem>>
      %dma_wait3A_825 = arith.constant 0 : i32
      %dma_wait3A_826 = arith.constant 0 : i32
      %dma_wait3A_827 = tpu.memref_slice %arg4[%dma_wait3A_825, %dma_wait3A_826] : memref<100000x32xbf16, #tpu.memory_space<hbm>> -> memref<100000x32xbf16, #tpu.memory_space<hbm>>
      tpu.wait_indirect_dma semaphore(%arg13 : memref<!tpu.dma_semaphore, #tpu.memory_space<semaphore_mem>>) src(%dma_wait3A_827 : memref<100000x32xbf16, #tpu.memory_space<hbm>>) dst(%dma_wait3A_821 : memref<128x32xbf16, #tpu.memory_space<vmem>>)
      %dma_wait3A_828 = arith.constant 1 : i32
      %dma_wait3A_829 = arith.constant 1 : i32
      %dma_wait3A_830 = arith.constant 1 : i32
      %dma_wait3A_831 = arith.constant 128 : i32
      %dma_wait3A_832 = arith.constant 0 : i32
      %dma_wait3A_833 = tpu.memref_slice %arg10[%dma_wait3A_830, %dma_wait3A_831, %dma_wait3A_832] : memref<2x256x32xbf16, #tpu.memory_space<vmem>> -> memref<1x128x32xbf16, #tpu.memory_space<vmem>>
      %dma_wait3A_834 = tpu.memref_squeeze %dma_wait3A_833 : memref<1x128x32xbf16, #tpu.memory_space<vmem>> -> memref<128x32xbf16, #tpu.memory_space<vmem>>
      %dma_wait3A_835 = arith.constant 0 : i32
      %dma_wait3A_836 = tpu.memref_slice %arg7[%dma_wait3A_828, %dma_wait3A_829, %dma_wait3A_835] : memref<2x2x128xi32, #tpu.memory_space<vmem>> -> memref<1x1x128xi32, #tpu.memory_space<vmem>>
      %dma_wait3A_837 = tpu.memref_squeeze %dma_wait3A_836 : memref<1x1x128xi32, #tpu.memory_space<vmem>> -> memref<128xi32, #tpu.memory_space<vmem>>
      %dma_wait3A_838 = arith.constant 0 : i32
      %dma_wait3A_839 = arith.constant 0 : i32
      %dma_wait3A_840 = tpu.memref_slice %arg4[%dma_wait3A_838, %dma_wait3A_839] : memref<100000x32xbf16, #tpu.memory_space<hbm>> -> memref<100000x32xbf16, #tpu.memory_space<hbm>>
      tpu.wait_indirect_dma semaphore(%arg13 : memref<!tpu.dma_semaphore, #tpu.memory_space<semaphore_mem>>) src(%dma_wait3A_840 : memref<100000x32xbf16, #tpu.memory_space<hbm>>) dst(%dma_wait3A_834 : memref<128x32xbf16, #tpu.memory_space<vmem>>)
      %dma_start3A_841 = arith.constant 1 : i32
      %dma_start3A_842 = arith.constant 1 : i32
      %dma_start3A_843 = arith.constant 0 : i32
      %dma_start3A_844 = arith.constant 0 : i32
      %dma_start3A_845 = arith.constant 0 : i32
      %dma_start3A_846 = tpu.memref_slice %arg10[%dma_start3A_841, %dma_start3A_844, %dma_start3A_845] : memref<2x256x32xbf16, #tpu.memory_space<vmem>> -> memref<1x128x32xbf16, #tpu.memory_space<vmem>>
      %dma_start3A_847 = tpu.memref_squeeze %dma_start3A_846 : memref<1x128x32xbf16, #tpu.memory_space<vmem>> -> memref<128x32xbf16, #tpu.memory_space<vmem>>
      %dma_start3A_848 = arith.constant 0 : i32
      %dma_start3A_849 = tpu.memref_slice %arg9[%dma_start3A_842, %dma_start3A_843, %dma_start3A_848] : memref<2x2x128xi32, #tpu.memory_space<vmem>> -> memref<1x1x128xi32, #tpu.memory_space<vmem>>
      %dma_start3A_850 = tpu.memref_squeeze %dma_start3A_849 : memref<1x1x128xi32, #tpu.memory_space<vmem>> -> memref<128xi32, #tpu.memory_space<vmem>>
      %dma_start3A_851 = arith.constant 0 : i32
      %dma_start3A_852 = arith.constant 0 : i32
      %dma_start3A_853 = tpu.memref_slice %arg11[%dma_start3A_851, %dma_start3A_852] : memref<100352x32xbf16, #tpu.memory_space<vmem_shared>> -> memref<100352x32xbf16, #tpu.memory_space<vmem_shared>>
      tpu.enqueue_indirect_dma source(%dma_start3A_847 : memref<128x32xbf16, #tpu.memory_space<vmem>>) target(%dma_start3A_853 : memref<100352x32xbf16, #tpu.memory_space<vmem_shared>>) offsets(%dma_start3A_850 : memref<128xi32, #tpu.memory_space<vmem>>) semaphore(%arg15 : memref<!tpu.dma_semaphore, #tpu.memory_space<semaphore_mem>>) {add = true}
      %dma_start3A_854 = arith.constant 1 : i32
      %dma_start3A_855 = arith.constant 1 : i32
      %dma_start3A_856 = arith.constant 1 : i32
      %dma_start3A_857 = arith.constant 128 : i32
      %dma_start3A_858 = arith.constant 0 : i32
      %dma_start3A_859 = tpu.memref_slice %arg10[%dma_start3A_854, %dma_start3A_857, %dma_start3A_858] : memref<2x256x32xbf16, #tpu.memory_space<vmem>> -> memref<1x128x32xbf16, #tpu.memory_space<vmem>>
      %dma_start3A_860 = tpu.memref_squeeze %dma_start3A_859 : memref<1x128x32xbf16, #tpu.memory_space<vmem>> -> memref<128x32xbf16, #tpu.memory_space<vmem>>
      %dma_start3A_861 = arith.constant 0 : i32
      %dma_start3A_862 = tpu.memref_slice %arg9[%dma_start3A_855, %dma_start3A_856, %dma_start3A_861] : memref<2x2x128xi32, #tpu.memory_space<vmem>> -> memref<1x1x128xi32, #tpu.memory_space<vmem>>
      %dma_start3A_863 = tpu.memref_squeeze %dma_start3A_862 : memref<1x1x128xi32, #tpu.memory_space<vmem>> -> memref<128xi32, #tpu.memory_space<vmem>>
      %dma_start3A_864 = arith.constant 0 : i32
      %dma_start3A_865 = arith.constant 0 : i32
      %dma_start3A_866 = tpu.memref_slice %arg11[%dma_start3A_864, %dma_start3A_865] : memref<100352x32xbf16, #tpu.memory_space<vmem_shared>> -> memref<100352x32xbf16, #tpu.memory_space<vmem_shared>>
      tpu.enqueue_indirect_dma source(%dma_start3A_860 : memref<128x32xbf16, #tpu.memory_space<vmem>>) target(%dma_start3A_866 : memref<100352x32xbf16, #tpu.memory_space<vmem_shared>>) offsets(%dma_start3A_863 : memref<128xi32, #tpu.memory_space<vmem>>) semaphore(%arg15 : memref<!tpu.dma_semaphore, #tpu.memory_space<semaphore_mem>>) {add = true}
      %while3A_867 = arith.constant 0 : i32
      scf.yield %while3A_867 : i32
    }
    %while3A_73 = arith.constant 1 : i32
    %while3A_74 = scf.for %while3A_134 = %while3A_70 to %while3A_66 step %while3A_73 iter_args(%while3A_135 = %while3A_72) -> (i32)  : i32 {
      %mul3A_136 = arith.constant 2 : i32
      %mul3A_137 = arith.muli %while3A_134, %mul3A_136 : i32
      %mul3A_138 = arith.constant 2 : i32
      %mul3A_139 = arith.muli %mul3A_137, %mul3A_138 : i32
      %add3A_140 = arith.addi %mul3A_38, %mul3A_139 : i32
      %add3A_141 = arith.constant 2 : i32
      %add3A_142 = arith.addi %add3A_140, %add3A_141 : i32
      %dma_wait3A_143 = arith.constant 0 : i32
      %dma_wait3A_144 = arith.constant 0 : i32
      %dma_wait3A_145 = arith.constant 0 : i32
      %dma_wait3A_146 = tpu.memref_slice %arg7[%dma_wait3A_143, %dma_wait3A_144, %dma_wait3A_145] : memref<2x2x128xi32, #tpu.memory_space<vmem>> -> memref<1x2x128xi32, #tpu.memory_space<vmem>>
      %dma_wait3A_147 = tpu.memref_squeeze %dma_wait3A_146 : memref<1x2x128xi32, #tpu.memory_space<vmem>> -> memref<2x128xi32, #tpu.memory_space<vmem>>
      %dma_wait3A_148 = arith.constant 0 : i32
      %dma_wait3A_149 = tpu.memref_slice %arg2[%add3A_140, %dma_wait3A_148] : memref<12500x128xi32, #tpu.memory_space<hbm>> -> memref<2x128xi32, #tpu.memory_space<hbm>>
      %dma_wait3A_150 = arith.constant 0 : i32
      %dma_wait3A_151 = arith.constant 0 : i32
      %dma_wait3A_152 = tpu.memref_slice %arg7[%dma_wait3A_143, %dma_wait3A_150, %dma_wait3A_151] : memref<2x2x128xi32, #tpu.memory_space<vmem>> -> memref<1x2x128xi32, #tpu.memory_space<vmem>>
      %dma_wait3A_153 = tpu.memref_squeeze %dma_wait3A_152 : memref<1x2x128xi32, #tpu.memory_space<vmem>> -> memref<2x128xi32, #tpu.memory_space<vmem>>
      %dma_wait3A_154 = arith.constant 0 : i32
      %dma_wait3A_155 = tpu.memref_slice %arg2[%add3A_140, %dma_wait3A_154] : memref<12500x128xi32, #tpu.memory_space<hbm>> -> memref<2x128xi32, #tpu.memory_space<hbm>>
      tpu.wait_dma2 semaphore(%arg12 : memref<!tpu.dma_semaphore, #tpu.memory_space<semaphore_mem>>) src(%dma_wait3A_155 : memref<2x128xi32, #tpu.memory_space<hbm>>) dst(%dma_wait3A_153 : memref<2x128xi32, #tpu.memory_space<vmem>>)
      %dma_wait3A_156 = arith.constant 0 : i32
      %dma_wait3A_157 = arith.constant 0 : i32
      %dma_wait3A_158 = arith.constant 0 : i32
      %dma_wait3A_159 = tpu.memref_slice %arg8[%dma_wait3A_156, %dma_wait3A_157, %dma_wait3A_158] : memref<2x2x128xi32, #tpu.memory_space<vmem>> -> memref<1x2x128xi32, #tpu.memory_space<vmem>>
      %dma_wait3A_160 = tpu.memref_squeeze %dma_wait3A_159 : memref<1x2x128xi32, #tpu.memory_space<vmem>> -> memref<2x128xi32, #tpu.memory_space<vmem>>
      %dma_wait3A_161 = arith.constant 0 : i32
      %dma_wait3A_162 = tpu.memref_slice %arg3[%add3A_140, %dma_wait3A_161] : memref<12500x128xi32, #tpu.memory_space<hbm>> -> memref<2x128xi32, #tpu.memory_space<hbm>>
      %dma_wait3A_163 = arith.constant 0 : i32
      %dma_wait3A_164 = arith.constant 0 : i32
      %dma_wait3A_165 = tpu.memref_slice %arg8[%dma_wait3A_156, %dma_wait3A_163, %dma_wait3A_164] : memref<2x2x128xi32, #tpu.memory_space<vmem>> -> memref<1x2x128xi32, #tpu.memory_space<vmem>>
      %dma_wait3A_166 = tpu.memref_squeeze %dma_wait3A_165 : memref<1x2x128xi32, #tpu.memory_space<vmem>> -> memref<2x128xi32, #tpu.memory_space<vmem>>
      %dma_wait3A_167 = arith.constant 0 : i32
      %dma_wait3A_168 = tpu.memref_slice %arg3[%add3A_140, %dma_wait3A_167] : memref<12500x128xi32, #tpu.memory_space<hbm>> -> memref<2x128xi32, #tpu.memory_space<hbm>>
      tpu.wait_dma2 semaphore(%arg12 : memref<!tpu.dma_semaphore, #tpu.memory_space<semaphore_mem>>) src(%dma_wait3A_168 : memref<2x128xi32, #tpu.memory_space<hbm>>) dst(%dma_wait3A_166 : memref<2x128xi32, #tpu.memory_space<vmem>>)
      %dma_start3A_169 = arith.constant 1 : i32
      %dma_start3A_170 = arith.constant 0 : i32
      %dma_start3A_171 = arith.constant 0 : i32
      %dma_start3A_172 = tpu.memref_slice %arg7[%dma_start3A_169, %dma_start3A_170, %dma_start3A_171] : memref<2x2x128xi32, #tpu.memory_space<vmem>> -> memref<1x2x128xi32, #tpu.memory_space<vmem>>
      %dma_start3A_173 = tpu.memref_squeeze %dma_start3A_172 : memref<1x2x128xi32, #tpu.memory_space<vmem>> -> memref<2x128xi32, #tpu.memory_space<vmem>>
      %dma_start3A_174 = arith.constant 0 : i32
      %dma_start3A_175 = tpu.memref_slice %arg2[%add3A_142, %dma_start3A_174] : memref<12500x128xi32, #tpu.memory_space<hbm>> -> memref<2x128xi32, #tpu.memory_space<hbm>>
      %dma_start3A_176 = arith.constant 0 : i32
      %dma_start3A_177 = arith.constant 0 : i32
      %dma_start3A_178 = tpu.memref_slice %arg7[%dma_start3A_169, %dma_start3A_176, %dma_start3A_177] : memref<2x2x128xi32, #tpu.memory_space<vmem>> -> memref<1x2x128xi32, #tpu.memory_space<vmem>>
      %dma_start3A_179 = tpu.memref_squeeze %dma_start3A_178 : memref<1x2x128xi32, #tpu.memory_space<vmem>> -> memref<2x128xi32, #tpu.memory_space<vmem>>
      %dma_start3A_180 = arith.constant 0 : i32
      %dma_start3A_181 = tpu.memref_slice %arg2[%add3A_142, %dma_start3A_180] : memref<12500x128xi32, #tpu.memory_space<hbm>> -> memref<2x128xi32, #tpu.memory_space<hbm>>
      tpu.enqueue_dma source(%dma_start3A_181 : memref<2x128xi32, #tpu.memory_space<hbm>>) target(%dma_start3A_179 : memref<2x128xi32, #tpu.memory_space<vmem>>) target_semaphore(%arg12 : memref<!tpu.dma_semaphore, #tpu.memory_space<semaphore_mem>>)
      %dma_start3A_182 = arith.constant 1 : i32
      %dma_start3A_183 = arith.constant 0 : i32
      %dma_start3A_184 = arith.constant 0 : i32
      %dma_start3A_185 = tpu.memref_slice %arg8[%dma_start3A_182, %dma_start3A_183, %dma_start3A_184] : memref<2x2x128xi32, #tpu.memory_space<vmem>> -> memref<1x2x128xi32, #tpu.memory_space<vmem>>
      %dma_start3A_186 = tpu.memref_squeeze %dma_start3A_185 : memref<1x2x128xi32, #tpu.memory_space<vmem>> -> memref<2x128xi32, #tpu.memory_space<vmem>>
      %dma_start3A_187 = arith.constant 0 : i32
      %dma_start3A_188 = tpu.memref_slice %arg3[%add3A_142, %dma_start3A_187] : memref<12500x128xi32, #tpu.memory_space<hbm>> -> memref<2x128xi32, #tpu.memory_space<hbm>>
      %dma_start3A_189 = arith.constant 0 : i32
      %dma_start3A_190 = arith.constant 0 : i32
      %dma_start3A_191 = tpu.memref_slice %arg8[%dma_start3A_182, %dma_start3A_189, %dma_start3A_190] : memref<2x2x128xi32, #tpu.memory_space<vmem>> -> memref<1x2x128xi32, #tpu.memory_space<vmem>>
      %dma_start3A_192 = tpu.memref_squeeze %dma_start3A_191 : memref<1x2x128xi32, #tpu.memory_space<vmem>> -> memref<2x128xi32, #tpu.memory_space<vmem>>
      %dma_start3A_193 = arith.constant 0 : i32
      %dma_start3A_194 = tpu.memref_slice %arg3[%add3A_142, %dma_start3A_193] : memref<12500x128xi32, #tpu.memory_space<hbm>> -> memref<2x128xi32, #tpu.memory_space<hbm>>
      tpu.enqueue_dma source(%dma_start3A_194 : memref<2x128xi32, #tpu.memory_space<hbm>>) target(%dma_start3A_192 : memref<2x128xi32, #tpu.memory_space<vmem>>) target_semaphore(%arg12 : memref<!tpu.dma_semaphore, #tpu.memory_space<semaphore_mem>>)
      %ge3A = arith.constant 1 : i32
      %ge3A_195 = arith.cmpi sge, %while3A_134, %ge3A : i32
      %convert_element_type3A = arith.extui %ge3A_195 : i1 to i32
      %cond3A = arith.constant 0 : i32
      %cond3A_196 = arith.cmpi ne, %convert_element_type3A, %cond3A : i32
      scf.if %cond3A_196 {
        %dma_wait3A_868 = arith.constant 0 : i32
        %dma_wait3A_869 = arith.constant 0 : i32
        %dma_wait3A_870 = arith.constant 0 : i32
        %dma_wait3A_871 = arith.constant 0 : i32
        %dma_wait3A_872 = arith.constant 0 : i32
        %dma_wait3A_873 = tpu.memref_slice %arg10[%dma_wait3A_868, %dma_wait3A_871, %dma_wait3A_872] : memref<2x256x32xbf16, #tpu.memory_space<vmem>> -> memref<1x128x32xbf16, #tpu.memory_space<vmem>>
        %dma_wait3A_874 = tpu.memref_squeeze %dma_wait3A_873 : memref<1x128x32xbf16, #tpu.memory_space<vmem>> -> memref<128x32xbf16, #tpu.memory_space<vmem>>
        %dma_wait3A_875 = arith.constant 0 : i32
        %dma_wait3A_876 = tpu.memref_slice %arg9[%dma_wait3A_869, %dma_wait3A_870, %dma_wait3A_875] : memref<2x2x128xi32, #tpu.memory_space<vmem>> -> memref<1x1x128xi32, #tpu.memory_space<vmem>>
        %dma_wait3A_877 = tpu.memref_squeeze %dma_wait3A_876 : memref<1x1x128xi32, #tpu.memory_space<vmem>> -> memref<128xi32, #tpu.memory_space<vmem>>
        %dma_wait3A_878 = arith.constant 0 : i32
        %dma_wait3A_879 = arith.constant 0 : i32
        %dma_wait3A_880 = tpu.memref_slice %arg11[%dma_wait3A_878, %dma_wait3A_879] : memref<100352x32xbf16, #tpu.memory_space<vmem_shared>> -> memref<100352x32xbf16, #tpu.memory_space<vmem_shared>>
        tpu.wait_indirect_dma semaphore(%arg14 : memref<!tpu.dma_semaphore, #tpu.memory_space<semaphore_mem>>) src(%dma_wait3A_874 : memref<128x32xbf16, #tpu.memory_space<vmem>>) dst(%dma_wait3A_880 : memref<100352x32xbf16, #tpu.memory_space<vmem_shared>>)
        %dma_wait3A_881 = arith.constant 0 : i32
        %dma_wait3A_882 = arith.constant 0 : i32
        %dma_wait3A_883 = arith.constant 1 : i32
        %dma_wait3A_884 = arith.constant 128 : i32
        %dma_wait3A_885 = arith.constant 0 : i32
        %dma_wait3A_886 = tpu.memref_slice %arg10[%dma_wait3A_881, %dma_wait3A_884, %dma_wait3A_885] : memref<2x256x32xbf16, #tpu.memory_space<vmem>> -> memref<1x128x32xbf16, #tpu.memory_space<vmem>>
        %dma_wait3A_887 = tpu.memref_squeeze %dma_wait3A_886 : memref<1x128x32xbf16, #tpu.memory_space<vmem>> -> memref<128x32xbf16, #tpu.memory_space<vmem>>
        %dma_wait3A_888 = arith.constant 0 : i32
        %dma_wait3A_889 = tpu.memref_slice %arg9[%dma_wait3A_882, %dma_wait3A_883, %dma_wait3A_888] : memref<2x2x128xi32, #tpu.memory_space<vmem>> -> memref<1x1x128xi32, #tpu.memory_space<vmem>>
        %dma_wait3A_890 = tpu.memref_squeeze %dma_wait3A_889 : memref<1x1x128xi32, #tpu.memory_space<vmem>> -> memref<128xi32, #tpu.memory_space<vmem>>
        %dma_wait3A_891 = arith.constant 0 : i32
        %dma_wait3A_892 = arith.constant 0 : i32
        %dma_wait3A_893 = tpu.memref_slice %arg11[%dma_wait3A_891, %dma_wait3A_892] : memref<100352x32xbf16, #tpu.memory_space<vmem_shared>> -> memref<100352x32xbf16, #tpu.memory_space<vmem_shared>>
        tpu.wait_indirect_dma semaphore(%arg14 : memref<!tpu.dma_semaphore, #tpu.memory_space<semaphore_mem>>) src(%dma_wait3A_887 : memref<128x32xbf16, #tpu.memory_space<vmem>>) dst(%dma_wait3A_893 : memref<100352x32xbf16, #tpu.memory_space<vmem_shared>>)
      } else {
      }
      %dma_start3A_197 = arith.constant 0 : i32
      %dma_start3A_198 = arith.constant 0 : i32
      %dma_start3A_199 = arith.constant 0 : i32
      %dma_start3A_200 = arith.constant 0 : i32
      %dma_start3A_201 = arith.constant 0 : i32
      %dma_start3A_202 = tpu.memref_slice %arg10[%dma_start3A_199, %dma_start3A_200, %dma_start3A_201] : memref<2x256x32xbf16, #tpu.memory_space<vmem>> -> memref<1x128x32xbf16, #tpu.memory_space<vmem>>
      %dma_start3A_203 = tpu.memref_squeeze %dma_start3A_202 : memref<1x128x32xbf16, #tpu.memory_space<vmem>> -> memref<128x32xbf16, #tpu.memory_space<vmem>>
      %dma_start3A_204 = arith.constant 0 : i32
      %dma_start3A_205 = tpu.memref_slice %arg7[%dma_start3A_197, %dma_start3A_198, %dma_start3A_204] : memref<2x2x128xi32, #tpu.memory_space<vmem>> -> memref<1x1x128xi32, #tpu.memory_space<vmem>>
      %dma_start3A_206 = tpu.memref_squeeze %dma_start3A_205 : memref<1x1x128xi32, #tpu.memory_space<vmem>> -> memref<128xi32, #tpu.memory_space<vmem>>
      %dma_start3A_207 = arith.constant 0 : i32
      %dma_start3A_208 = arith.constant 0 : i32
      %dma_start3A_209 = tpu.memref_slice %arg4[%dma_start3A_207, %dma_start3A_208] : memref<100000x32xbf16, #tpu.memory_space<hbm>> -> memref<100000x32xbf16, #tpu.memory_space<hbm>>
      tpu.enqueue_indirect_dma source(%dma_start3A_209 : memref<100000x32xbf16, #tpu.memory_space<hbm>>) target(%dma_start3A_203 : memref<128x32xbf16, #tpu.memory_space<vmem>>) offsets(%dma_start3A_206 : memref<128xi32, #tpu.memory_space<vmem>>) semaphore(%arg13 : memref<!tpu.dma_semaphore, #tpu.memory_space<semaphore_mem>>)
      %dma_start3A_210 = arith.constant 0 : i32
      %dma_start3A_211 = arith.constant 1 : i32
      %dma_start3A_212 = arith.constant 0 : i32
      %dma_start3A_213 = arith.constant 128 : i32
      %dma_start3A_214 = arith.constant 0 : i32
      %dma_start3A_215 = tpu.memref_slice %arg10[%dma_start3A_212, %dma_start3A_213, %dma_start3A_214] : memref<2x256x32xbf16, #tpu.memory_space<vmem>> -> memref<1x128x32xbf16, #tpu.memory_space<vmem>>
      %dma_start3A_216 = tpu.memref_squeeze %dma_start3A_215 : memref<1x128x32xbf16, #tpu.memory_space<vmem>> -> memref<128x32xbf16, #tpu.memory_space<vmem>>
      %dma_start3A_217 = arith.constant 0 : i32
      %dma_start3A_218 = tpu.memref_slice %arg7[%dma_start3A_210, %dma_start3A_211, %dma_start3A_217] : memref<2x2x128xi32, #tpu.memory_space<vmem>> -> memref<1x1x128xi32, #tpu.memory_space<vmem>>
      %dma_start3A_219 = tpu.memref_squeeze %dma_start3A_218 : memref<1x1x128xi32, #tpu.memory_space<vmem>> -> memref<128xi32, #tpu.memory_space<vmem>>
      %dma_start3A_220 = arith.constant 0 : i32
      %dma_start3A_221 = arith.constant 0 : i32
      %dma_start3A_222 = tpu.memref_slice %arg4[%dma_start3A_220, %dma_start3A_221] : memref<100000x32xbf16, #tpu.memory_space<hbm>> -> memref<100000x32xbf16, #tpu.memory_space<hbm>>
      tpu.enqueue_indirect_dma source(%dma_start3A_222 : memref<100000x32xbf16, #tpu.memory_space<hbm>>) target(%dma_start3A_216 : memref<128x32xbf16, #tpu.memory_space<vmem>>) offsets(%dma_start3A_219 : memref<128xi32, #tpu.memory_space<vmem>>) semaphore(%arg13 : memref<!tpu.dma_semaphore, #tpu.memory_space<semaphore_mem>>)
      %get3A = arith.constant 0 : i32
      %get3A_223 = arith.constant 0 : i32
      %get3A_224 = arith.index_cast %get3A : i32 to index
      %get3A_225 = arith.index_cast %get3A_223 : i32 to index
      %get3A_226 = arith.constant 0 : index
      %get3A_227 = tpu.vector_load %arg8[%get3A_224, %get3A_225, %get3A_226] {strides = array<i32>} : memref<2x2x128xi32, #tpu.memory_space<vmem>>, vector<1x1x16xi32>,
      %get3A_228 = vector.shape_cast %get3A_227 : vector<1x1x16xi32> to vector<16xi32>
      %swap3A = arith.constant 0 : i32
      %swap3A_229 = arith.constant 0 : i32
      %swap3A_230 = arith.index_cast %swap3A : i32 to index
      %swap3A_231 = arith.index_cast %swap3A_229 : i32 to index
      %swap3A_232 = arith.constant 0 : index
      %swap3A_233 = tpu.vector_load %arg9[%swap3A_230, %swap3A_231, %swap3A_232] {strides = array<i32>} : memref<2x2x128xi32, #tpu.memory_space<vmem>>, vector<1x1x16xi32>,
      %swap3A_234 = vector.shape_cast %swap3A_233 : vector<1x1x16xi32> to vector<16xi32>
      %swap3A_235 = vector.shape_cast %get3A_228 : vector<16xi32> to vector<1x1x16xi32>
      tpu.vector_store %arg9[%swap3A_230, %swap3A_231, %swap3A_232], %swap3A_235 {strides = array<i32>} : memref<2x2x128xi32, #tpu.memory_space<vmem>>, vector<1x1x16xi32>,
      %get3A_236 = arith.constant 0 : i32
      %get3A_237 = arith.constant 0 : i32
      %get3A_238 = arith.index_cast %get3A_236 : i32 to index
      %get3A_239 = arith.index_cast %get3A_237 : i32 to index
      %get3A_240 = arith.constant 16 : index
      %get3A_241 = tpu.vector_load %arg8[%get3A_238, %get3A_239, %get3A_240] {strides = array<i32>} : memref<2x2x128xi32, #tpu.memory_space<vmem>>, vector<1x1x16xi32>,
      %get3A_242 = vector.shape_cast %get3A_241 : vector<1x1x16xi32> to vector<16xi32>
      %swap3A_243 = arith.constant 0 : i32
      %swap3A_244 = arith.constant 0 : i32
      %swap3A_245 = arith.index_cast %swap3A_243 : i32 to index
      %swap3A_246 = arith.index_cast %swap3A_244 : i32 to index
      %swap3A_247 = arith.constant 16 : index
      %swap3A_248 = tpu.vector_load %arg9[%swap3A_245, %swap3A_246, %swap3A_247] {strides = array<i32>} : memref<2x2x128xi32, #tpu.memory_space<vmem>>, vector<1x1x16xi32>,
      %swap3A_249 = vector.shape_cast %swap3A_248 : vector<1x1x16xi32> to vector<16xi32>
      %swap3A_250 = vector.shape_cast %get3A_242 : vector<16xi32> to vector<1x1x16xi32>
      tpu.vector_store %arg9[%swap3A_245, %swap3A_246, %swap3A_247], %swap3A_250 {strides = array<i32>} : memref<2x2x128xi32, #tpu.memory_space<vmem>>, vector<1x1x16xi32>,
      %get3A_251 = arith.constant 0 : i32
      %get3A_252 = arith.constant 0 : i32
      %get3A_253 = arith.index_cast %get3A_251 : i32 to index
      %get3A_254 = arith.index_cast %get3A_252 : i32 to index
      %get3A_255 = arith.constant 32 : index
      %get3A_256 = tpu.vector_load %arg8[%get3A_253, %get3A_254, %get3A_255] {strides = array<i32>} : memref<2x2x128xi32, #tpu.memory_space<vmem>>, vector<1x1x16xi32>,
      %get3A_257 = vector.shape_cast %get3A_256 : vector<1x1x16xi32> to vector<16xi32>
      %swap3A_258 = arith.constant 0 : i32
      %swap3A_259 = arith.constant 0 : i32
      %swap3A_260 = arith.index_cast %swap3A_258 : i32 to index
      %swap3A_261 = arith.index_cast %swap3A_259 : i32 to index
      %swap3A_262 = arith.constant 32 : index
      %swap3A_263 = tpu.vector_load %arg9[%swap3A_260, %swap3A_261, %swap3A_262] {strides = array<i32>} : memref<2x2x128xi32, #tpu.memory_space<vmem>>, vector<1x1x16xi32>,
      %swap3A_264 = vector.shape_cast %swap3A_263 : vector<1x1x16xi32> to vector<16xi32>
      %swap3A_265 = vector.shape_cast %get3A_257 : vector<16xi32> to vector<1x1x16xi32>
      tpu.vector_store %arg9[%swap3A_260, %swap3A_261, %swap3A_262], %swap3A_265 {strides = array<i32>} : memref<2x2x128xi32, #tpu.memory_space<vmem>>, vector<1x1x16xi32>,
      %get3A_266 = arith.constant 0 : i32
      %get3A_267 = arith.constant 0 : i32
      %get3A_268 = arith.index_cast %get3A_266 : i32 to index
      %get3A_269 = arith.index_cast %get3A_267 : i32 to index
      %get3A_270 = arith.constant 48 : index
      %get3A_271 = tpu.vector_load %arg8[%get3A_268, %get3A_269, %get3A_270] {strides = array<i32>} : memref<2x2x128xi32, #tpu.memory_space<vmem>>, vector<1x1x16xi32>,
      %get3A_272 = vector.shape_cast %get3A_271 : vector<1x1x16xi32> to vector<16xi32>
      %swap3A_273 = arith.constant 0 : i32
      %swap3A_274 = arith.constant 0 : i32
      %swap3A_275 = arith.index_cast %swap3A_273 : i32 to index
      %swap3A_276 = arith.index_cast %swap3A_274 : i32 to index
      %swap3A_277 = arith.constant 48 : index
      %swap3A_278 = tpu.vector_load %arg9[%swap3A_275, %swap3A_276, %swap3A_277] {strides = array<i32>} : memref<2x2x128xi32, #tpu.memory_space<vmem>>, vector<1x1x16xi32>,
      %swap3A_279 = vector.shape_cast %swap3A_278 : vector<1x1x16xi32> to vector<16xi32>
      %swap3A_280 = vector.shape_cast %get3A_272 : vector<16xi32> to vector<1x1x16xi32>
      tpu.vector_store %arg9[%swap3A_275, %swap3A_276, %swap3A_277], %swap3A_280 {strides = array<i32>} : memref<2x2x128xi32, #tpu.memory_space<vmem>>, vector<1x1x16xi32>,
      %get3A_281 = arith.constant 0 : i32
      %get3A_282 = arith.constant 0 : i32
      %get3A_283 = arith.index_cast %get3A_281 : i32 to index
      %get3A_284 = arith.index_cast %get3A_282 : i32 to index
      %get3A_285 = arith.constant 64 : index
      %get3A_286 = tpu.vector_load %arg8[%get3A_283, %get3A_284, %get3A_285] {strides = array<i32>} : memref<2x2x128xi32, #tpu.memory_space<vmem>>, vector<1x1x16xi32>,
      %get3A_287 = vector.shape_cast %get3A_286 : vector<1x1x16xi32> to vector<16xi32>
      %swap3A_288 = arith.constant 0 : i32
      %swap3A_289 = arith.constant 0 : i32
      %swap3A_290 = arith.index_cast %swap3A_288 : i32 to index
      %swap3A_291 = arith.index_cast %swap3A_289 : i32 to index
      %swap3A_292 = arith.constant 64 : index
      %swap3A_293 = tpu.vector_load %arg9[%swap3A_290, %swap3A_291, %swap3A_292] {strides = array<i32>} : memref<2x2x128xi32, #tpu.memory_space<vmem>>, vector<1x1x16xi32>,
      %swap3A_294 = vector.shape_cast %swap3A_293 : vector<1x1x16xi32> to vector<16xi32>
      %swap3A_295 = vector.shape_cast %get3A_287 : vector<16xi32> to vector<1x1x16xi32>
      tpu.vector_store %arg9[%swap3A_290, %swap3A_291, %swap3A_292], %swap3A_295 {strides = array<i32>} : memref<2x2x128xi32, #tpu.memory_space<vmem>>, vector<1x1x16xi32>,
      %get3A_296 = arith.constant 0 : i32
      %get3A_297 = arith.constant 0 : i32
      %get3A_298 = arith.index_cast %get3A_296 : i32 to index
      %get3A_299 = arith.index_cast %get3A_297 : i32 to index
      %get3A_300 = arith.constant 80 : index
      %get3A_301 = tpu.vector_load %arg8[%get3A_298, %get3A_299, %get3A_300] {strides = array<i32>} : memref<2x2x128xi32, #tpu.memory_space<vmem>>, vector<1x1x16xi32>,
      %get3A_302 = vector.shape_cast %get3A_301 : vector<1x1x16xi32> to vector<16xi32>
      %swap3A_303 = arith.constant 0 : i32
      %swap3A_304 = arith.constant 0 : i32
      %swap3A_305 = arith.index_cast %swap3A_303 : i32 to index
      %swap3A_306 = arith.index_cast %swap3A_304 : i32 to index
      %swap3A_307 = arith.constant 80 : index
      %swap3A_308 = tpu.vector_load %arg9[%swap3A_305, %swap3A_306, %swap3A_307] {strides = array<i32>} : memref<2x2x128xi32, #tpu.memory_space<vmem>>, vector<1x1x16xi32>,
      %swap3A_309 = vector.shape_cast %swap3A_308 : vector<1x1x16xi32> to vector<16xi32>
      %swap3A_310 = vector.shape_cast %get3A_302 : vector<16xi32> to vector<1x1x16xi32>
      tpu.vector_store %arg9[%swap3A_305, %swap3A_306, %swap3A_307], %swap3A_310 {strides = array<i32>} : memref<2x2x128xi32, #tpu.memory_space<vmem>>, vector<1x1x16xi32>,
      %get3A_311 = arith.constant 0 : i32
      %get3A_312 = arith.constant 0 : i32
      %get3A_313 = arith.index_cast %get3A_311 : i32 to index
      %get3A_314 = arith.index_cast %get3A_312 : i32 to index
      %get3A_315 = arith.constant 96 : index
      %get3A_316 = tpu.vector_load %arg8[%get3A_313, %get3A_314, %get3A_315] {strides = array<i32>} : memref<2x2x128xi32, #tpu.memory_space<vmem>>, vector<1x1x16xi32>,
      %get3A_317 = vector.shape_cast %get3A_316 : vector<1x1x16xi32> to vector<16xi32>
      %swap3A_318 = arith.constant 0 : i32
      %swap3A_319 = arith.constant 0 : i32
      %swap3A_320 = arith.index_cast %swap3A_318 : i32 to index
      %swap3A_321 = arith.index_cast %swap3A_319 : i32 to index
      %swap3A_322 = arith.constant 96 : index
      %swap3A_323 = tpu.vector_load %arg9[%swap3A_320, %swap3A_321, %swap3A_322] {strides = array<i32>} : memref<2x2x128xi32, #tpu.memory_space<vmem>>, vector<1x1x16xi32>,
      %swap3A_324 = vector.shape_cast %swap3A_323 : vector<1x1x16xi32> to vector<16xi32>
      %swap3A_325 = vector.shape_cast %get3A_317 : vector<16xi32> to vector<1x1x16xi32>
      tpu.vector_store %arg9[%swap3A_320, %swap3A_321, %swap3A_322], %swap3A_325 {strides = array<i32>} : memref<2x2x128xi32, #tpu.memory_space<vmem>>, vector<1x1x16xi32>,
      %get3A_326 = arith.constant 0 : i32
      %get3A_327 = arith.constant 0 : i32
      %get3A_328 = arith.index_cast %get3A_326 : i32 to index
      %get3A_329 = arith.index_cast %get3A_327 : i32 to index
      %get3A_330 = arith.constant 112 : index
      %get3A_331 = tpu.vector_load %arg8[%get3A_328, %get3A_329, %get3A_330] {strides = array<i32>} : memref<2x2x128xi32, #tpu.memory_space<vmem>>, vector<1x1x16xi32>,
      %get3A_332 = vector.shape_cast %get3A_331 : vector<1x1x16xi32> to vector<16xi32>
      %swap3A_333 = arith.constant 0 : i32
      %swap3A_334 = arith.constant 0 : i32
      %swap3A_335 = arith.index_cast %swap3A_333 : i32 to index
      %swap3A_336 = arith.index_cast %swap3A_334 : i32 to index
      %swap3A_337 = arith.constant 112 : index
      %swap3A_338 = tpu.vector_load %arg9[%swap3A_335, %swap3A_336, %swap3A_337] {strides = array<i32>} : memref<2x2x128xi32, #tpu.memory_space<vmem>>, vector<1x1x16xi32>,
      %swap3A_339 = vector.shape_cast %swap3A_338 : vector<1x1x16xi32> to vector<16xi32>
      %swap3A_340 = vector.shape_cast %get3A_332 : vector<16xi32> to vector<1x1x16xi32>
      tpu.vector_store %arg9[%swap3A_335, %swap3A_336, %swap3A_337], %swap3A_340 {strides = array<i32>} : memref<2x2x128xi32, #tpu.memory_space<vmem>>, vector<1x1x16xi32>,
      %get3A_341 = arith.constant 0 : i32
      %get3A_342 = arith.constant 1 : i32
      %get3A_343 = arith.index_cast %get3A_341 : i32 to index
      %get3A_344 = arith.index_cast %get3A_342 : i32 to index
      %get3A_345 = arith.constant 0 : index
      %get3A_346 = tpu.vector_load %arg8[%get3A_343, %get3A_344, %get3A_345] {strides = array<i32>} : memref<2x2x128xi32, #tpu.memory_space<vmem>>, vector<1x1x16xi32>,
      %get3A_347 = vector.shape_cast %get3A_346 : vector<1x1x16xi32> to vector<16xi32>
      %swap3A_348 = arith.constant 0 : i32
      %swap3A_349 = arith.constant 1 : i32
      %swap3A_350 = arith.index_cast %swap3A_348 : i32 to index
      %swap3A_351 = arith.index_cast %swap3A_349 : i32 to index
      %swap3A_352 = arith.constant 0 : index
      %swap3A_353 = tpu.vector_load %arg9[%swap3A_350, %swap3A_351, %swap3A_352] {strides = array<i32>} : memref<2x2x128xi32, #tpu.memory_space<vmem>>, vector<1x1x16xi32>,
      %swap3A_354 = vector.shape_cast %swap3A_353 : vector<1x1x16xi32> to vector<16xi32>
      %swap3A_355 = vector.shape_cast %get3A_347 : vector<16xi32> to vector<1x1x16xi32>
      tpu.vector_store %arg9[%swap3A_350, %swap3A_351, %swap3A_352], %swap3A_355 {strides = array<i32>} : memref<2x2x128xi32, #tpu.memory_space<vmem>>, vector<1x1x16xi32>,
      %get3A_356 = arith.constant 0 : i32
      %get3A_357 = arith.constant 1 : i32
      %get3A_358 = arith.index_cast %get3A_356 : i32 to index
      %get3A_359 = arith.index_cast %get3A_357 : i32 to index
      %get3A_360 = arith.constant 16 : index
      %get3A_361 = tpu.vector_load %arg8[%get3A_358, %get3A_359, %get3A_360] {strides = array<i32>} : memref<2x2x128xi32, #tpu.memory_space<vmem>>, vector<1x1x16xi32>,
      %get3A_362 = vector.shape_cast %get3A_361 : vector<1x1x16xi32> to vector<16xi32>
      %swap3A_363 = arith.constant 0 : i32
      %swap3A_364 = arith.constant 1 : i32
      %swap3A_365 = arith.index_cast %swap3A_363 : i32 to index
      %swap3A_366 = arith.index_cast %swap3A_364 : i32 to index
      %swap3A_367 = arith.constant 16 : index
      %swap3A_368 = tpu.vector_load %arg9[%swap3A_365, %swap3A_366, %swap3A_367] {strides = array<i32>} : memref<2x2x128xi32, #tpu.memory_space<vmem>>, vector<1x1x16xi32>,
      %swap3A_369 = vector.shape_cast %swap3A_368 : vector<1x1x16xi32> to vector<16xi32>
      %swap3A_370 = vector.shape_cast %get3A_362 : vector<16xi32> to vector<1x1x16xi32>
      tpu.vector_store %arg9[%swap3A_365, %swap3A_366, %swap3A_367], %swap3A_370 {strides = array<i32>} : memref<2x2x128xi32, #tpu.memory_space<vmem>>, vector<1x1x16xi32>,
      %get3A_371 = arith.constant 0 : i32
      %get3A_372 = arith.constant 1 : i32
      %get3A_373 = arith.index_cast %get3A_371 : i32 to index
      %get3A_374 = arith.index_cast %get3A_372 : i32 to index
      %get3A_375 = arith.constant 32 : index
      %get3A_376 = tpu.vector_load %arg8[%get3A_373, %get3A_374, %get3A_375] {strides = array<i32>} : memref<2x2x128xi32, #tpu.memory_space<vmem>>, vector<1x1x16xi32>,
      %get3A_377 = vector.shape_cast %get3A_376 : vector<1x1x16xi32> to vector<16xi32>
      %swap3A_378 = arith.constant 0 : i32
      %swap3A_379 = arith.constant 1 : i32
      %swap3A_380 = arith.index_cast %swap3A_378 : i32 to index
      %swap3A_381 = arith.index_cast %swap3A_379 : i32 to index
      %swap3A_382 = arith.constant 32 : index
      %swap3A_383 = tpu.vector_load %arg9[%swap3A_380, %swap3A_381, %swap3A_382] {strides = array<i32>} : memref<2x2x128xi32, #tpu.memory_space<vmem>>, vector<1x1x16xi32>,
      %swap3A_384 = vector.shape_cast %swap3A_383 : vector<1x1x16xi32> to vector<16xi32>
      %swap3A_385 = vector.shape_cast %get3A_377 : vector<16xi32> to vector<1x1x16xi32>
      tpu.vector_store %arg9[%swap3A_380, %swap3A_381, %swap3A_382], %swap3A_385 {strides = array<i32>} : memref<2x2x128xi32, #tpu.memory_space<vmem>>, vector<1x1x16xi32>,
      %get3A_386 = arith.constant 0 : i32
      %get3A_387 = arith.constant 1 : i32
      %get3A_388 = arith.index_cast %get3A_386 : i32 to index
      %get3A_389 = arith.index_cast %get3A_387 : i32 to index
      %get3A_390 = arith.constant 48 : index
      %get3A_391 = tpu.vector_load %arg8[%get3A_388, %get3A_389, %get3A_390] {strides = array<i32>} : memref<2x2x128xi32, #tpu.memory_space<vmem>>, vector<1x1x16xi32>,
      %get3A_392 = vector.shape_cast %get3A_391 : vector<1x1x16xi32> to vector<16xi32>
      %swap3A_393 = arith.constant 0 : i32
      %swap3A_394 = arith.constant 1 : i32
      %swap3A_395 = arith.index_cast %swap3A_393 : i32 to index
      %swap3A_396 = arith.index_cast %swap3A_394 : i32 to index
      %swap3A_397 = arith.constant 48 : index
      %swap3A_398 = tpu.vector_load %arg9[%swap3A_395, %swap3A_396, %swap3A_397] {strides = array<i32>} : memref<2x2x128xi32, #tpu.memory_space<vmem>>, vector<1x1x16xi32>,
      %swap3A_399 = vector.shape_cast %swap3A_398 : vector<1x1x16xi32> to vector<16xi32>
      %swap3A_400 = vector.shape_cast %get3A_392 : vector<16xi32> to vector<1x1x16xi32>
      tpu.vector_store %arg9[%swap3A_395, %swap3A_396, %swap3A_397], %swap3A_400 {strides = array<i32>} : memref<2x2x128xi32, #tpu.memory_space<vmem>>, vector<1x1x16xi32>,
      %get3A_401 = arith.constant 0 : i32
      %get3A_402 = arith.constant 1 : i32
      %get3A_403 = arith.index_cast %get3A_401 : i32 to index
      %get3A_404 = arith.index_cast %get3A_402 : i32 to index
      %get3A_405 = arith.constant 64 : index
      %get3A_406 = tpu.vector_load %arg8[%get3A_403, %get3A_404, %get3A_405] {strides = array<i32>} : memref<2x2x128xi32, #tpu.memory_space<vmem>>, vector<1x1x16xi32>,
      %get3A_407 = vector.shape_cast %get3A_406 : vector<1x1x16xi32> to vector<16xi32>
      %swap3A_408 = arith.constant 0 : i32
      %swap3A_409 = arith.constant 1 : i32
      %swap3A_410 = arith.index_cast %swap3A_408 : i32 to index
      %swap3A_411 = arith.index_cast %swap3A_409 : i32 to index
      %swap3A_412 = arith.constant 64 : index
      %swap3A_413 = tpu.vector_load %arg9[%swap3A_410, %swap3A_411, %swap3A_412] {strides = array<i32>} : memref<2x2x128xi32, #tpu.memory_space<vmem>>, vector<1x1x16xi32>,
      %swap3A_414 = vector.shape_cast %swap3A_413 : vector<1x1x16xi32> to vector<16xi32>
      %swap3A_415 = vector.shape_cast %get3A_407 : vector<16xi32> to vector<1x1x16xi32>
      tpu.vector_store %arg9[%swap3A_410, %swap3A_411, %swap3A_412], %swap3A_415 {strides = array<i32>} : memref<2x2x128xi32, #tpu.memory_space<vmem>>, vector<1x1x16xi32>,
      %get3A_416 = arith.constant 0 : i32
      %get3A_417 = arith.constant 1 : i32
      %get3A_418 = arith.index_cast %get3A_416 : i32 to index
      %get3A_419 = arith.index_cast %get3A_417 : i32 to index
      %get3A_420 = arith.constant 80 : index
      %get3A_421 = tpu.vector_load %arg8[%get3A_418, %get3A_419, %get3A_420] {strides = array<i32>} : memref<2x2x128xi32, #tpu.memory_space<vmem>>, vector<1x1x16xi32>,
      %get3A_422 = vector.shape_cast %get3A_421 : vector<1x1x16xi32> to vector<16xi32>
      %swap3A_423 = arith.constant 0 : i32
      %swap3A_424 = arith.constant 1 : i32
      %swap3A_425 = arith.index_cast %swap3A_423 : i32 to index
      %swap3A_426 = arith.index_cast %swap3A_424 : i32 to index
      %swap3A_427 = arith.constant 80 : index
      %swap3A_428 = tpu.vector_load %arg9[%swap3A_425, %swap3A_426, %swap3A_427] {strides = array<i32>} : memref<2x2x128xi32, #tpu.memory_space<vmem>>, vector<1x1x16xi32>,
      %swap3A_429 = vector.shape_cast %swap3A_428 : vector<1x1x16xi32> to vector<16xi32>
      %swap3A_430 = vector.shape_cast %get3A_422 : vector<16xi32> to vector<1x1x16xi32>
      tpu.vector_store %arg9[%swap3A_425, %swap3A_426, %swap3A_427], %swap3A_430 {strides = array<i32>} : memref<2x2x128xi32, #tpu.memory_space<vmem>>, vector<1x1x16xi32>,
      %get3A_431 = arith.constant 0 : i32
      %get3A_432 = arith.constant 1 : i32
      %get3A_433 = arith.index_cast %get3A_431 : i32 to index
      %get3A_434 = arith.index_cast %get3A_432 : i32 to index
      %get3A_435 = arith.constant 96 : index
      %get3A_436 = tpu.vector_load %arg8[%get3A_433, %get3A_434, %get3A_435] {strides = array<i32>} : memref<2x2x128xi32, #tpu.memory_space<vmem>>, vector<1x1x16xi32>,
      %get3A_437 = vector.shape_cast %get3A_436 : vector<1x1x16xi32> to vector<16xi32>
      %swap3A_438 = arith.constant 0 : i32
      %swap3A_439 = arith.constant 1 : i32
      %swap3A_440 = arith.index_cast %swap3A_438 : i32 to index
      %swap3A_441 = arith.index_cast %swap3A_439 : i32 to index
      %swap3A_442 = arith.constant 96 : index
      %swap3A_443 = tpu.vector_load %arg9[%swap3A_440, %swap3A_441, %swap3A_442] {strides = array<i32>} : memref<2x2x128xi32, #tpu.memory_space<vmem>>, vector<1x1x16xi32>,
      %swap3A_444 = vector.shape_cast %swap3A_443 : vector<1x1x16xi32> to vector<16xi32>
      %swap3A_445 = vector.shape_cast %get3A_437 : vector<16xi32> to vector<1x1x16xi32>
      tpu.vector_store %arg9[%swap3A_440, %swap3A_441, %swap3A_442], %swap3A_445 {strides = array<i32>} : memref<2x2x128xi32, #tpu.memory_space<vmem>>, vector<1x1x16xi32>,
      %get3A_446 = arith.constant 0 : i32
      %get3A_447 = arith.constant 1 : i32
      %get3A_448 = arith.index_cast %get3A_446 : i32 to index
      %get3A_449 = arith.index_cast %get3A_447 : i32 to index
      %get3A_450 = arith.constant 112 : index
      %get3A_451 = tpu.vector_load %arg8[%get3A_448, %get3A_449, %get3A_450] {strides = array<i32>} : memref<2x2x128xi32, #tpu.memory_space<vmem>>, vector<1x1x16xi32>,
      %get3A_452 = vector.shape_cast %get3A_451 : vector<1x1x16xi32> to vector<16xi32>
      %swap3A_453 = arith.constant 0 : i32
      %swap3A_454 = arith.constant 1 : i32
      %swap3A_455 = arith.index_cast %swap3A_453 : i32 to index
      %swap3A_456 = arith.index_cast %swap3A_454 : i32 to index
      %swap3A_457 = arith.constant 112 : index
      %swap3A_458 = tpu.vector_load %arg9[%swap3A_455, %swap3A_456, %swap3A_457] {strides = array<i32>} : memref<2x2x128xi32, #tpu.memory_space<vmem>>, vector<1x1x16xi32>,
      %swap3A_459 = vector.shape_cast %swap3A_458 : vector<1x1x16xi32> to vector<16xi32>
      %swap3A_460 = vector.shape_cast %get3A_452 : vector<16xi32> to vector<1x1x16xi32>
      tpu.vector_store %arg9[%swap3A_455, %swap3A_456, %swap3A_457], %swap3A_460 {strides = array<i32>} : memref<2x2x128xi32, #tpu.memory_space<vmem>>, vector<1x1x16xi32>,
      %dma_wait3A_461 = arith.constant 0 : i32
      %dma_wait3A_462 = arith.constant 0 : i32
      %dma_wait3A_463 = arith.constant 0 : i32
      %dma_wait3A_464 = arith.constant 0 : i32
      %dma_wait3A_465 = arith.constant 0 : i32
      %dma_wait3A_466 = tpu.memref_slice %arg10[%dma_wait3A_463, %dma_wait3A_464, %dma_wait3A_465] : memref<2x256x32xbf16, #tpu.memory_space<vmem>> -> memref<1x128x32xbf16, #tpu.memory_space<vmem>>
      %dma_wait3A_467 = tpu.memref_squeeze %dma_wait3A_466 : memref<1x128x32xbf16, #tpu.memory_space<vmem>> -> memref<128x32xbf16, #tpu.memory_space<vmem>>
      %dma_wait3A_468 = arith.constant 0 : i32
      %dma_wait3A_469 = tpu.memref_slice %arg7[%dma_wait3A_461, %dma_wait3A_462, %dma_wait3A_468] : memref<2x2x128xi32, #tpu.memory_space<vmem>> -> memref<1x1x128xi32, #tpu.memory_space<vmem>>
      %dma_wait3A_470 = tpu.memref_squeeze %dma_wait3A_469 : memref<1x1x128xi32, #tpu.memory_space<vmem>> -> memref<128xi32, #tpu.memory_space<vmem>>
      %dma_wait3A_471 = arith.constant 0 : i32
      %dma_wait3A_472 = arith.constant 0 : i32
      %dma_wait3A_473 = tpu.memref_slice %arg4[%dma_wait3A_471, %dma_wait3A_472] : memref<100000x32xbf16, #tpu.memory_space<hbm>> -> memref<100000x32xbf16, #tpu.memory_space<hbm>>
      tpu.wait_indirect_dma semaphore(%arg13 : memref<!tpu.dma_semaphore, #tpu.memory_space<semaphore_mem>>) src(%dma_wait3A_473 : memref<100000x32xbf16, #tpu.memory_space<hbm>>) dst(%dma_wait3A_467 : memref<128x32xbf16, #tpu.memory_space<vmem>>)
      %dma_wait3A_474 = arith.constant 0 : i32
      %dma_wait3A_475 = arith.constant 1 : i32
      %dma_wait3A_476 = arith.constant 0 : i32
      %dma_wait3A_477 = arith.constant 128 : i32
      %dma_wait3A_478 = arith.constant 0 : i32
      %dma_wait3A_479 = tpu.memref_slice %arg10[%dma_wait3A_476, %dma_wait3A_477, %dma_wait3A_478] : memref<2x256x32xbf16, #tpu.memory_space<vmem>> -> memref<1x128x32xbf16, #tpu.memory_space<vmem>>
      %dma_wait3A_480 = tpu.memref_squeeze %dma_wait3A_479 : memref<1x128x32xbf16, #tpu.memory_space<vmem>> -> memref<128x32xbf16, #tpu.memory_space<vmem>>
      %dma_wait3A_481 = arith.constant 0 : i32
      %dma_wait3A_482 = tpu.memref_slice %arg7[%dma_wait3A_474, %dma_wait3A_475, %dma_wait3A_481] : memref<2x2x128xi32, #tpu.memory_space<vmem>> -> memref<1x1x128xi32, #tpu.memory_space<vmem>>
      %dma_wait3A_483 = tpu.memref_squeeze %dma_wait3A_482 : memref<1x1x128xi32, #tpu.memory_space<vmem>> -> memref<128xi32, #tpu.memory_space<vmem>>
      %dma_wait3A_484 = arith.constant 0 : i32
      %dma_wait3A_485 = arith.constant 0 : i32
      %dma_wait3A_486 = tpu.memref_slice %arg4[%dma_wait3A_484, %dma_wait3A_485] : memref<100000x32xbf16, #tpu.memory_space<hbm>> -> memref<100000x32xbf16, #tpu.memory_space<hbm>>
      tpu.wait_indirect_dma semaphore(%arg13 : memref<!tpu.dma_semaphore, #tpu.memory_space<semaphore_mem>>) src(%dma_wait3A_486 : memref<100000x32xbf16, #tpu.memory_space<hbm>>) dst(%dma_wait3A_480 : memref<128x32xbf16, #tpu.memory_space<vmem>>)
      %dma_start3A_487 = arith.constant 0 : i32
      %dma_start3A_488 = arith.constant 0 : i32
      %dma_start3A_489 = arith.constant 0 : i32
      %dma_start3A_490 = arith.constant 0 : i32
      %dma_start3A_491 = arith.constant 0 : i32
      %dma_start3A_492 = tpu.memref_slice %arg10[%dma_start3A_487, %dma_start3A_490, %dma_start3A_491] : memref<2x256x32xbf16, #tpu.memory_space<vmem>> -> memref<1x128x32xbf16, #tpu.memory_space<vmem>>
      %dma_start3A_493 = tpu.memref_squeeze %dma_start3A_492 : memref<1x128x32xbf16, #tpu.memory_space<vmem>> -> memref<128x32xbf16, #tpu.memory_space<vmem>>
      %dma_start3A_494 = arith.constant 0 : i32
      %dma_start3A_495 = tpu.memref_slice %arg9[%dma_start3A_488, %dma_start3A_489, %dma_start3A_494] : memref<2x2x128xi32, #tpu.memory_space<vmem>> -> memref<1x1x128xi32, #tpu.memory_space<vmem>>
      %dma_start3A_496 = tpu.memref_squeeze %dma_start3A_495 : memref<1x1x128xi32, #tpu.memory_space<vmem>> -> memref<128xi32, #tpu.memory_space<vmem>>
      %dma_start3A_497 = arith.constant 0 : i32
      %dma_start3A_498 = arith.constant 0 : i32
      %dma_start3A_499 = tpu.memref_slice %arg11[%dma_start3A_497, %dma_start3A_498] : memref<100352x32xbf16, #tpu.memory_space<vmem_shared>> -> memref<100352x32xbf16, #tpu.memory_space<vmem_shared>>
      tpu.enqueue_indirect_dma source(%dma_start3A_493 : memref<128x32xbf16, #tpu.memory_space<vmem>>) target(%dma_start3A_499 : memref<100352x32xbf16, #tpu.memory_space<vmem_shared>>) offsets(%dma_start3A_496 : memref<128xi32, #tpu.memory_space<vmem>>) semaphore(%arg14 : memref<!tpu.dma_semaphore, #tpu.memory_space<semaphore_mem>>) {add = true}
      %dma_start3A_500 = arith.constant 0 : i32
      %dma_start3A_501 = arith.constant 0 : i32
      %dma_start3A_502 = arith.constant 1 : i32
      %dma_start3A_503 = arith.constant 128 : i32
      %dma_start3A_504 = arith.constant 0 : i32
      %dma_start3A_505 = tpu.memref_slice %arg10[%dma_start3A_500, %dma_start3A_503, %dma_start3A_504] : memref<2x256x32xbf16, #tpu.memory_space<vmem>> -> memref<1x128x32xbf16, #tpu.memory_space<vmem>>
      %dma_start3A_506 = tpu.memref_squeeze %dma_start3A_505 : memref<1x128x32xbf16, #tpu.memory_space<vmem>> -> memref<128x32xbf16, #tpu.memory_space<vmem>>
      %dma_start3A_507 = arith.constant 0 : i32
      %dma_start3A_508 = tpu.memref_slice %arg9[%dma_start3A_501, %dma_start3A_502, %dma_start3A_507] : memref<2x2x128xi32, #tpu.memory_space<vmem>> -> memref<1x1x128xi32, #tpu.memory_space<vmem>>
      %dma_start3A_509 = tpu.memref_squeeze %dma_start3A_508 : memref<1x1x128xi32, #tpu.memory_space<vmem>> -> memref<128xi32, #tpu.memory_space<vmem>>
      %dma_start3A_510 = arith.constant 0 : i32
      %dma_start3A_511 = arith.constant 0 : i32
      %dma_start3A_512 = tpu.memref_slice %arg11[%dma_start3A_510, %dma_start3A_511] : memref<100352x32xbf16, #tpu.memory_space<vmem_shared>> -> memref<100352x32xbf16, #tpu.memory_space<vmem_shared>>
      tpu.enqueue_indirect_dma source(%dma_start3A_506 : memref<128x32xbf16, #tpu.memory_space<vmem>>) target(%dma_start3A_512 : memref<100352x32xbf16, #tpu.memory_space<vmem_shared>>) offsets(%dma_start3A_509 : memref<128xi32, #tpu.memory_space<vmem>>) semaphore(%arg14 : memref<!tpu.dma_semaphore, #tpu.memory_space<semaphore_mem>>) {add = true}
      %dma_wait3A_513 = arith.constant 1 : i32
      %dma_wait3A_514 = arith.constant 0 : i32
      %dma_wait3A_515 = arith.constant 0 : i32
      %dma_wait3A_516 = tpu.memref_slice %arg7[%dma_wait3A_513, %dma_wait3A_514, %dma_wait3A_515] : memref<2x2x128xi32, #tpu.memory_space<vmem>> -> memref<1x2x128xi32, #tpu.memory_space<vmem>>
      %dma_wait3A_517 = tpu.memref_squeeze %dma_wait3A_516 : memref<1x2x128xi32, #tpu.memory_space<vmem>> -> memref<2x128xi32, #tpu.memory_space<vmem>>
      %dma_wait3A_518 = arith.constant 0 : i32
      %dma_wait3A_519 = tpu.memref_slice %arg2[%add3A_142, %dma_wait3A_518] : memref<12500x128xi32, #tpu.memory_space<hbm>> -> memref<2x128xi32, #tpu.memory_space<hbm>>
      %dma_wait3A_520 = arith.constant 0 : i32
      %dma_wait3A_521 = arith.constant 0 : i32
      %dma_wait3A_522 = tpu.memref_slice %arg7[%dma_wait3A_513, %dma_wait3A_520, %dma_wait3A_521] : memref<2x2x128xi32, #tpu.memory_space<vmem>> -> memref<1x2x128xi32, #tpu.memory_space<vmem>>
      %dma_wait3A_523 = tpu.memref_squeeze %dma_wait3A_522 : memref<1x2x128xi32, #tpu.memory_space<vmem>> -> memref<2x128xi32, #tpu.memory_space<vmem>>
      %dma_wait3A_524 = arith.constant 0 : i32
      %dma_wait3A_525 = tpu.memref_slice %arg2[%add3A_142, %dma_wait3A_524] : memref<12500x128xi32, #tpu.memory_space<hbm>> -> memref<2x128xi32, #tpu.memory_space<hbm>>
      tpu.wait_dma2 semaphore(%arg12 : memref<!tpu.dma_semaphore, #tpu.memory_space<semaphore_mem>>) src(%dma_wait3A_525 : memref<2x128xi32, #tpu.memory_space<hbm>>) dst(%dma_wait3A_523 : memref<2x128xi32, #tpu.memory_space<vmem>>)
      %dma_wait3A_526 = arith.constant 1 : i32
      %dma_wait3A_527 = arith.constant 0 : i32
      %dma_wait3A_528 = arith.constant 0 : i32
      %dma_wait3A_529 = tpu.memref_slice %arg8[%dma_wait3A_526, %dma_wait3A_527, %dma_wait3A_528] : memref<2x2x128xi32, #tpu.memory_space<vmem>> -> memref<1x2x128xi32, #tpu.memory_space<vmem>>
      %dma_wait3A_530 = tpu.memref_squeeze %dma_wait3A_529 : memref<1x2x128xi32, #tpu.memory_space<vmem>> -> memref<2x128xi32, #tpu.memory_space<vmem>>
      %dma_wait3A_531 = arith.constant 0 : i32
      %dma_wait3A_532 = tpu.memref_slice %arg3[%add3A_142, %dma_wait3A_531] : memref<12500x128xi32, #tpu.memory_space<hbm>> -> memref<2x128xi32, #tpu.memory_space<hbm>>
      %dma_wait3A_533 = arith.constant 0 : i32
      %dma_wait3A_534 = arith.constant 0 : i32
      %dma_wait3A_535 = tpu.memref_slice %arg8[%dma_wait3A_526, %dma_wait3A_533, %dma_wait3A_534] : memref<2x2x128xi32, #tpu.memory_space<vmem>> -> memref<1x2x128xi32, #tpu.memory_space<vmem>>
      %dma_wait3A_536 = tpu.memref_squeeze %dma_wait3A_535 : memref<1x2x128xi32, #tpu.memory_space<vmem>> -> memref<2x128xi32, #tpu.memory_space<vmem>>
      %dma_wait3A_537 = arith.constant 0 : i32
      %dma_wait3A_538 = tpu.memref_slice %arg3[%add3A_142, %dma_wait3A_537] : memref<12500x128xi32, #tpu.memory_space<hbm>> -> memref<2x128xi32, #tpu.memory_space<hbm>>
      tpu.wait_dma2 semaphore(%arg12 : memref<!tpu.dma_semaphore, #tpu.memory_space<semaphore_mem>>) src(%dma_wait3A_538 : memref<2x128xi32, #tpu.memory_space<hbm>>) dst(%dma_wait3A_536 : memref<2x128xi32, #tpu.memory_space<vmem>>)
      %sub3A = arith.constant 1 : i32
      %sub3A_539 = arith.subi %select_n3A_22, %sub3A : i32
      %lt3A_540 = arith.cmpi slt, %while3A_134, %sub3A_539 : i32
      %convert_element_type3A_541 = arith.extui %lt3A_540 : i1 to i32
      %cond3A_542 = arith.constant 0 : i32
      %cond3A_543 = arith.cmpi ne, %convert_element_type3A_541, %cond3A_542 : i32
      scf.if %cond3A_543 {
        %add3A_868 = arith.constant 2 : i32
        %add3A_869 = arith.addi %add3A_142, %add3A_868 : i32
        %dma_start3A_870 = arith.constant 0 : i32
        %dma_start3A_871 = arith.constant 0 : i32
        %dma_start3A_872 = arith.constant 0 : i32
        %dma_start3A_873 = tpu.memref_slice %arg7[%dma_start3A_870, %dma_start3A_871, %dma_start3A_872] : memref<2x2x128xi32, #tpu.memory_space<vmem>> -> memref<1x2x128xi32, #tpu.memory_space<vmem>>
        %dma_start3A_874 = tpu.memref_squeeze %dma_start3A_873 : memref<1x2x128xi32, #tpu.memory_space<vmem>> -> memref<2x128xi32, #tpu.memory_space<vmem>>
        %dma_start3A_875 = arith.constant 0 : i32
        %dma_start3A_876 = tpu.memref_slice %arg2[%add3A_869, %dma_start3A_875] : memref<12500x128xi32, #tpu.memory_space<hbm>> -> memref<2x128xi32, #tpu.memory_space<hbm>>
        %dma_start3A_877 = arith.constant 0 : i32
        %dma_start3A_878 = arith.constant 0 : i32
        %dma_start3A_879 = tpu.memref_slice %arg7[%dma_start3A_870, %dma_start3A_877, %dma_start3A_878] : memref<2x2x128xi32, #tpu.memory_space<vmem>> -> memref<1x2x128xi32, #tpu.memory_space<vmem>>
        %dma_start3A_880 = tpu.memref_squeeze %dma_start3A_879 : memref<1x2x128xi32, #tpu.memory_space<vmem>> -> memref<2x128xi32, #tpu.memory_space<vmem>>
        %dma_start3A_881 = arith.constant 0 : i32
        %dma_start3A_882 = tpu.memref_slice %arg2[%add3A_869, %dma_start3A_881] : memref<12500x128xi32, #tpu.memory_space<hbm>> -> memref<2x128xi32, #tpu.memory_space<hbm>>
        tpu.enqueue_dma source(%dma_start3A_882 : memref<2x128xi32, #tpu.memory_space<hbm>>) target(%dma_start3A_880 : memref<2x128xi32, #tpu.memory_space<vmem>>) target_semaphore(%arg12 : memref<!tpu.dma_semaphore, #tpu.memory_space<semaphore_mem>>)
        %dma_start3A_883 = arith.constant 0 : i32
        %dma_start3A_884 = arith.constant 0 : i32
        %dma_start3A_885 = arith.constant 0 : i32
        %dma_start3A_886 = tpu.memref_slice %arg8[%dma_start3A_883, %dma_start3A_884, %dma_start3A_885] : memref<2x2x128xi32, #tpu.memory_space<vmem>> -> memref<1x2x128xi32, #tpu.memory_space<vmem>>
        %dma_start3A_887 = tpu.memref_squeeze %dma_start3A_886 : memref<1x2x128xi32, #tpu.memory_space<vmem>> -> memref<2x128xi32, #tpu.memory_space<vmem>>
        %dma_start3A_888 = arith.constant 0 : i32
        %dma_start3A_889 = tpu.memref_slice %arg3[%add3A_869, %dma_start3A_888] : memref<12500x128xi32, #tpu.memory_space<hbm>> -> memref<2x128xi32, #tpu.memory_space<hbm>>
        %dma_start3A_890 = arith.constant 0 : i32
        %dma_start3A_891 = arith.constant 0 : i32
        %dma_start3A_892 = tpu.memref_slice %arg8[%dma_start3A_883, %dma_start3A_890, %dma_start3A_891] : memref<2x2x128xi32, #tpu.memory_space<vmem>> -> memref<1x2x128xi32, #tpu.memory_space<vmem>>
        %dma_start3A_893 = tpu.memref_squeeze %dma_start3A_892 : memref<1x2x128xi32, #tpu.memory_space<vmem>> -> memref<2x128xi32, #tpu.memory_space<vmem>>
        %dma_start3A_894 = arith.constant 0 : i32
        %dma_start3A_895 = tpu.memref_slice %arg3[%add3A_869, %dma_start3A_894] : memref<12500x128xi32, #tpu.memory_space<hbm>> -> memref<2x128xi32, #tpu.memory_space<hbm>>
        tpu.enqueue_dma source(%dma_start3A_895 : memref<2x128xi32, #tpu.memory_space<hbm>>) target(%dma_start3A_893 : memref<2x128xi32, #tpu.memory_space<vmem>>) target_semaphore(%arg12 : memref<!tpu.dma_semaphore, #tpu.memory_space<semaphore_mem>>)
      } else {
      }
      %ge3A_544 = arith.constant 1 : i32
      %ge3A_545 = arith.cmpi sge, %while3A_134, %ge3A_544 : i32
      %convert_element_type3A_546 = arith.extui %ge3A_545 : i1 to i32
      %cond3A_547 = arith.constant 0 : i32
      %cond3A_548 = arith.cmpi ne, %convert_element_type3A_546, %cond3A_547 : i32
      scf.if %cond3A_548 {
        %dma_wait3A_868 = arith.constant 1 : i32
        %dma_wait3A_869 = arith.constant 1 : i32
        %dma_wait3A_870 = arith.constant 0 : i32
        %dma_wait3A_871 = arith.constant 0 : i32
        %dma_wait3A_872 = arith.constant 0 : i32
        %dma_wait3A_873 = tpu.memref_slice %arg10[%dma_wait3A_868, %dma_wait3A_871, %dma_wait3A_872] : memref<2x256x32xbf16, #tpu.memory_space<vmem>> -> memref<1x128x32xbf16, #tpu.memory_space<vmem>>
        %dma_wait3A_874 = tpu.memref_squeeze %dma_wait3A_873 : memref<1x128x32xbf16, #tpu.memory_space<vmem>> -> memref<128x32xbf16, #tpu.memory_space<vmem>>
        %dma_wait3A_875 = arith.constant 0 : i32
        %dma_wait3A_876 = tpu.memref_slice %arg9[%dma_wait3A_869, %dma_wait3A_870, %dma_wait3A_875] : memref<2x2x128xi32, #tpu.memory_space<vmem>> -> memref<1x1x128xi32, #tpu.memory_space<vmem>>
        %dma_wait3A_877 = tpu.memref_squeeze %dma_wait3A_876 : memref<1x1x128xi32, #tpu.memory_space<vmem>> -> memref<128xi32, #tpu.memory_space<vmem>>
        %dma_wait3A_878 = arith.constant 0 : i32
        %dma_wait3A_879 = arith.constant 0 : i32
        %dma_wait3A_880 = tpu.memref_slice %arg11[%dma_wait3A_878, %dma_wait3A_879] : memref<100352x32xbf16, #tpu.memory_space<vmem_shared>> -> memref<100352x32xbf16, #tpu.memory_space<vmem_shared>>
        tpu.wait_indirect_dma semaphore(%arg15 : memref<!tpu.dma_semaphore, #tpu.memory_space<semaphore_mem>>) src(%dma_wait3A_874 : memref<128x32xbf16, #tpu.memory_space<vmem>>) dst(%dma_wait3A_880 : memref<100352x32xbf16, #tpu.memory_space<vmem_shared>>)
        %dma_wait3A_881 = arith.constant 1 : i32
        %dma_wait3A_882 = arith.constant 1 : i32
        %dma_wait3A_883 = arith.constant 1 : i32
        %dma_wait3A_884 = arith.constant 128 : i32
        %dma_wait3A_885 = arith.constant 0 : i32
        %dma_wait3A_886 = tpu.memref_slice %arg10[%dma_wait3A_881, %dma_wait3A_884, %dma_wait3A_885] : memref<2x256x32xbf16, #tpu.memory_space<vmem>> -> memref<1x128x32xbf16, #tpu.memory_space<vmem>>
        %dma_wait3A_887 = tpu.memref_squeeze %dma_wait3A_886 : memref<1x128x32xbf16, #tpu.memory_space<vmem>> -> memref<128x32xbf16, #tpu.memory_space<vmem>>
        %dma_wait3A_888 = arith.constant 0 : i32
        %dma_wait3A_889 = tpu.memref_slice %arg9[%dma_wait3A_882, %dma_wait3A_883, %dma_wait3A_888] : memref<2x2x128xi32, #tpu.memory_space<vmem>> -> memref<1x1x128xi32, #tpu.memory_space<vmem>>
        %dma_wait3A_890 = tpu.memref_squeeze %dma_wait3A_889 : memref<1x1x128xi32, #tpu.memory_space<vmem>> -> memref<128xi32, #tpu.memory_space<vmem>>
        %dma_wait3A_891 = arith.constant 0 : i32
        %dma_wait3A_892 = arith.constant 0 : i32
        %dma_wait3A_893 = tpu.memref_slice %arg11[%dma_wait3A_891, %dma_wait3A_892] : memref<100352x32xbf16, #tpu.memory_space<vmem_shared>> -> memref<100352x32xbf16, #tpu.memory_space<vmem_shared>>
        tpu.wait_indirect_dma semaphore(%arg15 : memref<!tpu.dma_semaphore, #tpu.memory_space<semaphore_mem>>) src(%dma_wait3A_887 : memref<128x32xbf16, #tpu.memory_space<vmem>>) dst(%dma_wait3A_893 : memref<100352x32xbf16, #tpu.memory_space<vmem_shared>>)
      } else {
      }
      %dma_start3A_549 = arith.constant 1 : i32
      %dma_start3A_550 = arith.constant 0 : i32
      %dma_start3A_551 = arith.constant 1 : i32
      %dma_start3A_552 = arith.constant 0 : i32
      %dma_start3A_553 = arith.constant 0 : i32
      %dma_start3A_554 = tpu.memref_slice %arg10[%dma_start3A_551, %dma_start3A_552, %dma_start3A_553] : memref<2x256x32xbf16, #tpu.memory_space<vmem>> -> memref<1x128x32xbf16, #tpu.memory_space<vmem>>
      %dma_start3A_555 = tpu.memref_squeeze %dma_start3A_554 : memref<1x128x32xbf16, #tpu.memory_space<vmem>> -> memref<128x32xbf16, #tpu.memory_space<vmem>>
      %dma_start3A_556 = arith.constant 0 : i32
      %dma_start3A_557 = tpu.memref_slice %arg7[%dma_start3A_549, %dma_start3A_550, %dma_start3A_556] : memref<2x2x128xi32, #tpu.memory_space<vmem>> -> memref<1x1x128xi32, #tpu.memory_space<vmem>>
      %dma_start3A_558 = tpu.memref_squeeze %dma_start3A_557 : memref<1x1x128xi32, #tpu.memory_space<vmem>> -> memref<128xi32, #tpu.memory_space<vmem>>
      %dma_start3A_559 = arith.constant 0 : i32
      %dma_start3A_560 = arith.constant 0 : i32
      %dma_start3A_561 = tpu.memref_slice %arg4[%dma_start3A_559, %dma_start3A_560] : memref<100000x32xbf16, #tpu.memory_space<hbm>> -> memref<100000x32xbf16, #tpu.memory_space<hbm>>
      tpu.enqueue_indirect_dma source(%dma_start3A_561 : memref<100000x32xbf16, #tpu.memory_space<hbm>>) target(%dma_start3A_555 : memref<128x32xbf16, #tpu.memory_space<vmem>>) offsets(%dma_start3A_558 : memref<128xi32, #tpu.memory_space<vmem>>) semaphore(%arg13 : memref<!tpu.dma_semaphore, #tpu.memory_space<semaphore_mem>>)
      %dma_start3A_562 = arith.constant 1 : i32
      %dma_start3A_563 = arith.constant 1 : i32
      %dma_start3A_564 = arith.constant 1 : i32
      %dma_start3A_565 = arith.constant 128 : i32
      %dma_start3A_566 = arith.constant 0 : i32
      %dma_start3A_567 = tpu.memref_slice %arg10[%dma_start3A_564, %dma_start3A_565, %dma_start3A_566] : memref<2x256x32xbf16, #tpu.memory_space<vmem>> -> memref<1x128x32xbf16, #tpu.memory_space<vmem>>
      %dma_start3A_568 = tpu.memref_squeeze %dma_start3A_567 : memref<1x128x32xbf16, #tpu.memory_space<vmem>> -> memref<128x32xbf16, #tpu.memory_space<vmem>>
      %dma_start3A_569 = arith.constant 0 : i32
      %dma_start3A_570 = tpu.memref_slice %arg7[%dma_start3A_562, %dma_start3A_563, %dma_start3A_569] : memref<2x2x128xi32, #tpu.memory_space<vmem>> -> memref<1x1x128xi32, #tpu.memory_space<vmem>>
      %dma_start3A_571 = tpu.memref_squeeze %dma_start3A_570 : memref<1x1x128xi32, #tpu.memory_space<vmem>> -> memref<128xi32, #tpu.memory_space<vmem>>
      %dma_start3A_572 = arith.constant 0 : i32
      %dma_start3A_573 = arith.constant 0 : i32
      %dma_start3A_574 = tpu.memref_slice %arg4[%dma_start3A_572, %dma_start3A_573] : memref<100000x32xbf16, #tpu.memory_space<hbm>> -> memref<100000x32xbf16, #tpu.memory_space<hbm>>
      tpu.enqueue_indirect_dma source(%dma_start3A_574 : memref<100000x32xbf16, #tpu.memory_space<hbm>>) target(%dma_start3A_568 : memref<128x32xbf16, #tpu.memory_space<vmem>>) offsets(%dma_start3A_571 : memref<128xi32, #tpu.memory_space<vmem>>) semaphore(%arg13 : memref<!tpu.dma_semaphore, #tpu.memory_space<semaphore_mem>>)
      %get3A_575 = arith.constant 1 : i32
      %get3A_576 = arith.constant 0 : i32
      %get3A_577 = arith.index_cast %get3A_575 : i32 to index
      %get3A_578 = arith.index_cast %get3A_576 : i32 to index
      %get3A_579 = arith.constant 0 : index
      %get3A_580 = tpu.vector_load %arg8[%get3A_577, %get3A_578, %get3A_579] {strides = array<i32>} : memref<2x2x128xi32, #tpu.memory_space<vmem>>, vector<1x1x16xi32>,
      %get3A_581 = vector.shape_cast %get3A_580 : vector<1x1x16xi32> to vector<16xi32>
      %swap3A_582 = arith.constant 1 : i32
      %swap3A_583 = arith.constant 0 : i32
      %swap3A_584 = arith.index_cast %swap3A_582 : i32 to index
      %swap3A_585 = arith.index_cast %swap3A_583 : i32 to index
      %swap3A_586 = arith.constant 0 : index
      %swap3A_587 = tpu.vector_load %arg9[%swap3A_584, %swap3A_585, %swap3A_586] {strides = array<i32>} : memref<2x2x128xi32, #tpu.memory_space<vmem>>, vector<1x1x16xi32>,
      %swap3A_588 = vector.shape_cast %swap3A_587 : vector<1x1x16xi32> to vector<16xi32>
      %swap3A_589 = vector.shape_cast %get3A_581 : vector<16xi32> to vector<1x1x16xi32>
      tpu.vector_store %arg9[%swap3A_584, %swap3A_585, %swap3A_586], %swap3A_589 {strides = array<i32>} : memref<2x2x128xi32, #tpu.memory_space<vmem>>, vector<1x1x16xi32>,
      %get3A_590 = arith.constant 1 : i32
      %get3A_591 = arith.constant 0 : i32
      %get3A_592 = arith.index_cast %get3A_590 : i32 to index
      %get3A_593 = arith.index_cast %get3A_591 : i32 to index
      %get3A_594 = arith.constant 16 : index
      %get3A_595 = tpu.vector_load %arg8[%get3A_592, %get3A_593, %get3A_594] {strides = array<i32>} : memref<2x2x128xi32, #tpu.memory_space<vmem>>, vector<1x1x16xi32>,
      %get3A_596 = vector.shape_cast %get3A_595 : vector<1x1x16xi32> to vector<16xi32>
      %swap3A_597 = arith.constant 1 : i32
      %swap3A_598 = arith.constant 0 : i32
      %swap3A_599 = arith.index_cast %swap3A_597 : i32 to index
      %swap3A_600 = arith.index_cast %swap3A_598 : i32 to index
      %swap3A_601 = arith.constant 16 : index
      %swap3A_602 = tpu.vector_load %arg9[%swap3A_599, %swap3A_600, %swap3A_601] {strides = array<i32>} : memref<2x2x128xi32, #tpu.memory_space<vmem>>, vector<1x1x16xi32>,
      %swap3A_603 = vector.shape_cast %swap3A_602 : vector<1x1x16xi32> to vector<16xi32>
      %swap3A_604 = vector.shape_cast %get3A_596 : vector<16xi32> to vector<1x1x16xi32>
      tpu.vector_store %arg9[%swap3A_599, %swap3A_600, %swap3A_601], %swap3A_604 {strides = array<i32>} : memref<2x2x128xi32, #tpu.memory_space<vmem>>, vector<1x1x16xi32>,
      %get3A_605 = arith.constant 1 : i32
      %get3A_606 = arith.constant 0 : i32
      %get3A_607 = arith.index_cast %get3A_605 : i32 to index
      %get3A_608 = arith.index_cast %get3A_606 : i32 to index
      %get3A_609 = arith.constant 32 : index
      %get3A_610 = tpu.vector_load %arg8[%get3A_607, %get3A_608, %get3A_609] {strides = array<i32>} : memref<2x2x128xi32, #tpu.memory_space<vmem>>, vector<1x1x16xi32>,
      %get3A_611 = vector.shape_cast %get3A_610 : vector<1x1x16xi32> to vector<16xi32>
      %swap3A_612 = arith.constant 1 : i32
      %swap3A_613 = arith.constant 0 : i32
      %swap3A_614 = arith.index_cast %swap3A_612 : i32 to index
      %swap3A_615 = arith.index_cast %swap3A_613 : i32 to index
      %swap3A_616 = arith.constant 32 : index
      %swap3A_617 = tpu.vector_load %arg9[%swap3A_614, %swap3A_615, %swap3A_616] {strides = array<i32>} : memref<2x2x128xi32, #tpu.memory_space<vmem>>, vector<1x1x16xi32>,
      %swap3A_618 = vector.shape_cast %swap3A_617 : vector<1x1x16xi32> to vector<16xi32>
      %swap3A_619 = vector.shape_cast %get3A_611 : vector<16xi32> to vector<1x1x16xi32>
      tpu.vector_store %arg9[%swap3A_614, %swap3A_615, %swap3A_616], %swap3A_619 {strides = array<i32>} : memref<2x2x128xi32, #tpu.memory_space<vmem>>, vector<1x1x16xi32>,
      %get3A_620 = arith.constant 1 : i32
      %get3A_621 = arith.constant 0 : i32
      %get3A_622 = arith.index_cast %get3A_620 : i32 to index
      %get3A_623 = arith.index_cast %get3A_621 : i32 to index
      %get3A_624 = arith.constant 48 : index
      %get3A_625 = tpu.vector_load %arg8[%get3A_622, %get3A_623, %get3A_624] {strides = array<i32>} : memref<2x2x128xi32, #tpu.memory_space<vmem>>, vector<1x1x16xi32>,
      %get3A_626 = vector.shape_cast %get3A_625 : vector<1x1x16xi32> to vector<16xi32>
      %swap3A_627 = arith.constant 1 : i32
      %swap3A_628 = arith.constant 0 : i32
      %swap3A_629 = arith.index_cast %swap3A_627 : i32 to index
      %swap3A_630 = arith.index_cast %swap3A_628 : i32 to index
      %swap3A_631 = arith.constant 48 : index
      %swap3A_632 = tpu.vector_load %arg9[%swap3A_629, %swap3A_630, %swap3A_631] {strides = array<i32>} : memref<2x2x128xi32, #tpu.memory_space<vmem>>, vector<1x1x16xi32>,
      %swap3A_633 = vector.shape_cast %swap3A_632 : vector<1x1x16xi32> to vector<16xi32>
      %swap3A_634 = vector.shape_cast %get3A_626 : vector<16xi32> to vector<1x1x16xi32>
      tpu.vector_store %arg9[%swap3A_629, %swap3A_630, %swap3A_631], %swap3A_634 {strides = array<i32>} : memref<2x2x128xi32, #tpu.memory_space<vmem>>, vector<1x1x16xi32>,
      %get3A_635 = arith.constant 1 : i32
      %get3A_636 = arith.constant 0 : i32
      %get3A_637 = arith.index_cast %get3A_635 : i32 to index
      %get3A_638 = arith.index_cast %get3A_636 : i32 to index
      %get3A_639 = arith.constant 64 : index
      %get3A_640 = tpu.vector_load %arg8[%get3A_637, %get3A_638, %get3A_639] {strides = array<i32>} : memref<2x2x128xi32, #tpu.memory_space<vmem>>, vector<1x1x16xi32>,
      %get3A_641 = vector.shape_cast %get3A_640 : vector<1x1x16xi32> to vector<16xi32>
      %swap3A_642 = arith.constant 1 : i32
      %swap3A_643 = arith.constant 0 : i32
      %swap3A_644 = arith.index_cast %swap3A_642 : i32 to index
      %swap3A_645 = arith.index_cast %swap3A_643 : i32 to index
      %swap3A_646 = arith.constant 64 : index
      %swap3A_647 = tpu.vector_load %arg9[%swap3A_644, %swap3A_645, %swap3A_646] {strides = array<i32>} : memref<2x2x128xi32, #tpu.memory_space<vmem>>, vector<1x1x16xi32>,
      %swap3A_648 = vector.shape_cast %swap3A_647 : vector<1x1x16xi32> to vector<16xi32>
      %swap3A_649 = vector.shape_cast %get3A_641 : vector<16xi32> to vector<1x1x16xi32>
      tpu.vector_store %arg9[%swap3A_644, %swap3A_645, %swap3A_646], %swap3A_649 {strides = array<i32>} : memref<2x2x128xi32, #tpu.memory_space<vmem>>, vector<1x1x16xi32>,
      %get3A_650 = arith.constant 1 : i32
      %get3A_651 = arith.constant 0 : i32
      %get3A_652 = arith.index_cast %get3A_650 : i32 to index
      %get3A_653 = arith.index_cast %get3A_651 : i32 to index
      %get3A_654 = arith.constant 80 : index
      %get3A_655 = tpu.vector_load %arg8[%get3A_652, %get3A_653, %get3A_654] {strides = array<i32>} : memref<2x2x128xi32, #tpu.memory_space<vmem>>, vector<1x1x16xi32>,
      %get3A_656 = vector.shape_cast %get3A_655 : vector<1x1x16xi32> to vector<16xi32>
      %swap3A_657 = arith.constant 1 : i32
      %swap3A_658 = arith.constant 0 : i32
      %swap3A_659 = arith.index_cast %swap3A_657 : i32 to index
      %swap3A_660 = arith.index_cast %swap3A_658 : i32 to index
      %swap3A_661 = arith.constant 80 : index
      %swap3A_662 = tpu.vector_load %arg9[%swap3A_659, %swap3A_660, %swap3A_661] {strides = array<i32>} : memref<2x2x128xi32, #tpu.memory_space<vmem>>, vector<1x1x16xi32>,
      %swap3A_663 = vector.shape_cast %swap3A_662 : vector<1x1x16xi32> to vector<16xi32>
      %swap3A_664 = vector.shape_cast %get3A_656 : vector<16xi32> to vector<1x1x16xi32>
      tpu.vector_store %arg9[%swap3A_659, %swap3A_660, %swap3A_661], %swap3A_664 {strides = array<i32>} : memref<2x2x128xi32, #tpu.memory_space<vmem>>, vector<1x1x16xi32>,
      %get3A_665 = arith.constant 1 : i32
      %get3A_666 = arith.constant 0 : i32
      %get3A_667 = arith.index_cast %get3A_665 : i32 to index
      %get3A_668 = arith.index_cast %get3A_666 : i32 to index
      %get3A_669 = arith.constant 96 : index
      %get3A_670 = tpu.vector_load %arg8[%get3A_667, %get3A_668, %get3A_669] {strides = array<i32>} : memref<2x2x128xi32, #tpu.memory_space<vmem>>, vector<1x1x16xi32>,
      %get3A_671 = vector.shape_cast %get3A_670 : vector<1x1x16xi32> to vector<16xi32>
      %swap3A_672 = arith.constant 1 : i32
      %swap3A_673 = arith.constant 0 : i32
      %swap3A_674 = arith.index_cast %swap3A_672 : i32 to index
      %swap3A_675 = arith.index_cast %swap3A_673 : i32 to index
      %swap3A_676 = arith.constant 96 : index
      %swap3A_677 = tpu.vector_load %arg9[%swap3A_674, %swap3A_675, %swap3A_676] {strides = array<i32>} : memref<2x2x128xi32, #tpu.memory_space<vmem>>, vector<1x1x16xi32>,
      %swap3A_678 = vector.shape_cast %swap3A_677 : vector<1x1x16xi32> to vector<16xi32>
      %swap3A_679 = vector.shape_cast %get3A_671 : vector<16xi32> to vector<1x1x16xi32>
      tpu.vector_store %arg9[%swap3A_674, %swap3A_675, %swap3A_676], %swap3A_679 {strides = array<i32>} : memref<2x2x128xi32, #tpu.memory_space<vmem>>, vector<1x1x16xi32>,
      %get3A_680 = arith.constant 1 : i32
      %get3A_681 = arith.constant 0 : i32
      %get3A_682 = arith.index_cast %get3A_680 : i32 to index
      %get3A_683 = arith.index_cast %get3A_681 : i32 to index
      %get3A_684 = arith.constant 112 : index
      %get3A_685 = tpu.vector_load %arg8[%get3A_682, %get3A_683, %get3A_684] {strides = array<i32>} : memref<2x2x128xi32, #tpu.memory_space<vmem>>, vector<1x1x16xi32>,
      %get3A_686 = vector.shape_cast %get3A_685 : vector<1x1x16xi32> to vector<16xi32>
      %swap3A_687 = arith.constant 1 : i32
      %swap3A_688 = arith.constant 0 : i32
      %swap3A_689 = arith.index_cast %swap3A_687 : i32 to index
      %swap3A_690 = arith.index_cast %swap3A_688 : i32 to index
      %swap3A_691 = arith.constant 112 : index
      %swap3A_692 = tpu.vector_load %arg9[%swap3A_689, %swap3A_690, %swap3A_691] {strides = array<i32>} : memref<2x2x128xi32, #tpu.memory_space<vmem>>, vector<1x1x16xi32>,
      %swap3A_693 = vector.shape_cast %swap3A_692 : vector<1x1x16xi32> to vector<16xi32>
      %swap3A_694 = vector.shape_cast %get3A_686 : vector<16xi32> to vector<1x1x16xi32>
      tpu.vector_store %arg9[%swap3A_689, %swap3A_690, %swap3A_691], %swap3A_694 {strides = array<i32>} : memref<2x2x128xi32, #tpu.memory_space<vmem>>, vector<1x1x16xi32>,
      %get3A_695 = arith.constant 1 : i32
      %get3A_696 = arith.constant 1 : i32
      %get3A_697 = arith.index_cast %get3A_695 : i32 to index
      %get3A_698 = arith.index_cast %get3A_696 : i32 to index
      %get3A_699 = arith.constant 0 : index
      %get3A_700 = tpu.vector_load %arg8[%get3A_697, %get3A_698, %get3A_699] {strides = array<i32>} : memref<2x2x128xi32, #tpu.memory_space<vmem>>, vector<1x1x16xi32>,
      %get3A_701 = vector.shape_cast %get3A_700 : vector<1x1x16xi32> to vector<16xi32>
      %swap3A_702 = arith.constant 1 : i32
      %swap3A_703 = arith.constant 1 : i32
      %swap3A_704 = arith.index_cast %swap3A_702 : i32 to index
      %swap3A_705 = arith.index_cast %swap3A_703 : i32 to index
      %swap3A_706 = arith.constant 0 : index
      %swap3A_707 = tpu.vector_load %arg9[%swap3A_704, %swap3A_705, %swap3A_706] {strides = array<i32>} : memref<2x2x128xi32, #tpu.memory_space<vmem>>, vector<1x1x16xi32>,
      %swap3A_708 = vector.shape_cast %swap3A_707 : vector<1x1x16xi32> to vector<16xi32>
      %swap3A_709 = vector.shape_cast %get3A_701 : vector<16xi32> to vector<1x1x16xi32>
      tpu.vector_store %arg9[%swap3A_704, %swap3A_705, %swap3A_706], %swap3A_709 {strides = array<i32>} : memref<2x2x128xi32, #tpu.memory_space<vmem>>, vector<1x1x16xi32>,
      %get3A_710 = arith.constant 1 : i32
      %get3A_711 = arith.constant 1 : i32
      %get3A_712 = arith.index_cast %get3A_710 : i32 to index
      %get3A_713 = arith.index_cast %get3A_711 : i32 to index
      %get3A_714 = arith.constant 16 : index
      %get3A_715 = tpu.vector_load %arg8[%get3A_712, %get3A_713, %get3A_714] {strides = array<i32>} : memref<2x2x128xi32, #tpu.memory_space<vmem>>, vector<1x1x16xi32>,
      %get3A_716 = vector.shape_cast %get3A_715 : vector<1x1x16xi32> to vector<16xi32>
      %swap3A_717 = arith.constant 1 : i32
      %swap3A_718 = arith.constant 1 : i32
      %swap3A_719 = arith.index_cast %swap3A_717 : i32 to index
      %swap3A_720 = arith.index_cast %swap3A_718 : i32 to index
      %swap3A_721 = arith.constant 16 : index
      %swap3A_722 = tpu.vector_load %arg9[%swap3A_719, %swap3A_720, %swap3A_721] {strides = array<i32>} : memref<2x2x128xi32, #tpu.memory_space<vmem>>, vector<1x1x16xi32>,
      %swap3A_723 = vector.shape_cast %swap3A_722 : vector<1x1x16xi32> to vector<16xi32>
      %swap3A_724 = vector.shape_cast %get3A_716 : vector<16xi32> to vector<1x1x16xi32>
      tpu.vector_store %arg9[%swap3A_719, %swap3A_720, %swap3A_721], %swap3A_724 {strides = array<i32>} : memref<2x2x128xi32, #tpu.memory_space<vmem>>, vector<1x1x16xi32>,
      %get3A_725 = arith.constant 1 : i32
      %get3A_726 = arith.constant 1 : i32
      %get3A_727 = arith.index_cast %get3A_725 : i32 to index
      %get3A_728 = arith.index_cast %get3A_726 : i32 to index
      %get3A_729 = arith.constant 32 : index
      %get3A_730 = tpu.vector_load %arg8[%get3A_727, %get3A_728, %get3A_729] {strides = array<i32>} : memref<2x2x128xi32, #tpu.memory_space<vmem>>, vector<1x1x16xi32>,
      %get3A_731 = vector.shape_cast %get3A_730 : vector<1x1x16xi32> to vector<16xi32>
      %swap3A_732 = arith.constant 1 : i32
      %swap3A_733 = arith.constant 1 : i32
      %swap3A_734 = arith.index_cast %swap3A_732 : i32 to index
      %swap3A_735 = arith.index_cast %swap3A_733 : i32 to index
      %swap3A_736 = arith.constant 32 : index
      %swap3A_737 = tpu.vector_load %arg9[%swap3A_734, %swap3A_735, %swap3A_736] {strides = array<i32>} : memref<2x2x128xi32, #tpu.memory_space<vmem>>, vector<1x1x16xi32>,
      %swap3A_738 = vector.shape_cast %swap3A_737 : vector<1x1x16xi32> to vector<16xi32>
      %swap3A_739 = vector.shape_cast %get3A_731 : vector<16xi32> to vector<1x1x16xi32>
      tpu.vector_store %arg9[%swap3A_734, %swap3A_735, %swap3A_736], %swap3A_739 {strides = array<i32>} : memref<2x2x128xi32, #tpu.memory_space<vmem>>, vector<1x1x16xi32>,
      %get3A_740 = arith.constant 1 : i32
      %get3A_741 = arith.constant 1 : i32
      %get3A_742 = arith.index_cast %get3A_740 : i32 to index
      %get3A_743 = arith.index_cast %get3A_741 : i32 to index
      %get3A_744 = arith.constant 48 : index
      %get3A_745 = tpu.vector_load %arg8[%get3A_742, %get3A_743, %get3A_744] {strides = array<i32>} : memref<2x2x128xi32, #tpu.memory_space<vmem>>, vector<1x1x16xi32>,
      %get3A_746 = vector.shape_cast %get3A_745 : vector<1x1x16xi32> to vector<16xi32>
      %swap3A_747 = arith.constant 1 : i32
      %swap3A_748 = arith.constant 1 : i32
      %swap3A_749 = arith.index_cast %swap3A_747 : i32 to index
      %swap3A_750 = arith.index_cast %swap3A_748 : i32 to index
      %swap3A_751 = arith.constant 48 : index
      %swap3A_752 = tpu.vector_load %arg9[%swap3A_749, %swap3A_750, %swap3A_751] {strides = array<i32>} : memref<2x2x128xi32, #tpu.memory_space<vmem>>, vector<1x1x16xi32>,
      %swap3A_753 = vector.shape_cast %swap3A_752 : vector<1x1x16xi32> to vector<16xi32>
      %swap3A_754 = vector.shape_cast %get3A_746 : vector<16xi32> to vector<1x1x16xi32>
      tpu.vector_store %arg9[%swap3A_749, %swap3A_750, %swap3A_751], %swap3A_754 {strides = array<i32>} : memref<2x2x128xi32, #tpu.memory_space<vmem>>, vector<1x1x16xi32>,
      %get3A_755 = arith.constant 1 : i32
      %get3A_756 = arith.constant 1 : i32
      %get3A_757 = arith.index_cast %get3A_755 : i32 to index
      %get3A_758 = arith.index_cast %get3A_756 : i32 to index
      %get3A_759 = arith.constant 64 : index
      %get3A_760 = tpu.vector_load %arg8[%get3A_757, %get3A_758, %get3A_759] {strides = array<i32>} : memref<2x2x128xi32, #tpu.memory_space<vmem>>, vector<1x1x16xi32>,
      %get3A_761 = vector.shape_cast %get3A_760 : vector<1x1x16xi32> to vector<16xi32>
      %swap3A_762 = arith.constant 1 : i32
      %swap3A_763 = arith.constant 1 : i32
      %swap3A_764 = arith.index_cast %swap3A_762 : i32 to index
      %swap3A_765 = arith.index_cast %swap3A_763 : i32 to index
      %swap3A_766 = arith.constant 64 : index
      %swap3A_767 = tpu.vector_load %arg9[%swap3A_764, %swap3A_765, %swap3A_766] {strides = array<i32>} : memref<2x2x128xi32, #tpu.memory_space<vmem>>, vector<1x1x16xi32>,
      %swap3A_768 = vector.shape_cast %swap3A_767 : vector<1x1x16xi32> to vector<16xi32>
      %swap3A_769 = vector.shape_cast %get3A_761 : vector<16xi32> to vector<1x1x16xi32>
      tpu.vector_store %arg9[%swap3A_764, %swap3A_765, %swap3A_766], %swap3A_769 {strides = array<i32>} : memref<2x2x128xi32, #tpu.memory_space<vmem>>, vector<1x1x16xi32>,
      %get3A_770 = arith.constant 1 : i32
      %get3A_771 = arith.constant 1 : i32
      %get3A_772 = arith.index_cast %get3A_770 : i32 to index
      %get3A_773 = arith.index_cast %get3A_771 : i32 to index
      %get3A_774 = arith.constant 80 : index
      %get3A_775 = tpu.vector_load %arg8[%get3A_772, %get3A_773, %get3A_774] {strides = array<i32>} : memref<2x2x128xi32, #tpu.memory_space<vmem>>, vector<1x1x16xi32>,
      %get3A_776 = vector.shape_cast %get3A_775 : vector<1x1x16xi32> to vector<16xi32>
      %swap3A_777 = arith.constant 1 : i32
      %swap3A_778 = arith.constant 1 : i32
      %swap3A_779 = arith.index_cast %swap3A_777 : i32 to index
      %swap3A_780 = arith.index_cast %swap3A_778 : i32 to index
      %swap3A_781 = arith.constant 80 : index
      %swap3A_782 = tpu.vector_load %arg9[%swap3A_779, %swap3A_780, %swap3A_781] {strides = array<i32>} : memref<2x2x128xi32, #tpu.memory_space<vmem>>, vector<1x1x16xi32>,
      %swap3A_783 = vector.shape_cast %swap3A_782 : vector<1x1x16xi32> to vector<16xi32>
      %swap3A_784 = vector.shape_cast %get3A_776 : vector<16xi32> to vector<1x1x16xi32>
      tpu.vector_store %arg9[%swap3A_779, %swap3A_780, %swap3A_781], %swap3A_784 {strides = array<i32>} : memref<2x2x128xi32, #tpu.memory_space<vmem>>, vector<1x1x16xi32>,
      %get3A_785 = arith.constant 1 : i32
      %get3A_786 = arith.constant 1 : i32
      %get3A_787 = arith.index_cast %get3A_785 : i32 to index
      %get3A_788 = arith.index_cast %get3A_786 : i32 to index
      %get3A_789 = arith.constant 96 : index
      %get3A_790 = tpu.vector_load %arg8[%get3A_787, %get3A_788, %get3A_789] {strides = array<i32>} : memref<2x2x128xi32, #tpu.memory_space<vmem>>, vector<1x1x16xi32>,
      %get3A_791 = vector.shape_cast %get3A_790 : vector<1x1x16xi32> to vector<16xi32>
      %swap3A_792 = arith.constant 1 : i32
      %swap3A_793 = arith.constant 1 : i32
      %swap3A_794 = arith.index_cast %swap3A_792 : i32 to index
      %swap3A_795 = arith.index_cast %swap3A_793 : i32 to index
      %swap3A_796 = arith.constant 96 : index
      %swap3A_797 = tpu.vector_load %arg9[%swap3A_794, %swap3A_795, %swap3A_796] {strides = array<i32>} : memref<2x2x128xi32, #tpu.memory_space<vmem>>, vector<1x1x16xi32>,
      %swap3A_798 = vector.shape_cast %swap3A_797 : vector<1x1x16xi32> to vector<16xi32>
      %swap3A_799 = vector.shape_cast %get3A_791 : vector<16xi32> to vector<1x1x16xi32>
      tpu.vector_store %arg9[%swap3A_794, %swap3A_795, %swap3A_796], %swap3A_799 {strides = array<i32>} : memref<2x2x128xi32, #tpu.memory_space<vmem>>, vector<1x1x16xi32>,
      %get3A_800 = arith.constant 1 : i32
      %get3A_801 = arith.constant 1 : i32
      %get3A_802 = arith.index_cast %get3A_800 : i32 to index
      %get3A_803 = arith.index_cast %get3A_801 : i32 to index
      %get3A_804 = arith.constant 112 : index
      %get3A_805 = tpu.vector_load %arg8[%get3A_802, %get3A_803, %get3A_804] {strides = array<i32>} : memref<2x2x128xi32, #tpu.memory_space<vmem>>, vector<1x1x16xi32>,
      %get3A_806 = vector.shape_cast %get3A_805 : vector<1x1x16xi32> to vector<16xi32>
      %swap3A_807 = arith.constant 1 : i32
      %swap3A_808 = arith.constant 1 : i32
      %swap3A_809 = arith.index_cast %swap3A_807 : i32 to index
      %swap3A_810 = arith.index_cast %swap3A_808 : i32 to index
      %swap3A_811 = arith.constant 112 : index
      %swap3A_812 = tpu.vector_load %arg9[%swap3A_809, %swap3A_810, %swap3A_811] {strides = array<i32>} : memref<2x2x128xi32, #tpu.memory_space<vmem>>, vector<1x1x16xi32>,
      %swap3A_813 = vector.shape_cast %swap3A_812 : vector<1x1x16xi32> to vector<16xi32>
      %swap3A_814 = vector.shape_cast %get3A_806 : vector<16xi32> to vector<1x1x16xi32>
      tpu.vector_store %arg9[%swap3A_809, %swap3A_810, %swap3A_811], %swap3A_814 {strides = array<i32>} : memref<2x2x128xi32, #tpu.memory_space<vmem>>, vector<1x1x16xi32>,
      %dma_wait3A_815 = arith.constant 1 : i32
      %dma_wait3A_816 = arith.constant 0 : i32
      %dma_wait3A_817 = arith.constant 1 : i32
      %dma_wait3A_818 = arith.constant 0 : i32
      %dma_wait3A_819 = arith.constant 0 : i32
      %dma_wait3A_820 = tpu.memref_slice %arg10[%dma_wait3A_817, %dma_wait3A_818, %dma_wait3A_819] : memref<2x256x32xbf16, #tpu.memory_space<vmem>> -> memref<1x128x32xbf16, #tpu.memory_space<vmem>>
      %dma_wait3A_821 = tpu.memref_squeeze %dma_wait3A_820 : memref<1x128x32xbf16, #tpu.memory_space<vmem>> -> memref<128x32xbf16, #tpu.memory_space<vmem>>
      %dma_wait3A_822 = arith.constant 0 : i32
      %dma_wait3A_823 = tpu.memref_slice %arg7[%dma_wait3A_815, %dma_wait3A_816, %dma_wait3A_822] : memref<2x2x128xi32, #tpu.memory_space<vmem>> -> memref<1x1x128xi32, #tpu.memory_space<vmem>>
      %dma_wait3A_824 = tpu.memref_squeeze %dma_wait3A_823 : memref<1x1x128xi32, #tpu.memory_space<vmem>> -> memref<128xi32, #tpu.memory_space<vmem>>
      %dma_wait3A_825 = arith.constant 0 : i32
      %dma_wait3A_826 = arith.constant 0 : i32
      %dma_wait3A_827 = tpu.memref_slice %arg4[%dma_wait3A_825, %dma_wait3A_826] : memref<100000x32xbf16, #tpu.memory_space<hbm>> -> memref<100000x32xbf16, #tpu.memory_space<hbm>>
      tpu.wait_indirect_dma semaphore(%arg13 : memref<!tpu.dma_semaphore, #tpu.memory_space<semaphore_mem>>) src(%dma_wait3A_827 : memref<100000x32xbf16, #tpu.memory_space<hbm>>) dst(%dma_wait3A_821 : memref<128x32xbf16, #tpu.memory_space<vmem>>)
      %dma_wait3A_828 = arith.constant 1 : i32
      %dma_wait3A_829 = arith.constant 1 : i32
      %dma_wait3A_830 = arith.constant 1 : i32
      %dma_wait3A_831 = arith.constant 128 : i32
      %dma_wait3A_832 = arith.constant 0 : i32
      %dma_wait3A_833 = tpu.memref_slice %arg10[%dma_wait3A_830, %dma_wait3A_831, %dma_wait3A_832] : memref<2x256x32xbf16, #tpu.memory_space<vmem>> -> memref<1x128x32xbf16, #tpu.memory_space<vmem>>
      %dma_wait3A_834 = tpu.memref_squeeze %dma_wait3A_833 : memref<1x128x32xbf16, #tpu.memory_space<vmem>> -> memref<128x32xbf16, #tpu.memory_space<vmem>>
      %dma_wait3A_835 = arith.constant 0 : i32
      %dma_wait3A_836 = tpu.memref_slice %arg7[%dma_wait3A_828, %dma_wait3A_829, %dma_wait3A_835] : memref<2x2x128xi32, #tpu.memory_space<vmem>> -> memref<1x1x128xi32, #tpu.memory_space<vmem>>
      %dma_wait3A_837 = tpu.memref_squeeze %dma_wait3A_836 : memref<1x1x128xi32, #tpu.memory_space<vmem>> -> memref<128xi32, #tpu.memory_space<vmem>>
      %dma_wait3A_838 = arith.constant 0 : i32
      %dma_wait3A_839 = arith.constant 0 : i32
      %dma_wait3A_840 = tpu.memref_slice %arg4[%dma_wait3A_838, %dma_wait3A_839] : memref<100000x32xbf16, #tpu.memory_space<hbm>> -> memref<100000x32xbf16, #tpu.memory_space<hbm>>
      tpu.wait_indirect_dma semaphore(%arg13 : memref<!tpu.dma_semaphore, #tpu.memory_space<semaphore_mem>>) src(%dma_wait3A_840 : memref<100000x32xbf16, #tpu.memory_space<hbm>>) dst(%dma_wait3A_834 : memref<128x32xbf16, #tpu.memory_space<vmem>>)
      %dma_start3A_841 = arith.constant 1 : i32
      %dma_start3A_842 = arith.constant 1 : i32
      %dma_start3A_843 = arith.constant 0 : i32
      %dma_start3A_844 = arith.constant 0 : i32
      %dma_start3A_845 = arith.constant 0 : i32
      %dma_start3A_846 = tpu.memref_slice %arg10[%dma_start3A_841, %dma_start3A_844, %dma_start3A_845] : memref<2x256x32xbf16, #tpu.memory_space<vmem>> -> memref<1x128x32xbf16, #tpu.memory_space<vmem>>
      %dma_start3A_847 = tpu.memref_squeeze %dma_start3A_846 : memref<1x128x32xbf16, #tpu.memory_space<vmem>> -> memref<128x32xbf16, #tpu.memory_space<vmem>>
      %dma_start3A_848 = arith.constant 0 : i32
      %dma_start3A_849 = tpu.memref_slice %arg9[%dma_start3A_842, %dma_start3A_843, %dma_start3A_848] : memref<2x2x128xi32, #tpu.memory_space<vmem>> -> memref<1x1x128xi32, #tpu.memory_space<vmem>>
      %dma_start3A_850 = tpu.memref_squeeze %dma_start3A_849 : memref<1x1x128xi32, #tpu.memory_space<vmem>> -> memref<128xi32, #tpu.memory_space<vmem>>
      %dma_start3A_851 = arith.constant 0 : i32
      %dma_start3A_852 = arith.constant 0 : i32
      %dma_start3A_853 = tpu.memref_slice %arg11[%dma_start3A_851, %dma_start3A_852] : memref<100352x32xbf16, #tpu.memory_space<vmem_shared>> -> memref<100352x32xbf16, #tpu.memory_space<vmem_shared>>
      tpu.enqueue_indirect_dma source(%dma_start3A_847 : memref<128x32xbf16, #tpu.memory_space<vmem>>) target(%dma_start3A_853 : memref<100352x32xbf16, #tpu.memory_space<vmem_shared>>) offsets(%dma_start3A_850 : memref<128xi32, #tpu.memory_space<vmem>>) semaphore(%arg15 : memref<!tpu.dma_semaphore, #tpu.memory_space<semaphore_mem>>) {add = true}
      %dma_start3A_854 = arith.constant 1 : i32
      %dma_start3A_855 = arith.constant 1 : i32
      %dma_start3A_856 = arith.constant 1 : i32
      %dma_start3A_857 = arith.constant 128 : i32
      %dma_start3A_858 = arith.constant 0 : i32
      %dma_start3A_859 = tpu.memref_slice %arg10[%dma_start3A_854, %dma_start3A_857, %dma_start3A_858] : memref<2x256x32xbf16, #tpu.memory_space<vmem>> -> memref<1x128x32xbf16, #tpu.memory_space<vmem>>
      %dma_start3A_860 = tpu.memref_squeeze %dma_start3A_859 : memref<1x128x32xbf16, #tpu.memory_space<vmem>> -> memref<128x32xbf16, #tpu.memory_space<vmem>>
      %dma_start3A_861 = arith.constant 0 : i32
      %dma_start3A_862 = tpu.memref_slice %arg9[%dma_start3A_855, %dma_start3A_856, %dma_start3A_861] : memref<2x2x128xi32, #tpu.memory_space<vmem>> -> memref<1x1x128xi32, #tpu.memory_space<vmem>>
      %dma_start3A_863 = tpu.memref_squeeze %dma_start3A_862 : memref<1x1x128xi32, #tpu.memory_space<vmem>> -> memref<128xi32, #tpu.memory_space<vmem>>
      %dma_start3A_864 = arith.constant 0 : i32
      %dma_start3A_865 = arith.constant 0 : i32
      %dma_start3A_866 = tpu.memref_slice %arg11[%dma_start3A_864, %dma_start3A_865] : memref<100352x32xbf16, #tpu.memory_space<vmem_shared>> -> memref<100352x32xbf16, #tpu.memory_space<vmem_shared>>
      tpu.enqueue_indirect_dma source(%dma_start3A_860 : memref<128x32xbf16, #tpu.memory_space<vmem>>) target(%dma_start3A_866 : memref<100352x32xbf16, #tpu.memory_space<vmem_shared>>) offsets(%dma_start3A_863 : memref<128xi32, #tpu.memory_space<vmem>>) semaphore(%arg15 : memref<!tpu.dma_semaphore, #tpu.memory_space<semaphore_mem>>) {add = true}
      %while3A_867 = arith.constant 0 : i32
      scf.yield %while3A_867 : i32
    }
    %dma_wait3A = arith.constant 0 : i32
    %dma_wait3A_75 = arith.constant 0 : i32
    %dma_wait3A_76 = arith.constant 0 : i32
    %dma_wait3A_77 = arith.constant 0 : i32
    %dma_wait3A_78 = arith.constant 0 : i32
    %dma_wait3A_79 = tpu.memref_slice %arg10[%dma_wait3A, %dma_wait3A_77, %dma_wait3A_78] : memref<2x256x32xbf16, #tpu.memory_space<vmem>> -> memref<1x128x32xbf16, #tpu.memory_space<vmem>>
    %dma_wait3A_80 = tpu.memref_squeeze %dma_wait3A_79 : memref<1x128x32xbf16, #tpu.memory_space<vmem>> -> memref<128x32xbf16, #tpu.memory_space<vmem>>
    %dma_wait3A_81 = arith.constant 0 : i32
    %dma_wait3A_82 = tpu.memref_slice %arg9[%dma_wait3A_75, %dma_wait3A_76, %dma_wait3A_81] : memref<2x2x128xi32, #tpu.memory_space<vmem>> -> memref<1x1x128xi32, #tpu.memory_space<vmem>>
    %dma_wait3A_83 = tpu.memref_squeeze %dma_wait3A_82 : memref<1x1x128xi32, #tpu.memory_space<vmem>> -> memref<128xi32, #tpu.memory_space<vmem>>
    %dma_wait3A_84 = arith.constant 0 : i32
    %dma_wait3A_85 = arith.constant 0 : i32
    %dma_wait3A_86 = tpu.memref_slice %arg11[%dma_wait3A_84, %dma_wait3A_85] : memref<100352x32xbf16, #tpu.memory_space<vmem_shared>> -> memref<100352x32xbf16, #tpu.memory_space<vmem_shared>>
    tpu.wait_indirect_dma semaphore(%arg14 : memref<!tpu.dma_semaphore, #tpu.memory_space<semaphore_mem>>) src(%dma_wait3A_80 : memref<128x32xbf16, #tpu.memory_space<vmem>>) dst(%dma_wait3A_86 : memref<100352x32xbf16, #tpu.memory_space<vmem_shared>>)
    %dma_wait3A_87 = arith.constant 0 : i32
    %dma_wait3A_88 = arith.constant 0 : i32
    %dma_wait3A_89 = arith.constant 1 : i32
    %dma_wait3A_90 = arith.constant 128 : i32
    %dma_wait3A_91 = arith.constant 0 : i32
    %dma_wait3A_92 = tpu.memref_slice %arg10[%dma_wait3A_87, %dma_wait3A_90, %dma_wait3A_91] : memref<2x256x32xbf16, #tpu.memory_space<vmem>> -> memref<1x128x32xbf16, #tpu.memory_space<vmem>>
    %dma_wait3A_93 = tpu.memref_squeeze %dma_wait3A_92 : memref<1x128x32xbf16, #tpu.memory_space<vmem>> -> memref<128x32xbf16, #tpu.memory_space<vmem>>
    %dma_wait3A_94 = arith.constant 0 : i32
    %dma_wait3A_95 = tpu.memref_slice %arg9[%dma_wait3A_88, %dma_wait3A_89, %dma_wait3A_94] : memref<2x2x128xi32, #tpu.memory_space<vmem>> -> memref<1x1x128xi32, #tpu.memory_space<vmem>>
    %dma_wait3A_96 = tpu.memref_squeeze %dma_wait3A_95 : memref<1x1x128xi32, #tpu.memory_space<vmem>> -> memref<128xi32, #tpu.memory_space<vmem>>
    %dma_wait3A_97 = arith.constant 0 : i32
    %dma_wait3A_98 = arith.constant 0 : i32
    %dma_wait3A_99 = tpu.memref_slice %arg11[%dma_wait3A_97, %dma_wait3A_98] : memref<100352x32xbf16, #tpu.memory_space<vmem_shared>> -> memref<100352x32xbf16, #tpu.memory_space<vmem_shared>>
    tpu.wait_indirect_dma semaphore(%arg14 : memref<!tpu.dma_semaphore, #tpu.memory_space<semaphore_mem>>) src(%dma_wait3A_93 : memref<128x32xbf16, #tpu.memory_space<vmem>>) dst(%dma_wait3A_99 : memref<100352x32xbf16, #tpu.memory_space<vmem_shared>>)
    %dma_wait3A_100 = arith.constant 1 : i32
    %dma_wait3A_101 = arith.constant 1 : i32
    %dma_wait3A_102 = arith.constant 0 : i32
    %dma_wait3A_103 = arith.constant 0 : i32
    %dma_wait3A_104 = arith.constant 0 : i32
    %dma_wait3A_105 = tpu.memref_slice %arg10[%dma_wait3A_100, %dma_wait3A_103, %dma_wait3A_104] : memref<2x256x32xbf16, #tpu.memory_space<vmem>> -> memref<1x128x32xbf16, #tpu.memory_space<vmem>>
    %dma_wait3A_106 = tpu.memref_squeeze %dma_wait3A_105 : memref<1x128x32xbf16, #tpu.memory_space<vmem>> -> memref<128x32xbf16, #tpu.memory_space<vmem>>
    %dma_wait3A_107 = arith.constant 0 : i32
    %dma_wait3A_108 = tpu.memref_slice %arg9[%dma_wait3A_101, %dma_wait3A_102, %dma_wait3A_107] : memref<2x2x128xi32, #tpu.memory_space<vmem>> -> memref<1x1x128xi32, #tpu.memory_space<vmem>>
    %dma_wait3A_109 = tpu.memref_squeeze %dma_wait3A_108 : memref<1x1x128xi32, #tpu.memory_space<vmem>> -> memref<128xi32, #tpu.memory_space<vmem>>
    %dma_wait3A_110 = arith.constant 0 : i32
    %dma_wait3A_111 = arith.constant 0 : i32
    %dma_wait3A_112 = tpu.memref_slice %arg11[%dma_wait3A_110, %dma_wait3A_111] : memref<100352x32xbf16, #tpu.memory_space<vmem_shared>> -> memref<100352x32xbf16, #tpu.memory_space<vmem_shared>>
    tpu.wait_indirect_dma semaphore(%arg15 : memref<!tpu.dma_semaphore, #tpu.memory_space<semaphore_mem>>) src(%dma_wait3A_106 : memref<128x32xbf16, #tpu.memory_space<vmem>>) dst(%dma_wait3A_112 : memref<100352x32xbf16, #tpu.memory_space<vmem_shared>>)
    %dma_wait3A_113 = arith.constant 1 : i32
    %dma_wait3A_114 = arith.constant 1 : i32
    %dma_wait3A_115 = arith.constant 1 : i32
    %dma_wait3A_116 = arith.constant 128 : i32
    %dma_wait3A_117 = arith.constant 0 : i32
    %dma_wait3A_118 = tpu.memref_slice %arg10[%dma_wait3A_113, %dma_wait3A_116, %dma_wait3A_117] : memref<2x256x32xbf16, #tpu.memory_space<vmem>> -> memref<1x128x32xbf16, #tpu.memory_space<vmem>>
    %dma_wait3A_119 = tpu.memref_squeeze %dma_wait3A_118 : memref<1x128x32xbf16, #tpu.memory_space<vmem>> -> memref<128x32xbf16, #tpu.memory_space<vmem>>
    %dma_wait3A_120 = arith.constant 0 : i32
    %dma_wait3A_121 = tpu.memref_slice %arg9[%dma_wait3A_114, %dma_wait3A_115, %dma_wait3A_120] : memref<2x2x128xi32, #tpu.memory_space<vmem>> -> memref<1x1x128xi32, #tpu.memory_space<vmem>>
    %dma_wait3A_122 = tpu.memref_squeeze %dma_wait3A_121 : memref<1x1x128xi32, #tpu.memory_space<vmem>> -> memref<128xi32, #tpu.memory_space<vmem>>
    %dma_wait3A_123 = arith.constant 0 : i32
    %dma_wait3A_124 = arith.constant 0 : i32
    %dma_wait3A_125 = tpu.memref_slice %arg11[%dma_wait3A_123, %dma_wait3A_124] : memref<100352x32xbf16, #tpu.memory_space<vmem_shared>> -> memref<100352x32xbf16, #tpu.memory_space<vmem_shared>>
    tpu.wait_indirect_dma semaphore(%arg15 : memref<!tpu.dma_semaphore, #tpu.memory_space<semaphore_mem>>) src(%dma_wait3A_119 : memref<128x32xbf16, #tpu.memory_space<vmem>>) dst(%dma_wait3A_125 : memref<100352x32xbf16, #tpu.memory_space<vmem_shared>>)
    %barrier3A_126 = arith.constant 0 : index
    tpu.barrier barrier_id(%barrier3A_126)
    %mul3A_127 = arith.constant 6272 : i32
    %mul3A_128 = arith.muli %arg1, %mul3A_127 : i32
    %mul3A_129 = arith.constant 100352 : i32
    %mul3A_130 = arith.muli %arg0, %mul3A_129 : i32
    %mul3A_131 = arith.constant 6272 : i32
    %mul3A_132 = arith.muli %arg1, %mul3A_131 : i32
    %add3A_133 = arith.addi %mul3A_130, %mul3A_132 : i32
    "tpu.region"() ({
      %run_scoped3A = tpu.sem_alloc : memref<!tpu.dma_semaphore, #tpu.memory_space<semaphore_mem>>
      %dma_start3A_134 = arith.constant 0 : i32
      %dma_start3A_135 = tpu.memref_slice %arg5[%add3A_133, %dma_start3A_134] : memref<200704x32xbf16, #tpu.memory_space<hbm>> -> memref<6272x32xbf16, #tpu.memory_space<hbm>>
      %dma_start3A_136 = arith.constant 0 : i32
      %dma_start3A_137 = tpu.memref_slice %arg11[%mul3A_128, %dma_start3A_136] : memref<100352x32xbf16, #tpu.memory_space<vmem_shared>> -> memref<6272x32xbf16, #tpu.memory_space<vmem_shared>>
      tpu.enqueue_dma source(%dma_start3A_137 : memref<6272x32xbf16, #tpu.memory_space<vmem_shared>>) target(%dma_start3A_135 : memref<6272x32xbf16, #tpu.memory_space<hbm>>) target_semaphore(%run_scoped3A : memref<!tpu.dma_semaphore, #tpu.memory_space<semaphore_mem>>)
      %dma_wait3A_138 = arith.constant 0 : i32
      %dma_wait3A_139 = tpu.memref_slice %arg5[%add3A_133, %dma_wait3A_138] : memref<200704x32xbf16, #tpu.memory_space<hbm>> -> memref<6272x32xbf16, #tpu.memory_space<hbm>>
      %dma_wait3A_140 = arith.constant 0 : i32
      %dma_wait3A_141 = tpu.memref_slice %arg11[%mul3A_128, %dma_wait3A_140] : memref<100352x32xbf16, #tpu.memory_space<vmem_shared>> -> memref<6272x32xbf16, #tpu.memory_space<vmem_shared>>
      tpu.wait_dma2 semaphore(%run_scoped3A : memref<!tpu.dma_semaphore, #tpu.memory_space<semaphore_mem>>) src(%dma_wait3A_141 : memref<6272x32xbf16, #tpu.memory_space<vmem_shared>>) dst(%dma_wait3A_139 : memref<6272x32xbf16, #tpu.memory_space<hbm>>)
      tpu.yield
    }) : () -> ()
    return
  }
}

#map = affine_map<(d0, d1) -> (0, 0)>
#map1 = affine_map<(d0, d1) -> (0)>
module attributes {stable_mosaic.version = 14 : i64} {
  func.func @_deg_body(%arg0: i32, %arg1: i32, %arg2: memref<12500x128xi32, #tpu.memory_space<hbm>>, %arg3: memref<200704xf32, #tpu.memory_space<hbm>>, %arg4: memref<6272xf32, #tpu.memory_space<vmem>>, %arg5: memref<128xf32, #tpu.memory_space<vmem>>, %arg6: memref<4x128xi32, #tpu.memory_space<vmem>>, %arg7: memref<100352xf32, #tpu.memory_space<vmem_shared>>) attributes {dimension_semantics = [#tpu.dimension_semantics<core_parallel>, #tpu.dimension_semantics<subcore_parallel>], iteration_bounds = array<i64: 2, 16>, scalar_prefetch = 0 : i64, scratch_operands = 4 : i64, tpu.core_type = #tpu.core_type<sc_vector_subcore>, window_params = [{transform_indices = #map}, {transform_indices = #map1}]} {
    %broadcast_in_dim3A = arith.constant 0.000000e+00 : f32
    %broadcast_in_dim3A_0 = vector.broadcast %broadcast_in_dim3A : f32 to vector<16xf32>
    %broadcast_in_dim3A_1 = arith.constant 1.000000e+00 : f32
    %broadcast_in_dim3A_2 = vector.broadcast %broadcast_in_dim3A_1 : f32 to vector<16xf32>
    %scan3A = arith.constant 0 : i32
    %scan3A_3 = arith.constant 0 : i32
    %scan3A_4 = arith.constant 392 : i32
    %scan3A_5 = arith.addi %scan3A_3, %scan3A_4 : i32
    %scan3A_6 = arith.constant 1 : i32
    %scan3A_7 = scf.for %scan3A_75 = %scan3A_3 to %scan3A_5 step %scan3A_6 iter_args(%scan3A_76 = %scan3A) -> (i32)  : i32 {
      %mul3A_77 = arith.constant 16 : i32
      %mul3A_78 = arith.muli %scan3A_75, %mul3A_77 : i32
      %swap3A_79 = arith.index_cast %mul3A_78 : i32 to index
      %swap3A_80 = tpu.vector_load %arg4[%swap3A_79] {strides = array<i32>} : memref<6272xf32, #tpu.memory_space<vmem>>, vector<16xf32>,
      %swap3A_81 = vector.shape_cast %swap3A_80 : vector<16xf32> to vector<16xf32>
      %swap3A_82 = vector.shape_cast %broadcast_in_dim3A_0 : vector<16xf32> to vector<16xf32>
      tpu.vector_store %arg4[%swap3A_79], %swap3A_82 {strides = array<i32>} : memref<6272xf32, #tpu.memory_space<vmem>>, vector<16xf32>,
      %scan3A_83 = arith.constant 0 : i32
      scf.yield %scan3A_83 : i32
    }
    %scan3A_8 = arith.constant 392 : i32
    %swap3A = arith.constant 0 : index
    %swap3A_9 = tpu.vector_load %arg5[%swap3A] {strides = array<i32>} : memref<128xf32, #tpu.memory_space<vmem>>, vector<16xf32>,
    %swap3A_10 = vector.shape_cast %swap3A_9 : vector<16xf32> to vector<16xf32>
    %swap3A_11 = vector.shape_cast %broadcast_in_dim3A_2 : vector<16xf32> to vector<16xf32>
    tpu.vector_store %arg5[%swap3A], %swap3A_11 {strides = array<i32>} : memref<128xf32, #tpu.memory_space<vmem>>, vector<16xf32>,
    %swap3A_12 = arith.constant 16 : index
    %swap3A_13 = tpu.vector_load %arg5[%swap3A_12] {strides = array<i32>} : memref<128xf32, #tpu.memory_space<vmem>>, vector<16xf32>,
    %swap3A_14 = vector.shape_cast %swap3A_13 : vector<16xf32> to vector<16xf32>
    %swap3A_15 = vector.shape_cast %broadcast_in_dim3A_2 : vector<16xf32> to vector<16xf32>
    tpu.vector_store %arg5[%swap3A_12], %swap3A_15 {strides = array<i32>} : memref<128xf32, #tpu.memory_space<vmem>>, vector<16xf32>,
    %swap3A_16 = arith.constant 32 : index
    %swap3A_17 = tpu.vector_load %arg5[%swap3A_16] {strides = array<i32>} : memref<128xf32, #tpu.memory_space<vmem>>, vector<16xf32>,
    %swap3A_18 = vector.shape_cast %swap3A_17 : vector<16xf32> to vector<16xf32>
    %swap3A_19 = vector.shape_cast %broadcast_in_dim3A_2 : vector<16xf32> to vector<16xf32>
    tpu.vector_store %arg5[%swap3A_16], %swap3A_19 {strides = array<i32>} : memref<128xf32, #tpu.memory_space<vmem>>, vector<16xf32>,
    %swap3A_20 = arith.constant 48 : index
    %swap3A_21 = tpu.vector_load %arg5[%swap3A_20] {strides = array<i32>} : memref<128xf32, #tpu.memory_space<vmem>>, vector<16xf32>,
    %swap3A_22 = vector.shape_cast %swap3A_21 : vector<16xf32> to vector<16xf32>
    %swap3A_23 = vector.shape_cast %broadcast_in_dim3A_2 : vector<16xf32> to vector<16xf32>
    tpu.vector_store %arg5[%swap3A_20], %swap3A_23 {strides = array<i32>} : memref<128xf32, #tpu.memory_space<vmem>>, vector<16xf32>,
    %swap3A_24 = arith.constant 64 : index
    %swap3A_25 = tpu.vector_load %arg5[%swap3A_24] {strides = array<i32>} : memref<128xf32, #tpu.memory_space<vmem>>, vector<16xf32>,
    %swap3A_26 = vector.shape_cast %swap3A_25 : vector<16xf32> to vector<16xf32>
    %swap3A_27 = vector.shape_cast %broadcast_in_dim3A_2 : vector<16xf32> to vector<16xf32>
    tpu.vector_store %arg5[%swap3A_24], %swap3A_27 {strides = array<i32>} : memref<128xf32, #tpu.memory_space<vmem>>, vector<16xf32>,
    %swap3A_28 = arith.constant 80 : index
    %swap3A_29 = tpu.vector_load %arg5[%swap3A_28] {strides = array<i32>} : memref<128xf32, #tpu.memory_space<vmem>>, vector<16xf32>,
    %swap3A_30 = vector.shape_cast %swap3A_29 : vector<16xf32> to vector<16xf32>
    %swap3A_31 = vector.shape_cast %broadcast_in_dim3A_2 : vector<16xf32> to vector<16xf32>
    tpu.vector_store %arg5[%swap3A_28], %swap3A_31 {strides = array<i32>} : memref<128xf32, #tpu.memory_space<vmem>>, vector<16xf32>,
    %swap3A_32 = arith.constant 96 : index
    %swap3A_33 = tpu.vector_load %arg5[%swap3A_32] {strides = array<i32>} : memref<128xf32, #tpu.memory_space<vmem>>, vector<16xf32>,
    %swap3A_34 = vector.shape_cast %swap3A_33 : vector<16xf32> to vector<16xf32>
    %swap3A_35 = vector.shape_cast %broadcast_in_dim3A_2 : vector<16xf32> to vector<16xf32>
    tpu.vector_store %arg5[%swap3A_32], %swap3A_35 {strides = array<i32>} : memref<128xf32, #tpu.memory_space<vmem>>, vector<16xf32>,
    %swap3A_36 = arith.constant 112 : index
    %swap3A_37 = tpu.vector_load %arg5[%swap3A_36] {strides = array<i32>} : memref<128xf32, #tpu.memory_space<vmem>>, vector<16xf32>,
    %swap3A_38 = vector.shape_cast %swap3A_37 : vector<16xf32> to vector<16xf32>
    %swap3A_39 = vector.shape_cast %broadcast_in_dim3A_2 : vector<16xf32> to vector<16xf32>
    tpu.vector_store %arg5[%swap3A_36], %swap3A_39 {strides = array<i32>} : memref<128xf32, #tpu.memory_space<vmem>>, vector<16xf32>,
    %mul3A = arith.constant 6272 : i32
    %mul3A_40 = arith.muli %arg1, %mul3A : i32
    "tpu.region"() ({
      %run_scoped3A = tpu.sem_alloc : memref<!tpu.dma_semaphore, #tpu.memory_space<semaphore_mem>>
      %dma_start3A = tpu.memref_slice %arg7[%mul3A_40] : memref<100352xf32, #tpu.memory_space<vmem_shared>> -> memref<6272xf32, #tpu.memory_space<vmem_shared>>
      %dma_start3A_75 = tpu.memref_slice %arg7[%mul3A_40] : memref<100352xf32, #tpu.memory_space<vmem_shared>> -> memref<6272xf32, #tpu.memory_space<vmem_shared>>
      tpu.enqueue_dma source(%arg4 : memref<6272xf32, #tpu.memory_space<vmem>>) target(%dma_start3A_75 : memref<6272xf32, #tpu.memory_space<vmem_shared>>) target_semaphore(%run_scoped3A : memref<!tpu.dma_semaphore, #tpu.memory_space<semaphore_mem>>)
      %dma_wait3A = tpu.memref_slice %arg7[%mul3A_40] : memref<100352xf32, #tpu.memory_space<vmem_shared>> -> memref<6272xf32, #tpu.memory_space<vmem_shared>>
      %dma_wait3A_76 = tpu.memref_slice %arg7[%mul3A_40] : memref<100352xf32, #tpu.memory_space<vmem_shared>> -> memref<6272xf32, #tpu.memory_space<vmem_shared>>
      tpu.wait_dma2 semaphore(%run_scoped3A : memref<!tpu.dma_semaphore, #tpu.memory_space<semaphore_mem>>) src(%arg4 : memref<6272xf32, #tpu.memory_space<vmem>>) dst(%dma_wait3A_76 : memref<6272xf32, #tpu.memory_space<vmem_shared>>)
      tpu.yield
    }) : () -> ()
    %barrier3A = arith.constant 0 : index
    tpu.barrier barrier_id(%barrier3A)
    %eq3A = arith.constant 0 : i32
    %eq3A_41 = arith.cmpi eq, %arg0, %eq3A : i32
    %lt3A = arith.constant 5 : i32
    %lt3A_42 = arith.cmpi slt, %arg1, %lt3A : i32
    %jit3A = arith.constant 98 : i32
    %jit3A_43 = arith.constant 97 : i32
    %select_n3A = arith.select %lt3A_42, %jit3A, %jit3A_43 : i32
    %jit3A_44 = arith.constant 98 : i32
    %select_n3A_45 = arith.select %eq3A_41, %jit3A_44, %select_n3A : i32
    %eq3A_46 = arith.constant 0 : i32
    %eq3A_47 = arith.cmpi eq, %arg0, %eq3A_46 : i32
    %mul3A_48 = arith.constant 98 : i32
    %mul3A_49 = arith.muli %mul3A_48, %arg1 : i32
    %mul3A_50 = arith.constant 97 : i32
    %mul3A_51 = arith.muli %mul3A_50, %arg1 : i32
    %add3A = arith.constant 1568 : i32
    %add3A_52 = arith.addi %add3A, %mul3A_51 : i32
    %min3A = arith.constant 5 : i32
    %min3A_53 = arith.minsi %arg1, %min3A : i32
    %add3A_54 = arith.addi %add3A_52, %min3A_53 : i32
    %select_n3A_55 = arith.select %eq3A_47, %mul3A_49, %add3A_54 : i32
    %while3A = arith.constant 0 : i32
    %while3A_56 = arith.constant 0 : i32
    %while3A_57 = arith.subi %select_n3A_45, %while3A : i32
    %while3A_58 = arith.addi %while3A, %while3A_57 : i32
    %while3A_59 = arith.constant 1 : i32
    %while3A_60 = arith.divsi %while3A_57, %while3A_59 : i32
    %while3A_61 = arith.muli %while3A_60, %while3A_59 : i32
    %while3A_62 = arith.addi %while3A, %while3A_61 : i32
    %while3A_63 = arith.constant 1 : i32
    %while3A_64 = scf.for %while3A_75 = %while3A to %while3A_62 step %while3A_63 iter_args(%while3A_76 = %while3A_56) -> (i32)  : i32 {
      %add3A_77 = arith.addi %select_n3A_55, %while3A_75 : i32
      %mul3A_78 = arith.constant 4 : i32
      %mul3A_79 = arith.muli %add3A_77, %mul3A_78 : i32
      "tpu.region"() ({
        %run_scoped3A_84 = tpu.sem_alloc : memref<!tpu.dma_semaphore, #tpu.memory_space<semaphore_mem>>
        %dma_start3A = arith.constant 0 : i32
        %dma_start3A_85 = tpu.memref_slice %arg2[%mul3A_79, %dma_start3A] : memref<12500x128xi32, #tpu.memory_space<hbm>> -> memref<4x128xi32, #tpu.memory_space<hbm>>
        %dma_start3A_86 = arith.constant 0 : i32
        %dma_start3A_87 = tpu.memref_slice %arg2[%mul3A_79, %dma_start3A_86] : memref<12500x128xi32, #tpu.memory_space<hbm>> -> memref<4x128xi32, #tpu.memory_space<hbm>>
        tpu.enqueue_dma source(%dma_start3A_87 : memref<4x128xi32, #tpu.memory_space<hbm>>) target(%arg6 : memref<4x128xi32, #tpu.memory_space<vmem>>) target_semaphore(%run_scoped3A_84 : memref<!tpu.dma_semaphore, #tpu.memory_space<semaphore_mem>>)
        %dma_wait3A = arith.constant 0 : i32
        %dma_wait3A_88 = tpu.memref_slice %arg2[%mul3A_79, %dma_wait3A] : memref<12500x128xi32, #tpu.memory_space<hbm>> -> memref<4x128xi32, #tpu.memory_space<hbm>>
        %dma_wait3A_89 = arith.constant 0 : i32
        %dma_wait3A_90 = tpu.memref_slice %arg2[%mul3A_79, %dma_wait3A_89] : memref<12500x128xi32, #tpu.memory_space<hbm>> -> memref<4x128xi32, #tpu.memory_space<hbm>>
        tpu.wait_dma2 semaphore(%run_scoped3A_84 : memref<!tpu.dma_semaphore, #tpu.memory_space<semaphore_mem>>) src(%dma_wait3A_90 : memref<4x128xi32, #tpu.memory_space<hbm>>) dst(%arg6 : memref<4x128xi32, #tpu.memory_space<vmem>>)
        tpu.yield
      }) : () -> ()
      %run_scoped3A = arith.constant 0 : i32
      "tpu.region"() ({
        %run_scoped3A_84 = tpu.sem_alloc : memref<!tpu.dma_semaphore, #tpu.memory_space<semaphore_mem>>
        %dma_start3A = arith.constant 0 : i32
        %dma_start3A_85 = tpu.memref_slice %arg6[%run_scoped3A, %dma_start3A] : memref<4x128xi32, #tpu.memory_space<vmem>> -> memref<1x128xi32, #tpu.memory_space<vmem>>
        %dma_start3A_86 = tpu.memref_squeeze %dma_start3A_85 : memref<1x128xi32, #tpu.memory_space<vmem>> -> memref<128xi32, #tpu.memory_space<vmem>>
        %dma_start3A_87 = arith.constant 0 : i32
        %dma_start3A_88 = tpu.memref_slice %arg7[%dma_start3A_87] : memref<100352xf32, #tpu.memory_space<vmem_shared>> -> memref<100352xf32, #tpu.memory_space<vmem_shared>>
        tpu.enqueue_indirect_dma source(%arg5 : memref<128xf32, #tpu.memory_space<vmem>>) target(%dma_start3A_88 : memref<100352xf32, #tpu.memory_space<vmem_shared>>) offsets(%dma_start3A_86 : memref<128xi32, #tpu.memory_space<vmem>>) semaphore(%run_scoped3A_84 : memref<!tpu.dma_semaphore, #tpu.memory_space<semaphore_mem>>) {add = true}
        %dma_wait3A = arith.constant 0 : i32
        %dma_wait3A_89 = tpu.memref_slice %arg6[%run_scoped3A, %dma_wait3A] : memref<4x128xi32, #tpu.memory_space<vmem>> -> memref<1x128xi32, #tpu.memory_space<vmem>>
        %dma_wait3A_90 = tpu.memref_squeeze %dma_wait3A_89 : memref<1x128xi32, #tpu.memory_space<vmem>> -> memref<128xi32, #tpu.memory_space<vmem>>
        %dma_wait3A_91 = arith.constant 0 : i32
        %dma_wait3A_92 = tpu.memref_slice %arg7[%dma_wait3A_91] : memref<100352xf32, #tpu.memory_space<vmem_shared>> -> memref<100352xf32, #tpu.memory_space<vmem_shared>>
        tpu.wait_indirect_dma semaphore(%run_scoped3A_84 : memref<!tpu.dma_semaphore, #tpu.memory_space<semaphore_mem>>) src(%arg5 : memref<128xf32, #tpu.memory_space<vmem>>) dst(%dma_wait3A_92 : memref<100352xf32, #tpu.memory_space<vmem_shared>>)
        tpu.yield
      }) : () -> ()
      %run_scoped3A_80 = arith.constant 1 : i32
      "tpu.region"() ({
        %run_scoped3A_84 = tpu.sem_alloc : memref<!tpu.dma_semaphore, #tpu.memory_space<semaphore_mem>>
        %dma_start3A = arith.constant 0 : i32
        %dma_start3A_85 = tpu.memref_slice %arg6[%run_scoped3A_80, %dma_start3A] : memref<4x128xi32, #tpu.memory_space<vmem>> -> memref<1x128xi32, #tpu.memory_space<vmem>>
        %dma_start3A_86 = tpu.memref_squeeze %dma_start3A_85 : memref<1x128xi32, #tpu.memory_space<vmem>> -> memref<128xi32, #tpu.memory_space<vmem>>
        %dma_start3A_87 = arith.constant 0 : i32
        %dma_start3A_88 = tpu.memref_slice %arg7[%dma_start3A_87] : memref<100352xf32, #tpu.memory_space<vmem_shared>> -> memref<100352xf32, #tpu.memory_space<vmem_shared>>
        tpu.enqueue_indirect_dma source(%arg5 : memref<128xf32, #tpu.memory_space<vmem>>) target(%dma_start3A_88 : memref<100352xf32, #tpu.memory_space<vmem_shared>>) offsets(%dma_start3A_86 : memref<128xi32, #tpu.memory_space<vmem>>) semaphore(%run_scoped3A_84 : memref<!tpu.dma_semaphore, #tpu.memory_space<semaphore_mem>>) {add = true}
        %dma_wait3A = arith.constant 0 : i32
        %dma_wait3A_89 = tpu.memref_slice %arg6[%run_scoped3A_80, %dma_wait3A] : memref<4x128xi32, #tpu.memory_space<vmem>> -> memref<1x128xi32, #tpu.memory_space<vmem>>
        %dma_wait3A_90 = tpu.memref_squeeze %dma_wait3A_89 : memref<1x128xi32, #tpu.memory_space<vmem>> -> memref<128xi32, #tpu.memory_space<vmem>>
        %dma_wait3A_91 = arith.constant 0 : i32
        %dma_wait3A_92 = tpu.memref_slice %arg7[%dma_wait3A_91] : memref<100352xf32, #tpu.memory_space<vmem_shared>> -> memref<100352xf32, #tpu.memory_space<vmem_shared>>
        tpu.wait_indirect_dma semaphore(%run_scoped3A_84 : memref<!tpu.dma_semaphore, #tpu.memory_space<semaphore_mem>>) src(%arg5 : memref<128xf32, #tpu.memory_space<vmem>>) dst(%dma_wait3A_92 : memref<100352xf32, #tpu.memory_space<vmem_shared>>)
        tpu.yield
      }) : () -> ()
      %run_scoped3A_81 = arith.constant 2 : i32
      "tpu.region"() ({
        %run_scoped3A_84 = tpu.sem_alloc : memref<!tpu.dma_semaphore, #tpu.memory_space<semaphore_mem>>
        %dma_start3A = arith.constant 0 : i32
        %dma_start3A_85 = tpu.memref_slice %arg6[%run_scoped3A_81, %dma_start3A] : memref<4x128xi32, #tpu.memory_space<vmem>> -> memref<1x128xi32, #tpu.memory_space<vmem>>
        %dma_start3A_86 = tpu.memref_squeeze %dma_start3A_85 : memref<1x128xi32, #tpu.memory_space<vmem>> -> memref<128xi32, #tpu.memory_space<vmem>>
        %dma_start3A_87 = arith.constant 0 : i32
        %dma_start3A_88 = tpu.memref_slice %arg7[%dma_start3A_87] : memref<100352xf32, #tpu.memory_space<vmem_shared>> -> memref<100352xf32, #tpu.memory_space<vmem_shared>>
        tpu.enqueue_indirect_dma source(%arg5 : memref<128xf32, #tpu.memory_space<vmem>>) target(%dma_start3A_88 : memref<100352xf32, #tpu.memory_space<vmem_shared>>) offsets(%dma_start3A_86 : memref<128xi32, #tpu.memory_space<vmem>>) semaphore(%run_scoped3A_84 : memref<!tpu.dma_semaphore, #tpu.memory_space<semaphore_mem>>) {add = true}
        %dma_wait3A = arith.constant 0 : i32
        %dma_wait3A_89 = tpu.memref_slice %arg6[%run_scoped3A_81, %dma_wait3A] : memref<4x128xi32, #tpu.memory_space<vmem>> -> memref<1x128xi32, #tpu.memory_space<vmem>>
        %dma_wait3A_90 = tpu.memref_squeeze %dma_wait3A_89 : memref<1x128xi32, #tpu.memory_space<vmem>> -> memref<128xi32, #tpu.memory_space<vmem>>
        %dma_wait3A_91 = arith.constant 0 : i32
        %dma_wait3A_92 = tpu.memref_slice %arg7[%dma_wait3A_91] : memref<100352xf32, #tpu.memory_space<vmem_shared>> -> memref<100352xf32, #tpu.memory_space<vmem_shared>>
        tpu.wait_indirect_dma semaphore(%run_scoped3A_84 : memref<!tpu.dma_semaphore, #tpu.memory_space<semaphore_mem>>) src(%arg5 : memref<128xf32, #tpu.memory_space<vmem>>) dst(%dma_wait3A_92 : memref<100352xf32, #tpu.memory_space<vmem_shared>>)
        tpu.yield
      }) : () -> ()
      %run_scoped3A_82 = arith.constant 3 : i32
      "tpu.region"() ({
        %run_scoped3A_84 = tpu.sem_alloc : memref<!tpu.dma_semaphore, #tpu.memory_space<semaphore_mem>>
        %dma_start3A = arith.constant 0 : i32
        %dma_start3A_85 = tpu.memref_slice %arg6[%run_scoped3A_82, %dma_start3A] : memref<4x128xi32, #tpu.memory_space<vmem>> -> memref<1x128xi32, #tpu.memory_space<vmem>>
        %dma_start3A_86 = tpu.memref_squeeze %dma_start3A_85 : memref<1x128xi32, #tpu.memory_space<vmem>> -> memref<128xi32, #tpu.memory_space<vmem>>
        %dma_start3A_87 = arith.constant 0 : i32
        %dma_start3A_88 = tpu.memref_slice %arg7[%dma_start3A_87] : memref<100352xf32, #tpu.memory_space<vmem_shared>> -> memref<100352xf32, #tpu.memory_space<vmem_shared>>
        tpu.enqueue_indirect_dma source(%arg5 : memref<128xf32, #tpu.memory_space<vmem>>) target(%dma_start3A_88 : memref<100352xf32, #tpu.memory_space<vmem_shared>>) offsets(%dma_start3A_86 : memref<128xi32, #tpu.memory_space<vmem>>) semaphore(%run_scoped3A_84 : memref<!tpu.dma_semaphore, #tpu.memory_space<semaphore_mem>>) {add = true}
        %dma_wait3A = arith.constant 0 : i32
        %dma_wait3A_89 = tpu.memref_slice %arg6[%run_scoped3A_82, %dma_wait3A] : memref<4x128xi32, #tpu.memory_space<vmem>> -> memref<1x128xi32, #tpu.memory_space<vmem>>
        %dma_wait3A_90 = tpu.memref_squeeze %dma_wait3A_89 : memref<1x128xi32, #tpu.memory_space<vmem>> -> memref<128xi32, #tpu.memory_space<vmem>>
        %dma_wait3A_91 = arith.constant 0 : i32
        %dma_wait3A_92 = tpu.memref_slice %arg7[%dma_wait3A_91] : memref<100352xf32, #tpu.memory_space<vmem_shared>> -> memref<100352xf32, #tpu.memory_space<vmem_shared>>
        tpu.wait_indirect_dma semaphore(%run_scoped3A_84 : memref<!tpu.dma_semaphore, #tpu.memory_space<semaphore_mem>>) src(%arg5 : memref<128xf32, #tpu.memory_space<vmem>>) dst(%dma_wait3A_92 : memref<100352xf32, #tpu.memory_space<vmem_shared>>)
        tpu.yield
      }) : () -> ()
      %while3A_83 = arith.constant 0 : i32
      scf.yield %while3A_83 : i32
    }
    %while3A_65 = arith.constant 1 : i32
    %while3A_66 = scf.for %while3A_75 = %while3A_62 to %while3A_58 step %while3A_65 iter_args(%while3A_76 = %while3A_64) -> (i32)  : i32 {
      %add3A_77 = arith.addi %select_n3A_55, %while3A_75 : i32
      %mul3A_78 = arith.constant 4 : i32
      %mul3A_79 = arith.muli %add3A_77, %mul3A_78 : i32
      "tpu.region"() ({
        %run_scoped3A_84 = tpu.sem_alloc : memref<!tpu.dma_semaphore, #tpu.memory_space<semaphore_mem>>
        %dma_start3A = arith.constant 0 : i32
        %dma_start3A_85 = tpu.memref_slice %arg2[%mul3A_79, %dma_start3A] : memref<12500x128xi32, #tpu.memory_space<hbm>> -> memref<4x128xi32, #tpu.memory_space<hbm>>
        %dma_start3A_86 = arith.constant 0 : i32
        %dma_start3A_87 = tpu.memref_slice %arg2[%mul3A_79, %dma_start3A_86] : memref<12500x128xi32, #tpu.memory_space<hbm>> -> memref<4x128xi32, #tpu.memory_space<hbm>>
        tpu.enqueue_dma source(%dma_start3A_87 : memref<4x128xi32, #tpu.memory_space<hbm>>) target(%arg6 : memref<4x128xi32, #tpu.memory_space<vmem>>) target_semaphore(%run_scoped3A_84 : memref<!tpu.dma_semaphore, #tpu.memory_space<semaphore_mem>>)
        %dma_wait3A = arith.constant 0 : i32
        %dma_wait3A_88 = tpu.memref_slice %arg2[%mul3A_79, %dma_wait3A] : memref<12500x128xi32, #tpu.memory_space<hbm>> -> memref<4x128xi32, #tpu.memory_space<hbm>>
        %dma_wait3A_89 = arith.constant 0 : i32
        %dma_wait3A_90 = tpu.memref_slice %arg2[%mul3A_79, %dma_wait3A_89] : memref<12500x128xi32, #tpu.memory_space<hbm>> -> memref<4x128xi32, #tpu.memory_space<hbm>>
        tpu.wait_dma2 semaphore(%run_scoped3A_84 : memref<!tpu.dma_semaphore, #tpu.memory_space<semaphore_mem>>) src(%dma_wait3A_90 : memref<4x128xi32, #tpu.memory_space<hbm>>) dst(%arg6 : memref<4x128xi32, #tpu.memory_space<vmem>>)
        tpu.yield
      }) : () -> ()
      %run_scoped3A = arith.constant 0 : i32
      "tpu.region"() ({
        %run_scoped3A_84 = tpu.sem_alloc : memref<!tpu.dma_semaphore, #tpu.memory_space<semaphore_mem>>
        %dma_start3A = arith.constant 0 : i32
        %dma_start3A_85 = tpu.memref_slice %arg6[%run_scoped3A, %dma_start3A] : memref<4x128xi32, #tpu.memory_space<vmem>> -> memref<1x128xi32, #tpu.memory_space<vmem>>
        %dma_start3A_86 = tpu.memref_squeeze %dma_start3A_85 : memref<1x128xi32, #tpu.memory_space<vmem>> -> memref<128xi32, #tpu.memory_space<vmem>>
        %dma_start3A_87 = arith.constant 0 : i32
        %dma_start3A_88 = tpu.memref_slice %arg7[%dma_start3A_87] : memref<100352xf32, #tpu.memory_space<vmem_shared>> -> memref<100352xf32, #tpu.memory_space<vmem_shared>>
        tpu.enqueue_indirect_dma source(%arg5 : memref<128xf32, #tpu.memory_space<vmem>>) target(%dma_start3A_88 : memref<100352xf32, #tpu.memory_space<vmem_shared>>) offsets(%dma_start3A_86 : memref<128xi32, #tpu.memory_space<vmem>>) semaphore(%run_scoped3A_84 : memref<!tpu.dma_semaphore, #tpu.memory_space<semaphore_mem>>) {add = true}
        %dma_wait3A = arith.constant 0 : i32
        %dma_wait3A_89 = tpu.memref_slice %arg6[%run_scoped3A, %dma_wait3A] : memref<4x128xi32, #tpu.memory_space<vmem>> -> memref<1x128xi32, #tpu.memory_space<vmem>>
        %dma_wait3A_90 = tpu.memref_squeeze %dma_wait3A_89 : memref<1x128xi32, #tpu.memory_space<vmem>> -> memref<128xi32, #tpu.memory_space<vmem>>
        %dma_wait3A_91 = arith.constant 0 : i32
        %dma_wait3A_92 = tpu.memref_slice %arg7[%dma_wait3A_91] : memref<100352xf32, #tpu.memory_space<vmem_shared>> -> memref<100352xf32, #tpu.memory_space<vmem_shared>>
        tpu.wait_indirect_dma semaphore(%run_scoped3A_84 : memref<!tpu.dma_semaphore, #tpu.memory_space<semaphore_mem>>) src(%arg5 : memref<128xf32, #tpu.memory_space<vmem>>) dst(%dma_wait3A_92 : memref<100352xf32, #tpu.memory_space<vmem_shared>>)
        tpu.yield
      }) : () -> ()
      %run_scoped3A_80 = arith.constant 1 : i32
      "tpu.region"() ({
        %run_scoped3A_84 = tpu.sem_alloc : memref<!tpu.dma_semaphore, #tpu.memory_space<semaphore_mem>>
        %dma_start3A = arith.constant 0 : i32
        %dma_start3A_85 = tpu.memref_slice %arg6[%run_scoped3A_80, %dma_start3A] : memref<4x128xi32, #tpu.memory_space<vmem>> -> memref<1x128xi32, #tpu.memory_space<vmem>>
        %dma_start3A_86 = tpu.memref_squeeze %dma_start3A_85 : memref<1x128xi32, #tpu.memory_space<vmem>> -> memref<128xi32, #tpu.memory_space<vmem>>
        %dma_start3A_87 = arith.constant 0 : i32
        %dma_start3A_88 = tpu.memref_slice %arg7[%dma_start3A_87] : memref<100352xf32, #tpu.memory_space<vmem_shared>> -> memref<100352xf32, #tpu.memory_space<vmem_shared>>
        tpu.enqueue_indirect_dma source(%arg5 : memref<128xf32, #tpu.memory_space<vmem>>) target(%dma_start3A_88 : memref<100352xf32, #tpu.memory_space<vmem_shared>>) offsets(%dma_start3A_86 : memref<128xi32, #tpu.memory_space<vmem>>) semaphore(%run_scoped3A_84 : memref<!tpu.dma_semaphore, #tpu.memory_space<semaphore_mem>>) {add = true}
        %dma_wait3A = arith.constant 0 : i32
        %dma_wait3A_89 = tpu.memref_slice %arg6[%run_scoped3A_80, %dma_wait3A] : memref<4x128xi32, #tpu.memory_space<vmem>> -> memref<1x128xi32, #tpu.memory_space<vmem>>
        %dma_wait3A_90 = tpu.memref_squeeze %dma_wait3A_89 : memref<1x128xi32, #tpu.memory_space<vmem>> -> memref<128xi32, #tpu.memory_space<vmem>>
        %dma_wait3A_91 = arith.constant 0 : i32
        %dma_wait3A_92 = tpu.memref_slice %arg7[%dma_wait3A_91] : memref<100352xf32, #tpu.memory_space<vmem_shared>> -> memref<100352xf32, #tpu.memory_space<vmem_shared>>
        tpu.wait_indirect_dma semaphore(%run_scoped3A_84 : memref<!tpu.dma_semaphore, #tpu.memory_space<semaphore_mem>>) src(%arg5 : memref<128xf32, #tpu.memory_space<vmem>>) dst(%dma_wait3A_92 : memref<100352xf32, #tpu.memory_space<vmem_shared>>)
        tpu.yield
      }) : () -> ()
      %run_scoped3A_81 = arith.constant 2 : i32
      "tpu.region"() ({
        %run_scoped3A_84 = tpu.sem_alloc : memref<!tpu.dma_semaphore, #tpu.memory_space<semaphore_mem>>
        %dma_start3A = arith.constant 0 : i32
        %dma_start3A_85 = tpu.memref_slice %arg6[%run_scoped3A_81, %dma_start3A] : memref<4x128xi32, #tpu.memory_space<vmem>> -> memref<1x128xi32, #tpu.memory_space<vmem>>
        %dma_start3A_86 = tpu.memref_squeeze %dma_start3A_85 : memref<1x128xi32, #tpu.memory_space<vmem>> -> memref<128xi32, #tpu.memory_space<vmem>>
        %dma_start3A_87 = arith.constant 0 : i32
        %dma_start3A_88 = tpu.memref_slice %arg7[%dma_start3A_87] : memref<100352xf32, #tpu.memory_space<vmem_shared>> -> memref<100352xf32, #tpu.memory_space<vmem_shared>>
        tpu.enqueue_indirect_dma source(%arg5 : memref<128xf32, #tpu.memory_space<vmem>>) target(%dma_start3A_88 : memref<100352xf32, #tpu.memory_space<vmem_shared>>) offsets(%dma_start3A_86 : memref<128xi32, #tpu.memory_space<vmem>>) semaphore(%run_scoped3A_84 : memref<!tpu.dma_semaphore, #tpu.memory_space<semaphore_mem>>) {add = true}
        %dma_wait3A = arith.constant 0 : i32
        %dma_wait3A_89 = tpu.memref_slice %arg6[%run_scoped3A_81, %dma_wait3A] : memref<4x128xi32, #tpu.memory_space<vmem>> -> memref<1x128xi32, #tpu.memory_space<vmem>>
        %dma_wait3A_90 = tpu.memref_squeeze %dma_wait3A_89 : memref<1x128xi32, #tpu.memory_space<vmem>> -> memref<128xi32, #tpu.memory_space<vmem>>
        %dma_wait3A_91 = arith.constant 0 : i32
        %dma_wait3A_92 = tpu.memref_slice %arg7[%dma_wait3A_91] : memref<100352xf32, #tpu.memory_space<vmem_shared>> -> memref<100352xf32, #tpu.memory_space<vmem_shared>>
        tpu.wait_indirect_dma semaphore(%run_scoped3A_84 : memref<!tpu.dma_semaphore, #tpu.memory_space<semaphore_mem>>) src(%arg5 : memref<128xf32, #tpu.memory_space<vmem>>) dst(%dma_wait3A_92 : memref<100352xf32, #tpu.memory_space<vmem_shared>>)
        tpu.yield
      }) : () -> ()
      %run_scoped3A_82 = arith.constant 3 : i32
      "tpu.region"() ({
        %run_scoped3A_84 = tpu.sem_alloc : memref<!tpu.dma_semaphore, #tpu.memory_space<semaphore_mem>>
        %dma_start3A = arith.constant 0 : i32
        %dma_start3A_85 = tpu.memref_slice %arg6[%run_scoped3A_82, %dma_start3A] : memref<4x128xi32, #tpu.memory_space<vmem>> -> memref<1x128xi32, #tpu.memory_space<vmem>>
        %dma_start3A_86 = tpu.memref_squeeze %dma_start3A_85 : memref<1x128xi32, #tpu.memory_space<vmem>> -> memref<128xi32, #tpu.memory_space<vmem>>
        %dma_start3A_87 = arith.constant 0 : i32
        %dma_start3A_88 = tpu.memref_slice %arg7[%dma_start3A_87] : memref<100352xf32, #tpu.memory_space<vmem_shared>> -> memref<100352xf32, #tpu.memory_space<vmem_shared>>
        tpu.enqueue_indirect_dma source(%arg5 : memref<128xf32, #tpu.memory_space<vmem>>) target(%dma_start3A_88 : memref<100352xf32, #tpu.memory_space<vmem_shared>>) offsets(%dma_start3A_86 : memref<128xi32, #tpu.memory_space<vmem>>) semaphore(%run_scoped3A_84 : memref<!tpu.dma_semaphore, #tpu.memory_space<semaphore_mem>>) {add = true}
        %dma_wait3A = arith.constant 0 : i32
        %dma_wait3A_89 = tpu.memref_slice %arg6[%run_scoped3A_82, %dma_wait3A] : memref<4x128xi32, #tpu.memory_space<vmem>> -> memref<1x128xi32, #tpu.memory_space<vmem>>
        %dma_wait3A_90 = tpu.memref_squeeze %dma_wait3A_89 : memref<1x128xi32, #tpu.memory_space<vmem>> -> memref<128xi32, #tpu.memory_space<vmem>>
        %dma_wait3A_91 = arith.constant 0 : i32
        %dma_wait3A_92 = tpu.memref_slice %arg7[%dma_wait3A_91] : memref<100352xf32, #tpu.memory_space<vmem_shared>> -> memref<100352xf32, #tpu.memory_space<vmem_shared>>
        tpu.wait_indirect_dma semaphore(%run_scoped3A_84 : memref<!tpu.dma_semaphore, #tpu.memory_space<semaphore_mem>>) src(%arg5 : memref<128xf32, #tpu.memory_space<vmem>>) dst(%dma_wait3A_92 : memref<100352xf32, #tpu.memory_space<vmem_shared>>)
        tpu.yield
      }) : () -> ()
      %while3A_83 = arith.constant 0 : i32
      scf.yield %while3A_83 : i32
    }
    %barrier3A_67 = arith.constant 0 : index
    tpu.barrier barrier_id(%barrier3A_67)
    %mul3A_68 = arith.constant 6272 : i32
    %mul3A_69 = arith.muli %arg1, %mul3A_68 : i32
    %mul3A_70 = arith.constant 100352 : i32
    %mul3A_71 = arith.muli %arg0, %mul3A_70 : i32
    %mul3A_72 = arith.constant 6272 : i32
    %mul3A_73 = arith.muli %arg1, %mul3A_72 : i32
    %add3A_74 = arith.addi %mul3A_71, %mul3A_73 : i32
    "tpu.region"() ({
      %run_scoped3A = tpu.sem_alloc : memref<!tpu.dma_semaphore, #tpu.memory_space<semaphore_mem>>
      %dma_start3A = tpu.memref_slice %arg3[%add3A_74] : memref<200704xf32, #tpu.memory_space<hbm>> -> memref<6272xf32, #tpu.memory_space<hbm>>
      %dma_start3A_75 = tpu.memref_slice %arg7[%mul3A_69] : memref<100352xf32, #tpu.memory_space<vmem_shared>> -> memref<6272xf32, #tpu.memory_space<vmem_shared>>
      tpu.enqueue_dma source(%dma_start3A_75 : memref<6272xf32, #tpu.memory_space<vmem_shared>>) target(%dma_start3A : memref<6272xf32, #tpu.memory_space<hbm>>) target_semaphore(%run_scoped3A : memref<!tpu.dma_semaphore, #tpu.memory_space<semaphore_mem>>)
      %dma_wait3A = tpu.memref_slice %arg3[%add3A_74] : memref<200704xf32, #tpu.memory_space<hbm>> -> memref<6272xf32, #tpu.memory_space<hbm>>
      %dma_wait3A_76 = tpu.memref_slice %arg7[%mul3A_69] : memref<100352xf32, #tpu.memory_space<vmem_shared>> -> memref<6272xf32, #tpu.memory_space<vmem_shared>>
      tpu.wait_dma2 semaphore(%run_scoped3A : memref<!tpu.dma_semaphore, #tpu.memory_space<semaphore_mem>>) src(%dma_wait3A_76 : memref<6272xf32, #tpu.memory_space<vmem_shared>>) dst(%dma_wait3A : memref<6272xf32, #tpu.memory_space<hbm>>)
      tpu.yield
    }) : () -> ()
    return
  }
}

module attributes {stable_mosaic.version = 14 : i64} {
  func.func @_tc1_body(%arg0: i32, %arg1: memref<2048x32xf32, #tpu.memory_space<vmem>>, %arg2: memref<32x32xf32, #tpu.memory_space<vmem>>, %arg3: memref<2x16x128xf32, #tpu.memory_space<vmem>>, %arg4: memref<2048x32xbf16, #tpu.memory_space<vmem>>, %arg5: memref<16x128xf32, #tpu.memory_space<vmem>>) attributes {dimension_semantics = [#tpu.dimension_semantics<arbitrary>], iteration_bounds = array<i64: 49>, scalar_prefetch = 0 : i64, scratch_operands = 0 : i64, tpu.core_type = #tpu.core_type<tc>, window_params = [{transform_indices = @transform_0, window_bounds = array<i64: 2048, 32>}, {pipeline_mode = #tpu.pipeline_mode<synchronous>, transform_indices = @transform_1, window_bounds = array<i64: 32, 32>}, {transform_indices = @transform_2, window_bounds = array<i64: 2, 16, 128>}, {transform_indices = @transform_3, window_bounds = array<i64: 2048, 32>}, {transform_indices = @transform_4, window_bounds = array<i64: 16, 128>}]} {
    %get3A = arith.constant 0 : index
    %get3A_0 = arith.constant 0 : index
    %get3A_1 = arith.constant 0 : index
    %get3A_2 = vector.load %arg3[%get3A, %get3A_0, %get3A_1] : memref<2x16x128xf32, #tpu.memory_space<vmem>>, vector<2x16x128xf32>
    %slice3A = vector.extract_strided_slice %get3A_2 {offsets = [0, 0, 0], sizes = [1, 16, 128], strides = [1, 1, 1]} : vector<2x16x128xf32> to vector<1x16x128xf32>
    %squeeze3A = vector.shape_cast %slice3A : vector<1x16x128xf32> to vector<16x128xf32>
    %slice3A_3 = vector.extract_strided_slice %get3A_2 {offsets = [1, 0, 0], sizes = [1, 16, 128], strides = [1, 1, 1]} : vector<2x16x128xf32> to vector<1x16x128xf32>
    %squeeze3A_4 = vector.shape_cast %slice3A_3 : vector<1x16x128xf32> to vector<16x128xf32>
    %add3A = arith.addf %squeeze3A, %squeeze3A_4 : vector<16x128xf32>
    %add3A_5 = arith.constant 1.000000e+00 : f32
    %add3A_6 = vector.broadcast %add3A_5 : f32 to vector<16x128xf32>
    %add3A_7 = arith.addf %add3A, %add3A_6 : vector<16x128xf32>
    %rsqrt3A = math.rsqrt %add3A_7 : vector<16x128xf32>
    %swap3A = arith.constant 0 : index
    %swap3A_8 = arith.constant 0 : index
    %swap3A_9 = vector.load %arg5[%swap3A, %swap3A_8] : memref<16x128xf32, #tpu.memory_space<vmem>>, vector<16x128xf32>
    tpu.vector_store %arg5[%swap3A, %swap3A_8], %rsqrt3A {strides = array<i32>} : memref<16x128xf32, #tpu.memory_space<vmem>>, vector<16x128xf32>,
    %transpose3A = tpu.transpose %rsqrt3A, [1, 0] : vector<16x128xf32> -> vector<128x16xf32>
    %get3A_10 = arith.constant 0 : index
    %get3A_11 = arith.constant 0 : index
    %get3A_12 = vector.load %arg1[%get3A_10, %get3A_11] : memref<2048x32xf32, #tpu.memory_space<vmem>>, vector<2048x32xf32>
    %get3A_13 = arith.constant 0 : index
    %get3A_14 = arith.constant 0 : index
    %get3A_15 = vector.load %arg2[%get3A_13, %get3A_14] : memref<32x32xf32, #tpu.memory_space<vmem>>, vector<32x32xf32>
    %dot_general3A = arith.constant dense<0.000000e+00> : vector<2048x32xf32>
    %dot_general3A_16 = tpu.matmul %get3A_12, %get3A_15, %dot_general3A {dimension_numbers = #tpu.dot_dimension_numbers<[1], [0], [0], [1], [0, 0, 1, 1], [], []>, transpose_lhs_hint = false} : vector<2048x32xf32>, vector<32x32xf32>, vector<2048x32xf32> -> vector<2048x32xf32>
    %slice3A_17 = vector.extract_strided_slice %dot_general3A_16 {offsets = [0, 0], sizes = [128, 32], strides = [1, 1]} : vector<2048x32xf32> to vector<128x32xf32>
    %slice3A_18 = vector.extract_strided_slice %transpose3A {offsets = [0, 0], sizes = [128, 1], strides = [1, 1]} : vector<128x16xf32> to vector<128x1xf32>
    %mul3A = vector.broadcast %slice3A_18 : vector<128x1xf32> to vector<128x32xf32>
    %mul3A_19 = arith.mulf %slice3A_17, %mul3A : vector<128x32xf32>
    %slice3A_20 = vector.extract_strided_slice %dot_general3A_16 {offsets = [128, 0], sizes = [128, 32], strides = [1, 1]} : vector<2048x32xf32> to vector<128x32xf32>
    %slice3A_21 = vector.extract_strided_slice %transpose3A {offsets = [0, 1], sizes = [128, 1], strides = [1, 1]} : vector<128x16xf32> to vector<128x1xf32>
    %mul3A_22 = vector.broadcast %slice3A_21 : vector<128x1xf32> to vector<128x32xf32>
    %mul3A_23 = arith.mulf %slice3A_20, %mul3A_22 : vector<128x32xf32>
    %slice3A_24 = vector.extract_strided_slice %dot_general3A_16 {offsets = [256, 0], sizes = [128, 32], strides = [1, 1]} : vector<2048x32xf32> to vector<128x32xf32>
    %slice3A_25 = vector.extract_strided_slice %transpose3A {offsets = [0, 2], sizes = [128, 1], strides = [1, 1]} : vector<128x16xf32> to vector<128x1xf32>
    %mul3A_26 = vector.broadcast %slice3A_25 : vector<128x1xf32> to vector<128x32xf32>
    %mul3A_27 = arith.mulf %slice3A_24, %mul3A_26 : vector<128x32xf32>
    %slice3A_28 = vector.extract_strided_slice %dot_general3A_16 {offsets = [384, 0], sizes = [128, 32], strides = [1, 1]} : vector<2048x32xf32> to vector<128x32xf32>
    %slice3A_29 = vector.extract_strided_slice %transpose3A {offsets = [0, 3], sizes = [128, 1], strides = [1, 1]} : vector<128x16xf32> to vector<128x1xf32>
    %mul3A_30 = vector.broadcast %slice3A_29 : vector<128x1xf32> to vector<128x32xf32>
    %mul3A_31 = arith.mulf %slice3A_28, %mul3A_30 : vector<128x32xf32>
    %slice3A_32 = vector.extract_strided_slice %dot_general3A_16 {offsets = [512, 0], sizes = [128, 32], strides = [1, 1]} : vector<2048x32xf32> to vector<128x32xf32>
    %slice3A_33 = vector.extract_strided_slice %transpose3A {offsets = [0, 4], sizes = [128, 1], strides = [1, 1]} : vector<128x16xf32> to vector<128x1xf32>
    %mul3A_34 = vector.broadcast %slice3A_33 : vector<128x1xf32> to vector<128x32xf32>
    %mul3A_35 = arith.mulf %slice3A_32, %mul3A_34 : vector<128x32xf32>
    %slice3A_36 = vector.extract_strided_slice %dot_general3A_16 {offsets = [640, 0], sizes = [128, 32], strides = [1, 1]} : vector<2048x32xf32> to vector<128x32xf32>
    %slice3A_37 = vector.extract_strided_slice %transpose3A {offsets = [0, 5], sizes = [128, 1], strides = [1, 1]} : vector<128x16xf32> to vector<128x1xf32>
    %mul3A_38 = vector.broadcast %slice3A_37 : vector<128x1xf32> to vector<128x32xf32>
    %mul3A_39 = arith.mulf %slice3A_36, %mul3A_38 : vector<128x32xf32>
    %slice3A_40 = vector.extract_strided_slice %dot_general3A_16 {offsets = [768, 0], sizes = [128, 32], strides = [1, 1]} : vector<2048x32xf32> to vector<128x32xf32>
    %slice3A_41 = vector.extract_strided_slice %transpose3A {offsets = [0, 6], sizes = [128, 1], strides = [1, 1]} : vector<128x16xf32> to vector<128x1xf32>
    %mul3A_42 = vector.broadcast %slice3A_41 : vector<128x1xf32> to vector<128x32xf32>
    %mul3A_43 = arith.mulf %slice3A_40, %mul3A_42 : vector<128x32xf32>
    %slice3A_44 = vector.extract_strided_slice %dot_general3A_16 {offsets = [896, 0], sizes = [128, 32], strides = [1, 1]} : vector<2048x32xf32> to vector<128x32xf32>
    %slice3A_45 = vector.extract_strided_slice %transpose3A {offsets = [0, 7], sizes = [128, 1], strides = [1, 1]} : vector<128x16xf32> to vector<128x1xf32>
    %mul3A_46 = vector.broadcast %slice3A_45 : vector<128x1xf32> to vector<128x32xf32>
    %mul3A_47 = arith.mulf %slice3A_44, %mul3A_46 : vector<128x32xf32>
    %slice3A_48 = vector.extract_strided_slice %dot_general3A_16 {offsets = [1024, 0], sizes = [128, 32], strides = [1, 1]} : vector<2048x32xf32> to vector<128x32xf32>
    %slice3A_49 = vector.extract_strided_slice %transpose3A {offsets = [0, 8], sizes = [128, 1], strides = [1, 1]} : vector<128x16xf32> to vector<128x1xf32>
    %mul3A_50 = vector.broadcast %slice3A_49 : vector<128x1xf32> to vector<128x32xf32>
    %mul3A_51 = arith.mulf %slice3A_48, %mul3A_50 : vector<128x32xf32>
    %slice3A_52 = vector.extract_strided_slice %dot_general3A_16 {offsets = [1152, 0], sizes = [128, 32], strides = [1, 1]} : vector<2048x32xf32> to vector<128x32xf32>
    %slice3A_53 = vector.extract_strided_slice %transpose3A {offsets = [0, 9], sizes = [128, 1], strides = [1, 1]} : vector<128x16xf32> to vector<128x1xf32>
    %mul3A_54 = vector.broadcast %slice3A_53 : vector<128x1xf32> to vector<128x32xf32>
    %mul3A_55 = arith.mulf %slice3A_52, %mul3A_54 : vector<128x32xf32>
    %slice3A_56 = vector.extract_strided_slice %dot_general3A_16 {offsets = [1280, 0], sizes = [128, 32], strides = [1, 1]} : vector<2048x32xf32> to vector<128x32xf32>
    %slice3A_57 = vector.extract_strided_slice %transpose3A {offsets = [0, 10], sizes = [128, 1], strides = [1, 1]} : vector<128x16xf32> to vector<128x1xf32>
    %mul3A_58 = vector.broadcast %slice3A_57 : vector<128x1xf32> to vector<128x32xf32>
    %mul3A_59 = arith.mulf %slice3A_56, %mul3A_58 : vector<128x32xf32>
    %slice3A_60 = vector.extract_strided_slice %dot_general3A_16 {offsets = [1408, 0], sizes = [128, 32], strides = [1, 1]} : vector<2048x32xf32> to vector<128x32xf32>
    %slice3A_61 = vector.extract_strided_slice %transpose3A {offsets = [0, 11], sizes = [128, 1], strides = [1, 1]} : vector<128x16xf32> to vector<128x1xf32>
    %mul3A_62 = vector.broadcast %slice3A_61 : vector<128x1xf32> to vector<128x32xf32>
    %mul3A_63 = arith.mulf %slice3A_60, %mul3A_62 : vector<128x32xf32>
    %slice3A_64 = vector.extract_strided_slice %dot_general3A_16 {offsets = [1536, 0], sizes = [128, 32], strides = [1, 1]} : vector<2048x32xf32> to vector<128x32xf32>
    %slice3A_65 = vector.extract_strided_slice %transpose3A {offsets = [0, 12], sizes = [128, 1], strides = [1, 1]} : vector<128x16xf32> to vector<128x1xf32>
    %mul3A_66 = vector.broadcast %slice3A_65 : vector<128x1xf32> to vector<128x32xf32>
    %mul3A_67 = arith.mulf %slice3A_64, %mul3A_66 : vector<128x32xf32>
    %slice3A_68 = vector.extract_strided_slice %dot_general3A_16 {offsets = [1664, 0], sizes = [128, 32], strides = [1, 1]} : vector<2048x32xf32> to vector<128x32xf32>
    %slice3A_69 = vector.extract_strided_slice %transpose3A {offsets = [0, 13], sizes = [128, 1], strides = [1, 1]} : vector<128x16xf32> to vector<128x1xf32>
    %mul3A_70 = vector.broadcast %slice3A_69 : vector<128x1xf32> to vector<128x32xf32>
    %mul3A_71 = arith.mulf %slice3A_68, %mul3A_70 : vector<128x32xf32>
    %slice3A_72 = vector.extract_strided_slice %dot_general3A_16 {offsets = [1792, 0], sizes = [128, 32], strides = [1, 1]} : vector<2048x32xf32> to vector<128x32xf32>
    %slice3A_73 = vector.extract_strided_slice %transpose3A {offsets = [0, 14], sizes = [128, 1], strides = [1, 1]} : vector<128x16xf32> to vector<128x1xf32>
    %mul3A_74 = vector.broadcast %slice3A_73 : vector<128x1xf32> to vector<128x32xf32>
    %mul3A_75 = arith.mulf %slice3A_72, %mul3A_74 : vector<128x32xf32>
    %slice3A_76 = vector.extract_strided_slice %dot_general3A_16 {offsets = [1920, 0], sizes = [128, 32], strides = [1, 1]} : vector<2048x32xf32> to vector<128x32xf32>
    %slice3A_77 = vector.extract_strided_slice %transpose3A {offsets = [0, 15], sizes = [128, 1], strides = [1, 1]} : vector<128x16xf32> to vector<128x1xf32>
    %mul3A_78 = vector.broadcast %slice3A_77 : vector<128x1xf32> to vector<128x32xf32>
    %mul3A_79 = arith.mulf %slice3A_76, %mul3A_78 : vector<128x32xf32>
    %concatenate3A = tpu.concatenate %mul3A_19, %mul3A_23, %mul3A_27, %mul3A_31, %mul3A_35, %mul3A_39, %mul3A_43, %mul3A_47, %mul3A_51, %mul3A_55, %mul3A_59, %mul3A_63, %mul3A_67, %mul3A_71, %mul3A_75, %mul3A_79 in 0 : vector<128x32xf32>, vector<128x32xf32>, vector<128x32xf32>, vector<128x32xf32>, vector<128x32xf32>, vector<128x32xf32>, vector<128x32xf32>, vector<128x32xf32>, vector<128x32xf32>, vector<128x32xf32>, vector<128x32xf32>, vector<128x32xf32>, vector<128x32xf32>, vector<128x32xf32>, vector<128x32xf32>, vector<128x32xf32> -> vector<2048x32xf32>
    %convert_element_type3A = arith.truncf %concatenate3A : vector<2048x32xf32> to vector<2048x32xbf16>
    %swap3A_80 = arith.constant 0 : index
    %swap3A_81 = arith.constant 0 : index
    %swap3A_82 = vector.load %arg4[%swap3A_80, %swap3A_81] : memref<2048x32xbf16, #tpu.memory_space<vmem>>, vector<2048x32xbf16>
    tpu.vector_store %arg4[%swap3A_80, %swap3A_81], %convert_element_type3A {strides = array<i32>} : memref<2048x32xbf16, #tpu.memory_space<vmem>>, vector<2048x32xbf16>,
    return
  }
  func.func @transform_0(%arg0: i32) -> (i32, i32) {
    %c0_i32 = arith.constant 0 : i32
    %c0_i32_0 = arith.constant 0 : i32
    return %arg0, %c0_i32 : i32, i32
  }
  func.func @transform_1(%arg0: i32) -> (i32, i32) {
    %c0_i32 = arith.constant 0 : i32
    %c0_i32_0 = arith.constant 0 : i32
    %c0_i32_1 = arith.constant 0 : i32
    return %c0_i32, %c0_i32_0 : i32, i32
  }
  func.func @transform_2(%arg0: i32) -> (i32, i32, i32) {
    %c0_i32 = arith.constant 0 : i32
    %c0_i32_0 = arith.constant 0 : i32
    %c0_i32_1 = arith.constant 0 : i32
    return %c0_i32, %arg0, %c0_i32_0 : i32, i32, i32
  }
  func.func @transform_3(%arg0: i32) -> (i32, i32) {
    %c0_i32 = arith.constant 0 : i32
    %c0_i32_0 = arith.constant 0 : i32
    return %arg0, %c0_i32 : i32, i32
  }
  func.func @transform_4(%arg0: i32) -> (i32, i32) {
    %c0_i32 = arith.constant 0 : i32
    %c0_i32_0 = arith.constant 0 : i32
    return %arg0, %c0_i32 : i32, i32
  }
}

module attributes {stable_mosaic.version = 14 : i64} {
  func.func @_tc2_body(%arg0: i32, %arg1: memref<2x2048x32xbf16, #tpu.memory_space<vmem>>, %arg2: memref<2048x32xbf16, #tpu.memory_space<vmem>>, %arg3: memref<16x128xf32, #tpu.memory_space<vmem>>, %arg4: memref<1x32xf32, #tpu.memory_space<vmem>>, %arg5: memref<32x32xf32, #tpu.memory_space<vmem>>, %arg6: memref<2048x32xbf16, #tpu.memory_space<vmem>>) attributes {dimension_semantics = [#tpu.dimension_semantics<arbitrary>], iteration_bounds = array<i64: 49>, scalar_prefetch = 0 : i64, scratch_operands = 0 : i64, tpu.core_type = #tpu.core_type<tc>, window_params = [{transform_indices = @transform_0, window_bounds = array<i64: 2, 2048, 32>}, {transform_indices = @transform_1, window_bounds = array<i64: 2048, 32>}, {transform_indices = @transform_2, window_bounds = array<i64: 16, 128>}, {pipeline_mode = #tpu.pipeline_mode<synchronous>, transform_indices = @transform_3, window_bounds = array<i64: 1, 32>}, {pipeline_mode = #tpu.pipeline_mode<synchronous>, transform_indices = @transform_4, window_bounds = array<i64: 32, 32>}, {transform_indices = @transform_5, window_bounds = array<i64: 2048, 32>}]} {
    %get3A = arith.constant 0 : index
    %get3A_0 = arith.constant 0 : index
    %get3A_1 = vector.load %arg3[%get3A, %get3A_0] : memref<16x128xf32, #tpu.memory_space<vmem>>, vector<16x128xf32>
    %transpose3A = tpu.transpose %get3A_1, [1, 0] : vector<16x128xf32> -> vector<128x16xf32>
    %get3A_2 = arith.constant 0 : index
    %get3A_3 = arith.constant 0 : index
    %get3A_4 = arith.constant 0 : index
    %get3A_5 = vector.load %arg1[%get3A_2, %get3A_3, %get3A_4] : memref<2x2048x32xbf16, #tpu.memory_space<vmem>>, vector<2x2048x32xbf16>
    %slice3A = vector.extract_strided_slice %get3A_5 {offsets = [0, 0, 0], sizes = [1, 2048, 32], strides = [1, 1, 1]} : vector<2x2048x32xbf16> to vector<1x2048x32xbf16>
    %squeeze3A = vector.shape_cast %slice3A : vector<1x2048x32xbf16> to vector<2048x32xbf16>
    %convert_element_type3A = arith.extf %squeeze3A : vector<2048x32xbf16> to vector<2048x32xf32>
    %slice3A_6 = vector.extract_strided_slice %get3A_5 {offsets = [1, 0, 0], sizes = [1, 2048, 32], strides = [1, 1, 1]} : vector<2x2048x32xbf16> to vector<1x2048x32xbf16>
    %squeeze3A_7 = vector.shape_cast %slice3A_6 : vector<1x2048x32xbf16> to vector<2048x32xbf16>
    %convert_element_type3A_8 = arith.extf %squeeze3A_7 : vector<2048x32xbf16> to vector<2048x32xf32>
    %add3A = arith.addf %convert_element_type3A, %convert_element_type3A_8 : vector<2048x32xf32>
    %get3A_9 = arith.constant 0 : index
    %get3A_10 = arith.constant 0 : index
    %get3A_11 = vector.load %arg2[%get3A_9, %get3A_10] : memref<2048x32xbf16, #tpu.memory_space<vmem>>, vector<2048x32xbf16>
    %convert_element_type3A_12 = arith.extf %get3A_11 : vector<2048x32xbf16> to vector<2048x32xf32>
    %add3A_13 = arith.addf %add3A, %convert_element_type3A_12 : vector<2048x32xf32>
    %slice3A_14 = vector.extract_strided_slice %add3A_13 {offsets = [0, 0], sizes = [128, 32], strides = [1, 1]} : vector<2048x32xf32> to vector<128x32xf32>
    %slice3A_15 = vector.extract_strided_slice %transpose3A {offsets = [0, 0], sizes = [128, 1], strides = [1, 1]} : vector<128x16xf32> to vector<128x1xf32>
    %mul3A = vector.broadcast %slice3A_15 : vector<128x1xf32> to vector<128x32xf32>
    %mul3A_16 = arith.mulf %slice3A_14, %mul3A : vector<128x32xf32>
    %slice3A_17 = vector.extract_strided_slice %add3A_13 {offsets = [128, 0], sizes = [128, 32], strides = [1, 1]} : vector<2048x32xf32> to vector<128x32xf32>
    %slice3A_18 = vector.extract_strided_slice %transpose3A {offsets = [0, 1], sizes = [128, 1], strides = [1, 1]} : vector<128x16xf32> to vector<128x1xf32>
    %mul3A_19 = vector.broadcast %slice3A_18 : vector<128x1xf32> to vector<128x32xf32>
    %mul3A_20 = arith.mulf %slice3A_17, %mul3A_19 : vector<128x32xf32>
    %slice3A_21 = vector.extract_strided_slice %add3A_13 {offsets = [256, 0], sizes = [128, 32], strides = [1, 1]} : vector<2048x32xf32> to vector<128x32xf32>
    %slice3A_22 = vector.extract_strided_slice %transpose3A {offsets = [0, 2], sizes = [128, 1], strides = [1, 1]} : vector<128x16xf32> to vector<128x1xf32>
    %mul3A_23 = vector.broadcast %slice3A_22 : vector<128x1xf32> to vector<128x32xf32>
    %mul3A_24 = arith.mulf %slice3A_21, %mul3A_23 : vector<128x32xf32>
    %slice3A_25 = vector.extract_strided_slice %add3A_13 {offsets = [384, 0], sizes = [128, 32], strides = [1, 1]} : vector<2048x32xf32> to vector<128x32xf32>
    %slice3A_26 = vector.extract_strided_slice %transpose3A {offsets = [0, 3], sizes = [128, 1], strides = [1, 1]} : vector<128x16xf32> to vector<128x1xf32>
    %mul3A_27 = vector.broadcast %slice3A_26 : vector<128x1xf32> to vector<128x32xf32>
    %mul3A_28 = arith.mulf %slice3A_25, %mul3A_27 : vector<128x32xf32>
    %slice3A_29 = vector.extract_strided_slice %add3A_13 {offsets = [512, 0], sizes = [128, 32], strides = [1, 1]} : vector<2048x32xf32> to vector<128x32xf32>
    %slice3A_30 = vector.extract_strided_slice %transpose3A {offsets = [0, 4], sizes = [128, 1], strides = [1, 1]} : vector<128x16xf32> to vector<128x1xf32>
    %mul3A_31 = vector.broadcast %slice3A_30 : vector<128x1xf32> to vector<128x32xf32>
    %mul3A_32 = arith.mulf %slice3A_29, %mul3A_31 : vector<128x32xf32>
    %slice3A_33 = vector.extract_strided_slice %add3A_13 {offsets = [640, 0], sizes = [128, 32], strides = [1, 1]} : vector<2048x32xf32> to vector<128x32xf32>
    %slice3A_34 = vector.extract_strided_slice %transpose3A {offsets = [0, 5], sizes = [128, 1], strides = [1, 1]} : vector<128x16xf32> to vector<128x1xf32>
    %mul3A_35 = vector.broadcast %slice3A_34 : vector<128x1xf32> to vector<128x32xf32>
    %mul3A_36 = arith.mulf %slice3A_33, %mul3A_35 : vector<128x32xf32>
    %slice3A_37 = vector.extract_strided_slice %add3A_13 {offsets = [768, 0], sizes = [128, 32], strides = [1, 1]} : vector<2048x32xf32> to vector<128x32xf32>
    %slice3A_38 = vector.extract_strided_slice %transpose3A {offsets = [0, 6], sizes = [128, 1], strides = [1, 1]} : vector<128x16xf32> to vector<128x1xf32>
    %mul3A_39 = vector.broadcast %slice3A_38 : vector<128x1xf32> to vector<128x32xf32>
    %mul3A_40 = arith.mulf %slice3A_37, %mul3A_39 : vector<128x32xf32>
    %slice3A_41 = vector.extract_strided_slice %add3A_13 {offsets = [896, 0], sizes = [128, 32], strides = [1, 1]} : vector<2048x32xf32> to vector<128x32xf32>
    %slice3A_42 = vector.extract_strided_slice %transpose3A {offsets = [0, 7], sizes = [128, 1], strides = [1, 1]} : vector<128x16xf32> to vector<128x1xf32>
    %mul3A_43 = vector.broadcast %slice3A_42 : vector<128x1xf32> to vector<128x32xf32>
    %mul3A_44 = arith.mulf %slice3A_41, %mul3A_43 : vector<128x32xf32>
    %slice3A_45 = vector.extract_strided_slice %add3A_13 {offsets = [1024, 0], sizes = [128, 32], strides = [1, 1]} : vector<2048x32xf32> to vector<128x32xf32>
    %slice3A_46 = vector.extract_strided_slice %transpose3A {offsets = [0, 8], sizes = [128, 1], strides = [1, 1]} : vector<128x16xf32> to vector<128x1xf32>
    %mul3A_47 = vector.broadcast %slice3A_46 : vector<128x1xf32> to vector<128x32xf32>
    %mul3A_48 = arith.mulf %slice3A_45, %mul3A_47 : vector<128x32xf32>
    %slice3A_49 = vector.extract_strided_slice %add3A_13 {offsets = [1152, 0], sizes = [128, 32], strides = [1, 1]} : vector<2048x32xf32> to vector<128x32xf32>
    %slice3A_50 = vector.extract_strided_slice %transpose3A {offsets = [0, 9], sizes = [128, 1], strides = [1, 1]} : vector<128x16xf32> to vector<128x1xf32>
    %mul3A_51 = vector.broadcast %slice3A_50 : vector<128x1xf32> to vector<128x32xf32>
    %mul3A_52 = arith.mulf %slice3A_49, %mul3A_51 : vector<128x32xf32>
    %slice3A_53 = vector.extract_strided_slice %add3A_13 {offsets = [1280, 0], sizes = [128, 32], strides = [1, 1]} : vector<2048x32xf32> to vector<128x32xf32>
    %slice3A_54 = vector.extract_strided_slice %transpose3A {offsets = [0, 10], sizes = [128, 1], strides = [1, 1]} : vector<128x16xf32> to vector<128x1xf32>
    %mul3A_55 = vector.broadcast %slice3A_54 : vector<128x1xf32> to vector<128x32xf32>
    %mul3A_56 = arith.mulf %slice3A_53, %mul3A_55 : vector<128x32xf32>
    %slice3A_57 = vector.extract_strided_slice %add3A_13 {offsets = [1408, 0], sizes = [128, 32], strides = [1, 1]} : vector<2048x32xf32> to vector<128x32xf32>
    %slice3A_58 = vector.extract_strided_slice %transpose3A {offsets = [0, 11], sizes = [128, 1], strides = [1, 1]} : vector<128x16xf32> to vector<128x1xf32>
    %mul3A_59 = vector.broadcast %slice3A_58 : vector<128x1xf32> to vector<128x32xf32>
    %mul3A_60 = arith.mulf %slice3A_57, %mul3A_59 : vector<128x32xf32>
    %slice3A_61 = vector.extract_strided_slice %add3A_13 {offsets = [1536, 0], sizes = [128, 32], strides = [1, 1]} : vector<2048x32xf32> to vector<128x32xf32>
    %slice3A_62 = vector.extract_strided_slice %transpose3A {offsets = [0, 12], sizes = [128, 1], strides = [1, 1]} : vector<128x16xf32> to vector<128x1xf32>
    %mul3A_63 = vector.broadcast %slice3A_62 : vector<128x1xf32> to vector<128x32xf32>
    %mul3A_64 = arith.mulf %slice3A_61, %mul3A_63 : vector<128x32xf32>
    %slice3A_65 = vector.extract_strided_slice %add3A_13 {offsets = [1664, 0], sizes = [128, 32], strides = [1, 1]} : vector<2048x32xf32> to vector<128x32xf32>
    %slice3A_66 = vector.extract_strided_slice %transpose3A {offsets = [0, 13], sizes = [128, 1], strides = [1, 1]} : vector<128x16xf32> to vector<128x1xf32>
    %mul3A_67 = vector.broadcast %slice3A_66 : vector<128x1xf32> to vector<128x32xf32>
    %mul3A_68 = arith.mulf %slice3A_65, %mul3A_67 : vector<128x32xf32>
    %slice3A_69 = vector.extract_strided_slice %add3A_13 {offsets = [1792, 0], sizes = [128, 32], strides = [1, 1]} : vector<2048x32xf32> to vector<128x32xf32>
    %slice3A_70 = vector.extract_strided_slice %transpose3A {offsets = [0, 14], sizes = [128, 1], strides = [1, 1]} : vector<128x16xf32> to vector<128x1xf32>
    %mul3A_71 = vector.broadcast %slice3A_70 : vector<128x1xf32> to vector<128x32xf32>
    %mul3A_72 = arith.mulf %slice3A_69, %mul3A_71 : vector<128x32xf32>
    %slice3A_73 = vector.extract_strided_slice %add3A_13 {offsets = [1920, 0], sizes = [128, 32], strides = [1, 1]} : vector<2048x32xf32> to vector<128x32xf32>
    %slice3A_74 = vector.extract_strided_slice %transpose3A {offsets = [0, 15], sizes = [128, 1], strides = [1, 1]} : vector<128x16xf32> to vector<128x1xf32>
    %mul3A_75 = vector.broadcast %slice3A_74 : vector<128x1xf32> to vector<128x32xf32>
    %mul3A_76 = arith.mulf %slice3A_73, %mul3A_75 : vector<128x32xf32>
    %concatenate3A = tpu.concatenate %mul3A_16, %mul3A_20, %mul3A_24, %mul3A_28, %mul3A_32, %mul3A_36, %mul3A_40, %mul3A_44, %mul3A_48, %mul3A_52, %mul3A_56, %mul3A_60, %mul3A_64, %mul3A_68, %mul3A_72, %mul3A_76 in 0 : vector<128x32xf32>, vector<128x32xf32>, vector<128x32xf32>, vector<128x32xf32>, vector<128x32xf32>, vector<128x32xf32>, vector<128x32xf32>, vector<128x32xf32>, vector<128x32xf32>, vector<128x32xf32>, vector<128x32xf32>, vector<128x32xf32>, vector<128x32xf32>, vector<128x32xf32>, vector<128x32xf32>, vector<128x32xf32> -> vector<2048x32xf32>
    %get3A_77 = arith.constant 0 : index
    %get3A_78 = arith.constant 0 : index
    %get3A_79 = vector.load %arg4[%get3A_77, %get3A_78] : memref<1x32xf32, #tpu.memory_space<vmem>>, vector<1x32xf32>
    %add3A_80 = vector.broadcast %get3A_79 : vector<1x32xf32> to vector<2048x32xf32>
    %add3A_81 = arith.addf %concatenate3A, %add3A_80 : vector<2048x32xf32>
    %max3A = arith.constant 0.000000e+00 : f32
    %max3A_82 = vector.broadcast %max3A : f32 to vector<2048x32xf32>
    %max3A_83 = arith.maximumf %add3A_81, %max3A_82 : vector<2048x32xf32>
    %get3A_84 = arith.constant 0 : index
    %get3A_85 = arith.constant 0 : index
    %get3A_86 = vector.load %arg5[%get3A_84, %get3A_85] : memref<32x32xf32, #tpu.memory_space<vmem>>, vector<32x32xf32>
    %dot_general3A = arith.constant dense<0.000000e+00> : vector<2048x32xf32>
    %dot_general3A_87 = tpu.matmul %max3A_83, %get3A_86, %dot_general3A {dimension_numbers = #tpu.dot_dimension_numbers<[1], [0], [0], [1], [0, 0, 1, 1], [], []>, transpose_lhs_hint = false} : vector<2048x32xf32>, vector<32x32xf32>, vector<2048x32xf32> -> vector<2048x32xf32>
    %slice3A_88 = vector.extract_strided_slice %dot_general3A_87 {offsets = [0, 0], sizes = [128, 32], strides = [1, 1]} : vector<2048x32xf32> to vector<128x32xf32>
    %slice3A_89 = vector.extract_strided_slice %transpose3A {offsets = [0, 0], sizes = [128, 1], strides = [1, 1]} : vector<128x16xf32> to vector<128x1xf32>
    %mul3A_90 = vector.broadcast %slice3A_89 : vector<128x1xf32> to vector<128x32xf32>
    %mul3A_91 = arith.mulf %slice3A_88, %mul3A_90 : vector<128x32xf32>
    %slice3A_92 = vector.extract_strided_slice %dot_general3A_87 {offsets = [128, 0], sizes = [128, 32], strides = [1, 1]} : vector<2048x32xf32> to vector<128x32xf32>
    %slice3A_93 = vector.extract_strided_slice %transpose3A {offsets = [0, 1], sizes = [128, 1], strides = [1, 1]} : vector<128x16xf32> to vector<128x1xf32>
    %mul3A_94 = vector.broadcast %slice3A_93 : vector<128x1xf32> to vector<128x32xf32>
    %mul3A_95 = arith.mulf %slice3A_92, %mul3A_94 : vector<128x32xf32>
    %slice3A_96 = vector.extract_strided_slice %dot_general3A_87 {offsets = [256, 0], sizes = [128, 32], strides = [1, 1]} : vector<2048x32xf32> to vector<128x32xf32>
    %slice3A_97 = vector.extract_strided_slice %transpose3A {offsets = [0, 2], sizes = [128, 1], strides = [1, 1]} : vector<128x16xf32> to vector<128x1xf32>
    %mul3A_98 = vector.broadcast %slice3A_97 : vector<128x1xf32> to vector<128x32xf32>
    %mul3A_99 = arith.mulf %slice3A_96, %mul3A_98 : vector<128x32xf32>
    %slice3A_100 = vector.extract_strided_slice %dot_general3A_87 {offsets = [384, 0], sizes = [128, 32], strides = [1, 1]} : vector<2048x32xf32> to vector<128x32xf32>
    %slice3A_101 = vector.extract_strided_slice %transpose3A {offsets = [0, 3], sizes = [128, 1], strides = [1, 1]} : vector<128x16xf32> to vector<128x1xf32>
    %mul3A_102 = vector.broadcast %slice3A_101 : vector<128x1xf32> to vector<128x32xf32>
    %mul3A_103 = arith.mulf %slice3A_100, %mul3A_102 : vector<128x32xf32>
    %slice3A_104 = vector.extract_strided_slice %dot_general3A_87 {offsets = [512, 0], sizes = [128, 32], strides = [1, 1]} : vector<2048x32xf32> to vector<128x32xf32>
    %slice3A_105 = vector.extract_strided_slice %transpose3A {offsets = [0, 4], sizes = [128, 1], strides = [1, 1]} : vector<128x16xf32> to vector<128x1xf32>
    %mul3A_106 = vector.broadcast %slice3A_105 : vector<128x1xf32> to vector<128x32xf32>
    %mul3A_107 = arith.mulf %slice3A_104, %mul3A_106 : vector<128x32xf32>
    %slice3A_108 = vector.extract_strided_slice %dot_general3A_87 {offsets = [640, 0], sizes = [128, 32], strides = [1, 1]} : vector<2048x32xf32> to vector<128x32xf32>
    %slice3A_109 = vector.extract_strided_slice %transpose3A {offsets = [0, 5], sizes = [128, 1], strides = [1, 1]} : vector<128x16xf32> to vector<128x1xf32>
    %mul3A_110 = vector.broadcast %slice3A_109 : vector<128x1xf32> to vector<128x32xf32>
    %mul3A_111 = arith.mulf %slice3A_108, %mul3A_110 : vector<128x32xf32>
    %slice3A_112 = vector.extract_strided_slice %dot_general3A_87 {offsets = [768, 0], sizes = [128, 32], strides = [1, 1]} : vector<2048x32xf32> to vector<128x32xf32>
    %slice3A_113 = vector.extract_strided_slice %transpose3A {offsets = [0, 6], sizes = [128, 1], strides = [1, 1]} : vector<128x16xf32> to vector<128x1xf32>
    %mul3A_114 = vector.broadcast %slice3A_113 : vector<128x1xf32> to vector<128x32xf32>
    %mul3A_115 = arith.mulf %slice3A_112, %mul3A_114 : vector<128x32xf32>
    %slice3A_116 = vector.extract_strided_slice %dot_general3A_87 {offsets = [896, 0], sizes = [128, 32], strides = [1, 1]} : vector<2048x32xf32> to vector<128x32xf32>
    %slice3A_117 = vector.extract_strided_slice %transpose3A {offsets = [0, 7], sizes = [128, 1], strides = [1, 1]} : vector<128x16xf32> to vector<128x1xf32>
    %mul3A_118 = vector.broadcast %slice3A_117 : vector<128x1xf32> to vector<128x32xf32>
    %mul3A_119 = arith.mulf %slice3A_116, %mul3A_118 : vector<128x32xf32>
    %slice3A_120 = vector.extract_strided_slice %dot_general3A_87 {offsets = [1024, 0], sizes = [128, 32], strides = [1, 1]} : vector<2048x32xf32> to vector<128x32xf32>
    %slice3A_121 = vector.extract_strided_slice %transpose3A {offsets = [0, 8], sizes = [128, 1], strides = [1, 1]} : vector<128x16xf32> to vector<128x1xf32>
    %mul3A_122 = vector.broadcast %slice3A_121 : vector<128x1xf32> to vector<128x32xf32>
    %mul3A_123 = arith.mulf %slice3A_120, %mul3A_122 : vector<128x32xf32>
    %slice3A_124 = vector.extract_strided_slice %dot_general3A_87 {offsets = [1152, 0], sizes = [128, 32], strides = [1, 1]} : vector<2048x32xf32> to vector<128x32xf32>
    %slice3A_125 = vector.extract_strided_slice %transpose3A {offsets = [0, 9], sizes = [128, 1], strides = [1, 1]} : vector<128x16xf32> to vector<128x1xf32>
    %mul3A_126 = vector.broadcast %slice3A_125 : vector<128x1xf32> to vector<128x32xf32>
    %mul3A_127 = arith.mulf %slice3A_124, %mul3A_126 : vector<128x32xf32>
    %slice3A_128 = vector.extract_strided_slice %dot_general3A_87 {offsets = [1280, 0], sizes = [128, 32], strides = [1, 1]} : vector<2048x32xf32> to vector<128x32xf32>
    %slice3A_129 = vector.extract_strided_slice %transpose3A {offsets = [0, 10], sizes = [128, 1], strides = [1, 1]} : vector<128x16xf32> to vector<128x1xf32>
    %mul3A_130 = vector.broadcast %slice3A_129 : vector<128x1xf32> to vector<128x32xf32>
    %mul3A_131 = arith.mulf %slice3A_128, %mul3A_130 : vector<128x32xf32>
    %slice3A_132 = vector.extract_strided_slice %dot_general3A_87 {offsets = [1408, 0], sizes = [128, 32], strides = [1, 1]} : vector<2048x32xf32> to vector<128x32xf32>
    %slice3A_133 = vector.extract_strided_slice %transpose3A {offsets = [0, 11], sizes = [128, 1], strides = [1, 1]} : vector<128x16xf32> to vector<128x1xf32>
    %mul3A_134 = vector.broadcast %slice3A_133 : vector<128x1xf32> to vector<128x32xf32>
    %mul3A_135 = arith.mulf %slice3A_132, %mul3A_134 : vector<128x32xf32>
    %slice3A_136 = vector.extract_strided_slice %dot_general3A_87 {offsets = [1536, 0], sizes = [128, 32], strides = [1, 1]} : vector<2048x32xf32> to vector<128x32xf32>
    %slice3A_137 = vector.extract_strided_slice %transpose3A {offsets = [0, 12], sizes = [128, 1], strides = [1, 1]} : vector<128x16xf32> to vector<128x1xf32>
    %mul3A_138 = vector.broadcast %slice3A_137 : vector<128x1xf32> to vector<128x32xf32>
    %mul3A_139 = arith.mulf %slice3A_136, %mul3A_138 : vector<128x32xf32>
    %slice3A_140 = vector.extract_strided_slice %dot_general3A_87 {offsets = [1664, 0], sizes = [128, 32], strides = [1, 1]} : vector<2048x32xf32> to vector<128x32xf32>
    %slice3A_141 = vector.extract_strided_slice %transpose3A {offsets = [0, 13], sizes = [128, 1], strides = [1, 1]} : vector<128x16xf32> to vector<128x1xf32>
    %mul3A_142 = vector.broadcast %slice3A_141 : vector<128x1xf32> to vector<128x32xf32>
    %mul3A_143 = arith.mulf %slice3A_140, %mul3A_142 : vector<128x32xf32>
    %slice3A_144 = vector.extract_strided_slice %dot_general3A_87 {offsets = [1792, 0], sizes = [128, 32], strides = [1, 1]} : vector<2048x32xf32> to vector<128x32xf32>
    %slice3A_145 = vector.extract_strided_slice %transpose3A {offsets = [0, 14], sizes = [128, 1], strides = [1, 1]} : vector<128x16xf32> to vector<128x1xf32>
    %mul3A_146 = vector.broadcast %slice3A_145 : vector<128x1xf32> to vector<128x32xf32>
    %mul3A_147 = arith.mulf %slice3A_144, %mul3A_146 : vector<128x32xf32>
    %slice3A_148 = vector.extract_strided_slice %dot_general3A_87 {offsets = [1920, 0], sizes = [128, 32], strides = [1, 1]} : vector<2048x32xf32> to vector<128x32xf32>
    %slice3A_149 = vector.extract_strided_slice %transpose3A {offsets = [0, 15], sizes = [128, 1], strides = [1, 1]} : vector<128x16xf32> to vector<128x1xf32>
    %mul3A_150 = vector.broadcast %slice3A_149 : vector<128x1xf32> to vector<128x32xf32>
    %mul3A_151 = arith.mulf %slice3A_148, %mul3A_150 : vector<128x32xf32>
    %concatenate3A_152 = tpu.concatenate %mul3A_91, %mul3A_95, %mul3A_99, %mul3A_103, %mul3A_107, %mul3A_111, %mul3A_115, %mul3A_119, %mul3A_123, %mul3A_127, %mul3A_131, %mul3A_135, %mul3A_139, %mul3A_143, %mul3A_147, %mul3A_151 in 0 : vector<128x32xf32>, vector<128x32xf32>, vector<128x32xf32>, vector<128x32xf32>, vector<128x32xf32>, vector<128x32xf32>, vector<128x32xf32>, vector<128x32xf32>, vector<128x32xf32>, vector<128x32xf32>, vector<128x32xf32>, vector<128x32xf32>, vector<128x32xf32>, vector<128x32xf32>, vector<128x32xf32>, vector<128x32xf32> -> vector<2048x32xf32>
    %convert_element_type3A_153 = arith.truncf %concatenate3A_152 : vector<2048x32xf32> to vector<2048x32xbf16>
    %swap3A = arith.constant 0 : index
    %swap3A_154 = arith.constant 0 : index
    %swap3A_155 = vector.load %arg6[%swap3A, %swap3A_154] : memref<2048x32xbf16, #tpu.memory_space<vmem>>, vector<2048x32xbf16>
    tpu.vector_store %arg6[%swap3A, %swap3A_154], %convert_element_type3A_153 {strides = array<i32>} : memref<2048x32xbf16, #tpu.memory_space<vmem>>, vector<2048x32xbf16>,
    return
  }
  func.func @transform_0(%arg0: i32) -> (i32, i32, i32) {
    %c0_i32 = arith.constant 0 : i32
    %c0_i32_0 = arith.constant 0 : i32
    %c0_i32_1 = arith.constant 0 : i32
    return %c0_i32, %arg0, %c0_i32_0 : i32, i32, i32
  }
  func.func @transform_1(%arg0: i32) -> (i32, i32) {
    %c0_i32 = arith.constant 0 : i32
    %c0_i32_0 = arith.constant 0 : i32
    return %arg0, %c0_i32 : i32, i32
  }
  func.func @transform_2(%arg0: i32) -> (i32, i32) {
    %c0_i32 = arith.constant 0 : i32
    %c0_i32_0 = arith.constant 0 : i32
    return %arg0, %c0_i32 : i32, i32
  }
  func.func @transform_3(%arg0: i32) -> (i32, i32) {
    %c0_i32 = arith.constant 0 : i32
    %c0_i32_0 = arith.constant 0 : i32
    %c0_i32_1 = arith.constant 0 : i32
    return %c0_i32, %c0_i32_0 : i32, i32
  }
  func.func @transform_4(%arg0: i32) -> (i32, i32) {
    %c0_i32 = arith.constant 0 : i32
    %c0_i32_0 = arith.constant 0 : i32
    %c0_i32_1 = arith.constant 0 : i32
    return %c0_i32, %c0_i32_0 : i32, i32
  }
  func.func @transform_5(%arg0: i32) -> (i32, i32) {
    %c0_i32 = arith.constant 0 : i32
    %c0_i32_0 = arith.constant 0 : i32
    return %arg0, %c0_i32 : i32, i32
  }
}

module attributes {stable_mosaic.version = 14 : i64} {
  func.func @_tc3_body(%arg0: i32, %arg1: memref<2x2048x32xbf16, #tpu.memory_space<vmem>>, %arg2: memref<2048x32xbf16, #tpu.memory_space<vmem>>, %arg3: memref<16x128xf32, #tpu.memory_space<vmem>>, %arg4: memref<1x32xf32, #tpu.memory_space<vmem>>, %arg5: memref<32x1xf32, #tpu.memory_space<vmem>>, %arg6: memref<1x1xf32, #tpu.memory_space<vmem>>, %arg7: memref<16x128xf32, #tpu.memory_space<vmem>>) attributes {dimension_semantics = [#tpu.dimension_semantics<arbitrary>], iteration_bounds = array<i64: 49>, scalar_prefetch = 0 : i64, scratch_operands = 0 : i64, tpu.core_type = #tpu.core_type<tc>, window_params = [{transform_indices = @transform_0, window_bounds = array<i64: 2, 2048, 32>}, {transform_indices = @transform_1, window_bounds = array<i64: 2048, 32>}, {transform_indices = @transform_2, window_bounds = array<i64: 16, 128>}, {pipeline_mode = #tpu.pipeline_mode<synchronous>, transform_indices = @transform_3, window_bounds = array<i64: 1, 32>}, {pipeline_mode = #tpu.pipeline_mode<synchronous>, transform_indices = @transform_4, window_bounds = array<i64: 32, 1>}, {pipeline_mode = #tpu.pipeline_mode<synchronous>, transform_indices = @transform_5, window_bounds = array<i64: 1, 1>}, {transform_indices = @transform_6, window_bounds = array<i64: 16, 128>}]} {
    %get3A = arith.constant 0 : index
    %get3A_0 = arith.constant 0 : index
    %get3A_1 = vector.load %arg3[%get3A, %get3A_0] : memref<16x128xf32, #tpu.memory_space<vmem>>, vector<16x128xf32>
    %transpose3A = tpu.transpose %get3A_1, [1, 0] : vector<16x128xf32> -> vector<128x16xf32>
    %get3A_2 = arith.constant 0 : index
    %get3A_3 = arith.constant 0 : index
    %get3A_4 = arith.constant 0 : index
    %get3A_5 = vector.load %arg1[%get3A_2, %get3A_3, %get3A_4] : memref<2x2048x32xbf16, #tpu.memory_space<vmem>>, vector<2x2048x32xbf16>
    %slice3A = vector.extract_strided_slice %get3A_5 {offsets = [0, 0, 0], sizes = [1, 2048, 32], strides = [1, 1, 1]} : vector<2x2048x32xbf16> to vector<1x2048x32xbf16>
    %squeeze3A = vector.shape_cast %slice3A : vector<1x2048x32xbf16> to vector<2048x32xbf16>
    %convert_element_type3A = arith.extf %squeeze3A : vector<2048x32xbf16> to vector<2048x32xf32>
    %slice3A_6 = vector.extract_strided_slice %get3A_5 {offsets = [1, 0, 0], sizes = [1, 2048, 32], strides = [1, 1, 1]} : vector<2x2048x32xbf16> to vector<1x2048x32xbf16>
    %squeeze3A_7 = vector.shape_cast %slice3A_6 : vector<1x2048x32xbf16> to vector<2048x32xbf16>
    %convert_element_type3A_8 = arith.extf %squeeze3A_7 : vector<2048x32xbf16> to vector<2048x32xf32>
    %add3A = arith.addf %convert_element_type3A, %convert_element_type3A_8 : vector<2048x32xf32>
    %get3A_9 = arith.constant 0 : index
    %get3A_10 = arith.constant 0 : index
    %get3A_11 = vector.load %arg2[%get3A_9, %get3A_10] : memref<2048x32xbf16, #tpu.memory_space<vmem>>, vector<2048x32xbf16>
    %convert_element_type3A_12 = arith.extf %get3A_11 : vector<2048x32xbf16> to vector<2048x32xf32>
    %add3A_13 = arith.addf %add3A, %convert_element_type3A_12 : vector<2048x32xf32>
    %slice3A_14 = vector.extract_strided_slice %add3A_13 {offsets = [0, 0], sizes = [128, 32], strides = [1, 1]} : vector<2048x32xf32> to vector<128x32xf32>
    %slice3A_15 = vector.extract_strided_slice %transpose3A {offsets = [0, 0], sizes = [128, 1], strides = [1, 1]} : vector<128x16xf32> to vector<128x1xf32>
    %mul3A = vector.broadcast %slice3A_15 : vector<128x1xf32> to vector<128x32xf32>
    %mul3A_16 = arith.mulf %slice3A_14, %mul3A : vector<128x32xf32>
    %slice3A_17 = vector.extract_strided_slice %add3A_13 {offsets = [128, 0], sizes = [128, 32], strides = [1, 1]} : vector<2048x32xf32> to vector<128x32xf32>
    %slice3A_18 = vector.extract_strided_slice %transpose3A {offsets = [0, 1], sizes = [128, 1], strides = [1, 1]} : vector<128x16xf32> to vector<128x1xf32>
    %mul3A_19 = vector.broadcast %slice3A_18 : vector<128x1xf32> to vector<128x32xf32>
    %mul3A_20 = arith.mulf %slice3A_17, %mul3A_19 : vector<128x32xf32>
    %slice3A_21 = vector.extract_strided_slice %add3A_13 {offsets = [256, 0], sizes = [128, 32], strides = [1, 1]} : vector<2048x32xf32> to vector<128x32xf32>
    %slice3A_22 = vector.extract_strided_slice %transpose3A {offsets = [0, 2], sizes = [128, 1], strides = [1, 1]} : vector<128x16xf32> to vector<128x1xf32>
    %mul3A_23 = vector.broadcast %slice3A_22 : vector<128x1xf32> to vector<128x32xf32>
    %mul3A_24 = arith.mulf %slice3A_21, %mul3A_23 : vector<128x32xf32>
    %slice3A_25 = vector.extract_strided_slice %add3A_13 {offsets = [384, 0], sizes = [128, 32], strides = [1, 1]} : vector<2048x32xf32> to vector<128x32xf32>
    %slice3A_26 = vector.extract_strided_slice %transpose3A {offsets = [0, 3], sizes = [128, 1], strides = [1, 1]} : vector<128x16xf32> to vector<128x1xf32>
    %mul3A_27 = vector.broadcast %slice3A_26 : vector<128x1xf32> to vector<128x32xf32>
    %mul3A_28 = arith.mulf %slice3A_25, %mul3A_27 : vector<128x32xf32>
    %slice3A_29 = vector.extract_strided_slice %add3A_13 {offsets = [512, 0], sizes = [128, 32], strides = [1, 1]} : vector<2048x32xf32> to vector<128x32xf32>
    %slice3A_30 = vector.extract_strided_slice %transpose3A {offsets = [0, 4], sizes = [128, 1], strides = [1, 1]} : vector<128x16xf32> to vector<128x1xf32>
    %mul3A_31 = vector.broadcast %slice3A_30 : vector<128x1xf32> to vector<128x32xf32>
    %mul3A_32 = arith.mulf %slice3A_29, %mul3A_31 : vector<128x32xf32>
    %slice3A_33 = vector.extract_strided_slice %add3A_13 {offsets = [640, 0], sizes = [128, 32], strides = [1, 1]} : vector<2048x32xf32> to vector<128x32xf32>
    %slice3A_34 = vector.extract_strided_slice %transpose3A {offsets = [0, 5], sizes = [128, 1], strides = [1, 1]} : vector<128x16xf32> to vector<128x1xf32>
    %mul3A_35 = vector.broadcast %slice3A_34 : vector<128x1xf32> to vector<128x32xf32>
    %mul3A_36 = arith.mulf %slice3A_33, %mul3A_35 : vector<128x32xf32>
    %slice3A_37 = vector.extract_strided_slice %add3A_13 {offsets = [768, 0], sizes = [128, 32], strides = [1, 1]} : vector<2048x32xf32> to vector<128x32xf32>
    %slice3A_38 = vector.extract_strided_slice %transpose3A {offsets = [0, 6], sizes = [128, 1], strides = [1, 1]} : vector<128x16xf32> to vector<128x1xf32>
    %mul3A_39 = vector.broadcast %slice3A_38 : vector<128x1xf32> to vector<128x32xf32>
    %mul3A_40 = arith.mulf %slice3A_37, %mul3A_39 : vector<128x32xf32>
    %slice3A_41 = vector.extract_strided_slice %add3A_13 {offsets = [896, 0], sizes = [128, 32], strides = [1, 1]} : vector<2048x32xf32> to vector<128x32xf32>
    %slice3A_42 = vector.extract_strided_slice %transpose3A {offsets = [0, 7], sizes = [128, 1], strides = [1, 1]} : vector<128x16xf32> to vector<128x1xf32>
    %mul3A_43 = vector.broadcast %slice3A_42 : vector<128x1xf32> to vector<128x32xf32>
    %mul3A_44 = arith.mulf %slice3A_41, %mul3A_43 : vector<128x32xf32>
    %slice3A_45 = vector.extract_strided_slice %add3A_13 {offsets = [1024, 0], sizes = [128, 32], strides = [1, 1]} : vector<2048x32xf32> to vector<128x32xf32>
    %slice3A_46 = vector.extract_strided_slice %transpose3A {offsets = [0, 8], sizes = [128, 1], strides = [1, 1]} : vector<128x16xf32> to vector<128x1xf32>
    %mul3A_47 = vector.broadcast %slice3A_46 : vector<128x1xf32> to vector<128x32xf32>
    %mul3A_48 = arith.mulf %slice3A_45, %mul3A_47 : vector<128x32xf32>
    %slice3A_49 = vector.extract_strided_slice %add3A_13 {offsets = [1152, 0], sizes = [128, 32], strides = [1, 1]} : vector<2048x32xf32> to vector<128x32xf32>
    %slice3A_50 = vector.extract_strided_slice %transpose3A {offsets = [0, 9], sizes = [128, 1], strides = [1, 1]} : vector<128x16xf32> to vector<128x1xf32>
    %mul3A_51 = vector.broadcast %slice3A_50 : vector<128x1xf32> to vector<128x32xf32>
    %mul3A_52 = arith.mulf %slice3A_49, %mul3A_51 : vector<128x32xf32>
    %slice3A_53 = vector.extract_strided_slice %add3A_13 {offsets = [1280, 0], sizes = [128, 32], strides = [1, 1]} : vector<2048x32xf32> to vector<128x32xf32>
    %slice3A_54 = vector.extract_strided_slice %transpose3A {offsets = [0, 10], sizes = [128, 1], strides = [1, 1]} : vector<128x16xf32> to vector<128x1xf32>
    %mul3A_55 = vector.broadcast %slice3A_54 : vector<128x1xf32> to vector<128x32xf32>
    %mul3A_56 = arith.mulf %slice3A_53, %mul3A_55 : vector<128x32xf32>
    %slice3A_57 = vector.extract_strided_slice %add3A_13 {offsets = [1408, 0], sizes = [128, 32], strides = [1, 1]} : vector<2048x32xf32> to vector<128x32xf32>
    %slice3A_58 = vector.extract_strided_slice %transpose3A {offsets = [0, 11], sizes = [128, 1], strides = [1, 1]} : vector<128x16xf32> to vector<128x1xf32>
    %mul3A_59 = vector.broadcast %slice3A_58 : vector<128x1xf32> to vector<128x32xf32>
    %mul3A_60 = arith.mulf %slice3A_57, %mul3A_59 : vector<128x32xf32>
    %slice3A_61 = vector.extract_strided_slice %add3A_13 {offsets = [1536, 0], sizes = [128, 32], strides = [1, 1]} : vector<2048x32xf32> to vector<128x32xf32>
    %slice3A_62 = vector.extract_strided_slice %transpose3A {offsets = [0, 12], sizes = [128, 1], strides = [1, 1]} : vector<128x16xf32> to vector<128x1xf32>
    %mul3A_63 = vector.broadcast %slice3A_62 : vector<128x1xf32> to vector<128x32xf32>
    %mul3A_64 = arith.mulf %slice3A_61, %mul3A_63 : vector<128x32xf32>
    %slice3A_65 = vector.extract_strided_slice %add3A_13 {offsets = [1664, 0], sizes = [128, 32], strides = [1, 1]} : vector<2048x32xf32> to vector<128x32xf32>
    %slice3A_66 = vector.extract_strided_slice %transpose3A {offsets = [0, 13], sizes = [128, 1], strides = [1, 1]} : vector<128x16xf32> to vector<128x1xf32>
    %mul3A_67 = vector.broadcast %slice3A_66 : vector<128x1xf32> to vector<128x32xf32>
    %mul3A_68 = arith.mulf %slice3A_65, %mul3A_67 : vector<128x32xf32>
    %slice3A_69 = vector.extract_strided_slice %add3A_13 {offsets = [1792, 0], sizes = [128, 32], strides = [1, 1]} : vector<2048x32xf32> to vector<128x32xf32>
    %slice3A_70 = vector.extract_strided_slice %transpose3A {offsets = [0, 14], sizes = [128, 1], strides = [1, 1]} : vector<128x16xf32> to vector<128x1xf32>
    %mul3A_71 = vector.broadcast %slice3A_70 : vector<128x1xf32> to vector<128x32xf32>
    %mul3A_72 = arith.mulf %slice3A_69, %mul3A_71 : vector<128x32xf32>
    %slice3A_73 = vector.extract_strided_slice %add3A_13 {offsets = [1920, 0], sizes = [128, 32], strides = [1, 1]} : vector<2048x32xf32> to vector<128x32xf32>
    %slice3A_74 = vector.extract_strided_slice %transpose3A {offsets = [0, 15], sizes = [128, 1], strides = [1, 1]} : vector<128x16xf32> to vector<128x1xf32>
    %mul3A_75 = vector.broadcast %slice3A_74 : vector<128x1xf32> to vector<128x32xf32>
    %mul3A_76 = arith.mulf %slice3A_73, %mul3A_75 : vector<128x32xf32>
    %concatenate3A = tpu.concatenate %mul3A_16, %mul3A_20, %mul3A_24, %mul3A_28, %mul3A_32, %mul3A_36, %mul3A_40, %mul3A_44, %mul3A_48, %mul3A_52, %mul3A_56, %mul3A_60, %mul3A_64, %mul3A_68, %mul3A_72, %mul3A_76 in 0 : vector<128x32xf32>, vector<128x32xf32>, vector<128x32xf32>, vector<128x32xf32>, vector<128x32xf32>, vector<128x32xf32>, vector<128x32xf32>, vector<128x32xf32>, vector<128x32xf32>, vector<128x32xf32>, vector<128x32xf32>, vector<128x32xf32>, vector<128x32xf32>, vector<128x32xf32>, vector<128x32xf32>, vector<128x32xf32> -> vector<2048x32xf32>
    %get3A_77 = arith.constant 0 : index
    %get3A_78 = arith.constant 0 : index
    %get3A_79 = vector.load %arg4[%get3A_77, %get3A_78] : memref<1x32xf32, #tpu.memory_space<vmem>>, vector<1x32xf32>
    %add3A_80 = vector.broadcast %get3A_79 : vector<1x32xf32> to vector<2048x32xf32>
    %add3A_81 = arith.addf %concatenate3A, %add3A_80 : vector<2048x32xf32>
    %max3A = arith.constant 0.000000e+00 : f32
    %max3A_82 = vector.broadcast %max3A : f32 to vector<2048x32xf32>
    %max3A_83 = arith.maximumf %add3A_81, %max3A_82 : vector<2048x32xf32>
    %get3A_84 = arith.constant 0 : index
    %get3A_85 = arith.constant 0 : index
    %get3A_86 = vector.load %arg5[%get3A_84, %get3A_85] : memref<32x1xf32, #tpu.memory_space<vmem>>, vector<32x1xf32>
    %dot_general3A = arith.constant dense<0.000000e+00> : vector<2048x1xf32>
    %dot_general3A_87 = tpu.matmul %max3A_83, %get3A_86, %dot_general3A {dimension_numbers = #tpu.dot_dimension_numbers<[1], [0], [0], [1], [0, 0, 1, 1], [], []>, transpose_lhs_hint = false} : vector<2048x32xf32>, vector<32x1xf32>, vector<2048x1xf32> -> vector<2048x1xf32>
    %get3A_88 = arith.constant 0 : index
    %get3A_89 = arith.constant 0 : index
    %get3A_90 = vector.load %arg6[%get3A_88, %get3A_89] : memref<1x1xf32, #tpu.memory_space<vmem>>, vector<1x1xf32>
    %add3A_91 = vector.broadcast %get3A_90 : vector<1x1xf32> to vector<2048x1xf32>
    %add3A_92 = arith.addf %dot_general3A_87, %add3A_91 : vector<2048x1xf32>
    %logistic3A = arith.negf %add3A_92 : vector<2048x1xf32>
    %logistic3A_93 = math.exp %logistic3A : vector<2048x1xf32>
    %logistic3A_94 = arith.constant 1.000000e+00 : f32
    %logistic3A_95 = vector.broadcast %logistic3A_94 : f32 to vector<2048x1xf32>
    %logistic3A_96 = arith.addf %logistic3A_95, %logistic3A_93 : vector<2048x1xf32>
    %logistic3A_97 = arith.divf %logistic3A_95, %logistic3A_96 : vector<2048x1xf32>
    %slice3A_98 = vector.extract_strided_slice %logistic3A_97 {offsets = [0, 0], sizes = [128, 1], strides = [1, 1]} : vector<2048x1xf32> to vector<128x1xf32>
    %transpose3A_99 = tpu.transpose %slice3A_98, [1, 0] : vector<128x1xf32> -> vector<1x128xf32>
    %slice3A_100 = vector.extract_strided_slice %logistic3A_97 {offsets = [128, 0], sizes = [128, 1], strides = [1, 1]} : vector<2048x1xf32> to vector<128x1xf32>
    %transpose3A_101 = tpu.transpose %slice3A_100, [1, 0] : vector<128x1xf32> -> vector<1x128xf32>
    %slice3A_102 = vector.extract_strided_slice %logistic3A_97 {offsets = [256, 0], sizes = [128, 1], strides = [1, 1]} : vector<2048x1xf32> to vector<128x1xf32>
    %transpose3A_103 = tpu.transpose %slice3A_102, [1, 0] : vector<128x1xf32> -> vector<1x128xf32>
    %slice3A_104 = vector.extract_strided_slice %logistic3A_97 {offsets = [384, 0], sizes = [128, 1], strides = [1, 1]} : vector<2048x1xf32> to vector<128x1xf32>
    %transpose3A_105 = tpu.transpose %slice3A_104, [1, 0] : vector<128x1xf32> -> vector<1x128xf32>
    %slice3A_106 = vector.extract_strided_slice %logistic3A_97 {offsets = [512, 0], sizes = [128, 1], strides = [1, 1]} : vector<2048x1xf32> to vector<128x1xf32>
    %transpose3A_107 = tpu.transpose %slice3A_106, [1, 0] : vector<128x1xf32> -> vector<1x128xf32>
    %slice3A_108 = vector.extract_strided_slice %logistic3A_97 {offsets = [640, 0], sizes = [128, 1], strides = [1, 1]} : vector<2048x1xf32> to vector<128x1xf32>
    %transpose3A_109 = tpu.transpose %slice3A_108, [1, 0] : vector<128x1xf32> -> vector<1x128xf32>
    %slice3A_110 = vector.extract_strided_slice %logistic3A_97 {offsets = [768, 0], sizes = [128, 1], strides = [1, 1]} : vector<2048x1xf32> to vector<128x1xf32>
    %transpose3A_111 = tpu.transpose %slice3A_110, [1, 0] : vector<128x1xf32> -> vector<1x128xf32>
    %slice3A_112 = vector.extract_strided_slice %logistic3A_97 {offsets = [896, 0], sizes = [128, 1], strides = [1, 1]} : vector<2048x1xf32> to vector<128x1xf32>
    %transpose3A_113 = tpu.transpose %slice3A_112, [1, 0] : vector<128x1xf32> -> vector<1x128xf32>
    %slice3A_114 = vector.extract_strided_slice %logistic3A_97 {offsets = [1024, 0], sizes = [128, 1], strides = [1, 1]} : vector<2048x1xf32> to vector<128x1xf32>
    %transpose3A_115 = tpu.transpose %slice3A_114, [1, 0] : vector<128x1xf32> -> vector<1x128xf32>
    %slice3A_116 = vector.extract_strided_slice %logistic3A_97 {offsets = [1152, 0], sizes = [128, 1], strides = [1, 1]} : vector<2048x1xf32> to vector<128x1xf32>
    %transpose3A_117 = tpu.transpose %slice3A_116, [1, 0] : vector<128x1xf32> -> vector<1x128xf32>
    %slice3A_118 = vector.extract_strided_slice %logistic3A_97 {offsets = [1280, 0], sizes = [128, 1], strides = [1, 1]} : vector<2048x1xf32> to vector<128x1xf32>
    %transpose3A_119 = tpu.transpose %slice3A_118, [1, 0] : vector<128x1xf32> -> vector<1x128xf32>
    %slice3A_120 = vector.extract_strided_slice %logistic3A_97 {offsets = [1408, 0], sizes = [128, 1], strides = [1, 1]} : vector<2048x1xf32> to vector<128x1xf32>
    %transpose3A_121 = tpu.transpose %slice3A_120, [1, 0] : vector<128x1xf32> -> vector<1x128xf32>
    %slice3A_122 = vector.extract_strided_slice %logistic3A_97 {offsets = [1536, 0], sizes = [128, 1], strides = [1, 1]} : vector<2048x1xf32> to vector<128x1xf32>
    %transpose3A_123 = tpu.transpose %slice3A_122, [1, 0] : vector<128x1xf32> -> vector<1x128xf32>
    %slice3A_124 = vector.extract_strided_slice %logistic3A_97 {offsets = [1664, 0], sizes = [128, 1], strides = [1, 1]} : vector<2048x1xf32> to vector<128x1xf32>
    %transpose3A_125 = tpu.transpose %slice3A_124, [1, 0] : vector<128x1xf32> -> vector<1x128xf32>
    %slice3A_126 = vector.extract_strided_slice %logistic3A_97 {offsets = [1792, 0], sizes = [128, 1], strides = [1, 1]} : vector<2048x1xf32> to vector<128x1xf32>
    %transpose3A_127 = tpu.transpose %slice3A_126, [1, 0] : vector<128x1xf32> -> vector<1x128xf32>
    %slice3A_128 = vector.extract_strided_slice %logistic3A_97 {offsets = [1920, 0], sizes = [128, 1], strides = [1, 1]} : vector<2048x1xf32> to vector<128x1xf32>
    %transpose3A_129 = tpu.transpose %slice3A_128, [1, 0] : vector<128x1xf32> -> vector<1x128xf32>
    %concatenate3A_130 = tpu.concatenate %transpose3A_99, %transpose3A_101, %transpose3A_103, %transpose3A_105, %transpose3A_107, %transpose3A_109, %transpose3A_111, %transpose3A_113, %transpose3A_115, %transpose3A_117, %transpose3A_119, %transpose3A_121, %transpose3A_123, %transpose3A_125, %transpose3A_127, %transpose3A_129 in 0 : vector<1x128xf32>, vector<1x128xf32>, vector<1x128xf32>, vector<1x128xf32>, vector<1x128xf32>, vector<1x128xf32>, vector<1x128xf32>, vector<1x128xf32>, vector<1x128xf32>, vector<1x128xf32>, vector<1x128xf32>, vector<1x128xf32>, vector<1x128xf32>, vector<1x128xf32>, vector<1x128xf32>, vector<1x128xf32> -> vector<16x128xf32>
    %swap3A = arith.constant 0 : index
    %swap3A_131 = arith.constant 0 : index
    %swap3A_132 = vector.load %arg7[%swap3A, %swap3A_131] : memref<16x128xf32, #tpu.memory_space<vmem>>, vector<16x128xf32>
    tpu.vector_store %arg7[%swap3A, %swap3A_131], %concatenate3A_130 {strides = array<i32>} : memref<16x128xf32, #tpu.memory_space<vmem>>, vector<16x128xf32>,
    return
  }
  func.func @transform_0(%arg0: i32) -> (i32, i32, i32) {
    %c0_i32 = arith.constant 0 : i32
    %c0_i32_0 = arith.constant 0 : i32
    %c0_i32_1 = arith.constant 0 : i32
    return %c0_i32, %arg0, %c0_i32_0 : i32, i32, i32
  }
  func.func @transform_1(%arg0: i32) -> (i32, i32) {
    %c0_i32 = arith.constant 0 : i32
    %c0_i32_0 = arith.constant 0 : i32
    return %arg0, %c0_i32 : i32, i32
  }
  func.func @transform_2(%arg0: i32) -> (i32, i32) {
    %c0_i32 = arith.constant 0 : i32
    %c0_i32_0 = arith.constant 0 : i32
    return %arg0, %c0_i32 : i32, i32
  }
  func.func @transform_3(%arg0: i32) -> (i32, i32) {
    %c0_i32 = arith.constant 0 : i32
    %c0_i32_0 = arith.constant 0 : i32
    %c0_i32_1 = arith.constant 0 : i32
    return %c0_i32, %c0_i32_0 : i32, i32
  }
  func.func @transform_4(%arg0: i32) -> (i32, i32) {
    %c0_i32 = arith.constant 0 : i32
    %c0_i32_0 = arith.constant 0 : i32
    %c0_i32_1 = arith.constant 0 : i32
    return %c0_i32, %c0_i32_0 : i32, i32
  }
  func.func @transform_5(%arg0: i32) -> (i32, i32) {
    %c0_i32 = arith.constant 0 : i32
    %c0_i32_0 = arith.constant 0 : i32
    %c0_i32_1 = arith.constant 0 : i32
    return %c0_i32, %c0_i32_0 : i32, i32
  }
  func.func @transform_6(%arg0: i32) -> (i32, i32) {
    %c0_i32 = arith.constant 0 : i32
    %c0_i32_0 = arith.constant 0 : i32
    return %arg0, %c0_i32 : i32, i32
  }
}

</mosaic_0001>

<sc_bundles>
// kernel: kernel.11.cloned.1.call-start
scs
__scs_entry_jumppad:
0x0: {  	(pc) =	sbr.rel $0x88, $3  }
0x1: {  	(tag) =	ssettag $0x0;
	lr =	simm.s32 $0x1  }
0x2: {  	[smem:$0x3F99] =	sst lr;
	_ =	strace $0xD0000000  }
0x3: {  	_ = 	snop  }
0x4: {  	_ = 	snop  }
0x5: {  	_ = 	snop  }
0x6: {  	_ = 	snop  }
0x7: {  	_ = 	snop  }
__scs_overlays_trampoline_lowered:
0x8: {  	[smem:$0x3FA8] =	sst s0  }
0x9: {  	[smem:$0x3FA9] =	sst s1  }
0xa: {  	[smem:$0x3FAA] =	sst s2  }
0xb: {  	[smem:$0x3FAB] =	sst s3  }
0xc: {  	[smem:$0x3FAC] =	sst s4  }
0xd: {  	[smem:$0x3FAD] =	sst s5  }
0xe: {  	[smem:$0x3FAE] =	sst s6  }
0xf: {  	[smem:$0x3FAF] =	sst s7  }
0x10: {  	[smem:$0x3FB0] =	sst s8  }
0x11: {  	[smem:$0x3FB1] =	sst s9;
	s0 =	simm.s32 @!p0 $0x0  }
0x12: {  	s1 =	sld [smem:$0x3F97];
	s0 =	simm.s32 @p0 $0x1  }
0x13: {  	[smem:$0x3FB2] =	sst s0;
	s0 =	simm.s32 @!p1 $0x0  }
0x14: {  	s2 =	sld [smem:$0x3F96];
	s0 =	simm.s32 @p1 $0x1  }
0x15: {  	[smem:$0x3FB3] =	sst s0;
	s0 =	simm.s32 @!p2 $0x0  }
0x16: {  	s3 =	sld [smem:$0x3FDB];
	s0 =	simm.s32 @p2 $0x1  }
0x17: {  	s4 =	simm.s32 $0x1BF5;
	[smem:$0x3FB5] =	sst s0  }
0x18: {  	s0 =	sld [smem:$0x3F98];
	_ =	swait.ge [sflag:s4], $0x0  }
0x19: {  	s7 =	sld [smem:$0x3F99]  }
0x1a: {  	s8 =	sadd.s32 $0xFFFFE003, lr  }
0x1b: {  	s9 =	sadd.s32 $0xFFFFFEF7, lr;
	s5 =	simm.s32 $0xFFFFFFFF;
	p2 =	slt.u32 s8, $0xFFFFF086  }
0x1c: {  	p1 =	slt.u32 s9, $0xF7A;
	s5 =	simm.s32 @!p2 $0x0  }
0x1d: {  	s5 =	simm.s32 @p1 $0x1;
	p0 =	seq.s32 s7, s2  }
0x1e: {  	s7 =	smul.u32 @!p0 $0xF7A, s2;
	p2 =	seq.s32 @!p0 s5, $0x0  }
0x1f: {  	s9 =	smul.u32 $0xF7A, s1;
	s8 =	simm.s32 @!p0 $0x1BF5;
	p2 =	por !p2, p0  }
0x20: {  	[sflag:s8] =	ssyncset.s32 @!p0 $0xFFFFF086;
	s6 =	sadd.s32 @!p0 s3, s7;
	s7 =	simm.s32 @!p0 $0x108  }
0x21: {  	s3 =	sadd.s32 s3, s9;
	s6 =	sadd.s32 @!p0 $0x88, s6;
	s7 =	simm.s32 @p2 $0x1082  }
0x22: {  	[simem:s7], [sflag:s8] =	dma.local @!p0 [hbm:s6], $0xF7A  }
0x23: {  	s9 =	sor.u32 $0xD0000000, s2;
	s6 =	simm.s32 $0x108;
	_ =	swait.ge @!p0 [sflag:s8], $0x0  }
0x24: {  	s3 =	sadd.s32 $0x88, s3;
	s6 =	simm.s32 @!p1 $0x1082;
	[sflag:s4] =	ssyncset.s32 $0xFFFFF086  }
0x25: {  	[simem:s6], [sflag:s4] =	dma.local [hbm:s3], $0xF7A  }
0x26: {  	[smem:$0x3F99] =	sst s1;
	(tag) =	ssettag s2;
	_ =	strace s9  }
0x27: {  	s1 =	sld [smem:$0x3FA9]  }
0x28: {  	s2 =	sld [smem:$0x3FAA]  }
0x29: {  	s4 =	sld [smem:$0x3FAC]  }
0x2a: {  	p0 =	seq.s32 s5, $0x0;
	s5 =	sld [smem:$0x3FAD]  }
0x2b: {  	s6 =	sld [smem:$0x3FAE]  }
0x2c: {  	s7 =	sld [smem:$0x3FAF]  }
0x2d: {  	s3 =	simm.s32 $0x108;
	s8 =	sld [smem:$0x3FB0]  }
0x2e: {  	s3 =	simm.s32 @!p0 $0x1082;
	s9 =	sld [smem:$0x3FB1]  }
0x2f: {  	lr =	sadd.s32 s0, s3;
	s0 =	sld [smem:$0x3FA8]  }
0x30: {  	s3 =	sld [smem:$0x3FAB]  }
0x31: {  	[smem:$0x3FB4] =	sst s10  }
0x32: {  	s10 =	sld [smem:$0x3FB2];
	_ =	sdelay $0x3  }
0x33: {  	p0 =	seq.s32 s10, $0x1;
	s10 =	sld [smem:$0x3FB4];
	_ =	sdelay $0x3  }
0x34: {  	[smem:$0x3FB4] =	sst s10  }
0x35: {  	s10 =	sld [smem:$0x3FB3];
	_ =	sdelay $0x3  }
0x36: {  	p1 =	seq.s32 s10, $0x1;
	s10 =	sld [smem:$0x3FB4];
	_ =	sdelay $0x3  }
0x37: {  	[smem:$0x3FB4] =	sst s10  }
0x38: {  	s10 =	sld [smem:$0x3FB5]  }
0x39: {  	_ = 	snop;
	(pc) =	sbr.ind lr, $3  }
0x3a: {  	_ = 	snop  }
0x3b: {  	_ = 	snop  }
0x3c: {  	p2 =	seq.s32 s10, $0x1;
	s10 =	sld [smem:$0x3FB4]  }
0x3d: {  	_ =	shalt  }
0x3e: {  	_ =	shalt  }
0x3f: {  	_ =	shalt  }
0x40: {  	_ =	shalt  }
0x41: {  	_ =	shalt  }
0x42: {  	_ =	shalt  }
0x43: {  	_ =	shalt  }
0x44: {  	_ =	shalt  }
0x45: {  	_ =	shalt  }
0x46: {  	_ =	shalt  }
0x47: {  	_ =	shalt  }
0x48: {  	_ =	shalt  }
0x49: {  	_ =	shalt  }
0x4a: {  	_ =	shalt  }
0x4b: {  	_ =	shalt  }
0x4c: {  	_ =	shalt  }
0x4d: {  	_ =	shalt  }
0x4e: {  	_ =	shalt  }
0x4f: {  	_ =	shalt  }
0x50: {  	_ =	shalt  }
0x51: {  	_ =	shalt  }
0x52: {  	_ =	shalt  }
0x53: {  	_ =	shalt  }
0x54: {  	_ =	shalt  }
0x55: {  	_ =	shalt  }
0x56: {  	_ =	shalt  }
0x57: {  	_ =	shalt  }
0x58: {  	_ =	shalt  }
0x59: {  	_ =	shalt  }
0x5a: {  	_ =	shalt  }
0x5b: {  	_ =	shalt  }
0x5c: {  	_ =	shalt  }
0x5d: {  	_ =	shalt  }
0x5e: {  	_ =	shalt  }
0x5f: {  	_ =	shalt  }
0x60: {  	_ =	shalt  }
0x61: {  	_ =	shalt  }
0x62: {  	_ =	shalt  }
0x63: {  	_ =	shalt  }
0x64: {  	_ =	shalt  }
0x65: {  	_ =	shalt  }
0x66: {  	_ =	shalt  }
0x67: {  	_ =	shalt  }
0x68: {  	_ =	shalt  }
0x69: {  	_ =	shalt  }
0x6a: {  	_ =	shalt  }
0x6b: {  	_ =	shalt  }
0x6c: {  	_ =	shalt  }
0x6d: {  	_ =	shalt  }
0x6e: {  	_ =	shalt  }
0x6f: {  	_ =	shalt  }
0x70: {  	_ =	shalt  }
0x71: {  	_ =	shalt  }
0x72: {  	_ =	shalt  }
0x73: {  	_ =	shalt  }
0x74: {  	_ =	shalt  }
0x75: {  	_ =	shalt  }
0x76: {  	_ =	shalt  }
0x77: {  	_ =	shalt  }
0x78: {  	_ =	shalt  }
0x79: {  	_ =	shalt  }
0x7a: {  	_ =	shalt  }
0x7b: {  	_ =	shalt  }
0x7c: {  	_ =	shalt  }
0x7d: {  	_ =	shalt  }
0x7e: {  	_ =	shalt  }
0x7f: {  	_ =	shalt  }
0x80: {  	_ =	shalt  }
0x81: {  	_ =	shalt  }
0x82: {  	_ =	shalt  }
0x83: {  	_ =	shalt  }
0x84: {  	_ =	shalt  }
0x85: {  	_ =	shalt  }
0x86: {  	_ =	shalt  }
0x87: {  	_ =	shalt  }
.Lfunc_end0:
.L_simem_size_0:
called_computation.1_lowered:
.L_overlay_start_0:
0x88: {  	s2 =	sld [smem:$0x3FD9]  }
0x89: {  	s3 =	sld [smem:$0x3FFE];
	_ =	sdelay $0x1  }
0x8a: {  	s1 =	srdreg.scid  }
0x8b: {  	s0 =	sand.u32 $0x1, s1  }
0x8c: {  	s16 =	sshll.u32 s0, $0xA;
	s2 =	sadd.s32 s3, s2  }
0x8d: {  	s2 =	sadd.s32 s2, s16  }
0x8e: {  	[smem:$0x3FC0] =	sst s2  }
0x8f: {  	_ = 	snop  }
0x90: {  	(tm) =	ssettm $0x1  }
0x91: {  	s17 =	sld [smem:$0x3FFB];
	_ =	sdelay $0x3  }
0x92: {  	_ =	strace s17  }
0x93: {  	s2 =	sld [smem:$0x3FFC];
	_ =	sdelay $0x3  }
0x94: {  	_ =	strace s2  }
0x95: {  	s2 =	sld [smem:$0x3FFD];
	_ =	sdelay $0x3  }
0x96: {  	_ =	strace s2  }
0x97: {  	_ =	strace $0x8FFFFFFF  }
0x98: {  	s18 =	sld [smem:$0x3FDB];
	_ =	sdelay $0x1  }
0x99: {  	s19 =	simm.s32 $_scs_section_size  }
0x9a: {  	s4 =	simm.s32 $_size__tile_overlayer_lowered;
	s5 =	simm.s32 $_tile_overlayer_lowered  }
0x9b: {  	s22 =	simm.s32 $0x1BFF;
	s21 =	sshll.u32 s5, $0x1;
	s2 =	sadd.s32 s19, s18  }
0x9c: {  	s6 =	simm.s32 $0x0;
	s20 =	sshll.u32 s4, $0x1;
	s4 =	sadd.s32 s21, s2  }
0x9d: {  	[timem:s6], [sflag:s22] =	dma.local [hbm:s4], s20  }
0x9e: {  	_ =	swait.ge [sflag:s22], s20  }
0x9f: {  	s3 =	ssub.s32 $0x0, s20;
	[sflag:s22] =	ssyncset.done $0x0  }
0xa0: {  	[sflag:s22] =	ssyncadd.s32 s3;
	_ =	sdelay $0x1  }
0xa1: {  	s23 =	simm.s32 $0x1B8B  }
0xa2: {  	_ =	swait.ge [sflag:s23], $0x1  }
0xa3: {  	[sflag:s23] =	ssyncset.done $0x0  }
0xa4: {  	s25 =	simm.s32 $0x1B8E;
	s24 =	sld [smem:$0x3FFE];
	[sflag:s23] =	ssyncadd.s32 $0xFFFFFFFF  }
0xa5: {  	s26 =	simm.s32 $execute0_lowered;
	[smem:$0x3FD2] =	sst s25  }
0xa6: {  	s4 =	sshll.u32 s26, $0x1;
	_ =	strace $0x80000049;
	[dreg:$0x1] =	wrdreg $0xFFFFFFFF  }
0xa7: {  	s28 =	simm.s32 $_size_execute0_lowered;
	s2 =	sadd.s32 s2, s4;
	[dreg:$0x0] =	wrdreg $0x0  }
0xa8: {  	s4 =	sshll.u32 s28, $0x1;
	[dreg:$0x2] =	wrdreg s2  }
0xa9: {  	[dreg:$0x3] =	wrdreg s4  }
0xaa: {  	[dreg:$0x4] =	wrdreg $0xC0  }
0xab: {  	_ =	task [dreg:s6], $0x5FFFF  }
0xac: {  	[dreg:$0x1] =	wrdreg $0xFFFFFFFF  }
0xad: {  	[dreg:$0x0] =	wrdreg $0x60  }
0xae: {  	[dreg:$0x2] =	wrdreg s24  }
0xaf: {  	[dreg:$0x3] =	wrdreg $0x2A000  }
0xb0: {  	[dreg:$0x4] =	wrdreg $0x9  }
0xb1: {  	_ =	task.clear_ibuf [dreg:s6], $0x5FFFF;
	_ =	strace $0x90000049  }
0xb2: {  	s29 =	simm.s32 $0x9;
	_ =	strace $0x8000004B  }
0xb3: {  	_ =	swait.ge [sflag:s29], $0x1  }
0xb4: {  	[sflag:s29] =	ssyncadd.s32 $0xFFFFFFFF  }
0xb5: {  	_ =	strace $0x9000004B  }
0xb6: {  	_ =	sfence  }
0xb7: {  	s30 =	sld [smem:$0x0];
	_ =	sdelay $0x2  }
0xb8: {  	s31 =	sshll.u32 s1, $0xD;
	s1 =	sshrl.u32 s1, $0x2  }
0xb9: {  	s3 =	sand.u32 $0x4000, s31;
	s1 =	sadd.s32 s1, s30  }
0xba: {  	s0 =	sor.u32 s3, s0;
	s1 =	sshll.u32 s1, $0x11  }
0xbb: {  	s0 =	sor.u32 s1, s0  }
0xbc: {  	s0 =	sadd.s32 $0x8F2B, s0  }
0xbd: {  	[sflag:s0] =	ssyncadd.remote.s32 $0x1  }
0xbe: {  	_ =	sfence.sel $0xFFFF  }
0xbf: {  	[dreg:$0x0] =	wrdreg $0xFFFFFFFF;
	(pc) =	sbr.abs _section_cstart, $3  }
0xc0: {  	[dreg:$0x1] =	wrdreg $0xFFFFFFFF  }
0xc1: {  	_ =	task.clear_ibuf [dreg:s6], $0x2FFFF;
	_ =	strace $0x9FFFFFFF  }
0xc2: {  	(tm) =	ssettm $0x7FFFFFFF  }
0xc3: {  	_ =	shalt  }
tec
execute0_lowered:
.L_overlay_start_1:
0x0: {  	(tag) =	ssettag $0x1  }
0x1: {  	s5 =	rddreg [dreg:$0x0]  }
0x2: {  	s2 =	rddreg [dreg:$0x1]  }
0x3: {  	s0 =	rddreg [dreg:$0x2]  }
0x4: {  	s3 =	simm.s32 $0x0;
	s1 =	stileid.u32;
	s4 =	srdreg.scid  }
0x5: {  	s11 =	simm.s32 $0x3F;
	s13 =	simm.s32 $0x1;
	s15 =	simm.s32 $0x700  }
0x6: {  	s14 =	simm.s32 $0x500;
	s16 =	simm.s32 $0x480;
	s17 =	simm.s32 $0x800  }
0x7: {  	s18 =	simm.s32 $0x880;
	s19 =	simm.s32 $0x1A00;
	s6 =	smul.u32 $0x3E, s1  }
0x8: {  	[smem:$0x7FF] =	sst s3;
	s7 =	sand.u32 $0x1, s4;
	s20 =	smul.u32 $0x84, s1  }
0x9: {  	s8 =	smin.u32 s1, $0x8;
	s9 =	smin.u32 s1, $0xD;
	s22 =	smul.u32 $0x3100, s1  }
0xa: {  	s24 =	smul.u32 $0x62000, s1;
	p1 =	slt.u32 s1, $0xD;
	p0 =	seq.s32 s7, $0x0  }
0xb: {  	s21 =	smul.u32 $0x31000, s7;
	_ =	strace $0x8000004A;
	[dreg:$0x5] =	wrdreg s15  }
0xc: {  	s25 =	ssub.s32 $0x2, s7;
	s15 =	simm.s32 $0x80;
	[dreg:$0x6] =	wrdreg s16  }
0xd: {  	s16 =	simm.s32 $0xA00;
	[dreg:$0x7] =	wrdreg s17;
	s17 =	simm.s32 $0x1200  }
0xe: {  	[dreg:$0x8] =	wrdreg s18;
	s18 =	simm.s32 $0x2;
	s6 =	sadd.s32 s8, s6  }
0xf: {  	s4 =	sadd.s32 s9, s20;
	s9 =	simm.s32 $0x85;
	s26 =	sshrl.u32 s25, $0x1  }
0x10: {  	s28 =	sshrl.u32 s24, $0x2;
	s20 =	simm.s32 $0x580;
	s24 =	simm.s32 $0x4  }
0x11: {  	s6 =	sadd.s32 $0x84D, s6;
	s23 =	sadd.s32 s22, s21;
	s9 =	simm.s32 @!p1 $0x84  }
0x12: {  	p1 =	slt.u32 s1, $0x8;
	s29 =	ssub.s32 s25, s26;
	[dreg:$0x9] =	wrdreg s20  }
0x13: {  	s20 =	simm.s32 $0x2200;
	s21 =	simm.s32 $0x900;
	s22 =	simm.s32 $0x980  }
0x14: {  	s25 =	simm.s32 $0x0;
	s6 =	smov.u32 @p0 s4;
	s12 =	sadd.s32 s23, s5  }
0x15: {  	s11 =	simm.s32 @!p1 $0x3E;
	s23 =	simm.s32 $0x3;
	s4 =	sshll.u32 s6, $0x6  }
0x16: {  	s11 =	smov.u32 @p0 s9;
	s8 =	sadd.s32 $0x94C00, s12;
	s9 =	smax.u32 s29, $0x1  }
0x17: {  	s12 =	simm.s32 $0x600;
	s10 =	sadd.s32 s4, s5;
	s4 =	sadd.s32 $0x63E00, s5  }
0x18: {  	s5 =	sadd.s32 s28, s2;
	s30 =	sadd.s32 $0xFFFFFFFF, s11;
	s31 =	sshll.u32 s11, $0x6  }
0x19: {  	s11 =	simm.s32 $0x400;
	s6 =	sadd.s32 $0x33000, s10;
	[dreg:$0x3] =	wrdreg s30  }
0x1a: {  	v0 =	vimm.bf16 $0.0e+00;
	s7 =	sadd.s32 $0x2200, s10;
	[dreg:$0x4] =	wrdreg s31;
	s10 =	simm.s32 $0x5  }
.LBB2_1:
0x1b: {  	s26 =	simm.s32 $0x0  }
.LBB2_2:
0x1c: {  	p0 =	sne.s32 s26, $0xFC0  }
.Ltmp0:
0x1d: {  	_ = 	snop;
	(pc) =	sbr.rel @p0 .LBB2_2-.Ltmp0, $3  }
0x1e: {  	_ =	sdelay $0x1  }
0x1f: {  	s28 =	sshra.s32 s26, $0x2  }
0x20: {  	s26 =	sadd.s32 $0x40, s26;
	[tilespmem:s28+$0x0] =	vst v0  }
0x21: {  	s26 =	sadd.s32 $0x0, s5  }
0x22: {  	[spmem:s26] =	stream.linear.scatter [tilespmem:s3], [sflag:$0x5], $0x400, $0x38;
	[tilespmem:$0x1B200] =	vst v63  }
0x23: {  	s26 =	simm.s32 $0x1000;
	_ =	swait.ge [sflag:s10], $0x400  }
.LBB2_4:
0x24: {  	s28 =	sshra.s32 s26, $0x2;
	[sflag:s10] =	ssyncset.done $0x0;
	p0 =	sne.s32 s26, $0x61000  }
.Ltmp1:
0x25: {  	s28 =	sadd.s32 s28, s5;
	[sflag:s10] =	ssyncadd.s32 $0xFFFFFC00;
	(pc) =	sbr.rel @p0 .LBB2_4-.Ltmp1, $3  }
0x26: {  	[spmem:s28] =	stream.linear.scatter [tilespmem:s3], [sflag:$0x5], $0x400, $0x38;
	[tilespmem:$0x1B200] =	vst v63  }
0x27: {  	s26 =	sadd.s32 $0x1000, s26;
	_ =	sdelay $0x1  }
0x28: {  	_ =	swait.ge [sflag:s10], $0x400  }
0x29: {  	[sflag:s10] =	ssyncset.done $0x0  }
0x2a: {  	[sflag:s10] =	ssyncadd.s32 $0xFFFFFC00  }
0x2b: {  	s26 =	simm.s32 $0x0;
	[bflag:$0x0] =	sbarrier.arrive $0xFFFF  }
0x2c: {  	[tilespmem:s11], [sflag:$0x1] =	stream.linear.gather [hbm4b:s6+s26], $0x100, $0x38;
	[tilespmem:$0x1B200] =	vst v63  }
0x2d: {  	s28 =	simm.s32 $0x0  }
0x2e: {  	[tilespmem:s12], [sflag:$0x1] =	stream.linear.gather [hbm4b:s7+s26], $0x100, $0x38;
	[tilespmem:$0x1B200] =	vst v63  }
.LBB2_6:
0x2f: {  	_ =	swait.ge [sflag:s13], $0x100  }
0x30: {  	[sflag:s13] =	ssyncset.done $0x0  }
0x31: {  	[sflag:s13] =	ssyncadd.s32 $0xFFFFFF00  }
0x32: {  	_ =	swait.ge [sflag:s13], $0x100  }
0x33: {  	s29 =	sadd.s32 s26, s6;
	s30 =	sadd.s32 s26, s7;
	[sflag:s13] =	ssyncset.done $0x0  }
0x34: {  	p0 =	seq.s32 s26, $0x0;
	s29 =	sadd.s32 $0x20, s29;
	[sflag:s13] =	ssyncadd.s32 $0xFFFFFF00  }
0x35: {  	[tilespmem:s14], [sflag:$0x1] =	stream.linear.gather [hbm4b:s29+s3], $0x100, $0x38;
	[tilespmem:$0x1B200] =	vst v63  }
0x36: {  	s30 =	sadd.s32 $0x20, s30;
	s31 =	rddreg [dreg:$0x5];
	s29 =	simm.s32 @!p0 $0x3  }
0x37: {  	[tilespmem:s31], [sflag:$0x1] =	stream.linear.gather [hbm4b:s30+s3], $0x100, $0x38;
	[tilespmem:$0x1B200] =	vst v63  }
0x38: {  	_ =	swait.ge @!p0 [sflag:s29], $0x800  }
0x39: {  	[sflag:s29] =	ssyncset.done @!p0 $0x0  }
0x3a: {  	[sflag:s29] =	ssyncadd.s32 @!p0 $0xFFFFF800  }
0x3b: {  	_ =	swait.ge @!p0 [sflag:s29], $0x800  }
0x3c: {  	[sflag:s29] =	ssyncset.done @!p0 $0x0  }
0x3d: {  	[sflag:s29] =	ssyncadd.s32 @!p0 $0xFFFFF800  }
0x3e: {  	[tilespmem:s16], [sflag:$0x2] =	stream.indirect.gather [hbm4b:s4+s15], $0x10, s11, s15, $0xb8;
	[tilespmem:$0x1B200] =	vst v63  }
0x3f: {  	s30 =	rddreg [dreg:$0x6]  }
0x40: {  	[tilespmem:s17], [sflag:$0x2] =	stream.indirect.gather [hbm4b:s4+s15], $0x10, s30, s15, $0xb8;
	[tilespmem:$0x1B200] =	vst v63  }
0x41: {  	v1 =	vld [tilespmem:$0x600]  }
0x42: {  	v2 =	vld [tilespmem:$0x610]  }
0x43: {  	v3 =	vld [tilespmem:$0x620]  }
0x44: {  	v4 =	vld [tilespmem:$0x630]  }
0x45: {  	v5 =	vld [tilespmem:$0x640]  }
0x46: {  	[tilespmem:$0x800] =	vst v1;
	v1 =	vld [tilespmem:$0x650]  }
0x47: {  	v54 =	vld [tilespmem:$0x680];
	[tilespmem:$0x810] =	vst v2  }
0x48: {  	v55 =	vld [tilespmem:$0x690];
	[tilespmem:$0x820] =	vst v3  }
0x49: {  	v2 =	vld [tilespmem:$0x660];
	[tilespmem:$0x830] =	vst v4  }
0x4a: {  	v3 =	vld [tilespmem:$0x670];
	[tilespmem:$0x840] =	vst v5  }
0x4b: {  	[tilespmem:$0x850] =	vst v1;
	v1 =	vld [tilespmem:$0x6A0]  }
0x4c: {  	v56 =	vld [tilespmem:$0x6D0];
	[tilespmem:$0x880] =	vst v54  }
0x4d: {  	v57 =	vld [tilespmem:$0x6E0];
	[tilespmem:$0x890] =	vst v55  }
0x4e: {  	[tilespmem:$0x860] =	vst v2;
	v2 =	vld [tilespmem:$0x6B0]  }
0x4f: {  	[tilespmem:$0x870] =	vst v3;
	v3 =	vld [tilespmem:$0x6C0]  }
0x50: {  	[tilespmem:$0x8A0] =	vst v1;
	v1 =	vld [tilespmem:$0x6F0]  }
0x51: {  	[tilespmem:$0x8D0] =	vst v56  }
0x52: {  	[tilespmem:$0x8E0] =	vst v57  }
0x53: {  	[tilespmem:$0x8B0] =	vst v2  }
0x54: {  	[tilespmem:$0x8C0] =	vst v3  }
0x55: {  	[tilespmem:$0x8F0] =	vst v1  }
0x56: {  	_ =	swait.ge [sflag:s18], $0x800  }
0x57: {  	[sflag:s18] =	ssyncset.done $0x0  }
0x58: {  	[sflag:s18] =	ssyncadd.s32 $0xFFFFF800  }
0x59: {  	_ =	swait.ge [sflag:s18], $0x800  }
0x5a: {  	[sflag:s18] =	ssyncset.done $0x0  }
0x5b: {  	s29 =	rddreg [dreg:$0x7];
	[sflag:s18] =	ssyncadd.s32 $0xFFFFF800  }
0x5c: {  	[spmem:s2] =	stream.indirect.scatter.add.bf16 [tilespmem:s16], [sflag:$0x3], $0x10, s29, s15, $0xb8;
	[tilespmem:$0x1B200] =	vst v63  }
0x5d: {  	s31 =	rddreg [dreg:$0x8]  }
0x5e: {  	[spmem:s2] =	stream.indirect.scatter.add.bf16 [tilespmem:s17], [sflag:$0x3], $0x10, s31, s15, $0xb8;
	[tilespmem:$0x1B200] =	vst v63  }
0x5f: {  	_ =	swait.ge [sflag:s13], $0x100  }
0x60: {  	[sflag:s13] =	ssyncset.done $0x0  }
0x61: {  	[sflag:s13] =	ssyncadd.s32 $0xFFFFFF00  }
0x62: {  	_ =	swait.ge [sflag:s13], $0x100  }
0x63: {  	s31 =	rddreg [dreg:$0x3]  }
0x64: {  	[sflag:s13] =	ssyncset.done $0x0;
	p1 =	sge.u32 s28, s31  }
0x65: {  	[sflag:s13] =	ssyncadd.s32 $0xFFFFFF00;
	s29 =	sadd.s32 @!p1 s26, s6  }
0x66: {  	s30 =	simm.s32 @!p1 $0x0;
	s31 =	simm.s32 @!p1 $0x400;
	s29 =	sadd.s32 @!p1 $0x40, s29  }
0x67: {  	[tilespmem:s31], [sflag:$0x1] =	stream.linear.gather @!p1 [hbm4b:s29+s30], $0x100, $0x38;
	[tilespmem:$0x1B200] =	vst v63  }
0x68: {  	s29 =	sadd.s32 @!p1 s26, s7  }
0x69: {  	s31 =	simm.s32 @!p1 $0x600;
	s29 =	sadd.s32 @!p1 $0x40, s29  }
0x6a: {  	[tilespmem:s31], [sflag:$0x1] =	stream.linear.gather @!p1 [hbm4b:s29+s30], $0x100, $0x38;
	[tilespmem:$0x1B200] =	vst v63  }
0x6b: {  	s29 =	simm.s32 @!p0 $0x4  }
0x6c: {  	_ =	swait.ge @!p0 [sflag:s29], $0x800  }
0x6d: {  	[sflag:s29] =	ssyncset.done @!p0 $0x0  }
0x6e: {  	[sflag:s29] =	ssyncadd.s32 @!p0 $0xFFFFF800  }
0x6f: {  	_ =	swait.ge @!p0 [sflag:s29], $0x800  }
0x70: {  	[sflag:s29] =	ssyncset.done @!p0 $0x0  }
0x71: {  	[sflag:s29] =	ssyncadd.s32 @!p0 $0xFFFFF800  }
0x72: {  	[tilespmem:s19], [sflag:$0x2] =	stream.indirect.gather [hbm4b:s4+s15], $0x10, s14, s15, $0xb8;
	[tilespmem:$0x1B200] =	vst v63  }
0x73: {  	s30 =	rddreg [dreg:$0x9]  }
0x74: {  	[tilespmem:s20], [sflag:$0x2] =	stream.indirect.gather [hbm4b:s4+s15], $0x10, s30, s15, $0xb8;
	[tilespmem:$0x1B200] =	vst v63  }
0x75: {  	v1 =	vld [tilespmem:$0x700]  }
0x76: {  	v2 =	vld [tilespmem:$0x710]  }
0x77: {  	v3 =	vld [tilespmem:$0x720]  }
0x78: {  	v58 =	vld [tilespmem:$0x730]  }
0x79: {  	v59 =	vld [tilespmem:$0x740]  }
0x7a: {  	[tilespmem:$0x900] =	vst v1;
	v1 =	vld [tilespmem:$0x750]  }
0x7b: {  	v60 =	vld [tilespmem:$0x780];
	[tilespmem:$0x910] =	vst v2  }
0x7c: {  	v61 =	vld [tilespmem:$0x790];
	[tilespmem:$0x920] =	vst v3  }
0x7d: {  	v2 =	vld [tilespmem:$0x760];
	[tilespmem:$0x930] =	vst v58  }
0x7e: {  	v3 =	vld [tilespmem:$0x770];
	[tilespmem:$0x940] =	vst v59  }
0x7f: {  	[tilespmem:$0x950] =	vst v1;
	v1 =	vld [tilespmem:$0x7A0]  }
0x80: {  	v62 =	vld [tilespmem:$0x7D0];
	[tilespmem:$0x980] =	vst v60  }
0x81: {  	v63 =	vld [tilespmem:$0x7E0];
	[tilespmem:$0x990] =	vst v61  }
0x82: {  	[tilespmem:$0x960] =	vst v2;
	v2 =	vld [tilespmem:$0x7B0]  }
0x83: {  	[tilespmem:$0x970] =	vst v3;
	v3 =	vld [tilespmem:$0x7C0]  }
0x84: {  	[tilespmem:$0x9A0] =	vst v1;
	v1 =	vld [tilespmem:$0x7F0]  }
0x85: {  	[tilespmem:$0x9D0] =	vst v62  }
0x86: {  	[tilespmem:$0x9E0] =	vst v63  }
0x87: {  	[tilespmem:$0x9B0] =	vst v2  }
0x88: {  	[tilespmem:$0x9C0] =	vst v3  }
0x89: {  	[tilespmem:$0x9F0] =	vst v1  }
0x8a: {  	_ =	swait.ge [sflag:s18], $0x800  }
0x8b: {  	[sflag:s18] =	ssyncset.done $0x0  }
0x8c: {  	[sflag:s18] =	ssyncadd.s32 $0xFFFFF800  }
0x8d: {  	_ =	swait.ge [sflag:s18], $0x800  }
0x8e: {  	s26 =	sadd.s32 $0x40, s26;
	s31 =	rddreg [dreg:$0x4]  }
0x8f: {  	p0 =	sne.s32 s31, s26  }
.Ltmp2:
0x90: {  	[sflag:s18] =	ssyncset.done $0x0;
	(pc) =	sbr.rel @p0 .LBB2_6-.Ltmp2, $4  }
0x91: {  	[sflag:s18] =	ssyncadd.s32 $0xFFFFF800  }
0x92: {  	[spmem:s2] =	stream.indirect.scatter.add.bf16 [tilespmem:s19], [sflag:$0x4], $0x10, s21, s15, $0xb8;
	[tilespmem:$0x1B200] =	vst v63  }
0x93: {  	s28 =	sadd.s32 $0x1, s28  }
0x94: {  	[spmem:s2] =	stream.indirect.scatter.add.bf16 [tilespmem:s20], [sflag:$0x4], $0x10, s22, s15, $0xb8;
	[tilespmem:$0x1B200] =	vst v63  }
0x95: {  	_ =	swait.ge [sflag:s23], $0x800  }
0x96: {  	[sflag:s23] =	ssyncset.done $0x0  }
0x97: {  	[sflag:s23] =	ssyncadd.s32 $0xFFFFF800  }
0x98: {  	_ =	swait.ge [sflag:s23], $0x800  }
0x99: {  	[sflag:s23] =	ssyncset.done $0x0  }
0x9a: {  	[sflag:s23] =	ssyncadd.s32 $0xFFFFF800  }
0x9b: {  	_ =	swait.ge [sflag:s24], $0x800  }
0x9c: {  	[sflag:s24] =	ssyncset.done $0x0  }
0x9d: {  	[sflag:s24] =	ssyncadd.s32 $0xFFFFF800  }
0x9e: {  	_ =	swait.ge [sflag:s24], $0x800  }
0x9f: {  	s26 =	sshll.u32 s1, $0x6;
	s25 =	sadd.s32 $0x1, s25;
	[sflag:s24] =	ssyncset.done $0x0  }
0xa0: {  	s28 =	sshrl.u32 s5, $0x3;
	p0 =	sne.s32 s25, s9;
	[sflag:s24] =	ssyncadd.s32 $0xFFFFF800  }
.Ltmp3:
0xa1: {  	s26 =	sor.u32 $0x1C05, s26;
	[bflag:$0x0] =	sbarrier.arrive $0xFFFF;
	(pc) =	sbr.rel @p0 .LBB2_1-.Ltmp3, $4  }
0xa2: {  	[hbm:s8], [sflag:s26] =	dma.local [spmem:s28], $0x3100  }
0xa3: {  	_ =	swait.ge [sflag:s10], $0x3100  }
0xa4: {  	[sflag:s10] =	ssyncset.done $0x0  }
0xa5: {  	[sflag:s10] =	ssyncadd.s32 $0xFFFFCF00  }
0xa6: {  	_ =	sfence.sel $0x180000  }
0xa7: {  	[bflag:$0x0] =	sbarrier.arrive $0xFFFF  }
0xa8: {  	p0 =	sne.s32 s1, $0x0;
	_ =	strace $0x9000004A  }
0xa9: {  	s0 =	sadd.s32 @!p0 $0x100000, s0;
	[bflag:$0x2] =	sbarrier.arrive $0xFFFF  }
0xaa: {  	[sflag:s0] =	ssyncadd.tile.s32 @!p0 $0x1;
	_ =	shalt  }
.Lfunc_end2:
_tile_overlayer_lowered:
.L_overlay_start_2:
0xab: {  	(tag) =	ssettag $0x2  }
0xac: {  	s0 =	rddreg [dreg:$0x0];
	s2 =	stileid.u32  }
0xad: {  	s1 =	rddreg [dreg:$0x1];
	p0 =	sne.s32 s2, $0x0  }
0xae: {  	s3 =	rddreg [dreg:$0x2];
	[bflag:$0x3] =	sbarrier.arrive $0xFFFF;
	s2 =	simm.s32 @!p0 $0x1C05  }
0xaf: {  	[timem:s3], [sflag:s2] =	dma.local @!p0 [hbm:s0], s1  }
0xb0: {  	s0 =	simm.s32 @!p0 $0x5  }
0xb1: {  	_ =	swait.ge @!p0 [sflag:s0], s1  }
0xb2: {  	s1 =	ssub.s32 @!p0 $0x0, s1;
	[sflag:s0] =	ssyncset.done @!p0 $0x0  }
0xb3: {  	[sflag:s0] =	ssyncadd.s32 @!p0 s1  }
0xb4: {  	[bflag:$0x3] =	sbarrier.arrive $0xFFFF  }
0xb5: {  	_ =	shalt  }

// kernel: kernel.14.cloned.1.call-start
scs
__scs_entry_jumppad:
0x0: {  	(pc) =	sbr.rel $0x88, $3  }
0x1: {  	(tag) =	ssettag $0x0;
	lr =	simm.s32 $0x1  }
0x2: {  	[smem:$0x3F99] =	sst lr;
	_ =	strace $0xD0000000  }
0x3: {  	_ = 	snop  }
0x4: {  	_ = 	snop  }
0x5: {  	_ = 	snop  }
0x6: {  	_ = 	snop  }
0x7: {  	_ = 	snop  }
__scs_overlays_trampoline_lowered:
0x8: {  	[smem:$0x3FA8] =	sst s0  }
0x9: {  	[smem:$0x3FA9] =	sst s1  }
0xa: {  	[smem:$0x3FAA] =	sst s2  }
0xb: {  	[smem:$0x3FAB] =	sst s3  }
0xc: {  	[smem:$0x3FAC] =	sst s4  }
0xd: {  	[smem:$0x3FAD] =	sst s5  }
0xe: {  	[smem:$0x3FAE] =	sst s6  }
0xf: {  	[smem:$0x3FAF] =	sst s7  }
0x10: {  	[smem:$0x3FB0] =	sst s8  }
0x11: {  	[smem:$0x3FB1] =	sst s9;
	s0 =	simm.s32 @!p0 $0x0  }
0x12: {  	s1 =	sld [smem:$0x3F97];
	s0 =	simm.s32 @p0 $0x1  }
0x13: {  	[smem:$0x3FB2] =	sst s0;
	s0 =	simm.s32 @!p1 $0x0  }
0x14: {  	s2 =	sld [smem:$0x3F96];
	s0 =	simm.s32 @p1 $0x1  }
0x15: {  	[smem:$0x3FB3] =	sst s0;
	s0 =	simm.s32 @!p2 $0x0  }
0x16: {  	s3 =	sld [smem:$0x3FDB];
	s0 =	simm.s32 @p2 $0x1  }
0x17: {  	s4 =	simm.s32 $0x1BF5;
	[smem:$0x3FB5] =	sst s0  }
0x18: {  	s0 =	sld [smem:$0x3F98];
	_ =	swait.ge [sflag:s4], $0x0  }
0x19: {  	s7 =	sld [smem:$0x3F99]  }
0x1a: {  	s8 =	sadd.s32 $0xFFFFE003, lr  }
0x1b: {  	s9 =	sadd.s32 $0xFFFFFEF7, lr;
	s5 =	simm.s32 $0xFFFFFFFF;
	p2 =	slt.u32 s8, $0xFFFFF086  }
0x1c: {  	p1 =	slt.u32 s9, $0xF7A;
	s5 =	simm.s32 @!p2 $0x0  }
0x1d: {  	s5 =	simm.s32 @p1 $0x1;
	p0 =	seq.s32 s7, s2  }
0x1e: {  	s7 =	smul.u32 @!p0 $0xF7A, s2;
	p2 =	seq.s32 @!p0 s5, $0x0  }
0x1f: {  	s9 =	smul.u32 $0xF7A, s1;
	s8 =	simm.s32 @!p0 $0x1BF5;
	p2 =	por !p2, p0  }
0x20: {  	[sflag:s8] =	ssyncset.s32 @!p0 $0xFFFFF086;
	s6 =	sadd.s32 @!p0 s3, s7;
	s7 =	simm.s32 @!p0 $0x108  }
0x21: {  	s3 =	sadd.s32 s3, s9;
	s6 =	sadd.s32 @!p0 $0x88, s6;
	s7 =	simm.s32 @p2 $0x1082  }
0x22: {  	[simem:s7], [sflag:s8] =	dma.local @!p0 [hbm:s6], $0xF7A  }
0x23: {  	s9 =	sor.u32 $0xD0000000, s2;
	s6 =	simm.s32 $0x108;
	_ =	swait.ge @!p0 [sflag:s8], $0x0  }
0x24: {  	s3 =	sadd.s32 $0x88, s3;
	s6 =	simm.s32 @!p1 $0x1082;
	[sflag:s4] =	ssyncset.s32 $0xFFFFF086  }
0x25: {  	[simem:s6], [sflag:s4] =	dma.local [hbm:s3], $0xF7A  }
0x26: {  	[smem:$0x3F99] =	sst s1;
	(tag) =	ssettag s2;
	_ =	strace s9  }
0x27: {  	s1 =	sld [smem:$0x3FA9]  }
0x28: {  	s2 =	sld [smem:$0x3FAA]  }
0x29: {  	s4 =	sld [smem:$0x3FAC]  }
0x2a: {  	p0 =	seq.s32 s5, $0x0;
	s5 =	sld [smem:$0x3FAD]  }
0x2b: {  	s6 =	sld [smem:$0x3FAE]  }
0x2c: {  	s7 =	sld [smem:$0x3FAF]  }
0x2d: {  	s3 =	simm.s32 $0x108;
	s8 =	sld [smem:$0x3FB0]  }
0x2e: {  	s3 =	simm.s32 @!p0 $0x1082;
	s9 =	sld [smem:$0x3FB1]  }
0x2f: {  	lr =	sadd.s32 s0, s3;
	s0 =	sld [smem:$0x3FA8]  }
0x30: {  	s3 =	sld [smem:$0x3FAB]  }
0x31: {  	[smem:$0x3FB4] =	sst s10  }
0x32: {  	s10 =	sld [smem:$0x3FB2];
	_ =	sdelay $0x3  }
0x33: {  	p0 =	seq.s32 s10, $0x1;
	s10 =	sld [smem:$0x3FB4];
	_ =	sdelay $0x3  }
0x34: {  	[smem:$0x3FB4] =	sst s10  }
0x35: {  	s10 =	sld [smem:$0x3FB3];
	_ =	sdelay $0x3  }
0x36: {  	p1 =	seq.s32 s10, $0x1;
	s10 =	sld [smem:$0x3FB4];
	_ =	sdelay $0x3  }
0x37: {  	[smem:$0x3FB4] =	sst s10  }
0x38: {  	s10 =	sld [smem:$0x3FB5]  }
0x39: {  	_ = 	snop;
	(pc) =	sbr.ind lr, $3  }
0x3a: {  	_ = 	snop  }
0x3b: {  	_ = 	snop  }
0x3c: {  	p2 =	seq.s32 s10, $0x1;
	s10 =	sld [smem:$0x3FB4]  }
0x3d: {  	_ =	shalt  }
0x3e: {  	_ =	shalt  }
0x3f: {  	_ =	shalt  }
0x40: {  	_ =	shalt  }
0x41: {  	_ =	shalt  }
0x42: {  	_ =	shalt  }
0x43: {  	_ =	shalt  }
0x44: {  	_ =	shalt  }
0x45: {  	_ =	shalt  }
0x46: {  	_ =	shalt  }
0x47: {  	_ =	shalt  }
0x48: {  	_ =	shalt  }
0x49: {  	_ =	shalt  }
0x4a: {  	_ =	shalt  }
0x4b: {  	_ =	shalt  }
0x4c: {  	_ =	shalt  }
0x4d: {  	_ =	shalt  }
0x4e: {  	_ =	shalt  }
0x4f: {  	_ =	shalt  }
0x50: {  	_ =	shalt  }
0x51: {  	_ =	shalt  }
0x52: {  	_ =	shalt  }
0x53: {  	_ =	shalt  }
0x54: {  	_ =	shalt  }
0x55: {  	_ =	shalt  }
0x56: {  	_ =	shalt  }
0x57: {  	_ =	shalt  }
0x58: {  	_ =	shalt  }
0x59: {  	_ =	shalt  }
0x5a: {  	_ =	shalt  }
0x5b: {  	_ =	shalt  }
0x5c: {  	_ =	shalt  }
0x5d: {  	_ =	shalt  }
0x5e: {  	_ =	shalt  }
0x5f: {  	_ =	shalt  }
0x60: {  	_ =	shalt  }
0x61: {  	_ =	shalt  }
0x62: {  	_ =	shalt  }
0x63: {  	_ =	shalt  }
0x64: {  	_ =	shalt  }
0x65: {  	_ =	shalt  }
0x66: {  	_ =	shalt  }
0x67: {  	_ =	shalt  }
0x68: {  	_ =	shalt  }
0x69: {  	_ =	shalt  }
0x6a: {  	_ =	shalt  }
0x6b: {  	_ =	shalt  }
0x6c: {  	_ =	shalt  }
0x6d: {  	_ =	shalt  }
0x6e: {  	_ =	shalt  }
0x6f: {  	_ =	shalt  }
0x70: {  	_ =	shalt  }
0x71: {  	_ =	shalt  }
0x72: {  	_ =	shalt  }
0x73: {  	_ =	shalt  }
0x74: {  	_ =	shalt  }
0x75: {  	_ =	shalt  }
0x76: {  	_ =	shalt  }
0x77: {  	_ =	shalt  }
0x78: {  	_ =	shalt  }
0x79: {  	_ =	shalt  }
0x7a: {  	_ =	shalt  }
0x7b: {  	_ =	shalt  }
0x7c: {  	_ =	shalt  }
0x7d: {  	_ =	shalt  }
0x7e: {  	_ =	shalt  }
0x7f: {  	_ =	shalt  }
0x80: {  	_ =	shalt  }
0x81: {  	_ =	shalt  }
0x82: {  	_ =	shalt  }
0x83: {  	_ =	shalt  }
0x84: {  	_ =	shalt  }
0x85: {  	_ =	shalt  }
0x86: {  	_ =	shalt  }
0x87: {  	_ =	shalt  }
.Lfunc_end0:
.L_simem_size_0:
called_computation.2_lowered:
.L_overlay_start_0:
0x88: {  	s2 =	sld [smem:$0x3FD9]  }
0x89: {  	s3 =	sld [smem:$0x3FFE];
	_ =	sdelay $0x1  }
0x8a: {  	s1 =	srdreg.scid  }
0x8b: {  	s0 =	sand.u32 $0x1, s1  }
0x8c: {  	s16 =	sshll.u32 s0, $0xA;
	s2 =	sadd.s32 s3, s2  }
0x8d: {  	s2 =	sadd.s32 s2, s16  }
0x8e: {  	[smem:$0x3FC0] =	sst s2  }
0x8f: {  	_ = 	snop  }
0x90: {  	(tm) =	ssettm $0x1  }
0x91: {  	s17 =	sld [smem:$0x3FFB];
	_ =	sdelay $0x3  }
0x92: {  	_ =	strace s17  }
0x93: {  	s2 =	sld [smem:$0x3FFC];
	_ =	sdelay $0x3  }
0x94: {  	_ =	strace s2  }
0x95: {  	s2 =	sld [smem:$0x3FFD];
	_ =	sdelay $0x3  }
0x96: {  	_ =	strace s2  }
0x97: {  	_ =	strace $0x8FFFFFFF  }
0x98: {  	s18 =	sld [smem:$0x3FDB];
	_ =	sdelay $0x1  }
0x99: {  	s19 =	simm.s32 $_scs_section_size  }
0x9a: {  	s4 =	simm.s32 $_size__tile_overlayer_lowered;
	s5 =	simm.s32 $_tile_overlayer_lowered  }
0x9b: {  	s22 =	simm.s32 $0x1BFF;
	s21 =	sshll.u32 s5, $0x1;
	s2 =	sadd.s32 s19, s18  }
0x9c: {  	s6 =	simm.s32 $0x0;
	s20 =	sshll.u32 s4, $0x1;
	s4 =	sadd.s32 s21, s2  }
0x9d: {  	[timem:s6], [sflag:s22] =	dma.local [hbm:s4], s20  }
0x9e: {  	_ =	swait.ge [sflag:s22], s20  }
0x9f: {  	s3 =	ssub.s32 $0x0, s20;
	[sflag:s22] =	ssyncset.done $0x0  }
0xa0: {  	[sflag:s22] =	ssyncadd.s32 s3;
	_ =	sdelay $0x1  }
0xa1: {  	s23 =	simm.s32 $0x1B8B  }
0xa2: {  	_ =	swait.ge [sflag:s23], $0x1  }
0xa3: {  	[sflag:s23] =	ssyncset.done $0x0  }
0xa4: {  	s25 =	simm.s32 $0x1B8E;
	s24 =	sld [smem:$0x3FFE];
	[sflag:s23] =	ssyncadd.s32 $0xFFFFFFFF  }
0xa5: {  	s26 =	simm.s32 $execute0_lowered;
	[smem:$0x3FD2] =	sst s25  }
0xa6: {  	s4 =	sshll.u32 s26, $0x1;
	_ =	strace $0x8000004C;
	[dreg:$0x1] =	wrdreg $0xFFFFFFFF  }
0xa7: {  	s28 =	simm.s32 $_size_execute0_lowered;
	s2 =	sadd.s32 s2, s4;
	[dreg:$0x0] =	wrdreg $0x0  }
0xa8: {  	s4 =	sshll.u32 s28, $0x1;
	[dreg:$0x2] =	wrdreg s2  }
0xa9: {  	[dreg:$0x3] =	wrdreg s4  }
0xaa: {  	[dreg:$0x4] =	wrdreg $0xC0  }
0xab: {  	_ =	task [dreg:s6], $0x5FFFF  }
0xac: {  	[dreg:$0x1] =	wrdreg $0xFFFFFFFF  }
0xad: {  	[dreg:$0x0] =	wrdreg $0x60  }
0xae: {  	[dreg:$0x2] =	wrdreg s24  }
0xaf: {  	[dreg:$0x3] =	wrdreg $0x2A000  }
0xb0: {  	[dreg:$0x4] =	wrdreg $0x9  }
0xb1: {  	_ =	task.clear_ibuf [dreg:s6], $0x5FFFF;
	_ =	strace $0x9000004C  }
0xb2: {  	s29 =	simm.s32 $0x9;
	_ =	strace $0x8000004E  }
0xb3: {  	_ =	swait.ge [sflag:s29], $0x1  }
0xb4: {  	[sflag:s29] =	ssyncadd.s32 $0xFFFFFFFF  }
0xb5: {  	_ =	strace $0x9000004E  }
0xb6: {  	_ =	sfence  }
0xb7: {  	s30 =	sld [smem:$0x0];
	_ =	sdelay $0x2  }
0xb8: {  	s31 =	sshll.u32 s1, $0xD;
	s1 =	sshrl.u32 s1, $0x2  }
0xb9: {  	s3 =	sand.u32 $0x4000, s31;
	s1 =	sadd.s32 s1, s30  }
0xba: {  	s0 =	sor.u32 s3, s0;
	s1 =	sshll.u32 s1, $0x11  }
0xbb: {  	s0 =	sor.u32 s1, s0  }
0xbc: {  	s0 =	sadd.s32 $0x8F2B, s0  }
0xbd: {  	[sflag:s0] =	ssyncadd.remote.s32 $0x1  }
0xbe: {  	_ =	sfence.sel $0xFFFF  }
0xbf: {  	[dreg:$0x0] =	wrdreg $0xFFFFFFFF;
	(pc) =	sbr.abs _section_cstart, $3  }
0xc0: {  	[dreg:$0x1] =	wrdreg $0xFFFFFFFF  }
0xc1: {  	_ =	task.clear_ibuf [dreg:s6], $0x2FFFF;
	_ =	strace $0x9FFFFFFF  }
0xc2: {  	(tm) =	ssettm $0x7FFFFFFF  }
0xc3: {  	_ =	shalt  }
tec
execute0_lowered:
.L_overlay_start_1:
0x0: {  	(tag) =	ssettag $0x1  }
0x1: {  	s5 =	rddreg [dreg:$0x0]  }
0x2: {  	s2 =	rddreg [dreg:$0x1]  }
0x3: {  	s0 =	rddreg [dreg:$0x2]  }
0x4: {  	s3 =	simm.s32 $0x0;
	s1 =	stileid.u32;
	s4 =	srdreg.scid  }
0x5: {  	s11 =	simm.s32 $0x3F;
	s13 =	simm.s32 $0x1;
	s15 =	simm.s32 $0x700  }
0x6: {  	s14 =	simm.s32 $0x500;
	s16 =	simm.s32 $0x480;
	s17 =	simm.s32 $0x800  }
0x7: {  	s18 =	simm.s32 $0x880;
	s19 =	simm.s32 $0x1A00;
	s6 =	smul.u32 $0x3E, s1  }
0x8: {  	[smem:$0x7FF] =	sst s3;
	s7 =	sand.u32 $0x1, s4;
	s20 =	smul.u32 $0x84, s1  }
0x9: {  	s8 =	smin.u32 s1, $0x8;
	s9 =	smin.u32 s1, $0xD;
	s22 =	smul.u32 $0x3100, s1  }
0xa: {  	s24 =	smul.u32 $0x62000, s1;
	p1 =	slt.u32 s1, $0xD;
	p0 =	seq.s32 s7, $0x0  }
0xb: {  	s21 =	smul.u32 $0x31000, s7;
	_ =	strace $0x8000004D;
	[dreg:$0x5] =	wrdreg s15  }
0xc: {  	s25 =	ssub.s32 $0x2, s7;
	s15 =	simm.s32 $0x80;
	[dreg:$0x6] =	wrdreg s16  }
0xd: {  	s16 =	simm.s32 $0xA00;
	[dreg:$0x7] =	wrdreg s17;
	s17 =	simm.s32 $0x1200  }
0xe: {  	[dreg:$0x8] =	wrdreg s18;
	s18 =	simm.s32 $0x2;
	s6 =	sadd.s32 s8, s6  }
0xf: {  	s4 =	sadd.s32 s9, s20;
	s9 =	simm.s32 $0x85;
	s26 =	sshrl.u32 s25, $0x1  }
0x10: {  	s28 =	sshrl.u32 s24, $0x2;
	s20 =	simm.s32 $0x580;
	s24 =	simm.s32 $0x4  }
0x11: {  	s6 =	sadd.s32 $0x84D, s6;
	s23 =	sadd.s32 s22, s21;
	s9 =	simm.s32 @!p1 $0x84  }
0x12: {  	p1 =	slt.u32 s1, $0x8;
	s29 =	ssub.s32 s25, s26;
	[dreg:$0x9] =	wrdreg s20  }
0x13: {  	s20 =	simm.s32 $0x2200;
	s21 =	simm.s32 $0x900;
	s22 =	simm.s32 $0x980  }
0x14: {  	s25 =	simm.s32 $0x0;
	s6 =	smov.u32 @p0 s4;
	s12 =	sadd.s32 s23, s5  }
0x15: {  	s11 =	simm.s32 @!p1 $0x3E;
	s23 =	simm.s32 $0x3;
	s4 =	sshll.u32 s6, $0x6  }
0x16: {  	s11 =	smov.u32 @p0 s9;
	s8 =	sadd.s32 $0x94C00, s12;
	s9 =	smax.u32 s29, $0x1  }
0x17: {  	s12 =	simm.s32 $0x600;
	s10 =	sadd.s32 s4, s5;
	s4 =	sadd.s32 $0x63E00, s5  }
0x18: {  	s5 =	sadd.s32 s28, s2;
	s30 =	sadd.s32 $0xFFFFFFFF, s11;
	s31 =	sshll.u32 s11, $0x6  }
0x19: {  	s11 =	simm.s32 $0x400;
	s6 =	sadd.s32 $0x33000, s10;
	[dreg:$0x3] =	wrdreg s30  }
0x1a: {  	v0 =	vimm.bf16 $0.0e+00;
	s7 =	sadd.s32 $0x2200, s10;
	[dreg:$0x4] =	wrdreg s31;
	s10 =	simm.s32 $0x5  }
.LBB2_1:
0x1b: {  	s26 =	simm.s32 $0x0  }
.LBB2_2:
0x1c: {  	p0 =	sne.s32 s26, $0xFC0  }
.Ltmp0:
0x1d: {  	_ = 	snop;
	(pc) =	sbr.rel @p0 .LBB2_2-.Ltmp0, $3  }
0x1e: {  	_ =	sdelay $0x1  }
0x1f: {  	s28 =	sshra.s32 s26, $0x2  }
0x20: {  	s26 =	sadd.s32 $0x40, s26;
	[tilespmem:s28+$0x0] =	vst v0  }
0x21: {  	s26 =	sadd.s32 $0x0, s5  }
0x22: {  	[spmem:s26] =	stream.linear.scatter [tilespmem:s3], [sflag:$0x5], $0x400, $0x38;
	[tilespmem:$0x1B200] =	vst v63  }
0x23: {  	s26 =	simm.s32 $0x1000;
	_ =	swait.ge [sflag:s10], $0x400  }
.LBB2_4:
0x24: {  	s28 =	sshra.s32 s26, $0x2;
	[sflag:s10] =	ssyncset.done $0x0;
	p0 =	sne.s32 s26, $0x61000  }
.Ltmp1:
0x25: {  	s28 =	sadd.s32 s28, s5;
	[sflag:s10] =	ssyncadd.s32 $0xFFFFFC00;
	(pc) =	sbr.rel @p0 .LBB2_4-.Ltmp1, $3  }
0x26: {  	[spmem:s28] =	stream.linear.scatter [tilespmem:s3], [sflag:$0x5], $0x400, $0x38;
	[tilespmem:$0x1B200] =	vst v63  }
0x27: {  	s26 =	sadd.s32 $0x1000, s26;
	_ =	sdelay $0x1  }
0x28: {  	_ =	swait.ge [sflag:s10], $0x400  }
0x29: {  	[sflag:s10] =	ssyncset.done $0x0  }
0x2a: {  	[sflag:s10] =	ssyncadd.s32 $0xFFFFFC00  }
0x2b: {  	s26 =	simm.s32 $0x0;
	[bflag:$0x0] =	sbarrier.arrive $0xFFFF  }
0x2c: {  	[tilespmem:s11], [sflag:$0x1] =	stream.linear.gather [hbm4b:s6+s26], $0x100, $0x38;
	[tilespmem:$0x1B200] =	vst v63  }
0x2d: {  	s28 =	simm.s32 $0x0  }
0x2e: {  	[tilespmem:s12], [sflag:$0x1] =	stream.linear.gather [hbm4b:s7+s26], $0x100, $0x38;
	[tilespmem:$0x1B200] =	vst v63  }
.LBB2_6:
0x2f: {  	_ =	swait.ge [sflag:s13], $0x100  }
0x30: {  	[sflag:s13] =	ssyncset.done $0x0  }
0x31: {  	[sflag:s13] =	ssyncadd.s32 $0xFFFFFF00  }
0x32: {  	_ =	swait.ge [sflag:s13], $0x100  }
0x33: {  	s29 =	sadd.s32 s26, s6;
	s30 =	sadd.s32 s26, s7;
	[sflag:s13] =	ssyncset.done $0x0  }
0x34: {  	p0 =	seq.s32 s26, $0x0;
	s29 =	sadd.s32 $0x20, s29;
	[sflag:s13] =	ssyncadd.s32 $0xFFFFFF00  }
0x35: {  	[tilespmem:s14], [sflag:$0x1] =	stream.linear.gather [hbm4b:s29+s3], $0x100, $0x38;
	[tilespmem:$0x1B200] =	vst v63  }
0x36: {  	s30 =	sadd.s32 $0x20, s30;
	s31 =	rddreg [dreg:$0x5];
	s29 =	simm.s32 @!p0 $0x3  }
0x37: {  	[tilespmem:s31], [sflag:$0x1] =	stream.linear.gather [hbm4b:s30+s3], $0x100, $0x38;
	[tilespmem:$0x1B200] =	vst v63  }
0x38: {  	_ =	swait.ge @!p0 [sflag:s29], $0x800  }
0x39: {  	[sflag:s29] =	ssyncset.done @!p0 $0x0  }
0x3a: {  	[sflag:s29] =	ssyncadd.s32 @!p0 $0xFFFFF800  }
0x3b: {  	_ =	swait.ge @!p0 [sflag:s29], $0x800  }
0x3c: {  	[sflag:s29] =	ssyncset.done @!p0 $0x0  }
0x3d: {  	[sflag:s29] =	ssyncadd.s32 @!p0 $0xFFFFF800  }
0x3e: {  	[tilespmem:s16], [sflag:$0x2] =	stream.indirect.gather [hbm4b:s4+s15], $0x10, s11, s15, $0xb8;
	[tilespmem:$0x1B200] =	vst v63  }
0x3f: {  	s30 =	rddreg [dreg:$0x6]  }
0x40: {  	[tilespmem:s17], [sflag:$0x2] =	stream.indirect.gather [hbm4b:s4+s15], $0x10, s30, s15, $0xb8;
	[tilespmem:$0x1B200] =	vst v63  }
0x41: {  	v1 =	vld [tilespmem:$0x600]  }
0x42: {  	v2 =	vld [tilespmem:$0x610]  }
0x43: {  	v3 =	vld [tilespmem:$0x620]  }
0x44: {  	v4 =	vld [tilespmem:$0x630]  }
0x45: {  	v5 =	vld [tilespmem:$0x640]  }
0x46: {  	[tilespmem:$0x800] =	vst v1;
	v1 =	vld [tilespmem:$0x650]  }
0x47: {  	v54 =	vld [tilespmem:$0x680];
	[tilespmem:$0x810] =	vst v2  }
0x48: {  	v55 =	vld [tilespmem:$0x690];
	[tilespmem:$0x820] =	vst v3  }
0x49: {  	v2 =	vld [tilespmem:$0x660];
	[tilespmem:$0x830] =	vst v4  }
0x4a: {  	v3 =	vld [tilespmem:$0x670];
	[tilespmem:$0x840] =	vst v5  }
0x4b: {  	[tilespmem:$0x850] =	vst v1;
	v1 =	vld [tilespmem:$0x6A0]  }
0x4c: {  	v56 =	vld [tilespmem:$0x6D0];
	[tilespmem:$0x880] =	vst v54  }
0x4d: {  	v57 =	vld [tilespmem:$0x6E0];
	[tilespmem:$0x890] =	vst v55  }
0x4e: {  	[tilespmem:$0x860] =	vst v2;
	v2 =	vld [tilespmem:$0x6B0]  }
0x4f: {  	[tilespmem:$0x870] =	vst v3;
	v3 =	vld [tilespmem:$0x6C0]  }
0x50: {  	[tilespmem:$0x8A0] =	vst v1;
	v1 =	vld [tilespmem:$0x6F0]  }
0x51: {  	[tilespmem:$0x8D0] =	vst v56  }
0x52: {  	[tilespmem:$0x8E0] =	vst v57  }
0x53: {  	[tilespmem:$0x8B0] =	vst v2  }
0x54: {  	[tilespmem:$0x8C0] =	vst v3  }
0x55: {  	[tilespmem:$0x8F0] =	vst v1  }
0x56: {  	_ =	swait.ge [sflag:s18], $0x800  }
0x57: {  	[sflag:s18] =	ssyncset.done $0x0  }
0x58: {  	[sflag:s18] =	ssyncadd.s32 $0xFFFFF800  }
0x59: {  	_ =	swait.ge [sflag:s18], $0x800  }
0x5a: {  	[sflag:s18] =	ssyncset.done $0x0  }
0x5b: {  	s29 =	rddreg [dreg:$0x7];
	[sflag:s18] =	ssyncadd.s32 $0xFFFFF800  }
0x5c: {  	[spmem:s2] =	stream.indirect.scatter.add.bf16 [tilespmem:s16], [sflag:$0x3], $0x10, s29, s15, $0xb8;
	[tilespmem:$0x1B200] =	vst v63  }
0x5d: {  	s31 =	rddreg [dreg:$0x8]  }
0x5e: {  	[spmem:s2] =	stream.indirect.scatter.add.bf16 [tilespmem:s17], [sflag:$0x3], $0x10, s31, s15, $0xb8;
	[tilespmem:$0x1B200] =	vst v63  }
0x5f: {  	_ =	swait.ge [sflag:s13], $0x100  }
0x60: {  	[sflag:s13] =	ssyncset.done $0x0  }
0x61: {  	[sflag:s13] =	ssyncadd.s32 $0xFFFFFF00  }
0x62: {  	_ =	swait.ge [sflag:s13], $0x100  }
0x63: {  	s31 =	rddreg [dreg:$0x3]  }
0x64: {  	[sflag:s13] =	ssyncset.done $0x0;
	p1 =	sge.u32 s28, s31  }
0x65: {  	[sflag:s13] =	ssyncadd.s32 $0xFFFFFF00;
	s29 =	sadd.s32 @!p1 s26, s6  }
0x66: {  	s30 =	simm.s32 @!p1 $0x0;
	s31 =	simm.s32 @!p1 $0x400;
	s29 =	sadd.s32 @!p1 $0x40, s29  }
0x67: {  	[tilespmem:s31], [sflag:$0x1] =	stream.linear.gather @!p1 [hbm4b:s29+s30], $0x100, $0x38;
	[tilespmem:$0x1B200] =	vst v63  }
0x68: {  	s29 =	sadd.s32 @!p1 s26, s7  }
0x69: {  	s31 =	simm.s32 @!p1 $0x600;
	s29 =	sadd.s32 @!p1 $0x40, s29  }
0x6a: {  	[tilespmem:s31], [sflag:$0x1] =	stream.linear.gather @!p1 [hbm4b:s29+s30], $0x100, $0x38;
	[tilespmem:$0x1B200] =	vst v63  }
0x6b: {  	s29 =	simm.s32 @!p0 $0x4  }
0x6c: {  	_ =	swait.ge @!p0 [sflag:s29], $0x800  }
0x6d: {  	[sflag:s29] =	ssyncset.done @!p0 $0x0  }
0x6e: {  	[sflag:s29] =	ssyncadd.s32 @!p0 $0xFFFFF800  }
0x6f: {  	_ =	swait.ge @!p0 [sflag:s29], $0x800  }
0x70: {  	[sflag:s29] =	ssyncset.done @!p0 $0x0  }
0x71: {  	[sflag:s29] =	ssyncadd.s32 @!p0 $0xFFFFF800  }
0x72: {  	[tilespmem:s19], [sflag:$0x2] =	stream.indirect.gather [hbm4b:s4+s15], $0x10, s14, s15, $0xb8;
	[tilespmem:$0x1B200] =	vst v63  }
0x73: {  	s30 =	rddreg [dreg:$0x9]  }
0x74: {  	[tilespmem:s20], [sflag:$0x2] =	stream.indirect.gather [hbm4b:s4+s15], $0x10, s30, s15, $0xb8;
	[tilespmem:$0x1B200] =	vst v63  }
0x75: {  	v1 =	vld [tilespmem:$0x700]  }
0x76: {  	v2 =	vld [tilespmem:$0x710]  }
0x77: {  	v3 =	vld [tilespmem:$0x720]  }
0x78: {  	v58 =	vld [tilespmem:$0x730]  }
0x79: {  	v59 =	vld [tilespmem:$0x740]  }
0x7a: {  	[tilespmem:$0x900] =	vst v1;
	v1 =	vld [tilespmem:$0x750]  }
0x7b: {  	v60 =	vld [tilespmem:$0x780];
	[tilespmem:$0x910] =	vst v2  }
0x7c: {  	v61 =	vld [tilespmem:$0x790];
	[tilespmem:$0x920] =	vst v3  }
0x7d: {  	v2 =	vld [tilespmem:$0x760];
	[tilespmem:$0x930] =	vst v58  }
0x7e: {  	v3 =	vld [tilespmem:$0x770];
	[tilespmem:$0x940] =	vst v59  }
0x7f: {  	[tilespmem:$0x950] =	vst v1;
	v1 =	vld [tilespmem:$0x7A0]  }
0x80: {  	v62 =	vld [tilespmem:$0x7D0];
	[tilespmem:$0x980] =	vst v60  }
0x81: {  	v63 =	vld [tilespmem:$0x7E0];
	[tilespmem:$0x990] =	vst v61  }
0x82: {  	[tilespmem:$0x960] =	vst v2;
	v2 =	vld [tilespmem:$0x7B0]  }
0x83: {  	[tilespmem:$0x970] =	vst v3;
	v3 =	vld [tilespmem:$0x7C0]  }
0x84: {  	[tilespmem:$0x9A0] =	vst v1;
	v1 =	vld [tilespmem:$0x7F0]  }
0x85: {  	[tilespmem:$0x9D0] =	vst v62  }
0x86: {  	[tilespmem:$0x9E0] =	vst v63  }
0x87: {  	[tilespmem:$0x9B0] =	vst v2  }
0x88: {  	[tilespmem:$0x9C0] =	vst v3  }
0x89: {  	[tilespmem:$0x9F0] =	vst v1  }
0x8a: {  	_ =	swait.ge [sflag:s18], $0x800  }
0x8b: {  	[sflag:s18] =	ssyncset.done $0x0  }
0x8c: {  	[sflag:s18] =	ssyncadd.s32 $0xFFFFF800  }
0x8d: {  	_ =	swait.ge [sflag:s18], $0x800  }
0x8e: {  	s26 =	sadd.s32 $0x40, s26;
	s31 =	rddreg [dreg:$0x4]  }
0x8f: {  	p0 =	sne.s32 s31, s26  }
.Ltmp2:
0x90: {  	[sflag:s18] =	ssyncset.done $0x0;
	(pc) =	sbr.rel @p0 .LBB2_6-.Ltmp2, $4  }
0x91: {  	[sflag:s18] =	ssyncadd.s32 $0xFFFFF800  }
0x92: {  	[spmem:s2] =	stream.indirect.scatter.add.bf16 [tilespmem:s19], [sflag:$0x4], $0x10, s21, s15, $0xb8;
	[tilespmem:$0x1B200] =	vst v63  }
0x93: {  	s28 =	sadd.s32 $0x1, s28  }
0x94: {  	[spmem:s2] =	stream.indirect.scatter.add.bf16 [tilespmem:s20], [sflag:$0x4], $0x10, s22, s15, $0xb8;
	[tilespmem:$0x1B200] =	vst v63  }
0x95: {  	_ =	swait.ge [sflag:s23], $0x800  }
0x96: {  	[sflag:s23] =	ssyncset.done $0x0  }
0x97: {  	[sflag:s23] =	ssyncadd.s32 $0xFFFFF800  }
0x98: {  	_ =	swait.ge [sflag:s23], $0x800  }
0x99: {  	[sflag:s23] =	ssyncset.done $0x0  }
0x9a: {  	[sflag:s23] =	ssyncadd.s32 $0xFFFFF800  }
0x9b: {  	_ =	swait.ge [sflag:s24], $0x800  }
0x9c: {  	[sflag:s24] =	ssyncset.done $0x0  }
0x9d: {  	[sflag:s24] =	ssyncadd.s32 $0xFFFFF800  }
0x9e: {  	_ =	swait.ge [sflag:s24], $0x800  }
0x9f: {  	s26 =	sshll.u32 s1, $0x6;
	s25 =	sadd.s32 $0x1, s25;
	[sflag:s24] =	ssyncset.done $0x0  }
0xa0: {  	s28 =	sshrl.u32 s5, $0x3;
	p0 =	sne.s32 s25, s9;
	[sflag:s24] =	ssyncadd.s32 $0xFFFFF800  }
.Ltmp3:
0xa1: {  	s26 =	sor.u32 $0x1C05, s26;
	[bflag:$0x0] =	sbarrier.arrive $0xFFFF;
	(pc) =	sbr.rel @p0 .LBB2_1-.Ltmp3, $4  }
0xa2: {  	[hbm:s8], [sflag:s26] =	dma.local [spmem:s28], $0x3100  }
0xa3: {  	_ =	swait.ge [sflag:s10], $0x3100  }
0xa4: {  	[sflag:s10] =	ssyncset.done $0x0  }
0xa5: {  	[sflag:s10] =	ssyncadd.s32 $0xFFFFCF00  }
0xa6: {  	_ =	sfence.sel $0x180000  }
0xa7: {  	[bflag:$0x0] =	sbarrier.arrive $0xFFFF  }
0xa8: {  	p0 =	sne.s32 s1, $0x0;
	_ =	strace $0x9000004D  }
0xa9: {  	s0 =	sadd.s32 @!p0 $0x100000, s0;
	[bflag:$0x2] =	sbarrier.arrive $0xFFFF  }
0xaa: {  	[sflag:s0] =	ssyncadd.tile.s32 @!p0 $0x1;
	_ =	shalt  }
.Lfunc_end2:
_tile_overlayer_lowered:
.L_overlay_start_2:
0xab: {  	(tag) =	ssettag $0x2  }
0xac: {  	s0 =	rddreg [dreg:$0x0];
	s2 =	stileid.u32  }
0xad: {  	s1 =	rddreg [dreg:$0x1];
	p0 =	sne.s32 s2, $0x0  }
0xae: {  	s3 =	rddreg [dreg:$0x2];
	[bflag:$0x3] =	sbarrier.arrive $0xFFFF;
	s2 =	simm.s32 @!p0 $0x1C05  }
0xaf: {  	[timem:s3], [sflag:s2] =	dma.local @!p0 [hbm:s0], s1  }
0xb0: {  	s0 =	simm.s32 @!p0 $0x5  }
0xb1: {  	_ =	swait.ge @!p0 [sflag:s0], s1  }
0xb2: {  	s1 =	ssub.s32 @!p0 $0x0, s1;
	[sflag:s0] =	ssyncset.done @!p0 $0x0  }
0xb3: {  	[sflag:s0] =	ssyncadd.s32 @!p0 s1  }
0xb4: {  	[bflag:$0x3] =	sbarrier.arrive $0xFFFF  }
0xb5: {  	_ =	shalt  }

// kernel: kernel.8.cloned.1.call-start
scs
__scs_entry_jumppad:
0x0: {  	(pc) =	sbr.rel $0x88, $3  }
0x1: {  	(tag) =	ssettag $0x0;
	lr =	simm.s32 $0x1  }
0x2: {  	[smem:$0x3F99] =	sst lr;
	_ =	strace $0xD0000000  }
0x3: {  	_ = 	snop  }
0x4: {  	_ = 	snop  }
0x5: {  	_ = 	snop  }
0x6: {  	_ = 	snop  }
0x7: {  	_ = 	snop  }
__scs_overlays_trampoline_lowered:
0x8: {  	[smem:$0x3FA8] =	sst s0  }
0x9: {  	[smem:$0x3FA9] =	sst s1  }
0xa: {  	[smem:$0x3FAA] =	sst s2  }
0xb: {  	[smem:$0x3FAB] =	sst s3  }
0xc: {  	[smem:$0x3FAC] =	sst s4  }
0xd: {  	[smem:$0x3FAD] =	sst s5  }
0xe: {  	[smem:$0x3FAE] =	sst s6  }
0xf: {  	[smem:$0x3FAF] =	sst s7  }
0x10: {  	[smem:$0x3FB0] =	sst s8  }
0x11: {  	[smem:$0x3FB1] =	sst s9;
	s0 =	simm.s32 @!p0 $0x0  }
0x12: {  	s1 =	sld [smem:$0x3F97];
	s0 =	simm.s32 @p0 $0x1  }
0x13: {  	[smem:$0x3FB2] =	sst s0;
	s0 =	simm.s32 @!p1 $0x0  }
0x14: {  	s2 =	sld [smem:$0x3F96];
	s0 =	simm.s32 @p1 $0x1  }
0x15: {  	[smem:$0x3FB3] =	sst s0;
	s0 =	simm.s32 @!p2 $0x0  }
0x16: {  	s3 =	sld [smem:$0x3FDB];
	s0 =	simm.s32 @p2 $0x1  }
0x17: {  	s4 =	simm.s32 $0x1BF5;
	[smem:$0x3FB5] =	sst s0  }
0x18: {  	s0 =	sld [smem:$0x3F98];
	_ =	swait.ge [sflag:s4], $0x0  }
0x19: {  	s7 =	sld [smem:$0x3F99]  }
0x1a: {  	s8 =	sadd.s32 $0xFFFFE003, lr  }
0x1b: {  	s9 =	sadd.s32 $0xFFFFFEF7, lr;
	s5 =	simm.s32 $0xFFFFFFFF;
	p2 =	slt.u32 s8, $0xFFFFF086  }
0x1c: {  	p1 =	slt.u32 s9, $0xF7A;
	s5 =	simm.s32 @!p2 $0x0  }
0x1d: {  	s5 =	simm.s32 @p1 $0x1;
	p0 =	seq.s32 s7, s2  }
0x1e: {  	s7 =	smul.u32 @!p0 $0xF7A, s2;
	p2 =	seq.s32 @!p0 s5, $0x0  }
0x1f: {  	s9 =	smul.u32 $0xF7A, s1;
	s8 =	simm.s32 @!p0 $0x1BF5;
	p2 =	por !p2, p0  }
0x20: {  	[sflag:s8] =	ssyncset.s32 @!p0 $0xFFFFF086;
	s6 =	sadd.s32 @!p0 s3, s7;
	s7 =	simm.s32 @!p0 $0x108  }
0x21: {  	s3 =	sadd.s32 s3, s9;
	s6 =	sadd.s32 @!p0 $0x88, s6;
	s7 =	simm.s32 @p2 $0x1082  }
0x22: {  	[simem:s7], [sflag:s8] =	dma.local @!p0 [hbm:s6], $0xF7A  }
0x23: {  	s9 =	sor.u32 $0xD0000000, s2;
	s6 =	simm.s32 $0x108;
	_ =	swait.ge @!p0 [sflag:s8], $0x0  }
0x24: {  	s3 =	sadd.s32 $0x88, s3;
	s6 =	simm.s32 @!p1 $0x1082;
	[sflag:s4] =	ssyncset.s32 $0xFFFFF086  }
0x25: {  	[simem:s6], [sflag:s4] =	dma.local [hbm:s3], $0xF7A  }
0x26: {  	[smem:$0x3F99] =	sst s1;
	(tag) =	ssettag s2;
	_ =	strace s9  }
0x27: {  	s1 =	sld [smem:$0x3FA9]  }
0x28: {  	s2 =	sld [smem:$0x3FAA]  }
0x29: {  	s4 =	sld [smem:$0x3FAC]  }
0x2a: {  	p0 =	seq.s32 s5, $0x0;
	s5 =	sld [smem:$0x3FAD]  }
0x2b: {  	s6 =	sld [smem:$0x3FAE]  }
0x2c: {  	s7 =	sld [smem:$0x3FAF]  }
0x2d: {  	s3 =	simm.s32 $0x108;
	s8 =	sld [smem:$0x3FB0]  }
0x2e: {  	s3 =	simm.s32 @!p0 $0x1082;
	s9 =	sld [smem:$0x3FB1]  }
0x2f: {  	lr =	sadd.s32 s0, s3;
	s0 =	sld [smem:$0x3FA8]  }
0x30: {  	s3 =	sld [smem:$0x3FAB]  }
0x31: {  	[smem:$0x3FB4] =	sst s10  }
0x32: {  	s10 =	sld [smem:$0x3FB2];
	_ =	sdelay $0x3  }
0x33: {  	p0 =	seq.s32 s10, $0x1;
	s10 =	sld [smem:$0x3FB4];
	_ =	sdelay $0x3  }
0x34: {  	[smem:$0x3FB4] =	sst s10  }
0x35: {  	s10 =	sld [smem:$0x3FB3];
	_ =	sdelay $0x3  }
0x36: {  	p1 =	seq.s32 s10, $0x1;
	s10 =	sld [smem:$0x3FB4];
	_ =	sdelay $0x3  }
0x37: {  	[smem:$0x3FB4] =	sst s10  }
0x38: {  	s10 =	sld [smem:$0x3FB5]  }
0x39: {  	_ = 	snop;
	(pc) =	sbr.ind lr, $3  }
0x3a: {  	_ = 	snop  }
0x3b: {  	_ = 	snop  }
0x3c: {  	p2 =	seq.s32 s10, $0x1;
	s10 =	sld [smem:$0x3FB4]  }
0x3d: {  	_ =	shalt  }
0x3e: {  	_ =	shalt  }
0x3f: {  	_ =	shalt  }
0x40: {  	_ =	shalt  }
0x41: {  	_ =	shalt  }
0x42: {  	_ =	shalt  }
0x43: {  	_ =	shalt  }
0x44: {  	_ =	shalt  }
0x45: {  	_ =	shalt  }
0x46: {  	_ =	shalt  }
0x47: {  	_ =	shalt  }
0x48: {  	_ =	shalt  }
0x49: {  	_ =	shalt  }
0x4a: {  	_ =	shalt  }
0x4b: {  	_ =	shalt  }
0x4c: {  	_ =	shalt  }
0x4d: {  	_ =	shalt  }
0x4e: {  	_ =	shalt  }
0x4f: {  	_ =	shalt  }
0x50: {  	_ =	shalt  }
0x51: {  	_ =	shalt  }
0x52: {  	_ =	shalt  }
0x53: {  	_ =	shalt  }
0x54: {  	_ =	shalt  }
0x55: {  	_ =	shalt  }
0x56: {  	_ =	shalt  }
0x57: {  	_ =	shalt  }
0x58: {  	_ =	shalt  }
0x59: {  	_ =	shalt  }
0x5a: {  	_ =	shalt  }
0x5b: {  	_ =	shalt  }
0x5c: {  	_ =	shalt  }
0x5d: {  	_ =	shalt  }
0x5e: {  	_ =	shalt  }
0x5f: {  	_ =	shalt  }
0x60: {  	_ =	shalt  }
0x61: {  	_ =	shalt  }
0x62: {  	_ =	shalt  }
0x63: {  	_ =	shalt  }
0x64: {  	_ =	shalt  }
0x65: {  	_ =	shalt  }
0x66: {  	_ =	shalt  }
0x67: {  	_ =	shalt  }
0x68: {  	_ =	shalt  }
0x69: {  	_ =	shalt  }
0x6a: {  	_ =	shalt  }
0x6b: {  	_ =	shalt  }
0x6c: {  	_ =	shalt  }
0x6d: {  	_ =	shalt  }
0x6e: {  	_ =	shalt  }
0x6f: {  	_ =	shalt  }
0x70: {  	_ =	shalt  }
0x71: {  	_ =	shalt  }
0x72: {  	_ =	shalt  }
0x73: {  	_ =	shalt  }
0x74: {  	_ =	shalt  }
0x75: {  	_ =	shalt  }
0x76: {  	_ =	shalt  }
0x77: {  	_ =	shalt  }
0x78: {  	_ =	shalt  }
0x79: {  	_ =	shalt  }
0x7a: {  	_ =	shalt  }
0x7b: {  	_ =	shalt  }
0x7c: {  	_ =	shalt  }
0x7d: {  	_ =	shalt  }
0x7e: {  	_ =	shalt  }
0x7f: {  	_ =	shalt  }
0x80: {  	_ =	shalt  }
0x81: {  	_ =	shalt  }
0x82: {  	_ =	shalt  }
0x83: {  	_ =	shalt  }
0x84: {  	_ =	shalt  }
0x85: {  	_ =	shalt  }
0x86: {  	_ =	shalt  }
0x87: {  	_ =	shalt  }
.Lfunc_end0:
.L_simem_size_0:
called_computation_lowered:
.L_overlay_start_0:
0x88: {  	s2 =	sld [smem:$0x3FD9]  }
0x89: {  	s3 =	sld [smem:$0x3FFE];
	_ =	sdelay $0x1  }
0x8a: {  	s1 =	srdreg.scid  }
0x8b: {  	s0 =	sand.u32 $0x1, s1  }
0x8c: {  	s16 =	sshll.u32 s0, $0xA;
	s2 =	sadd.s32 s3, s2  }
0x8d: {  	s2 =	sadd.s32 s2, s16  }
0x8e: {  	[smem:$0x3FC0] =	sst s2  }
0x8f: {  	_ = 	snop  }
0x90: {  	(tm) =	ssettm $0x1  }
0x91: {  	s17 =	sld [smem:$0x3FFB];
	_ =	sdelay $0x3  }
0x92: {  	_ =	strace s17  }
0x93: {  	s2 =	sld [smem:$0x3FFC];
	_ =	sdelay $0x3  }
0x94: {  	_ =	strace s2  }
0x95: {  	s2 =	sld [smem:$0x3FFD];
	_ =	sdelay $0x3  }
0x96: {  	_ =	strace s2  }
0x97: {  	_ =	strace $0x8FFFFFFF  }
0x98: {  	s18 =	sld [smem:$0x3FDB];
	_ =	sdelay $0x1  }
0x99: {  	s19 =	simm.s32 $_scs_section_size  }
0x9a: {  	s4 =	simm.s32 $_size__tile_overlayer_lowered;
	s5 =	simm.s32 $_tile_overlayer_lowered  }
0x9b: {  	s22 =	simm.s32 $0x1BFF;
	s21 =	sshll.u32 s5, $0x1;
	s2 =	sadd.s32 s19, s18  }
0x9c: {  	s6 =	simm.s32 $0x0;
	s20 =	sshll.u32 s4, $0x1;
	s4 =	sadd.s32 s21, s2  }
0x9d: {  	[timem:s6], [sflag:s22] =	dma.local [hbm:s4], s20  }
0x9e: {  	_ =	swait.ge [sflag:s22], s20  }
0x9f: {  	s3 =	ssub.s32 $0x0, s20;
	[sflag:s22] =	ssyncset.done $0x0  }
0xa0: {  	[sflag:s22] =	ssyncadd.s32 s3;
	_ =	sdelay $0x1  }
0xa1: {  	s23 =	simm.s32 $0x1B8B  }
0xa2: {  	_ =	swait.ge [sflag:s23], $0x1  }
0xa3: {  	[sflag:s23] =	ssyncset.done $0x0  }
0xa4: {  	s25 =	simm.s32 $0x1B8E;
	s24 =	sld [smem:$0x3FFE];
	[sflag:s23] =	ssyncadd.s32 $0xFFFFFFFF  }
0xa5: {  	s26 =	simm.s32 $execute0_lowered;
	[smem:$0x3FD2] =	sst s25  }
0xa6: {  	s4 =	sshll.u32 s26, $0x1;
	_ =	strace $0x80000046;
	[dreg:$0x1] =	wrdreg $0xFFFFFFFF  }
0xa7: {  	s28 =	simm.s32 $_size_execute0_lowered;
	s2 =	sadd.s32 s2, s4;
	[dreg:$0x0] =	wrdreg $0x0  }
0xa8: {  	s4 =	sshll.u32 s28, $0x1;
	[dreg:$0x2] =	wrdreg s2  }
0xa9: {  	[dreg:$0x3] =	wrdreg s4  }
0xaa: {  	[dreg:$0x4] =	wrdreg $0xC0  }
0xab: {  	_ =	task [dreg:s6], $0x5FFFF  }
0xac: {  	[dreg:$0x1] =	wrdreg $0xFFFFFFFF  }
0xad: {  	[dreg:$0x0] =	wrdreg $0x60  }
0xae: {  	[dreg:$0x2] =	wrdreg s24  }
0xaf: {  	[dreg:$0x3] =	wrdreg $0x1B000  }
0xb0: {  	[dreg:$0x4] =	wrdreg $0x9  }
0xb1: {  	_ =	task.clear_ibuf [dreg:s6], $0x5FFFF;
	_ =	strace $0x90000046  }
0xb2: {  	s29 =	simm.s32 $0x9;
	_ =	strace $0x80000048  }
0xb3: {  	_ =	swait.ge [sflag:s29], $0x1  }
0xb4: {  	[sflag:s29] =	ssyncadd.s32 $0xFFFFFFFF  }
0xb5: {  	_ =	strace $0x90000048  }
0xb6: {  	_ =	sfence  }
0xb7: {  	s30 =	sld [smem:$0x0];
	_ =	sdelay $0x2  }
0xb8: {  	s31 =	sshll.u32 s1, $0xD;
	s1 =	sshrl.u32 s1, $0x2  }
0xb9: {  	s3 =	sand.u32 $0x4000, s31;
	s1 =	sadd.s32 s1, s30  }
0xba: {  	s0 =	sor.u32 s3, s0;
	s1 =	sshll.u32 s1, $0x11  }
0xbb: {  	s0 =	sor.u32 s1, s0  }
0xbc: {  	s0 =	sadd.s32 $0x8F2B, s0  }
0xbd: {  	[sflag:s0] =	ssyncadd.remote.s32 $0x1  }
0xbe: {  	_ =	sfence.sel $0xFFFF  }
0xbf: {  	[dreg:$0x0] =	wrdreg $0xFFFFFFFF;
	(pc) =	sbr.abs _section_cstart, $3  }
0xc0: {  	[dreg:$0x1] =	wrdreg $0xFFFFFFFF  }
0xc1: {  	_ =	task.clear_ibuf [dreg:s6], $0x2FFFF;
	_ =	strace $0x9FFFFFFF  }
0xc2: {  	(tm) =	ssettm $0x7FFFFFFF  }
0xc3: {  	_ =	shalt  }
tec
execute0_lowered:
.L_overlay_start_1:
0x0: {  	(tag) =	ssettag $0x1  }
0x1: {  	s4 =	rddreg [dreg:$0x0]  }
0x2: {  	s0 =	stileid.u32;
	s1 =	rddreg [dreg:$0x1]  }
0x3: {  	s2 =	srdreg.scid;
	s11 =	simm.s32 $0x80;
	s12 =	simm.s32 $0x1880  }
0x4: {  	s13 =	simm.s32 $0x1980;
	s14 =	simm.s32 $0x1A00;
	s5 =	smul.u32 $0x62, s0  }
0x5: {  	s15 =	simm.s32 $0x1A80;
	s18 =	simm.s32 $0x0;
	s3 =	smul.u32 $0x61, s0  }
0x6: {  	s6 =	sand.u32 $0x1, s2;
	s7 =	smin.u32 s0, $0x5;
	s8 =	smul.u32 $0x1880, s0  }
0x7: {  	s2 =	rddreg [dreg:$0x2];
	p1 =	slt.u32 s0, $0x5;
	s16 =	sshll.u32 s0, $0x6  }
0x8: {  	s9 =	smul.u32 $0x18800, s6;
	p0 =	seq.s32 s6, $0x0;
	s31 =	ssub.s32 $0x2, s6  }
0x9: {  	s16 =	sadd.s32 $0x1C01, s16;
	s7 =	sadd.s32 s7, s3;
	s3 =	simm.s32 $0x0  }
0xa: {  	s6 =	sshrl.u32 s31, $0x1;
	s7 =	sadd.s32 $0x620, s7;
	[smem:$0x7FF] =	sst s3  }
0xb: {  	s28 =	sadd.s32 s8, s9;
	s10 =	ssub.s32 s31, s6;
	s9 =	simm.s32 $0x1  }
0xc: {  	s7 =	smov.u32 @p0 s5;
	_ =	strace $0x80000047;
	s5 =	sshrl.u32 s28, $0x3  }
0xd: {  	s7 =	sshll.u32 s7, $0x6;
	s30 =	sadd.s32 s5, s4;
	s5 =	sadd.s32 s8, s1  }
0xe: {  	s29 =	sadd.s32 s7, s4;
	s4 =	simm.s32 $0x62;
	s6 =	sadd.s32 $0x63E00, s30  }
0xf: {  	s7 =	smax.u32 s10, $0x1;
	s10 =	simm.s32 $0x1900;
	s4 =	simm.s32 @!p1 $0x61  }
0x10: {  	v0 =	vimm.f32 $0.0e+00;
	v1 =	vimm.f32 $1.000000000e+00;
	s17 =	sshrl.u32 s5, $0x3;
	s8 =	sadd.s32 $0x2200, s29;
	s4 =	simm.s32 @p0 $0x62  }
.LBB2_1:
0x11: {  	s19 =	simm.s32 $0x40;
	s20 =	simm.s32 $0x0  }
.LBB2_2:
0x12: {  	p0 =	sne.s32 s19, $0x61C0;
	[tilespmem:s20+$0x0] =	vst v0;
	s20 =	smov.u32 s19;
	s19 =	sadd.s32 $0x40, s19  }
.Ltmp0:
0x13: {  	(pc) =	sbr.rel @p0 .LBB2_2-.Ltmp0, $2  }
0x14: {  	_ =	sdelay $0x2  }
0x15: {  	s20 =	sshra.s32 s20, $0x2  }
0x16: {  	[tilespmem:s20+$0x0] =	vst v0  }
0x17: {  	[tilespmem:$0x1880] =	vst v1  }
0x18: {  	[tilespmem:$0x1890] =	vst v1  }
0x19: {  	[tilespmem:$0x18A0] =	vst v1  }
0x1a: {  	[tilespmem:$0x18B0] =	vst v1  }
0x1b: {  	[tilespmem:$0x18C0] =	vst v1  }
0x1c: {  	[tilespmem:$0x18D0] =	vst v1  }
0x1d: {  	[tilespmem:$0x18E0] =	vst v1  }
0x1e: {  	[tilespmem:$0x18F0] =	vst v1  }
0x1f: {  	[spmem:s5] =	stream.linear.scatter [tilespmem:s3], [sflag:$0x1], $0x1880, $0x38;
	[tilespmem:$0x3380] =	vst v63  }
0x20: {  	_ =	swait.ge [sflag:s9], $0x1880  }
0x21: {  	[sflag:s9] =	ssyncset.done $0x0  }
0x22: {  	[sflag:s9] =	ssyncadd.s32 $0xFFFFE780  }
0x23: {  	[bflag:$0x0] =	sbarrier.arrive $0xFFFF  }
0x24: {  	[tilespmem:s10], [sflag:$0x1] =	stream.linear.gather [hbm4b:s8+s3], $0x200, $0x38;
	[tilespmem:$0x3380] =	vst v63  }
0x25: {  	_ =	swait.ge [sflag:s9], $0x200  }
0x26: {  	[sflag:s9] =	ssyncset.done $0x0  }
0x27: {  	[sflag:s9] =	ssyncadd.s32 $0xFFFFFE00  }
0x28: {  	[spmem:s1] =	stream.indirect.scatter.add.f32 [tilespmem:s12], [sflag:$0x1], $0x1, s10, s11, $0xb8;
	[tilespmem:$0x3380] =	vst v63  }
0x29: {  	_ =	swait.ge [sflag:s9], $0x80  }
0x2a: {  	[sflag:s9] =	ssyncset.done $0x0  }
0x2b: {  	[sflag:s9] =	ssyncadd.s32 $0xFFFFFF80  }
0x2c: {  	[spmem:s1] =	stream.indirect.scatter.add.f32 [tilespmem:s12], [sflag:$0x1], $0x1, s13, s11, $0xb8;
	[tilespmem:$0x3380] =	vst v63  }
0x2d: {  	_ =	swait.ge [sflag:s9], $0x80  }
0x2e: {  	[sflag:s9] =	ssyncset.done $0x0  }
0x2f: {  	[sflag:s9] =	ssyncadd.s32 $0xFFFFFF80  }
0x30: {  	[spmem:s1] =	stream.indirect.scatter.add.f32 [tilespmem:s12], [sflag:$0x1], $0x1, s14, s11, $0xb8;
	[tilespmem:$0x3380] =	vst v63  }
0x31: {  	p0 =	sne.s32 s4, $0x1;
	_ =	swait.ge [sflag:s9], $0x80  }
.Ltmp1:
0x32: {  	[sflag:s9] =	ssyncset.done $0x0;
	(pc) =	sbr.rel @!p0 .LBB2_5-.Ltmp1, $4  }
0x33: {  	[sflag:s9] =	ssyncadd.s32 $0xFFFFFF80  }
0x34: {  	[spmem:s1] =	stream.indirect.scatter.add.f32 [tilespmem:s12], [sflag:$0x1], $0x1, s15, s11, $0xb8;
	[tilespmem:$0x3380] =	vst v63  }
0x35: {  	_ =	swait.ge [sflag:s9], $0x80  }
0x36: {  	s19 =	sadd.s32 $0xFFFFFFFF, s4;
	s20 =	smov.u32 s8;
	[sflag:s9] =	ssyncset.done $0x0  }
.LBB2_4:
0x37: {  	p0 =	sne.s32 s19, $0x1;
	[sflag:s9] =	ssyncadd.s32 $0xFFFFFF80;
	s20 =	sadd.s32 $0x40, s20  }
0x38: {  	[tilespmem:s10], [sflag:$0x1] =	stream.linear.gather [hbm4b:s20+s3], $0x200, $0x38;
	[tilespmem:$0x3380] =	vst v63  }
0x39: {  	s19 =	sadd.s32 $0xFFFFFFFF, s19;
	_ =	swait.ge [sflag:s9], $0x200  }
0x3a: {  	[sflag:s9] =	ssyncset.done $0x0  }
0x3b: {  	[sflag:s9] =	ssyncadd.s32 $0xFFFFFE00  }
0x3c: {  	[spmem:s1] =	stream.indirect.scatter.add.f32 [tilespmem:s12], [sflag:$0x1], $0x1, s10, s11, $0xb8;
	[tilespmem:$0x3380] =	vst v63  }
0x3d: {  	_ =	swait.ge [sflag:s9], $0x80  }
0x3e: {  	[sflag:s9] =	ssyncset.done $0x0  }
0x3f: {  	[sflag:s9] =	ssyncadd.s32 $0xFFFFFF80  }
0x40: {  	[spmem:s1] =	stream.indirect.scatter.add.f32 [tilespmem:s12], [sflag:$0x1], $0x1, s13, s11, $0xb8;
	[tilespmem:$0x3380] =	vst v63  }
0x41: {  	_ =	swait.ge [sflag:s9], $0x80  }
0x42: {  	[sflag:s9] =	ssyncset.done $0x0  }
0x43: {  	[sflag:s9] =	ssyncadd.s32 $0xFFFFFF80  }
0x44: {  	[spmem:s1] =	stream.indirect.scatter.add.f32 [tilespmem:s12], [sflag:$0x1], $0x1, s14, s11, $0xb8;
	[tilespmem:$0x3380] =	vst v63  }
0x45: {  	_ =	swait.ge [sflag:s9], $0x80  }
.Ltmp2:
0x46: {  	[sflag:s9] =	ssyncset.done $0x0;
	(pc) =	sbr.rel @p0 .LBB2_4-.Ltmp2, $4  }
0x47: {  	[sflag:s9] =	ssyncadd.s32 $0xFFFFFF80  }
0x48: {  	[spmem:s1] =	stream.indirect.scatter.add.f32 [tilespmem:s12], [sflag:$0x1], $0x1, s15, s11, $0xb8;
	[tilespmem:$0x3380] =	vst v63  }
0x49: {  	_ =	swait.ge [sflag:s9], $0x80  }
0x4a: {  	[sflag:s9] =	ssyncset.done $0x0  }
.LBB2_5:
0x4b: {  	s18 =	sadd.s32 $0x1, s18  }
0x4c: {  	[sflag:s9] =	ssyncadd.s32 $0xFFFFFF80;
	p0 =	sne.s32 s18, s7  }
.Ltmp3:
0x4d: {  	[bflag:$0x0] =	sbarrier.arrive $0xFFFF;
	(pc) =	sbr.rel @p0 .LBB2_1-.Ltmp3, $4  }
0x4e: {  	[hbm:s6], [sflag:s16] =	dma.local [spmem:s17], $0x310  }
0x4f: {  	_ =	swait.ge [sflag:s9], $0x310  }
0x50: {  	[sflag:s9] =	ssyncset.done $0x0  }
0x51: {  	[sflag:s9] =	ssyncadd.s32 $0xFFFFFCF0  }
0x52: {  	_ =	sfence.sel $0x180000  }
0x53: {  	[bflag:$0x0] =	sbarrier.arrive $0xFFFF  }
0x54: {  	p0 =	sne.s32 s0, $0x0;
	_ =	strace $0x90000047  }
0x55: {  	s0 =	sadd.s32 @!p0 $0x100000, s2;
	[bflag:$0x2] =	sbarrier.arrive $0xFFFF  }
0x56: {  	[sflag:s0] =	ssyncadd.tile.s32 @!p0 $0x1;
	_ =	shalt  }
.Lfunc_end2:
_tile_overlayer_lowered:
.L_overlay_start_2:
0x57: {  	(tag) =	ssettag $0x2  }
0x58: {  	s0 =	rddreg [dreg:$0x0];
	s2 =	stileid.u32  }
0x59: {  	s1 =	rddreg [dreg:$0x1];
	p0 =	sne.s32 s2, $0x0  }
0x5a: {  	s3 =	rddreg [dreg:$0x2];
	[bflag:$0x3] =	sbarrier.arrive $0xFFFF;
	s2 =	simm.s32 @!p0 $0x1C01  }
0x5b: {  	[timem:s3], [sflag:s2] =	dma.local @!p0 [hbm:s0], s1  }
0x5c: {  	s0 =	simm.s32 @!p0 $0x1  }
0x5d: {  	_ =	swait.ge @!p0 [sflag:s0], s1  }
0x5e: {  	s1 =	ssub.s32 @!p0 $0x0, s1;
	[sflag:s0] =	ssyncset.done @!p0 $0x0  }
0x5f: {  	[sflag:s0] =	ssyncadd.s32 @!p0 s1  }
0x60: {  	[bflag:$0x3] =	sbarrier.arrive $0xFFFF  }
0x61: {  	_ =	shalt  }

</sc_bundles>
